<compile_context>
chip_gen: v7x
topology: tpu7x:2x2x1
jax: 0.10.2.dev20260603
libtpu: 0.0.44.dev20260713+nightly
codegen_flags: <defaults>
</compile_context>

<pallas_src>
import functools

import jax
import jax.numpy as jnp
from jax import lax
from jax.experimental import pallas as pl
from jax.experimental.pallas import tpu as pltpu
from jax.experimental.pallas import tpu_sc as plsc

N = 10000
E = 320000
D = 128

NC = 2
NS = 16
NW = NC * NS
EPW = E // NW
CH = 80
NCHUNK = EPW // CH
RPT = 624
RREM = N - RPT * NS

_MESH = plsc.VectorSubcoreMesh(core_axis_name="c", subcore_axis_name="s")


NB = 2
NWAVE = NCHUNK // NB
NTAIL = NCHUNK - NWAVE * NB


@functools.partial(
    pl.kernel,
    mesh=_MESH,
    out_type=jax.ShapeDtypeStruct((NC, N), jnp.float32),
    scratch_types=[
        pltpu.VMEM((NCHUNK, CH), jnp.int32),
        pltpu.VMEM((CH,), jnp.float32),
        pltpu.VMEM_SHARED((N,), jnp.float32),
        [pltpu.SemaphoreType.DMA] * NB,
    ],
)
def _deg_sc(edge_hbm, ones_hbm, out_hbm, didx, ones_v, acc, sems):
    c = lax.axis_index("c")
    s = lax.axis_index("s")

    @pl.when(s == 0)
    def _():
        pltpu.sync_copy(ones_hbm, acc)

    pltpu.sync_copy(ones_hbm.at[pl.ds(0, CH)], ones_v)
    w = c * NS + s
    pltpu.sync_copy(edge_hbm.at[1, w], didx)
    plsc.subcore_barrier()

    def body(j, carry):
        ds = [
            pltpu.async_copy(ones_v, acc.at[didx.at[j * NB + b]], sems[b],
                             add=True)
            for b in range(NB)
        ]
        for d in ds:
            d.wait()
        return carry

    lax.fori_loop(0, NWAVE, body, 0)
    for t in range(NTAIL):
        pltpu.sync_copy(ones_v, acc.at[didx.at[NWAVE * NB + t]], add=True)
    plsc.subcore_barrier()

    @pl.when(s == 0)
    def _():
        pltpu.sync_copy(acc, out_hbm.at[c])


@functools.partial(
    pl.kernel,
    mesh=_MESH,
    out_type=jax.ShapeDtypeStruct((NC, N, D), jnp.float32),
    scratch_types=[
        pltpu.VMEM((4, CH), jnp.int32),
        pltpu.VMEM((4, CH), jnp.int32),
        pltpu.VMEM((4, CH, D), jnp.float32),
        pltpu.VMEM_SHARED((N, D), jnp.float32),
        pltpu.SemaphoreType.DMA((4,)),
        pltpu.SemaphoreType.DMA((4,)),
        pltpu.SemaphoreType.DMA((4,)),
    ],
)
def _edge_sc(hs_hbm, edge_hbm, eflat_hbm, out_hbm, sidx, didx, rows, acc,
             isem, gsem, ssem):
    c = lax.axis_index("c")
    s = lax.axis_index("s")

    r0 = s * RPT
    pltpu.sync_copy(hs_hbm.at[pl.ds(r0, RPT)], acc.at[pl.ds(r0, RPT)])

    @pl.when(s == NS - 1)
    def _():
        pltpu.sync_copy(hs_hbm.at[pl.ds(RPT * NS, RREM)],
                        acc.at[pl.ds(RPT * NS, RREM)])

    w = c * NS + s
    sb = w * EPW
    db = E + w * EPW
    plsc.subcore_barrier()

    def iload(t, j):
        pltpu.async_copy(eflat_hbm.at[pl.ds(sb + j * CH, CH)], sidx.at[t],
                         isem.at[t])
        pltpu.async_copy(eflat_hbm.at[pl.ds(db + j * CH, CH)], didx.at[t],
                         isem.at[t])
        pltpu.make_async_copy(eflat_hbm.at[pl.ds(0, CH)], sidx.at[t],
                              isem.at[t]).wait()
        pltpu.make_async_copy(eflat_hbm.at[pl.ds(0, CH)], didx.at[t],
                              isem.at[t]).wait()

    def gather(t):
        pltpu.async_copy(hs_hbm.at[sidx.at[t]], rows.at[t], gsem.at[t])

    def gwait(t):
        pltpu.make_async_copy(hs_hbm.at[pl.ds(0, CH)], rows.at[t],
                              gsem.at[t]).wait()

    def scatter(t):
        pltpu.async_copy(rows.at[t], acc.at[didx.at[t]], ssem.at[t], add=True)

    def swait(t):
        pltpu.make_async_copy(hs_hbm.at[pl.ds(0, CH)], rows.at[t],
                              ssem.at[t]).wait()

    def pload(t0, p):
        for b in range(2):
            iload(t0 + b, 2 * p + b)

    def pgather(t0):
        gather(t0)
        gather(t0 + 1)

    def pgwait(t0):
        gwait(t0)
        gwait(t0 + 1)

    def pscatter(t0):
        scatter(t0)
        scatter(t0 + 1)

    def pswait(t0):
        swait(t0)
        swait(t0 + 1)

    NPAIR = NCHUNK // 2
    K = NPAIR // 2

    def pload_clamped(t0, p):
        c0 = jnp.minimum(2 * p, NCHUNK - 1)
        c1 = jnp.minimum(2 * p + 1, NCHUNK - 1)
        iload(t0, c0)
        iload(t0 + 1, c1)

    iload(0, 0)
    iload(1, 1)
    pgather(0)

    def body(k, carry):
        pgwait(0)
        pscatter(0)
        @pl.when(k > 0)
        def _():
            pswait(2)

        pload(2, 2 * k + 1)
        pgather(2)
        pswait(0)
        pload_clamped(0, 2 * k + 2)
        pgather(0)
        pgwait(2)
        pscatter(2)
        return carry

    lax.fori_loop(0, K, body, 0)
    pswait(2)
    pgwait(0)
    scatter(0)
    swait(0)
    plsc.subcore_barrier()
    pltpu.sync_copy(acc.at[pl.ds(r0, RPT)], out_hbm.at[c, pl.ds(r0, RPT)])

    @pl.when(s == NS - 1)
    def _():
        pltpu.sync_copy(acc.at[pl.ds(RPT * NS, RREM)],
                        out_hbm.at[c, pl.ds(RPT * NS, RREM)])


def _dinv(degp_t_ref):
    deg = degp_t_ref[:, 0:1] + degp_t_ref[:, 1:2] - 1.0
    return lax.rsqrt(deg)


def _tc1_body(degp_t_ref, x_ref, w_ref, hs_ref):
    dinv = _dinv(degp_t_ref)
    hs_ref[...] = jnp.dot(x_ref[...], w_ref[...],
                          preferred_element_type=jnp.float32) * dinv


_tc1 = pl.pallas_call(
    _tc1_body,
    out_shape=jax.ShapeDtypeStruct((N, D), jnp.float32),
)


def _tc_comb_body(degp_t_ref, p_ref, hs_ref, b_ref, w_ref, z_ref, nxt_ref):
    dinv = _dinv(degp_t_ref)
    agg = p_ref[0] + p_ref[1] - hs_ref[...]
    z = jnp.maximum(agg * dinv + b_ref[...], 0.0)
    z_ref[...] = z
    nxt_ref[...] = jnp.dot(z, w_ref[...],
                           preferred_element_type=jnp.float32) * dinv


_tc_comb = pl.pallas_call(
    _tc_comb_body,
    out_shape=(jax.ShapeDtypeStruct((N, D), jnp.float32),
               jax.ShapeDtypeStruct((N, D), jnp.float32)),
)


def _tc_fin_body(z_ref, wlin_ref, blin_ref, out_ref):
    out_ref[...] = jnp.dot(z_ref[...], wlin_ref[...],
                           preferred_element_type=jnp.float32) + blin_ref[...]


_tc_fin = pl.pallas_call(
    _tc_fin_body,
    out_shape=jax.ShapeDtypeStruct((N, 1), jnp.float32),
)


def kernel(x, edge_index, batch, edge_attr, W1, b1, W2, b2, Wlin, blin):
    del batch, edge_attr
    edges_i32 = edge_index.astype(jnp.int32)
    edges = edges_i32.reshape(2, NW, NCHUNK, CH)
    eflat = edges_i32.reshape(2 * E)
    ones = jnp.ones((N,), jnp.float32)

    degp = _deg_sc(edges, ones)
    degp_t = degp.T

    hs1 = _tc1(degp_t, x, W1)

    p1 = _edge_sc(hs1, edges, eflat)
    z1, hs2 = _tc_comb(degp_t, p1, hs1, b1.reshape(1, D), W2)
    del z1
    p2 = _edge_sc(hs2, edges, eflat)
    z2, _unused = _tc_comb(degp_t, p2, hs2, b2.reshape(1, D), W2)
    out = _tc_fin(z2, Wlin, blin.reshape(1, 1))
    return out

# --- scband reference (transcript-rebuilt; emitter-appended) ---
"""Pipeline reference for scband-gcn-32624571580953 (READ-ONLY COPY).

The authoritative reference and input builder live on the scoring server;
editing this copy changes nothing except your own understanding.
"""

import jax, jax.numpy as jnp
import numpy as np

N_NODES = 10000
N_EDGES = 320000
D_FEAT = 128
D_HID = 128


def setup_inputs(seed: int = 0) -> dict:
    key = jax.random.key(seed)
    ks = jax.random.split(key, 10)
    x = jax.random.normal(ks[0], (N_NODES, D_FEAT), dtype=jnp.float32)
    edge_index = jax.random.randint(ks[1], (2, N_EDGES), 0, N_NODES, dtype=jnp.int64 if jax.config.jax_enable_x64 else jnp.int32).astype(jnp.int32)
    batch = jnp.zeros((N_NODES,), dtype=jnp.int32)
    edge_attr = jax.random.normal(ks[2], (N_EDGES, 4), dtype=jnp.float32)
    # Parameters (Glorot-style scaling)
    W1 = jax.random.normal(ks[3], (D_FEAT, D_HID), dtype=jnp.float32) * (1.0 / np.sqrt(D_FEAT))
    b1 = jnp.zeros((D_HID,), dtype=jnp.float32)
    W2 = jax.random.normal(ks[4], (D_HID, D_HID), dtype=jnp.float32) * (1.0 / np.sqrt(D_HID))
    b2 = jnp.zeros((D_HID,), dtype=jnp.float32)
    Wlin = jax.random.normal(ks[5], (D_HID, 1), dtype=jnp.float32) * (1.0 / np.sqrt(D_HID))
    blin = jnp.zeros((1,), dtype=jnp.float32)
    return {"x": x, "edge_index": edge_index, "batch": batch, "edge_attr": edge_attr,
            "W1": W1, "b1": b1, "W2": W2, "b2": b2, "Wlin": Wlin, "blin": blin}


def _gcn_conv(x, W, b, src, dst, norm, num_nodes):
    # PyG GCNConv: h = x @ W; out[dst] += norm * h[src]; out += b
    h = x @ W
    msg = h[src] * norm[:, None]
    out = jax.ops.segment_sum(msg, dst, num_segments=num_nodes)
    return out + b


def reference(x, edge_index, batch, edge_attr, W1, b1, W2, b2, Wlin, blin):
    num_nodes = x.shape[0]
    # add self-loops (PyG GCNConv default add_self_loops=True)
    loop = jnp.arange(num_nodes, dtype=edge_index.dtype)
    src = jnp.concatenate([edge_index[0], loop])
    dst = jnp.concatenate([edge_index[1], loop])
    # symmetric normalization D^{-1/2} (A+I) D^{-1/2}
    deg = jax.ops.segment_sum(jnp.ones_like(src, dtype=x.dtype), dst, num_segments=num_nodes)
    dinv = jnp.where(deg > 0, jax.lax.rsqrt(deg), 0.0)
    norm = dinv[src] * dinv[dst]
    # layer 1
    h = _gcn_conv(x, W1, b1, src, dst, norm, num_nodes)
    h = jax.nn.relu(h)
    # layer 2
    h = _gcn_conv(h, W2, b2, src, dst, norm, num_nodes)
    h = jax.nn.relu(h)
    # final linear
    out = h @ Wlin + blin
    return out

if __name__ == "__main__":
    import jax
    _d = setup_inputs()
    print(jax.jit(kernel)(*tuple(_d.values())))

</pallas_src>

<mosaic_0001>
#map = affine_map<(d0, d1) -> (0, 0)>
#map1 = affine_map<(d0, d1) -> (0, 0, 0, 0)>
#map2 = affine_map<(d0, d1) -> (0)>
#map3 = affine_map<(d0, d1) -> (0, 0, 0)>
module attributes {stable_mosaic.version = 14 : i64} {
  func.func @_edge_sc(%arg0: i32, %arg1: i32, %arg2: memref<10000x128xf32, #tpu.memory_space<hbm>>, %arg3: memref<2x32x125x80xi32, #tpu.memory_space<hbm>>, %arg4: memref<640000xi32, #tpu.memory_space<hbm>>, %arg5: memref<2x10000x128xf32, #tpu.memory_space<hbm>>, %arg6: memref<4x80xi32, #tpu.memory_space<vmem>>, %arg7: memref<4x80xi32, #tpu.memory_space<vmem>>, %arg8: memref<4x80x128xf32, #tpu.memory_space<vmem>>, %arg9: memref<10000x128xf32, #tpu.memory_space<vmem_shared>>, %arg10: memref<4x!tpu.dma_semaphore, #tpu.memory_space<semaphore_mem>>, %arg11: memref<4x!tpu.dma_semaphore, #tpu.memory_space<semaphore_mem>>, %arg12: memref<4x!tpu.dma_semaphore, #tpu.memory_space<semaphore_mem>>) attributes {dimension_semantics = [#tpu.dimension_semantics<core_parallel>, #tpu.dimension_semantics<subcore_parallel>], iteration_bounds = array<i64: 2, 16>, scalar_prefetch = 0 : i64, scratch_operands = 7 : i64, tpu.core_type = #tpu.core_type<sc_vector_subcore>, window_params = [{transform_indices = #map}, {transform_indices = #map1}, {transform_indices = #map2}, {transform_indices = #map3}]} {
    %mul3A = arith.constant 624 : i32
    %mul3A_0 = arith.muli %arg1, %mul3A : i32
    "tpu.region"() ({
      %run_scoped3A = tpu.sem_alloc : memref<!tpu.dma_semaphore, #tpu.memory_space<semaphore_mem>>
      %dma_start3A_267 = arith.constant 0 : i32
      %dma_start3A_268 = tpu.memref_slice %arg9[%mul3A_0, %dma_start3A_267] : memref<10000x128xf32, #tpu.memory_space<vmem_shared>> -> memref<624x128xf32, #tpu.memory_space<vmem_shared>>
      %dma_start3A_269 = arith.constant 0 : i32
      %dma_start3A_270 = tpu.memref_slice %arg2[%mul3A_0, %dma_start3A_269] : memref<10000x128xf32, #tpu.memory_space<hbm>> -> memref<624x128xf32, #tpu.memory_space<hbm>>
      tpu.enqueue_dma source(%dma_start3A_270 : memref<624x128xf32, #tpu.memory_space<hbm>>) target(%dma_start3A_268 : memref<624x128xf32, #tpu.memory_space<vmem_shared>>) target_semaphore(%run_scoped3A : memref<!tpu.dma_semaphore, #tpu.memory_space<semaphore_mem>>)
      %dma_wait3A_271 = arith.constant 0 : i32
      %dma_wait3A_272 = tpu.memref_slice %arg9[%mul3A_0, %dma_wait3A_271] : memref<10000x128xf32, #tpu.memory_space<vmem_shared>> -> memref<624x128xf32, #tpu.memory_space<vmem_shared>>
      %dma_wait3A_273 = arith.constant 0 : i32
      %dma_wait3A_274 = tpu.memref_slice %arg2[%mul3A_0, %dma_wait3A_273] : memref<10000x128xf32, #tpu.memory_space<hbm>> -> memref<624x128xf32, #tpu.memory_space<hbm>>
      tpu.wait_dma2 semaphore(%run_scoped3A : memref<!tpu.dma_semaphore, #tpu.memory_space<semaphore_mem>>) src(%dma_wait3A_274 : memref<624x128xf32, #tpu.memory_space<hbm>>) dst(%dma_wait3A_272 : memref<624x128xf32, #tpu.memory_space<vmem_shared>>)
      tpu.yield
    }) : () -> ()
    %eq3A = arith.constant 15 : i32
    %eq3A_1 = arith.cmpi eq, %arg1, %eq3A : i32
    %convert_element_type3A = arith.extui %eq3A_1 : i1 to i32
    %cond3A = arith.constant 0 : i32
    %cond3A_2 = arith.cmpi ne, %convert_element_type3A, %cond3A : i32
    scf.if %cond3A_2 {
      "tpu.region"() ({
        %run_scoped3A = tpu.sem_alloc : memref<!tpu.dma_semaphore, #tpu.memory_space<semaphore_mem>>
        %dma_start3A_267 = arith.constant 9984 : i32
        %dma_start3A_268 = arith.constant 0 : i32
        %dma_start3A_269 = tpu.memref_slice %arg9[%dma_start3A_267, %dma_start3A_268] : memref<10000x128xf32, #tpu.memory_space<vmem_shared>> -> memref<16x128xf32, #tpu.memory_space<vmem_shared>>
        %dma_start3A_270 = arith.constant 9984 : i32
        %dma_start3A_271 = arith.constant 0 : i32
        %dma_start3A_272 = tpu.memref_slice %arg2[%dma_start3A_270, %dma_start3A_271] : memref<10000x128xf32, #tpu.memory_space<hbm>> -> memref<16x128xf32, #tpu.memory_space<hbm>>
        tpu.enqueue_dma source(%dma_start3A_272 : memref<16x128xf32, #tpu.memory_space<hbm>>) target(%dma_start3A_269 : memref<16x128xf32, #tpu.memory_space<vmem_shared>>) target_semaphore(%run_scoped3A : memref<!tpu.dma_semaphore, #tpu.memory_space<semaphore_mem>>)
        %dma_wait3A_273 = arith.constant 9984 : i32
        %dma_wait3A_274 = arith.constant 0 : i32
        %dma_wait3A_275 = tpu.memref_slice %arg9[%dma_wait3A_273, %dma_wait3A_274] : memref<10000x128xf32, #tpu.memory_space<vmem_shared>> -> memref<16x128xf32, #tpu.memory_space<vmem_shared>>
        %dma_wait3A_276 = arith.constant 9984 : i32
        %dma_wait3A_277 = arith.constant 0 : i32
        %dma_wait3A_278 = tpu.memref_slice %arg2[%dma_wait3A_276, %dma_wait3A_277] : memref<10000x128xf32, #tpu.memory_space<hbm>> -> memref<16x128xf32, #tpu.memory_space<hbm>>
        tpu.wait_dma2 semaphore(%run_scoped3A : memref<!tpu.dma_semaphore, #tpu.memory_space<semaphore_mem>>) src(%dma_wait3A_278 : memref<16x128xf32, #tpu.memory_space<hbm>>) dst(%dma_wait3A_275 : memref<16x128xf32, #tpu.memory_space<vmem_shared>>)
        tpu.yield
      }) : () -> ()
    } else {
    }
    %mul3A_3 = arith.constant 16 : i32
    %mul3A_4 = arith.muli %arg0, %mul3A_3 : i32
    %add3A = arith.addi %mul3A_4, %arg1 : i32
    %mul3A_5 = arith.constant 10000 : i32
    %mul3A_6 = arith.muli %add3A, %mul3A_5 : i32
    %mul3A_7 = arith.constant 10000 : i32
    %mul3A_8 = arith.muli %add3A, %mul3A_7 : i32
    %add3A_9 = arith.constant 320000 : i32
    %add3A_10 = arith.addi %add3A_9, %mul3A_8 : i32
    %barrier3A = arith.constant 0 : index
    tpu.barrier barrier_id(%barrier3A)
    %add3A_11 = arith.constant 0 : i32
    %add3A_12 = arith.addi %mul3A_6, %add3A_11 : i32
    %dma_start3A = arith.constant 0 : i32
    %dma_start3A_13 = arith.constant 0 : i32
    %dma_start3A_14 = arith.constant 0 : i32
    %dma_start3A_15 = tpu.memref_slice %arg6[%dma_start3A, %dma_start3A_14] : memref<4x80xi32, #tpu.memory_space<vmem>> -> memref<1x80xi32, #tpu.memory_space<vmem>>
    %dma_start3A_16 = tpu.memref_squeeze %dma_start3A_15 : memref<1x80xi32, #tpu.memory_space<vmem>> -> memref<80xi32, #tpu.memory_space<vmem>>
    %dma_start3A_17 = tpu.memref_slice %arg4[%add3A_12] : memref<640000xi32, #tpu.memory_space<hbm>> -> memref<80xi32, #tpu.memory_space<hbm>>
    %dma_start3A_18 = tpu.memref_slice %arg10[%dma_start3A_13] : memref<4x!tpu.dma_semaphore, #tpu.memory_space<semaphore_mem>> -> memref<1x!tpu.dma_semaphore, #tpu.memory_space<semaphore_mem>>
    %dma_start3A_19 = tpu.memref_squeeze %dma_start3A_18 : memref<1x!tpu.dma_semaphore, #tpu.memory_space<semaphore_mem>> -> memref<!tpu.dma_semaphore, #tpu.memory_space<semaphore_mem>>
    %dma_start3A_20 = arith.constant 0 : i32
    %dma_start3A_21 = tpu.memref_slice %arg6[%dma_start3A, %dma_start3A_20] : memref<4x80xi32, #tpu.memory_space<vmem>> -> memref<1x80xi32, #tpu.memory_space<vmem>>
    %dma_start3A_22 = tpu.memref_squeeze %dma_start3A_21 : memref<1x80xi32, #tpu.memory_space<vmem>> -> memref<80xi32, #tpu.memory_space<vmem>>
    %dma_start3A_23 = tpu.memref_slice %arg4[%add3A_12] : memref<640000xi32, #tpu.memory_space<hbm>> -> memref<80xi32, #tpu.memory_space<hbm>>
    tpu.enqueue_dma source(%dma_start3A_23 : memref<80xi32, #tpu.memory_space<hbm>>) target(%dma_start3A_22 : memref<80xi32, #tpu.memory_space<vmem>>) target_semaphore(%dma_start3A_19 : memref<!tpu.dma_semaphore, #tpu.memory_space<semaphore_mem>>)
    %add3A_24 = arith.constant 0 : i32
    %add3A_25 = arith.addi %add3A_10, %add3A_24 : i32
    %dma_start3A_26 = arith.constant 0 : i32
    %dma_start3A_27 = arith.constant 0 : i32
    %dma_start3A_28 = arith.constant 0 : i32
    %dma_start3A_29 = tpu.memref_slice %arg7[%dma_start3A_26, %dma_start3A_28] : memref<4x80xi32, #tpu.memory_space<vmem>> -> memref<1x80xi32, #tpu.memory_space<vmem>>
    %dma_start3A_30 = tpu.memref_squeeze %dma_start3A_29 : memref<1x80xi32, #tpu.memory_space<vmem>> -> memref<80xi32, #tpu.memory_space<vmem>>
    %dma_start3A_31 = tpu.memref_slice %arg4[%add3A_25] : memref<640000xi32, #tpu.memory_space<hbm>> -> memref<80xi32, #tpu.memory_space<hbm>>
    %dma_start3A_32 = tpu.memref_slice %arg10[%dma_start3A_27] : memref<4x!tpu.dma_semaphore, #tpu.memory_space<semaphore_mem>> -> memref<1x!tpu.dma_semaphore, #tpu.memory_space<semaphore_mem>>
    %dma_start3A_33 = tpu.memref_squeeze %dma_start3A_32 : memref<1x!tpu.dma_semaphore, #tpu.memory_space<semaphore_mem>> -> memref<!tpu.dma_semaphore, #tpu.memory_space<semaphore_mem>>
    %dma_start3A_34 = arith.constant 0 : i32
    %dma_start3A_35 = tpu.memref_slice %arg7[%dma_start3A_26, %dma_start3A_34] : memref<4x80xi32, #tpu.memory_space<vmem>> -> memref<1x80xi32, #tpu.memory_space<vmem>>
    %dma_start3A_36 = tpu.memref_squeeze %dma_start3A_35 : memref<1x80xi32, #tpu.memory_space<vmem>> -> memref<80xi32, #tpu.memory_space<vmem>>
    %dma_start3A_37 = tpu.memref_slice %arg4[%add3A_25] : memref<640000xi32, #tpu.memory_space<hbm>> -> memref<80xi32, #tpu.memory_space<hbm>>
    tpu.enqueue_dma source(%dma_start3A_37 : memref<80xi32, #tpu.memory_space<hbm>>) target(%dma_start3A_36 : memref<80xi32, #tpu.memory_space<vmem>>) target_semaphore(%dma_start3A_33 : memref<!tpu.dma_semaphore, #tpu.memory_space<semaphore_mem>>)
    %dma_wait3A = arith.constant 0 : i32
    %dma_wait3A_38 = arith.constant 0 : i32
    %dma_wait3A_39 = arith.constant 0 : i32
    %dma_wait3A_40 = tpu.memref_slice %arg6[%dma_wait3A, %dma_wait3A_39] : memref<4x80xi32, #tpu.memory_space<vmem>> -> memref<1x80xi32, #tpu.memory_space<vmem>>
    %dma_wait3A_41 = tpu.memref_squeeze %dma_wait3A_40 : memref<1x80xi32, #tpu.memory_space<vmem>> -> memref<80xi32, #tpu.memory_space<vmem>>
    %dma_wait3A_42 = arith.constant 0 : i32
    %dma_wait3A_43 = tpu.memref_slice %arg4[%dma_wait3A_42] : memref<640000xi32, #tpu.memory_space<hbm>> -> memref<80xi32, #tpu.memory_space<hbm>>
    %dma_wait3A_44 = tpu.memref_slice %arg10[%dma_wait3A_38] : memref<4x!tpu.dma_semaphore, #tpu.memory_space<semaphore_mem>> -> memref<1x!tpu.dma_semaphore, #tpu.memory_space<semaphore_mem>>
    %dma_wait3A_45 = tpu.memref_squeeze %dma_wait3A_44 : memref<1x!tpu.dma_semaphore, #tpu.memory_space<semaphore_mem>> -> memref<!tpu.dma_semaphore, #tpu.memory_space<semaphore_mem>>
    %dma_wait3A_46 = arith.constant 0 : i32
    %dma_wait3A_47 = tpu.memref_slice %arg6[%dma_wait3A, %dma_wait3A_46] : memref<4x80xi32, #tpu.memory_space<vmem>> -> memref<1x80xi32, #tpu.memory_space<vmem>>
    %dma_wait3A_48 = tpu.memref_squeeze %dma_wait3A_47 : memref<1x80xi32, #tpu.memory_space<vmem>> -> memref<80xi32, #tpu.memory_space<vmem>>
    %dma_wait3A_49 = arith.constant 0 : i32
    %dma_wait3A_50 = tpu.memref_slice %arg4[%dma_wait3A_49] : memref<640000xi32, #tpu.memory_space<hbm>> -> memref<80xi32, #tpu.memory_space<hbm>>
    tpu.wait_dma2 semaphore(%dma_wait3A_45 : memref<!tpu.dma_semaphore, #tpu.memory_space<semaphore_mem>>) src(%dma_wait3A_50 : memref<80xi32, #tpu.memory_space<hbm>>) dst(%dma_wait3A_48 : memref<80xi32, #tpu.memory_space<vmem>>)
    %dma_wait3A_51 = arith.constant 0 : i32
    %dma_wait3A_52 = arith.constant 0 : i32
    %dma_wait3A_53 = arith.constant 0 : i32
    %dma_wait3A_54 = tpu.memref_slice %arg7[%dma_wait3A_51, %dma_wait3A_53] : memref<4x80xi32, #tpu.memory_space<vmem>> -> memref<1x80xi32, #tpu.memory_space<vmem>>
    %dma_wait3A_55 = tpu.memref_squeeze %dma_wait3A_54 : memref<1x80xi32, #tpu.memory_space<vmem>> -> memref<80xi32, #tpu.memory_space<vmem>>
    %dma_wait3A_56 = arith.constant 0 : i32
    %dma_wait3A_57 = tpu.memref_slice %arg4[%dma_wait3A_56] : memref<640000xi32, #tpu.memory_space<hbm>> -> memref<80xi32, #tpu.memory_space<hbm>>
    %dma_wait3A_58 = tpu.memref_slice %arg10[%dma_wait3A_52] : memref<4x!tpu.dma_semaphore, #tpu.memory_space<semaphore_mem>> -> memref<1x!tpu.dma_semaphore, #tpu.memory_space<semaphore_mem>>
    %dma_wait3A_59 = tpu.memref_squeeze %dma_wait3A_58 : memref<1x!tpu.dma_semaphore, #tpu.memory_space<semaphore_mem>> -> memref<!tpu.dma_semaphore, #tpu.memory_space<semaphore_mem>>
    %dma_wait3A_60 = arith.constant 0 : i32
    %dma_wait3A_61 = tpu.memref_slice %arg7[%dma_wait3A_51, %dma_wait3A_60] : memref<4x80xi32, #tpu.memory_space<vmem>> -> memref<1x80xi32, #tpu.memory_space<vmem>>
    %dma_wait3A_62 = tpu.memref_squeeze %dma_wait3A_61 : memref<1x80xi32, #tpu.memory_space<vmem>> -> memref<80xi32, #tpu.memory_space<vmem>>
    %dma_wait3A_63 = arith.constant 0 : i32
    %dma_wait3A_64 = tpu.memref_slice %arg4[%dma_wait3A_63] : memref<640000xi32, #tpu.memory_space<hbm>> -> memref<80xi32, #tpu.memory_space<hbm>>
    tpu.wait_dma2 semaphore(%dma_wait3A_59 : memref<!tpu.dma_semaphore, #tpu.memory_space<semaphore_mem>>) src(%dma_wait3A_64 : memref<80xi32, #tpu.memory_space<hbm>>) dst(%dma_wait3A_62 : memref<80xi32, #tpu.memory_space<vmem>>)
    %add3A_65 = arith.constant 80 : i32
    %add3A_66 = arith.addi %mul3A_6, %add3A_65 : i32
    %dma_start3A_67 = arith.constant 1 : i32
    %dma_start3A_68 = arith.constant 1 : i32
    %dma_start3A_69 = arith.constant 0 : i32
    %dma_start3A_70 = tpu.memref_slice %arg6[%dma_start3A_67, %dma_start3A_69] : memref<4x80xi32, #tpu.memory_space<vmem>> -> memref<1x80xi32, #tpu.memory_space<vmem>>
    %dma_start3A_71 = tpu.memref_squeeze %dma_start3A_70 : memref<1x80xi32, #tpu.memory_space<vmem>> -> memref<80xi32, #tpu.memory_space<vmem>>
    %dma_start3A_72 = tpu.memref_slice %arg4[%add3A_66] : memref<640000xi32, #tpu.memory_space<hbm>> -> memref<80xi32, #tpu.memory_space<hbm>>
    %dma_start3A_73 = tpu.memref_slice %arg10[%dma_start3A_68] : memref<4x!tpu.dma_semaphore, #tpu.memory_space<semaphore_mem>> -> memref<1x!tpu.dma_semaphore, #tpu.memory_space<semaphore_mem>>
    %dma_start3A_74 = tpu.memref_squeeze %dma_start3A_73 : memref<1x!tpu.dma_semaphore, #tpu.memory_space<semaphore_mem>> -> memref<!tpu.dma_semaphore, #tpu.memory_space<semaphore_mem>>
    %dma_start3A_75 = arith.constant 0 : i32
    %dma_start3A_76 = tpu.memref_slice %arg6[%dma_start3A_67, %dma_start3A_75] : memref<4x80xi32, #tpu.memory_space<vmem>> -> memref<1x80xi32, #tpu.memory_space<vmem>>
    %dma_start3A_77 = tpu.memref_squeeze %dma_start3A_76 : memref<1x80xi32, #tpu.memory_space<vmem>> -> memref<80xi32, #tpu.memory_space<vmem>>
    %dma_start3A_78 = tpu.memref_slice %arg4[%add3A_66] : memref<640000xi32, #tpu.memory_space<hbm>> -> memref<80xi32, #tpu.memory_space<hbm>>
    tpu.enqueue_dma source(%dma_start3A_78 : memref<80xi32, #tpu.memory_space<hbm>>) target(%dma_start3A_77 : memref<80xi32, #tpu.memory_space<vmem>>) target_semaphore(%dma_start3A_74 : memref<!tpu.dma_semaphore, #tpu.memory_space<semaphore_mem>>)
    %add3A_79 = arith.constant 80 : i32
    %add3A_80 = arith.addi %add3A_10, %add3A_79 : i32
    %dma_start3A_81 = arith.constant 1 : i32
    %dma_start3A_82 = arith.constant 1 : i32
    %dma_start3A_83 = arith.constant 0 : i32
    %dma_start3A_84 = tpu.memref_slice %arg7[%dma_start3A_81, %dma_start3A_83] : memref<4x80xi32, #tpu.memory_space<vmem>> -> memref<1x80xi32, #tpu.memory_space<vmem>>
    %dma_start3A_85 = tpu.memref_squeeze %dma_start3A_84 : memref<1x80xi32, #tpu.memory_space<vmem>> -> memref<80xi32, #tpu.memory_space<vmem>>
    %dma_start3A_86 = tpu.memref_slice %arg4[%add3A_80] : memref<640000xi32, #tpu.memory_space<hbm>> -> memref<80xi32, #tpu.memory_space<hbm>>
    %dma_start3A_87 = tpu.memref_slice %arg10[%dma_start3A_82] : memref<4x!tpu.dma_semaphore, #tpu.memory_space<semaphore_mem>> -> memref<1x!tpu.dma_semaphore, #tpu.memory_space<semaphore_mem>>
    %dma_start3A_88 = tpu.memref_squeeze %dma_start3A_87 : memref<1x!tpu.dma_semaphore, #tpu.memory_space<semaphore_mem>> -> memref<!tpu.dma_semaphore, #tpu.memory_space<semaphore_mem>>
    %dma_start3A_89 = arith.constant 0 : i32
    %dma_start3A_90 = tpu.memref_slice %arg7[%dma_start3A_81, %dma_start3A_89] : memref<4x80xi32, #tpu.memory_space<vmem>> -> memref<1x80xi32, #tpu.memory_space<vmem>>
    %dma_start3A_91 = tpu.memref_squeeze %dma_start3A_90 : memref<1x80xi32, #tpu.memory_space<vmem>> -> memref<80xi32, #tpu.memory_space<vmem>>
    %dma_start3A_92 = tpu.memref_slice %arg4[%add3A_80] : memref<640000xi32, #tpu.memory_space<hbm>> -> memref<80xi32, #tpu.memory_space<hbm>>
    tpu.enqueue_dma source(%dma_start3A_92 : memref<80xi32, #tpu.memory_space<hbm>>) target(%dma_start3A_91 : memref<80xi32, #tpu.memory_space<vmem>>) target_semaphore(%dma_start3A_88 : memref<!tpu.dma_semaphore, #tpu.memory_space<semaphore_mem>>)
    %dma_wait3A_93 = arith.constant 1 : i32
    %dma_wait3A_94 = arith.constant 1 : i32
    %dma_wait3A_95 = arith.constant 0 : i32
    %dma_wait3A_96 = tpu.memref_slice %arg6[%dma_wait3A_93, %dma_wait3A_95] : memref<4x80xi32, #tpu.memory_space<vmem>> -> memref<1x80xi32, #tpu.memory_space<vmem>>
    %dma_wait3A_97 = tpu.memref_squeeze %dma_wait3A_96 : memref<1x80xi32, #tpu.memory_space<vmem>> -> memref<80xi32, #tpu.memory_space<vmem>>
    %dma_wait3A_98 = arith.constant 0 : i32
    %dma_wait3A_99 = tpu.memref_slice %arg4[%dma_wait3A_98] : memref<640000xi32, #tpu.memory_space<hbm>> -> memref<80xi32, #tpu.memory_space<hbm>>
    %dma_wait3A_100 = tpu.memref_slice %arg10[%dma_wait3A_94] : memref<4x!tpu.dma_semaphore, #tpu.memory_space<semaphore_mem>> -> memref<1x!tpu.dma_semaphore, #tpu.memory_space<semaphore_mem>>
    %dma_wait3A_101 = tpu.memref_squeeze %dma_wait3A_100 : memref<1x!tpu.dma_semaphore, #tpu.memory_space<semaphore_mem>> -> memref<!tpu.dma_semaphore, #tpu.memory_space<semaphore_mem>>
    %dma_wait3A_102 = arith.constant 0 : i32
    %dma_wait3A_103 = tpu.memref_slice %arg6[%dma_wait3A_93, %dma_wait3A_102] : memref<4x80xi32, #tpu.memory_space<vmem>> -> memref<1x80xi32, #tpu.memory_space<vmem>>
    %dma_wait3A_104 = tpu.memref_squeeze %dma_wait3A_103 : memref<1x80xi32, #tpu.memory_space<vmem>> -> memref<80xi32, #tpu.memory_space<vmem>>
    %dma_wait3A_105 = arith.constant 0 : i32
    %dma_wait3A_106 = tpu.memref_slice %arg4[%dma_wait3A_105] : memref<640000xi32, #tpu.memory_space<hbm>> -> memref<80xi32, #tpu.memory_space<hbm>>
    tpu.wait_dma2 semaphore(%dma_wait3A_101 : memref<!tpu.dma_semaphore, #tpu.memory_space<semaphore_mem>>) src(%dma_wait3A_106 : memref<80xi32, #tpu.memory_space<hbm>>) dst(%dma_wait3A_104 : memref<80xi32, #tpu.memory_space<vmem>>)
    %dma_wait3A_107 = arith.constant 1 : i32
    %dma_wait3A_108 = arith.constant 1 : i32
    %dma_wait3A_109 = arith.constant 0 : i32
    %dma_wait3A_110 = tpu.memref_slice %arg7[%dma_wait3A_107, %dma_wait3A_109] : memref<4x80xi32, #tpu.memory_space<vmem>> -> memref<1x80xi32, #tpu.memory_space<vmem>>
    %dma_wait3A_111 = tpu.memref_squeeze %dma_wait3A_110 : memref<1x80xi32, #tpu.memory_space<vmem>> -> memref<80xi32, #tpu.memory_space<vmem>>
    %dma_wait3A_112 = arith.constant 0 : i32
    %dma_wait3A_113 = tpu.memref_slice %arg4[%dma_wait3A_112] : memref<640000xi32, #tpu.memory_space<hbm>> -> memref<80xi32, #tpu.memory_space<hbm>>
    %dma_wait3A_114 = tpu.memref_slice %arg10[%dma_wait3A_108] : memref<4x!tpu.dma_semaphore, #tpu.memory_space<semaphore_mem>> -> memref<1x!tpu.dma_semaphore, #tpu.memory_space<semaphore_mem>>
    %dma_wait3A_115 = tpu.memref_squeeze %dma_wait3A_114 : memref<1x!tpu.dma_semaphore, #tpu.memory_space<semaphore_mem>> -> memref<!tpu.dma_semaphore, #tpu.memory_space<semaphore_mem>>
    %dma_wait3A_116 = arith.constant 0 : i32
    %dma_wait3A_117 = tpu.memref_slice %arg7[%dma_wait3A_107, %dma_wait3A_116] : memref<4x80xi32, #tpu.memory_space<vmem>> -> memref<1x80xi32, #tpu.memory_space<vmem>>
    %dma_wait3A_118 = tpu.memref_squeeze %dma_wait3A_117 : memref<1x80xi32, #tpu.memory_space<vmem>> -> memref<80xi32, #tpu.memory_space<vmem>>
    %dma_wait3A_119 = arith.constant 0 : i32
    %dma_wait3A_120 = tpu.memref_slice %arg4[%dma_wait3A_119] : memref<640000xi32, #tpu.memory_space<hbm>> -> memref<80xi32, #tpu.memory_space<hbm>>
    tpu.wait_dma2 semaphore(%dma_wait3A_115 : memref<!tpu.dma_semaphore, #tpu.memory_space<semaphore_mem>>) src(%dma_wait3A_120 : memref<80xi32, #tpu.memory_space<hbm>>) dst(%dma_wait3A_118 : memref<80xi32, #tpu.memory_space<vmem>>)
    %dma_start3A_121 = arith.constant 0 : i32
    %dma_start3A_122 = arith.constant 0 : i32
    %dma_start3A_123 = arith.constant 0 : i32
    %dma_start3A_124 = arith.constant 0 : i32
    %dma_start3A_125 = arith.constant 0 : i32
    %dma_start3A_126 = tpu.memref_slice %arg8[%dma_start3A_122, %dma_start3A_124, %dma_start3A_125] : memref<4x80x128xf32, #tpu.memory_space<vmem>> -> memref<1x80x128xf32, #tpu.memory_space<vmem>>
    %dma_start3A_127 = tpu.memref_squeeze %dma_start3A_126 : memref<1x80x128xf32, #tpu.memory_space<vmem>> -> memref<80x128xf32, #tpu.memory_space<vmem>>
    %dma_start3A_128 = arith.constant 0 : i32
    %dma_start3A_129 = tpu.memref_slice %arg6[%dma_start3A_121, %dma_start3A_128] : memref<4x80xi32, #tpu.memory_space<vmem>> -> memref<1x80xi32, #tpu.memory_space<vmem>>
    %dma_start3A_130 = tpu.memref_squeeze %dma_start3A_129 : memref<1x80xi32, #tpu.memory_space<vmem>> -> memref<80xi32, #tpu.memory_space<vmem>>
    %dma_start3A_131 = arith.constant 0 : i32
    %dma_start3A_132 = arith.constant 0 : i32
    %dma_start3A_133 = tpu.memref_slice %arg2[%dma_start3A_131, %dma_start3A_132] : memref<10000x128xf32, #tpu.memory_space<hbm>> -> memref<10000x128xf32, #tpu.memory_space<hbm>>
    %dma_start3A_134 = tpu.memref_slice %arg11[%dma_start3A_123] : memref<4x!tpu.dma_semaphore, #tpu.memory_space<semaphore_mem>> -> memref<1x!tpu.dma_semaphore, #tpu.memory_space<semaphore_mem>>
    %dma_start3A_135 = tpu.memref_squeeze %dma_start3A_134 : memref<1x!tpu.dma_semaphore, #tpu.memory_space<semaphore_mem>> -> memref<!tpu.dma_semaphore, #tpu.memory_space<semaphore_mem>>
    tpu.enqueue_indirect_dma source(%dma_start3A_133 : memref<10000x128xf32, #tpu.memory_space<hbm>>) target(%dma_start3A_127 : memref<80x128xf32, #tpu.memory_space<vmem>>) offsets(%dma_start3A_130 : memref<80xi32, #tpu.memory_space<vmem>>) semaphore(%dma_start3A_135 : memref<!tpu.dma_semaphore, #tpu.memory_space<semaphore_mem>>)
    %dma_start3A_136 = arith.constant 1 : i32
    %dma_start3A_137 = arith.constant 1 : i32
    %dma_start3A_138 = arith.constant 1 : i32
    %dma_start3A_139 = arith.constant 0 : i32
    %dma_start3A_140 = arith.constant 0 : i32
    %dma_start3A_141 = tpu.memref_slice %arg8[%dma_start3A_137, %dma_start3A_139, %dma_start3A_140] : memref<4x80x128xf32, #tpu.memory_space<vmem>> -> memref<1x80x128xf32, #tpu.memory_space<vmem>>
    %dma_start3A_142 = tpu.memref_squeeze %dma_start3A_141 : memref<1x80x128xf32, #tpu.memory_space<vmem>> -> memref<80x128xf32, #tpu.memory_space<vmem>>
    %dma_start3A_143 = arith.constant 0 : i32
    %dma_start3A_144 = tpu.memref_slice %arg6[%dma_start3A_136, %dma_start3A_143] : memref<4x80xi32, #tpu.memory_space<vmem>> -> memref<1x80xi32, #tpu.memory_space<vmem>>
    %dma_start3A_145 = tpu.memref_squeeze %dma_start3A_144 : memref<1x80xi32, #tpu.memory_space<vmem>> -> memref<80xi32, #tpu.memory_space<vmem>>
    %dma_start3A_146 = arith.constant 0 : i32
    %dma_start3A_147 = arith.constant 0 : i32
    %dma_start3A_148 = tpu.memref_slice %arg2[%dma_start3A_146, %dma_start3A_147] : memref<10000x128xf32, #tpu.memory_space<hbm>> -> memref<10000x128xf32, #tpu.memory_space<hbm>>
    %dma_start3A_149 = tpu.memref_slice %arg11[%dma_start3A_138] : memref<4x!tpu.dma_semaphore, #tpu.memory_space<semaphore_mem>> -> memref<1x!tpu.dma_semaphore, #tpu.memory_space<semaphore_mem>>
    %dma_start3A_150 = tpu.memref_squeeze %dma_start3A_149 : memref<1x!tpu.dma_semaphore, #tpu.memory_space<semaphore_mem>> -> memref<!tpu.dma_semaphore, #tpu.memory_space<semaphore_mem>>
    tpu.enqueue_indirect_dma source(%dma_start3A_148 : memref<10000x128xf32, #tpu.memory_space<hbm>>) target(%dma_start3A_142 : memref<80x128xf32, #tpu.memory_space<vmem>>) offsets(%dma_start3A_145 : memref<80xi32, #tpu.memory_space<vmem>>) semaphore(%dma_start3A_150 : memref<!tpu.dma_semaphore, #tpu.memory_space<semaphore_mem>>)
    %scan3A = arith.constant 0 : i32
    %scan3A_151 = arith.constant 0 : i32
    %scan3A_152 = arith.constant 31 : i32
    %scan3A_153 = arith.addi %scan3A_151, %scan3A_152 : i32
    %scan3A_154 = arith.constant 1 : i32
    scf.for %scan3A_267 = %scan3A_151 to %scan3A_153 step %scan3A_154  : i32 {
      %dma_wait3A_268 = arith.constant 0 : i32
      %dma_wait3A_269 = arith.constant 0 : i32
      %dma_wait3A_270 = arith.constant 0 : i32
      %dma_wait3A_271 = arith.constant 0 : i32
      %dma_wait3A_272 = tpu.memref_slice %arg8[%dma_wait3A_268, %dma_wait3A_270, %dma_wait3A_271] : memref<4x80x128xf32, #tpu.memory_space<vmem>> -> memref<1x80x128xf32, #tpu.memory_space<vmem>>
      %dma_wait3A_273 = tpu.memref_squeeze %dma_wait3A_272 : memref<1x80x128xf32, #tpu.memory_space<vmem>> -> memref<80x128xf32, #tpu.memory_space<vmem>>
      %dma_wait3A_274 = arith.constant 0 : i32
      %dma_wait3A_275 = arith.constant 0 : i32
      %dma_wait3A_276 = tpu.memref_slice %arg2[%dma_wait3A_274, %dma_wait3A_275] : memref<10000x128xf32, #tpu.memory_space<hbm>> -> memref<80x128xf32, #tpu.memory_space<hbm>>
      %dma_wait3A_277 = tpu.memref_slice %arg11[%dma_wait3A_269] : memref<4x!tpu.dma_semaphore, #tpu.memory_space<semaphore_mem>> -> memref<1x!tpu.dma_semaphore, #tpu.memory_space<semaphore_mem>>
      %dma_wait3A_278 = tpu.memref_squeeze %dma_wait3A_277 : memref<1x!tpu.dma_semaphore, #tpu.memory_space<semaphore_mem>> -> memref<!tpu.dma_semaphore, #tpu.memory_space<semaphore_mem>>
      %dma_wait3A_279 = arith.constant 0 : i32
      %dma_wait3A_280 = arith.constant 0 : i32
      %dma_wait3A_281 = tpu.memref_slice %arg8[%dma_wait3A_268, %dma_wait3A_279, %dma_wait3A_280] : memref<4x80x128xf32, #tpu.memory_space<vmem>> -> memref<1x80x128xf32, #tpu.memory_space<vmem>>
      %dma_wait3A_282 = tpu.memref_squeeze %dma_wait3A_281 : memref<1x80x128xf32, #tpu.memory_space<vmem>> -> memref<80x128xf32, #tpu.memory_space<vmem>>
      %dma_wait3A_283 = arith.constant 0 : i32
      %dma_wait3A_284 = arith.constant 0 : i32
      %dma_wait3A_285 = tpu.memref_slice %arg2[%dma_wait3A_283, %dma_wait3A_284] : memref<10000x128xf32, #tpu.memory_space<hbm>> -> memref<80x128xf32, #tpu.memory_space<hbm>>
      tpu.wait_dma2 semaphore(%dma_wait3A_278 : memref<!tpu.dma_semaphore, #tpu.memory_space<semaphore_mem>>) src(%dma_wait3A_285 : memref<80x128xf32, #tpu.memory_space<hbm>>) dst(%dma_wait3A_282 : memref<80x128xf32, #tpu.memory_space<vmem>>)
      %dma_wait3A_286 = arith.constant 1 : i32
      %dma_wait3A_287 = arith.constant 1 : i32
      %dma_wait3A_288 = arith.constant 0 : i32
      %dma_wait3A_289 = arith.constant 0 : i32
      %dma_wait3A_290 = tpu.memref_slice %arg8[%dma_wait3A_286, %dma_wait3A_288, %dma_wait3A_289] : memref<4x80x128xf32, #tpu.memory_space<vmem>> -> memref<1x80x128xf32, #tpu.memory_space<vmem>>
      %dma_wait3A_291 = tpu.memref_squeeze %dma_wait3A_290 : memref<1x80x128xf32, #tpu.memory_space<vmem>> -> memref<80x128xf32, #tpu.memory_space<vmem>>
      %dma_wait3A_292 = arith.constant 0 : i32
      %dma_wait3A_293 = arith.constant 0 : i32
      %dma_wait3A_294 = tpu.memref_slice %arg2[%dma_wait3A_292, %dma_wait3A_293] : memref<10000x128xf32, #tpu.memory_space<hbm>> -> memref<80x128xf32, #tpu.memory_space<hbm>>
      %dma_wait3A_295 = tpu.memref_slice %arg11[%dma_wait3A_287] : memref<4x!tpu.dma_semaphore, #tpu.memory_space<semaphore_mem>> -> memref<1x!tpu.dma_semaphore, #tpu.memory_space<semaphore_mem>>
      %dma_wait3A_296 = tpu.memref_squeeze %dma_wait3A_295 : memref<1x!tpu.dma_semaphore, #tpu.memory_space<semaphore_mem>> -> memref<!tpu.dma_semaphore, #tpu.memory_space<semaphore_mem>>
      %dma_wait3A_297 = arith.constant 0 : i32
      %dma_wait3A_298 = arith.constant 0 : i32
      %dma_wait3A_299 = tpu.memref_slice %arg8[%dma_wait3A_286, %dma_wait3A_297, %dma_wait3A_298] : memref<4x80x128xf32, #tpu.memory_space<vmem>> -> memref<1x80x128xf32, #tpu.memory_space<vmem>>
      %dma_wait3A_300 = tpu.memref_squeeze %dma_wait3A_299 : memref<1x80x128xf32, #tpu.memory_space<vmem>> -> memref<80x128xf32, #tpu.memory_space<vmem>>
      %dma_wait3A_301 = arith.constant 0 : i32
      %dma_wait3A_302 = arith.constant 0 : i32
      %dma_wait3A_303 = tpu.memref_slice %arg2[%dma_wait3A_301, %dma_wait3A_302] : memref<10000x128xf32, #tpu.memory_space<hbm>> -> memref<80x128xf32, #tpu.memory_space<hbm>>
      tpu.wait_dma2 semaphore(%dma_wait3A_296 : memref<!tpu.dma_semaphore, #tpu.memory_space<semaphore_mem>>) src(%dma_wait3A_303 : memref<80x128xf32, #tpu.memory_space<hbm>>) dst(%dma_wait3A_300 : memref<80x128xf32, #tpu.memory_space<vmem>>)
      %dma_start3A_304 = arith.constant 0 : i32
      %dma_start3A_305 = arith.constant 0 : i32
      %dma_start3A_306 = arith.constant 0 : i32
      %dma_start3A_307 = arith.constant 0 : i32
      %dma_start3A_308 = arith.constant 0 : i32
      %dma_start3A_309 = tpu.memref_slice %arg8[%dma_start3A_304, %dma_start3A_307, %dma_start3A_308] : memref<4x80x128xf32, #tpu.memory_space<vmem>> -> memref<1x80x128xf32, #tpu.memory_space<vmem>>
      %dma_start3A_310 = tpu.memref_squeeze %dma_start3A_309 : memref<1x80x128xf32, #tpu.memory_space<vmem>> -> memref<80x128xf32, #tpu.memory_space<vmem>>
      %dma_start3A_311 = arith.constant 0 : i32
      %dma_start3A_312 = tpu.memref_slice %arg7[%dma_start3A_305, %dma_start3A_311] : memref<4x80xi32, #tpu.memory_space<vmem>> -> memref<1x80xi32, #tpu.memory_space<vmem>>
      %dma_start3A_313 = tpu.memref_squeeze %dma_start3A_312 : memref<1x80xi32, #tpu.memory_space<vmem>> -> memref<80xi32, #tpu.memory_space<vmem>>
      %dma_start3A_314 = arith.constant 0 : i32
      %dma_start3A_315 = arith.constant 0 : i32
      %dma_start3A_316 = tpu.memref_slice %arg9[%dma_start3A_314, %dma_start3A_315] : memref<10000x128xf32, #tpu.memory_space<vmem_shared>> -> memref<10000x128xf32, #tpu.memory_space<vmem_shared>>
      %dma_start3A_317 = tpu.memref_slice %arg12[%dma_start3A_306] : memref<4x!tpu.dma_semaphore, #tpu.memory_space<semaphore_mem>> -> memref<1x!tpu.dma_semaphore, #tpu.memory_space<semaphore_mem>>
      %dma_start3A_318 = tpu.memref_squeeze %dma_start3A_317 : memref<1x!tpu.dma_semaphore, #tpu.memory_space<semaphore_mem>> -> memref<!tpu.dma_semaphore, #tpu.memory_space<semaphore_mem>>
      tpu.enqueue_indirect_dma source(%dma_start3A_310 : memref<80x128xf32, #tpu.memory_space<vmem>>) target(%dma_start3A_316 : memref<10000x128xf32, #tpu.memory_space<vmem_shared>>) offsets(%dma_start3A_313 : memref<80xi32, #tpu.memory_space<vmem>>) semaphore(%dma_start3A_318 : memref<!tpu.dma_semaphore, #tpu.memory_space<semaphore_mem>>) {add = true}
      %dma_start3A_319 = arith.constant 1 : i32
      %dma_start3A_320 = arith.constant 1 : i32
      %dma_start3A_321 = arith.constant 1 : i32
      %dma_start3A_322 = arith.constant 0 : i32
      %dma_start3A_323 = arith.constant 0 : i32
      %dma_start3A_324 = tpu.memref_slice %arg8[%dma_start3A_319, %dma_start3A_322, %dma_start3A_323] : memref<4x80x128xf32, #tpu.memory_space<vmem>> -> memref<1x80x128xf32, #tpu.memory_space<vmem>>
      %dma_start3A_325 = tpu.memref_squeeze %dma_start3A_324 : memref<1x80x128xf32, #tpu.memory_space<vmem>> -> memref<80x128xf32, #tpu.memory_space<vmem>>
      %dma_start3A_326 = arith.constant 0 : i32
      %dma_start3A_327 = tpu.memref_slice %arg7[%dma_start3A_320, %dma_start3A_326] : memref<4x80xi32, #tpu.memory_space<vmem>> -> memref<1x80xi32, #tpu.memory_space<vmem>>
      %dma_start3A_328 = tpu.memref_squeeze %dma_start3A_327 : memref<1x80xi32, #tpu.memory_space<vmem>> -> memref<80xi32, #tpu.memory_space<vmem>>
      %dma_start3A_329 = arith.constant 0 : i32
      %dma_start3A_330 = arith.constant 0 : i32
      %dma_start3A_331 = tpu.memref_slice %arg9[%dma_start3A_329, %dma_start3A_330] : memref<10000x128xf32, #tpu.memory_space<vmem_shared>> -> memref<10000x128xf32, #tpu.memory_space<vmem_shared>>
      %dma_start3A_332 = tpu.memref_slice %arg12[%dma_start3A_321] : memref<4x!tpu.dma_semaphore, #tpu.memory_space<semaphore_mem>> -> memref<1x!tpu.dma_semaphore, #tpu.memory_space<semaphore_mem>>
      %dma_start3A_333 = tpu.memref_squeeze %dma_start3A_332 : memref<1x!tpu.dma_semaphore, #tpu.memory_space<semaphore_mem>> -> memref<!tpu.dma_semaphore, #tpu.memory_space<semaphore_mem>>
      tpu.enqueue_indirect_dma source(%dma_start3A_325 : memref<80x128xf32, #tpu.memory_space<vmem>>) target(%dma_start3A_331 : memref<10000x128xf32, #tpu.memory_space<vmem_shared>>) offsets(%dma_start3A_328 : memref<80xi32, #tpu.memory_space<vmem>>) semaphore(%dma_start3A_333 : memref<!tpu.dma_semaphore, #tpu.memory_space<semaphore_mem>>) {add = true}
      %gt3A = arith.constant 0 : i32
      %gt3A_334 = arith.cmpi sgt, %scan3A_267, %gt3A : i32
      %convert_element_type3A_335 = arith.extui %gt3A_334 : i1 to i32
      %cond3A_336 = arith.constant 0 : i32
      %cond3A_337 = arith.cmpi ne, %convert_element_type3A_335, %cond3A_336 : i32
      scf.if %cond3A_337 {
        %dma_wait3A_757 = arith.constant 2 : i32
        %dma_wait3A_758 = arith.constant 2 : i32
        %dma_wait3A_759 = arith.constant 0 : i32
        %dma_wait3A_760 = arith.constant 0 : i32
        %dma_wait3A_761 = tpu.memref_slice %arg8[%dma_wait3A_757, %dma_wait3A_759, %dma_wait3A_760] : memref<4x80x128xf32, #tpu.memory_space<vmem>> -> memref<1x80x128xf32, #tpu.memory_space<vmem>>
        %dma_wait3A_762 = tpu.memref_squeeze %dma_wait3A_761 : memref<1x80x128xf32, #tpu.memory_space<vmem>> -> memref<80x128xf32, #tpu.memory_space<vmem>>
        %dma_wait3A_763 = arith.constant 0 : i32
        %dma_wait3A_764 = arith.constant 0 : i32
        %dma_wait3A_765 = tpu.memref_slice %arg2[%dma_wait3A_763, %dma_wait3A_764] : memref<10000x128xf32, #tpu.memory_space<hbm>> -> memref<80x128xf32, #tpu.memory_space<hbm>>
        %dma_wait3A_766 = tpu.memref_slice %arg12[%dma_wait3A_758] : memref<4x!tpu.dma_semaphore, #tpu.memory_space<semaphore_mem>> -> memref<1x!tpu.dma_semaphore, #tpu.memory_space<semaphore_mem>>
        %dma_wait3A_767 = tpu.memref_squeeze %dma_wait3A_766 : memref<1x!tpu.dma_semaphore, #tpu.memory_space<semaphore_mem>> -> memref<!tpu.dma_semaphore, #tpu.memory_space<semaphore_mem>>
        %dma_wait3A_768 = arith.constant 0 : i32
        %dma_wait3A_769 = arith.constant 0 : i32
        %dma_wait3A_770 = tpu.memref_slice %arg8[%dma_wait3A_757, %dma_wait3A_768, %dma_wait3A_769] : memref<4x80x128xf32, #tpu.memory_space<vmem>> -> memref<1x80x128xf32, #tpu.memory_space<vmem>>
        %dma_wait3A_771 = tpu.memref_squeeze %dma_wait3A_770 : memref<1x80x128xf32, #tpu.memory_space<vmem>> -> memref<80x128xf32, #tpu.memory_space<vmem>>
        %dma_wait3A_772 = arith.constant 0 : i32
        %dma_wait3A_773 = arith.constant 0 : i32
        %dma_wait3A_774 = tpu.memref_slice %arg2[%dma_wait3A_772, %dma_wait3A_773] : memref<10000x128xf32, #tpu.memory_space<hbm>> -> memref<80x128xf32, #tpu.memory_space<hbm>>
        tpu.wait_dma2 semaphore(%dma_wait3A_767 : memref<!tpu.dma_semaphore, #tpu.memory_space<semaphore_mem>>) src(%dma_wait3A_774 : memref<80x128xf32, #tpu.memory_space<hbm>>) dst(%dma_wait3A_771 : memref<80x128xf32, #tpu.memory_space<vmem>>)
        %dma_wait3A_775 = arith.constant 3 : i32
        %dma_wait3A_776 = arith.constant 3 : i32
        %dma_wait3A_777 = arith.constant 0 : i32
        %dma_wait3A_778 = arith.constant 0 : i32
        %dma_wait3A_779 = tpu.memref_slice %arg8[%dma_wait3A_775, %dma_wait3A_777, %dma_wait3A_778] : memref<4x80x128xf32, #tpu.memory_space<vmem>> -> memref<1x80x128xf32, #tpu.memory_space<vmem>>
        %dma_wait3A_780 = tpu.memref_squeeze %dma_wait3A_779 : memref<1x80x128xf32, #tpu.memory_space<vmem>> -> memref<80x128xf32, #tpu.memory_space<vmem>>
        %dma_wait3A_781 = arith.constant 0 : i32
        %dma_wait3A_782 = arith.constant 0 : i32
        %dma_wait3A_783 = tpu.memref_slice %arg2[%dma_wait3A_781, %dma_wait3A_782] : memref<10000x128xf32, #tpu.memory_space<hbm>> -> memref<80x128xf32, #tpu.memory_space<hbm>>
        %dma_wait3A_784 = tpu.memref_slice %arg12[%dma_wait3A_776] : memref<4x!tpu.dma_semaphore, #tpu.memory_space<semaphore_mem>> -> memref<1x!tpu.dma_semaphore, #tpu.memory_space<semaphore_mem>>
        %dma_wait3A_785 = tpu.memref_squeeze %dma_wait3A_784 : memref<1x!tpu.dma_semaphore, #tpu.memory_space<semaphore_mem>> -> memref<!tpu.dma_semaphore, #tpu.memory_space<semaphore_mem>>
        %dma_wait3A_786 = arith.constant 0 : i32
        %dma_wait3A_787 = arith.constant 0 : i32
        %dma_wait3A_788 = tpu.memref_slice %arg8[%dma_wait3A_775, %dma_wait3A_786, %dma_wait3A_787] : memref<4x80x128xf32, #tpu.memory_space<vmem>> -> memref<1x80x128xf32, #tpu.memory_space<vmem>>
        %dma_wait3A_789 = tpu.memref_squeeze %dma_wait3A_788 : memref<1x80x128xf32, #tpu.memory_space<vmem>> -> memref<80x128xf32, #tpu.memory_space<vmem>>
        %dma_wait3A_790 = arith.constant 0 : i32
        %dma_wait3A_791 = arith.constant 0 : i32
        %dma_wait3A_792 = tpu.memref_slice %arg2[%dma_wait3A_790, %dma_wait3A_791] : memref<10000x128xf32, #tpu.memory_space<hbm>> -> memref<80x128xf32, #tpu.memory_space<hbm>>
        tpu.wait_dma2 semaphore(%dma_wait3A_785 : memref<!tpu.dma_semaphore, #tpu.memory_space<semaphore_mem>>) src(%dma_wait3A_792 : memref<80x128xf32, #tpu.memory_space<hbm>>) dst(%dma_wait3A_789 : memref<80x128xf32, #tpu.memory_space<vmem>>)
      } else {
      }
      %mul3A_338 = arith.constant 2 : i32
      %mul3A_339 = arith.muli %mul3A_338, %scan3A_267 : i32
      %add3A_340 = arith.constant 1 : i32
      %add3A_341 = arith.addi %mul3A_339, %add3A_340 : i32
      %mul3A_342 = arith.constant 2 : i32
      %mul3A_343 = arith.muli %mul3A_342, %add3A_341 : i32
      %add3A_344 = arith.constant 0 : i32
      %add3A_345 = arith.addi %mul3A_343, %add3A_344 : i32
      %mul3A_346 = arith.constant 80 : i32
      %mul3A_347 = arith.muli %add3A_345, %mul3A_346 : i32
      %add3A_348 = arith.addi %mul3A_6, %mul3A_347 : i32
      %dma_start3A_349 = arith.constant 2 : i32
      %dma_start3A_350 = arith.constant 2 : i32
      %dma_start3A_351 = arith.constant 0 : i32
      %dma_start3A_352 = tpu.memref_slice %arg6[%dma_start3A_349, %dma_start3A_351] : memref<4x80xi32, #tpu.memory_space<vmem>> -> memref<1x80xi32, #tpu.memory_space<vmem>>
      %dma_start3A_353 = tpu.memref_squeeze %dma_start3A_352 : memref<1x80xi32, #tpu.memory_space<vmem>> -> memref<80xi32, #tpu.memory_space<vmem>>
      %dma_start3A_354 = tpu.memref_slice %arg4[%add3A_348] : memref<640000xi32, #tpu.memory_space<hbm>> -> memref<80xi32, #tpu.memory_space<hbm>>
      %dma_start3A_355 = tpu.memref_slice %arg10[%dma_start3A_350] : memref<4x!tpu.dma_semaphore, #tpu.memory_space<semaphore_mem>> -> memref<1x!tpu.dma_semaphore, #tpu.memory_space<semaphore_mem>>
      %dma_start3A_356 = tpu.memref_squeeze %dma_start3A_355 : memref<1x!tpu.dma_semaphore, #tpu.memory_space<semaphore_mem>> -> memref<!tpu.dma_semaphore, #tpu.memory_space<semaphore_mem>>
      %dma_start3A_357 = arith.constant 0 : i32
      %dma_start3A_358 = tpu.memref_slice %arg6[%dma_start3A_349, %dma_start3A_357] : memref<4x80xi32, #tpu.memory_space<vmem>> -> memref<1x80xi32, #tpu.memory_space<vmem>>
      %dma_start3A_359 = tpu.memref_squeeze %dma_start3A_358 : memref<1x80xi32, #tpu.memory_space<vmem>> -> memref<80xi32, #tpu.memory_space<vmem>>
      %dma_start3A_360 = tpu.memref_slice %arg4[%add3A_348] : memref<640000xi32, #tpu.memory_space<hbm>> -> memref<80xi32, #tpu.memory_space<hbm>>
      tpu.enqueue_dma source(%dma_start3A_360 : memref<80xi32, #tpu.memory_space<hbm>>) target(%dma_start3A_359 : memref<80xi32, #tpu.memory_space<vmem>>) target_semaphore(%dma_start3A_356 : memref<!tpu.dma_semaphore, #tpu.memory_space<semaphore_mem>>)
      %mul3A_361 = arith.constant 80 : i32
      %mul3A_362 = arith.muli %add3A_345, %mul3A_361 : i32
      %add3A_363 = arith.addi %add3A_10, %mul3A_362 : i32
      %dma_start3A_364 = arith.constant 2 : i32
      %dma_start3A_365 = arith.constant 2 : i32
      %dma_start3A_366 = arith.constant 0 : i32
      %dma_start3A_367 = tpu.memref_slice %arg7[%dma_start3A_364, %dma_start3A_366] : memref<4x80xi32, #tpu.memory_space<vmem>> -> memref<1x80xi32, #tpu.memory_space<vmem>>
      %dma_start3A_368 = tpu.memref_squeeze %dma_start3A_367 : memref<1x80xi32, #tpu.memory_space<vmem>> -> memref<80xi32, #tpu.memory_space<vmem>>
      %dma_start3A_369 = tpu.memref_slice %arg4[%add3A_363] : memref<640000xi32, #tpu.memory_space<hbm>> -> memref<80xi32, #tpu.memory_space<hbm>>
      %dma_start3A_370 = tpu.memref_slice %arg10[%dma_start3A_365] : memref<4x!tpu.dma_semaphore, #tpu.memory_space<semaphore_mem>> -> memref<1x!tpu.dma_semaphore, #tpu.memory_space<semaphore_mem>>
      %dma_start3A_371 = tpu.memref_squeeze %dma_start3A_370 : memref<1x!tpu.dma_semaphore, #tpu.memory_space<semaphore_mem>> -> memref<!tpu.dma_semaphore, #tpu.memory_space<semaphore_mem>>
      %dma_start3A_372 = arith.constant 0 : i32
      %dma_start3A_373 = tpu.memref_slice %arg7[%dma_start3A_364, %dma_start3A_372] : memref<4x80xi32, #tpu.memory_space<vmem>> -> memref<1x80xi32, #tpu.memory_space<vmem>>
      %dma_start3A_374 = tpu.memref_squeeze %dma_start3A_373 : memref<1x80xi32, #tpu.memory_space<vmem>> -> memref<80xi32, #tpu.memory_space<vmem>>
      %dma_start3A_375 = tpu.memref_slice %arg4[%add3A_363] : memref<640000xi32, #tpu.memory_space<hbm>> -> memref<80xi32, #tpu.memory_space<hbm>>
      tpu.enqueue_dma source(%dma_start3A_375 : memref<80xi32, #tpu.memory_space<hbm>>) target(%dma_start3A_374 : memref<80xi32, #tpu.memory_space<vmem>>) target_semaphore(%dma_start3A_371 : memref<!tpu.dma_semaphore, #tpu.memory_space<semaphore_mem>>)
      %dma_wait3A_376 = arith.constant 2 : i32
      %dma_wait3A_377 = arith.constant 2 : i32
      %dma_wait3A_378 = arith.constant 0 : i32
      %dma_wait3A_379 = tpu.memref_slice %arg6[%dma_wait3A_376, %dma_wait3A_378] : memref<4x80xi32, #tpu.memory_space<vmem>> -> memref<1x80xi32, #tpu.memory_space<vmem>>
      %dma_wait3A_380 = tpu.memref_squeeze %dma_wait3A_379 : memref<1x80xi32, #tpu.memory_space<vmem>> -> memref<80xi32, #tpu.memory_space<vmem>>
      %dma_wait3A_381 = arith.constant 0 : i32
      %dma_wait3A_382 = tpu.memref_slice %arg4[%dma_wait3A_381] : memref<640000xi32, #tpu.memory_space<hbm>> -> memref<80xi32, #tpu.memory_space<hbm>>
      %dma_wait3A_383 = tpu.memref_slice %arg10[%dma_wait3A_377] : memref<4x!tpu.dma_semaphore, #tpu.memory_space<semaphore_mem>> -> memref<1x!tpu.dma_semaphore, #tpu.memory_space<semaphore_mem>>
      %dma_wait3A_384 = tpu.memref_squeeze %dma_wait3A_383 : memref<1x!tpu.dma_semaphore, #tpu.memory_space<semaphore_mem>> -> memref<!tpu.dma_semaphore, #tpu.memory_space<semaphore_mem>>
      %dma_wait3A_385 = arith.constant 0 : i32
      %dma_wait3A_386 = tpu.memref_slice %arg6[%dma_wait3A_376, %dma_wait3A_385] : memref<4x80xi32, #tpu.memory_space<vmem>> -> memref<1x80xi32, #tpu.memory_space<vmem>>
      %dma_wait3A_387 = tpu.memref_squeeze %dma_wait3A_386 : memref<1x80xi32, #tpu.memory_space<vmem>> -> memref<80xi32, #tpu.memory_space<vmem>>
      %dma_wait3A_388 = arith.constant 0 : i32
      %dma_wait3A_389 = tpu.memref_slice %arg4[%dma_wait3A_388] : memref<640000xi32, #tpu.memory_space<hbm>> -> memref<80xi32, #tpu.memory_space<hbm>>
      tpu.wait_dma2 semaphore(%dma_wait3A_384 : memref<!tpu.dma_semaphore, #tpu.memory_space<semaphore_mem>>) src(%dma_wait3A_389 : memref<80xi32, #tpu.memory_space<hbm>>) dst(%dma_wait3A_387 : memref<80xi32, #tpu.memory_space<vmem>>)
      %dma_wait3A_390 = arith.constant 2 : i32
      %dma_wait3A_391 = arith.constant 2 : i32
      %dma_wait3A_392 = arith.constant 0 : i32
      %dma_wait3A_393 = tpu.memref_slice %arg7[%dma_wait3A_390, %dma_wait3A_392] : memref<4x80xi32, #tpu.memory_space<vmem>> -> memref<1x80xi32, #tpu.memory_space<vmem>>
      %dma_wait3A_394 = tpu.memref_squeeze %dma_wait3A_393 : memref<1x80xi32, #tpu.memory_space<vmem>> -> memref<80xi32, #tpu.memory_space<vmem>>
      %dma_wait3A_395 = arith.constant 0 : i32
      %dma_wait3A_396 = tpu.memref_slice %arg4[%dma_wait3A_395] : memref<640000xi32, #tpu.memory_space<hbm>> -> memref<80xi32, #tpu.memory_space<hbm>>
      %dma_wait3A_397 = tpu.memref_slice %arg10[%dma_wait3A_391] : memref<4x!tpu.dma_semaphore, #tpu.memory_space<semaphore_mem>> -> memref<1x!tpu.dma_semaphore, #tpu.memory_space<semaphore_mem>>
      %dma_wait3A_398 = tpu.memref_squeeze %dma_wait3A_397 : memref<1x!tpu.dma_semaphore, #tpu.memory_space<semaphore_mem>> -> memref<!tpu.dma_semaphore, #tpu.memory_space<semaphore_mem>>
      %dma_wait3A_399 = arith.constant 0 : i32
      %dma_wait3A_400 = tpu.memref_slice %arg7[%dma_wait3A_390, %dma_wait3A_399] : memref<4x80xi32, #tpu.memory_space<vmem>> -> memref<1x80xi32, #tpu.memory_space<vmem>>
      %dma_wait3A_401 = tpu.memref_squeeze %dma_wait3A_400 : memref<1x80xi32, #tpu.memory_space<vmem>> -> memref<80xi32, #tpu.memory_space<vmem>>
      %dma_wait3A_402 = arith.constant 0 : i32
      %dma_wait3A_403 = tpu.memref_slice %arg4[%dma_wait3A_402] : memref<640000xi32, #tpu.memory_space<hbm>> -> memref<80xi32, #tpu.memory_space<hbm>>
      tpu.wait_dma2 semaphore(%dma_wait3A_398 : memref<!tpu.dma_semaphore, #tpu.memory_space<semaphore_mem>>) src(%dma_wait3A_403 : memref<80xi32, #tpu.memory_space<hbm>>) dst(%dma_wait3A_401 : memref<80xi32, #tpu.memory_space<vmem>>)
      %mul3A_404 = arith.constant 2 : i32
      %mul3A_405 = arith.muli %mul3A_404, %add3A_341 : i32
      %add3A_406 = arith.constant 1 : i32
      %add3A_407 = arith.addi %mul3A_405, %add3A_406 : i32
      %mul3A_408 = arith.constant 80 : i32
      %mul3A_409 = arith.muli %add3A_407, %mul3A_408 : i32
      %add3A_410 = arith.addi %mul3A_6, %mul3A_409 : i32
      %dma_start3A_411 = arith.constant 3 : i32
      %dma_start3A_412 = arith.constant 3 : i32
      %dma_start3A_413 = arith.constant 0 : i32
      %dma_start3A_414 = tpu.memref_slice %arg6[%dma_start3A_411, %dma_start3A_413] : memref<4x80xi32, #tpu.memory_space<vmem>> -> memref<1x80xi32, #tpu.memory_space<vmem>>
      %dma_start3A_415 = tpu.memref_squeeze %dma_start3A_414 : memref<1x80xi32, #tpu.memory_space<vmem>> -> memref<80xi32, #tpu.memory_space<vmem>>
      %dma_start3A_416 = tpu.memref_slice %arg4[%add3A_410] : memref<640000xi32, #tpu.memory_space<hbm>> -> memref<80xi32, #tpu.memory_space<hbm>>
      %dma_start3A_417 = tpu.memref_slice %arg10[%dma_start3A_412] : memref<4x!tpu.dma_semaphore, #tpu.memory_space<semaphore_mem>> -> memref<1x!tpu.dma_semaphore, #tpu.memory_space<semaphore_mem>>
      %dma_start3A_418 = tpu.memref_squeeze %dma_start3A_417 : memref<1x!tpu.dma_semaphore, #tpu.memory_space<semaphore_mem>> -> memref<!tpu.dma_semaphore, #tpu.memory_space<semaphore_mem>>
      %dma_start3A_419 = arith.constant 0 : i32
      %dma_start3A_420 = tpu.memref_slice %arg6[%dma_start3A_411, %dma_start3A_419] : memref<4x80xi32, #tpu.memory_space<vmem>> -> memref<1x80xi32, #tpu.memory_space<vmem>>
      %dma_start3A_421 = tpu.memref_squeeze %dma_start3A_420 : memref<1x80xi32, #tpu.memory_space<vmem>> -> memref<80xi32, #tpu.memory_space<vmem>>
      %dma_start3A_422 = tpu.memref_slice %arg4[%add3A_410] : memref<640000xi32, #tpu.memory_space<hbm>> -> memref<80xi32, #tpu.memory_space<hbm>>
      tpu.enqueue_dma source(%dma_start3A_422 : memref<80xi32, #tpu.memory_space<hbm>>) target(%dma_start3A_421 : memref<80xi32, #tpu.memory_space<vmem>>) target_semaphore(%dma_start3A_418 : memref<!tpu.dma_semaphore, #tpu.memory_space<semaphore_mem>>)
      %mul3A_423 = arith.constant 80 : i32
      %mul3A_424 = arith.muli %add3A_407, %mul3A_423 : i32
      %add3A_425 = arith.addi %add3A_10, %mul3A_424 : i32
      %dma_start3A_426 = arith.constant 3 : i32
      %dma_start3A_427 = arith.constant 3 : i32
      %dma_start3A_428 = arith.constant 0 : i32
      %dma_start3A_429 = tpu.memref_slice %arg7[%dma_start3A_426, %dma_start3A_428] : memref<4x80xi32, #tpu.memory_space<vmem>> -> memref<1x80xi32, #tpu.memory_space<vmem>>
      %dma_start3A_430 = tpu.memref_squeeze %dma_start3A_429 : memref<1x80xi32, #tpu.memory_space<vmem>> -> memref<80xi32, #tpu.memory_space<vmem>>
      %dma_start3A_431 = tpu.memref_slice %arg4[%add3A_425] : memref<640000xi32, #tpu.memory_space<hbm>> -> memref<80xi32, #tpu.memory_space<hbm>>
      %dma_start3A_432 = tpu.memref_slice %arg10[%dma_start3A_427] : memref<4x!tpu.dma_semaphore, #tpu.memory_space<semaphore_mem>> -> memref<1x!tpu.dma_semaphore, #tpu.memory_space<semaphore_mem>>
      %dma_start3A_433 = tpu.memref_squeeze %dma_start3A_432 : memref<1x!tpu.dma_semaphore, #tpu.memory_space<semaphore_mem>> -> memref<!tpu.dma_semaphore, #tpu.memory_space<semaphore_mem>>
      %dma_start3A_434 = arith.constant 0 : i32
      %dma_start3A_435 = tpu.memref_slice %arg7[%dma_start3A_426, %dma_start3A_434] : memref<4x80xi32, #tpu.memory_space<vmem>> -> memref<1x80xi32, #tpu.memory_space<vmem>>
      %dma_start3A_436 = tpu.memref_squeeze %dma_start3A_435 : memref<1x80xi32, #tpu.memory_space<vmem>> -> memref<80xi32, #tpu.memory_space<vmem>>
      %dma_start3A_437 = tpu.memref_slice %arg4[%add3A_425] : memref<640000xi32, #tpu.memory_space<hbm>> -> memref<80xi32, #tpu.memory_space<hbm>>
      tpu.enqueue_dma source(%dma_start3A_437 : memref<80xi32, #tpu.memory_space<hbm>>) target(%dma_start3A_436 : memref<80xi32, #tpu.memory_space<vmem>>) target_semaphore(%dma_start3A_433 : memref<!tpu.dma_semaphore, #tpu.memory_space<semaphore_mem>>)
      %dma_wait3A_438 = arith.constant 3 : i32
      %dma_wait3A_439 = arith.constant 3 : i32
      %dma_wait3A_440 = arith.constant 0 : i32
      %dma_wait3A_441 = tpu.memref_slice %arg6[%dma_wait3A_438, %dma_wait3A_440] : memref<4x80xi32, #tpu.memory_space<vmem>> -> memref<1x80xi32, #tpu.memory_space<vmem>>
      %dma_wait3A_442 = tpu.memref_squeeze %dma_wait3A_441 : memref<1x80xi32, #tpu.memory_space<vmem>> -> memref<80xi32, #tpu.memory_space<vmem>>
      %dma_wait3A_443 = arith.constant 0 : i32
      %dma_wait3A_444 = tpu.memref_slice %arg4[%dma_wait3A_443] : memref<640000xi32, #tpu.memory_space<hbm>> -> memref<80xi32, #tpu.memory_space<hbm>>
      %dma_wait3A_445 = tpu.memref_slice %arg10[%dma_wait3A_439] : memref<4x!tpu.dma_semaphore, #tpu.memory_space<semaphore_mem>> -> memref<1x!tpu.dma_semaphore, #tpu.memory_space<semaphore_mem>>
      %dma_wait3A_446 = tpu.memref_squeeze %dma_wait3A_445 : memref<1x!tpu.dma_semaphore, #tpu.memory_space<semaphore_mem>> -> memref<!tpu.dma_semaphore, #tpu.memory_space<semaphore_mem>>
      %dma_wait3A_447 = arith.constant 0 : i32
      %dma_wait3A_448 = tpu.memref_slice %arg6[%dma_wait3A_438, %dma_wait3A_447] : memref<4x80xi32, #tpu.memory_space<vmem>> -> memref<1x80xi32, #tpu.memory_space<vmem>>
      %dma_wait3A_449 = tpu.memref_squeeze %dma_wait3A_448 : memref<1x80xi32, #tpu.memory_space<vmem>> -> memref<80xi32, #tpu.memory_space<vmem>>
      %dma_wait3A_450 = arith.constant 0 : i32
      %dma_wait3A_451 = tpu.memref_slice %arg4[%dma_wait3A_450] : memref<640000xi32, #tpu.memory_space<hbm>> -> memref<80xi32, #tpu.memory_space<hbm>>
      tpu.wait_dma2 semaphore(%dma_wait3A_446 : memref<!tpu.dma_semaphore, #tpu.memory_space<semaphore_mem>>) src(%dma_wait3A_451 : memref<80xi32, #tpu.memory_space<hbm>>) dst(%dma_wait3A_449 : memref<80xi32, #tpu.memory_space<vmem>>)
      %dma_wait3A_452 = arith.constant 3 : i32
      %dma_wait3A_453 = arith.constant 3 : i32
      %dma_wait3A_454 = arith.constant 0 : i32
      %dma_wait3A_455 = tpu.memref_slice %arg7[%dma_wait3A_452, %dma_wait3A_454] : memref<4x80xi32, #tpu.memory_space<vmem>> -> memref<1x80xi32, #tpu.memory_space<vmem>>
      %dma_wait3A_456 = tpu.memref_squeeze %dma_wait3A_455 : memref<1x80xi32, #tpu.memory_space<vmem>> -> memref<80xi32, #tpu.memory_space<vmem>>
      %dma_wait3A_457 = arith.constant 0 : i32
      %dma_wait3A_458 = tpu.memref_slice %arg4[%dma_wait3A_457] : memref<640000xi32, #tpu.memory_space<hbm>> -> memref<80xi32, #tpu.memory_space<hbm>>
      %dma_wait3A_459 = tpu.memref_slice %arg10[%dma_wait3A_453] : memref<4x!tpu.dma_semaphore, #tpu.memory_space<semaphore_mem>> -> memref<1x!tpu.dma_semaphore, #tpu.memory_space<semaphore_mem>>
      %dma_wait3A_460 = tpu.memref_squeeze %dma_wait3A_459 : memref<1x!tpu.dma_semaphore, #tpu.memory_space<semaphore_mem>> -> memref<!tpu.dma_semaphore, #tpu.memory_space<semaphore_mem>>
      %dma_wait3A_461 = arith.constant 0 : i32
      %dma_wait3A_462 = tpu.memref_slice %arg7[%dma_wait3A_452, %dma_wait3A_461] : memref<4x80xi32, #tpu.memory_space<vmem>> -> memref<1x80xi32, #tpu.memory_space<vmem>>
      %dma_wait3A_463 = tpu.memref_squeeze %dma_wait3A_462 : memref<1x80xi32, #tpu.memory_space<vmem>> -> memref<80xi32, #tpu.memory_space<vmem>>
      %dma_wait3A_464 = arith.constant 0 : i32
      %dma_wait3A_465 = tpu.memref_slice %arg4[%dma_wait3A_464] : memref<640000xi32, #tpu.memory_space<hbm>> -> memref<80xi32, #tpu.memory_space<hbm>>
      tpu.wait_dma2 semaphore(%dma_wait3A_460 : memref<!tpu.dma_semaphore, #tpu.memory_space<semaphore_mem>>) src(%dma_wait3A_465 : memref<80xi32, #tpu.memory_space<hbm>>) dst(%dma_wait3A_463 : memref<80xi32, #tpu.memory_space<vmem>>)
      %dma_start3A_466 = arith.constant 2 : i32
      %dma_start3A_467 = arith.constant 2 : i32
      %dma_start3A_468 = arith.constant 2 : i32
      %dma_start3A_469 = arith.constant 0 : i32
      %dma_start3A_470 = arith.constant 0 : i32
      %dma_start3A_471 = tpu.memref_slice %arg8[%dma_start3A_467, %dma_start3A_469, %dma_start3A_470] : memref<4x80x128xf32, #tpu.memory_space<vmem>> -> memref<1x80x128xf32, #tpu.memory_space<vmem>>
      %dma_start3A_472 = tpu.memref_squeeze %dma_start3A_471 : memref<1x80x128xf32, #tpu.memory_space<vmem>> -> memref<80x128xf32, #tpu.memory_space<vmem>>
      %dma_start3A_473 = arith.constant 0 : i32
      %dma_start3A_474 = tpu.memref_slice %arg6[%dma_start3A_466, %dma_start3A_473] : memref<4x80xi32, #tpu.memory_space<vmem>> -> memref<1x80xi32, #tpu.memory_space<vmem>>
      %dma_start3A_475 = tpu.memref_squeeze %dma_start3A_474 : memref<1x80xi32, #tpu.memory_space<vmem>> -> memref<80xi32, #tpu.memory_space<vmem>>
      %dma_start3A_476 = arith.constant 0 : i32
      %dma_start3A_477 = arith.constant 0 : i32
      %dma_start3A_478 = tpu.memref_slice %arg2[%dma_start3A_476, %dma_start3A_477] : memref<10000x128xf32, #tpu.memory_space<hbm>> -> memref<10000x128xf32, #tpu.memory_space<hbm>>
      %dma_start3A_479 = tpu.memref_slice %arg11[%dma_start3A_468] : memref<4x!tpu.dma_semaphore, #tpu.memory_space<semaphore_mem>> -> memref<1x!tpu.dma_semaphore, #tpu.memory_space<semaphore_mem>>
      %dma_start3A_480 = tpu.memref_squeeze %dma_start3A_479 : memref<1x!tpu.dma_semaphore, #tpu.memory_space<semaphore_mem>> -> memref<!tpu.dma_semaphore, #tpu.memory_space<semaphore_mem>>
      tpu.enqueue_indirect_dma source(%dma_start3A_478 : memref<10000x128xf32, #tpu.memory_space<hbm>>) target(%dma_start3A_472 : memref<80x128xf32, #tpu.memory_space<vmem>>) offsets(%dma_start3A_475 : memref<80xi32, #tpu.memory_space<vmem>>) semaphore(%dma_start3A_480 : memref<!tpu.dma_semaphore, #tpu.memory_space<semaphore_mem>>)
      %dma_start3A_481 = arith.constant 3 : i32
      %dma_start3A_482 = arith.constant 3 : i32
      %dma_start3A_483 = arith.constant 3 : i32
      %dma_start3A_484 = arith.constant 0 : i32
      %dma_start3A_485 = arith.constant 0 : i32
      %dma_start3A_486 = tpu.memref_slice %arg8[%dma_start3A_482, %dma_start3A_484, %dma_start3A_485] : memref<4x80x128xf32, #tpu.memory_space<vmem>> -> memref<1x80x128xf32, #tpu.memory_space<vmem>>
      %dma_start3A_487 = tpu.memref_squeeze %dma_start3A_486 : memref<1x80x128xf32, #tpu.memory_space<vmem>> -> memref<80x128xf32, #tpu.memory_space<vmem>>
      %dma_start3A_488 = arith.constant 0 : i32
      %dma_start3A_489 = tpu.memref_slice %arg6[%dma_start3A_481, %dma_start3A_488] : memref<4x80xi32, #tpu.memory_space<vmem>> -> memref<1x80xi32, #tpu.memory_space<vmem>>
      %dma_start3A_490 = tpu.memref_squeeze %dma_start3A_489 : memref<1x80xi32, #tpu.memory_space<vmem>> -> memref<80xi32, #tpu.memory_space<vmem>>
      %dma_start3A_491 = arith.constant 0 : i32
      %dma_start3A_492 = arith.constant 0 : i32
      %dma_start3A_493 = tpu.memref_slice %arg2[%dma_start3A_491, %dma_start3A_492] : memref<10000x128xf32, #tpu.memory_space<hbm>> -> memref<10000x128xf32, #tpu.memory_space<hbm>>
      %dma_start3A_494 = tpu.memref_slice %arg11[%dma_start3A_483] : memref<4x!tpu.dma_semaphore, #tpu.memory_space<semaphore_mem>> -> memref<1x!tpu.dma_semaphore, #tpu.memory_space<semaphore_mem>>
      %dma_start3A_495 = tpu.memref_squeeze %dma_start3A_494 : memref<1x!tpu.dma_semaphore, #tpu.memory_space<semaphore_mem>> -> memref<!tpu.dma_semaphore, #tpu.memory_space<semaphore_mem>>
      tpu.enqueue_indirect_dma source(%dma_start3A_493 : memref<10000x128xf32, #tpu.memory_space<hbm>>) target(%dma_start3A_487 : memref<80x128xf32, #tpu.memory_space<vmem>>) offsets(%dma_start3A_490 : memref<80xi32, #tpu.memory_space<vmem>>) semaphore(%dma_start3A_495 : memref<!tpu.dma_semaphore, #tpu.memory_space<semaphore_mem>>)
      %dma_wait3A_496 = arith.constant 0 : i32
      %dma_wait3A_497 = arith.constant 0 : i32
      %dma_wait3A_498 = arith.constant 0 : i32
      %dma_wait3A_499 = arith.constant 0 : i32
      %dma_wait3A_500 = tpu.memref_slice %arg8[%dma_wait3A_496, %dma_wait3A_498, %dma_wait3A_499] : memref<4x80x128xf32, #tpu.memory_space<vmem>> -> memref<1x80x128xf32, #tpu.memory_space<vmem>>
      %dma_wait3A_501 = tpu.memref_squeeze %dma_wait3A_500 : memref<1x80x128xf32, #tpu.memory_space<vmem>> -> memref<80x128xf32, #tpu.memory_space<vmem>>
      %dma_wait3A_502 = arith.constant 0 : i32
      %dma_wait3A_503 = arith.constant 0 : i32
      %dma_wait3A_504 = tpu.memref_slice %arg2[%dma_wait3A_502, %dma_wait3A_503] : memref<10000x128xf32, #tpu.memory_space<hbm>> -> memref<80x128xf32, #tpu.memory_space<hbm>>
      %dma_wait3A_505 = tpu.memref_slice %arg12[%dma_wait3A_497] : memref<4x!tpu.dma_semaphore, #tpu.memory_space<semaphore_mem>> -> memref<1x!tpu.dma_semaphore, #tpu.memory_space<semaphore_mem>>
      %dma_wait3A_506 = tpu.memref_squeeze %dma_wait3A_505 : memref<1x!tpu.dma_semaphore, #tpu.memory_space<semaphore_mem>> -> memref<!tpu.dma_semaphore, #tpu.memory_space<semaphore_mem>>
      %dma_wait3A_507 = arith.constant 0 : i32
      %dma_wait3A_508 = arith.constant 0 : i32
      %dma_wait3A_509 = tpu.memref_slice %arg8[%dma_wait3A_496, %dma_wait3A_507, %dma_wait3A_508] : memref<4x80x128xf32, #tpu.memory_space<vmem>> -> memref<1x80x128xf32, #tpu.memory_space<vmem>>
      %dma_wait3A_510 = tpu.memref_squeeze %dma_wait3A_509 : memref<1x80x128xf32, #tpu.memory_space<vmem>> -> memref<80x128xf32, #tpu.memory_space<vmem>>
      %dma_wait3A_511 = arith.constant 0 : i32
      %dma_wait3A_512 = arith.constant 0 : i32
      %dma_wait3A_513 = tpu.memref_slice %arg2[%dma_wait3A_511, %dma_wait3A_512] : memref<10000x128xf32, #tpu.memory_space<hbm>> -> memref<80x128xf32, #tpu.memory_space<hbm>>
      tpu.wait_dma2 semaphore(%dma_wait3A_506 : memref<!tpu.dma_semaphore, #tpu.memory_space<semaphore_mem>>) src(%dma_wait3A_513 : memref<80x128xf32, #tpu.memory_space<hbm>>) dst(%dma_wait3A_510 : memref<80x128xf32, #tpu.memory_space<vmem>>)
      %dma_wait3A_514 = arith.constant 1 : i32
      %dma_wait3A_515 = arith.constant 1 : i32
      %dma_wait3A_516 = arith.constant 0 : i32
      %dma_wait3A_517 = arith.constant 0 : i32
      %dma_wait3A_518 = tpu.memref_slice %arg8[%dma_wait3A_514, %dma_wait3A_516, %dma_wait3A_517] : memref<4x80x128xf32, #tpu.memory_space<vmem>> -> memref<1x80x128xf32, #tpu.memory_space<vmem>>
      %dma_wait3A_519 = tpu.memref_squeeze %dma_wait3A_518 : memref<1x80x128xf32, #tpu.memory_space<vmem>> -> memref<80x128xf32, #tpu.memory_space<vmem>>
      %dma_wait3A_520 = arith.constant 0 : i32
      %dma_wait3A_521 = arith.constant 0 : i32
      %dma_wait3A_522 = tpu.memref_slice %arg2[%dma_wait3A_520, %dma_wait3A_521] : memref<10000x128xf32, #tpu.memory_space<hbm>> -> memref<80x128xf32, #tpu.memory_space<hbm>>
      %dma_wait3A_523 = tpu.memref_slice %arg12[%dma_wait3A_515] : memref<4x!tpu.dma_semaphore, #tpu.memory_space<semaphore_mem>> -> memref<1x!tpu.dma_semaphore, #tpu.memory_space<semaphore_mem>>
      %dma_wait3A_524 = tpu.memref_squeeze %dma_wait3A_523 : memref<1x!tpu.dma_semaphore, #tpu.memory_space<semaphore_mem>> -> memref<!tpu.dma_semaphore, #tpu.memory_space<semaphore_mem>>
      %dma_wait3A_525 = arith.constant 0 : i32
      %dma_wait3A_526 = arith.constant 0 : i32
      %dma_wait3A_527 = tpu.memref_slice %arg8[%dma_wait3A_514, %dma_wait3A_525, %dma_wait3A_526] : memref<4x80x128xf32, #tpu.memory_space<vmem>> -> memref<1x80x128xf32, #tpu.memory_space<vmem>>
      %dma_wait3A_528 = tpu.memref_squeeze %dma_wait3A_527 : memref<1x80x128xf32, #tpu.memory_space<vmem>> -> memref<80x128xf32, #tpu.memory_space<vmem>>
      %dma_wait3A_529 = arith.constant 0 : i32
      %dma_wait3A_530 = arith.constant 0 : i32
      %dma_wait3A_531 = tpu.memref_slice %arg2[%dma_wait3A_529, %dma_wait3A_530] : memref<10000x128xf32, #tpu.memory_space<hbm>> -> memref<80x128xf32, #tpu.memory_space<hbm>>
      tpu.wait_dma2 semaphore(%dma_wait3A_524 : memref<!tpu.dma_semaphore, #tpu.memory_space<semaphore_mem>>) src(%dma_wait3A_531 : memref<80x128xf32, #tpu.memory_space<hbm>>) dst(%dma_wait3A_528 : memref<80x128xf32, #tpu.memory_space<vmem>>)
      %mul3A_532 = arith.constant 2 : i32
      %mul3A_533 = arith.muli %mul3A_532, %scan3A_267 : i32
      %add3A_534 = arith.constant 2 : i32
      %add3A_535 = arith.addi %mul3A_533, %add3A_534 : i32
      %mul3A_536 = arith.constant 2 : i32
      %mul3A_537 = arith.muli %mul3A_536, %add3A_535 : i32
      %min3A = arith.constant 124 : i32
      %min3A_538 = arith.minsi %mul3A_537, %min3A : i32
      %mul3A_539 = arith.constant 2 : i32
      %mul3A_540 = arith.muli %mul3A_539, %add3A_535 : i32
      %add3A_541 = arith.constant 1 : i32
      %add3A_542 = arith.addi %mul3A_540, %add3A_541 : i32
      %min3A_543 = arith.constant 124 : i32
      %min3A_544 = arith.minsi %add3A_542, %min3A_543 : i32
      %mul3A_545 = arith.constant 80 : i32
      %mul3A_546 = arith.muli %min3A_538, %mul3A_545 : i32
      %add3A_547 = arith.addi %mul3A_6, %mul3A_546 : i32
      %dma_start3A_548 = arith.constant 0 : i32
      %dma_start3A_549 = arith.constant 0 : i32
      %dma_start3A_550 = arith.constant 0 : i32
      %dma_start3A_551 = tpu.memref_slice %arg6[%dma_start3A_548, %dma_start3A_550] : memref<4x80xi32, #tpu.memory_space<vmem>> -> memref<1x80xi32, #tpu.memory_space<vmem>>
      %dma_start3A_552 = tpu.memref_squeeze %dma_start3A_551 : memref<1x80xi32, #tpu.memory_space<vmem>> -> memref<80xi32, #tpu.memory_space<vmem>>
      %dma_start3A_553 = tpu.memref_slice %arg4[%add3A_547] : memref<640000xi32, #tpu.memory_space<hbm>> -> memref<80xi32, #tpu.memory_space<hbm>>
      %dma_start3A_554 = tpu.memref_slice %arg10[%dma_start3A_549] : memref<4x!tpu.dma_semaphore, #tpu.memory_space<semaphore_mem>> -> memref<1x!tpu.dma_semaphore, #tpu.memory_space<semaphore_mem>>
      %dma_start3A_555 = tpu.memref_squeeze %dma_start3A_554 : memref<1x!tpu.dma_semaphore, #tpu.memory_space<semaphore_mem>> -> memref<!tpu.dma_semaphore, #tpu.memory_space<semaphore_mem>>
      %dma_start3A_556 = arith.constant 0 : i32
      %dma_start3A_557 = tpu.memref_slice %arg6[%dma_start3A_548, %dma_start3A_556] : memref<4x80xi32, #tpu.memory_space<vmem>> -> memref<1x80xi32, #tpu.memory_space<vmem>>
      %dma_start3A_558 = tpu.memref_squeeze %dma_start3A_557 : memref<1x80xi32, #tpu.memory_space<vmem>> -> memref<80xi32, #tpu.memory_space<vmem>>
      %dma_start3A_559 = tpu.memref_slice %arg4[%add3A_547] : memref<640000xi32, #tpu.memory_space<hbm>> -> memref<80xi32, #tpu.memory_space<hbm>>
      tpu.enqueue_dma source(%dma_start3A_559 : memref<80xi32, #tpu.memory_space<hbm>>) target(%dma_start3A_558 : memref<80xi32, #tpu.memory_space<vmem>>) target_semaphore(%dma_start3A_555 : memref<!tpu.dma_semaphore, #tpu.memory_space<semaphore_mem>>)
      %mul3A_560 = arith.constant 80 : i32
      %mul3A_561 = arith.muli %min3A_538, %mul3A_560 : i32
      %add3A_562 = arith.addi %add3A_10, %mul3A_561 : i32
      %dma_start3A_563 = arith.constant 0 : i32
      %dma_start3A_564 = arith.constant 0 : i32
      %dma_start3A_565 = arith.constant 0 : i32
      %dma_start3A_566 = tpu.memref_slice %arg7[%dma_start3A_563, %dma_start3A_565] : memref<4x80xi32, #tpu.memory_space<vmem>> -> memref<1x80xi32, #tpu.memory_space<vmem>>
      %dma_start3A_567 = tpu.memref_squeeze %dma_start3A_566 : memref<1x80xi32, #tpu.memory_space<vmem>> -> memref<80xi32, #tpu.memory_space<vmem>>
      %dma_start3A_568 = tpu.memref_slice %arg4[%add3A_562] : memref<640000xi32, #tpu.memory_space<hbm>> -> memref<80xi32, #tpu.memory_space<hbm>>
      %dma_start3A_569 = tpu.memref_slice %arg10[%dma_start3A_564] : memref<4x!tpu.dma_semaphore, #tpu.memory_space<semaphore_mem>> -> memref<1x!tpu.dma_semaphore, #tpu.memory_space<semaphore_mem>>
      %dma_start3A_570 = tpu.memref_squeeze %dma_start3A_569 : memref<1x!tpu.dma_semaphore, #tpu.memory_space<semaphore_mem>> -> memref<!tpu.dma_semaphore, #tpu.memory_space<semaphore_mem>>
      %dma_start3A_571 = arith.constant 0 : i32
      %dma_start3A_572 = tpu.memref_slice %arg7[%dma_start3A_563, %dma_start3A_571] : memref<4x80xi32, #tpu.memory_space<vmem>> -> memref<1x80xi32, #tpu.memory_space<vmem>>
      %dma_start3A_573 = tpu.memref_squeeze %dma_start3A_572 : memref<1x80xi32, #tpu.memory_space<vmem>> -> memref<80xi32, #tpu.memory_space<vmem>>
      %dma_start3A_574 = tpu.memref_slice %arg4[%add3A_562] : memref<640000xi32, #tpu.memory_space<hbm>> -> memref<80xi32, #tpu.memory_space<hbm>>
      tpu.enqueue_dma source(%dma_start3A_574 : memref<80xi32, #tpu.memory_space<hbm>>) target(%dma_start3A_573 : memref<80xi32, #tpu.memory_space<vmem>>) target_semaphore(%dma_start3A_570 : memref<!tpu.dma_semaphore, #tpu.memory_space<semaphore_mem>>)
      %dma_wait3A_575 = arith.constant 0 : i32
      %dma_wait3A_576 = arith.constant 0 : i32
      %dma_wait3A_577 = arith.constant 0 : i32
      %dma_wait3A_578 = tpu.memref_slice %arg6[%dma_wait3A_575, %dma_wait3A_577] : memref<4x80xi32, #tpu.memory_space<vmem>> -> memref<1x80xi32, #tpu.memory_space<vmem>>
      %dma_wait3A_579 = tpu.memref_squeeze %dma_wait3A_578 : memref<1x80xi32, #tpu.memory_space<vmem>> -> memref<80xi32, #tpu.memory_space<vmem>>
      %dma_wait3A_580 = arith.constant 0 : i32
      %dma_wait3A_581 = tpu.memref_slice %arg4[%dma_wait3A_580] : memref<640000xi32, #tpu.memory_space<hbm>> -> memref<80xi32, #tpu.memory_space<hbm>>
      %dma_wait3A_582 = tpu.memref_slice %arg10[%dma_wait3A_576] : memref<4x!tpu.dma_semaphore, #tpu.memory_space<semaphore_mem>> -> memref<1x!tpu.dma_semaphore, #tpu.memory_space<semaphore_mem>>
      %dma_wait3A_583 = tpu.memref_squeeze %dma_wait3A_582 : memref<1x!tpu.dma_semaphore, #tpu.memory_space<semaphore_mem>> -> memref<!tpu.dma_semaphore, #tpu.memory_space<semaphore_mem>>
      %dma_wait3A_584 = arith.constant 0 : i32
      %dma_wait3A_585 = tpu.memref_slice %arg6[%dma_wait3A_575, %dma_wait3A_584] : memref<4x80xi32, #tpu.memory_space<vmem>> -> memref<1x80xi32, #tpu.memory_space<vmem>>
      %dma_wait3A_586 = tpu.memref_squeeze %dma_wait3A_585 : memref<1x80xi32, #tpu.memory_space<vmem>> -> memref<80xi32, #tpu.memory_space<vmem>>
      %dma_wait3A_587 = arith.constant 0 : i32
      %dma_wait3A_588 = tpu.memref_slice %arg4[%dma_wait3A_587] : memref<640000xi32, #tpu.memory_space<hbm>> -> memref<80xi32, #tpu.memory_space<hbm>>
      tpu.wait_dma2 semaphore(%dma_wait3A_583 : memref<!tpu.dma_semaphore, #tpu.memory_space<semaphore_mem>>) src(%dma_wait3A_588 : memref<80xi32, #tpu.memory_space<hbm>>) dst(%dma_wait3A_586 : memref<80xi32, #tpu.memory_space<vmem>>)
      %dma_wait3A_589 = arith.constant 0 : i32
      %dma_wait3A_590 = arith.constant 0 : i32
      %dma_wait3A_591 = arith.constant 0 : i32
      %dma_wait3A_592 = tpu.memref_slice %arg7[%dma_wait3A_589, %dma_wait3A_591] : memref<4x80xi32, #tpu.memory_space<vmem>> -> memref<1x80xi32, #tpu.memory_space<vmem>>
      %dma_wait3A_593 = tpu.memref_squeeze %dma_wait3A_592 : memref<1x80xi32, #tpu.memory_space<vmem>> -> memref<80xi32, #tpu.memory_space<vmem>>
      %dma_wait3A_594 = arith.constant 0 : i32
      %dma_wait3A_595 = tpu.memref_slice %arg4[%dma_wait3A_594] : memref<640000xi32, #tpu.memory_space<hbm>> -> memref<80xi32, #tpu.memory_space<hbm>>
      %dma_wait3A_596 = tpu.memref_slice %arg10[%dma_wait3A_590] : memref<4x!tpu.dma_semaphore, #tpu.memory_space<semaphore_mem>> -> memref<1x!tpu.dma_semaphore, #tpu.memory_space<semaphore_mem>>
      %dma_wait3A_597 = tpu.memref_squeeze %dma_wait3A_596 : memref<1x!tpu.dma_semaphore, #tpu.memory_space<semaphore_mem>> -> memref<!tpu.dma_semaphore, #tpu.memory_space<semaphore_mem>>
      %dma_wait3A_598 = arith.constant 0 : i32
      %dma_wait3A_599 = tpu.memref_slice %arg7[%dma_wait3A_589, %dma_wait3A_598] : memref<4x80xi32, #tpu.memory_space<vmem>> -> memref<1x80xi32, #tpu.memory_space<vmem>>
      %dma_wait3A_600 = tpu.memref_squeeze %dma_wait3A_599 : memref<1x80xi32, #tpu.memory_space<vmem>> -> memref<80xi32, #tpu.memory_space<vmem>>
      %dma_wait3A_601 = arith.constant 0 : i32
      %dma_wait3A_602 = tpu.memref_slice %arg4[%dma_wait3A_601] : memref<640000xi32, #tpu.memory_space<hbm>> -> memref<80xi32, #tpu.memory_space<hbm>>
      tpu.wait_dma2 semaphore(%dma_wait3A_597 : memref<!tpu.dma_semaphore, #tpu.memory_space<semaphore_mem>>) src(%dma_wait3A_602 : memref<80xi32, #tpu.memory_space<hbm>>) dst(%dma_wait3A_600 : memref<80xi32, #tpu.memory_space<vmem>>)
      %mul3A_603 = arith.constant 80 : i32
      %mul3A_604 = arith.muli %min3A_544, %mul3A_603 : i32
      %add3A_605 = arith.addi %mul3A_6, %mul3A_604 : i32
      %dma_start3A_606 = arith.constant 1 : i32
      %dma_start3A_607 = arith.constant 1 : i32
      %dma_start3A_608 = arith.constant 0 : i32
      %dma_start3A_609 = tpu.memref_slice %arg6[%dma_start3A_606, %dma_start3A_608] : memref<4x80xi32, #tpu.memory_space<vmem>> -> memref<1x80xi32, #tpu.memory_space<vmem>>
      %dma_start3A_610 = tpu.memref_squeeze %dma_start3A_609 : memref<1x80xi32, #tpu.memory_space<vmem>> -> memref<80xi32, #tpu.memory_space<vmem>>
      %dma_start3A_611 = tpu.memref_slice %arg4[%add3A_605] : memref<640000xi32, #tpu.memory_space<hbm>> -> memref<80xi32, #tpu.memory_space<hbm>>
      %dma_start3A_612 = tpu.memref_slice %arg10[%dma_start3A_607] : memref<4x!tpu.dma_semaphore, #tpu.memory_space<semaphore_mem>> -> memref<1x!tpu.dma_semaphore, #tpu.memory_space<semaphore_mem>>
      %dma_start3A_613 = tpu.memref_squeeze %dma_start3A_612 : memref<1x!tpu.dma_semaphore, #tpu.memory_space<semaphore_mem>> -> memref<!tpu.dma_semaphore, #tpu.memory_space<semaphore_mem>>
      %dma_start3A_614 = arith.constant 0 : i32
      %dma_start3A_615 = tpu.memref_slice %arg6[%dma_start3A_606, %dma_start3A_614] : memref<4x80xi32, #tpu.memory_space<vmem>> -> memref<1x80xi32, #tpu.memory_space<vmem>>
      %dma_start3A_616 = tpu.memref_squeeze %dma_start3A_615 : memref<1x80xi32, #tpu.memory_space<vmem>> -> memref<80xi32, #tpu.memory_space<vmem>>
      %dma_start3A_617 = tpu.memref_slice %arg4[%add3A_605] : memref<640000xi32, #tpu.memory_space<hbm>> -> memref<80xi32, #tpu.memory_space<hbm>>
      tpu.enqueue_dma source(%dma_start3A_617 : memref<80xi32, #tpu.memory_space<hbm>>) target(%dma_start3A_616 : memref<80xi32, #tpu.memory_space<vmem>>) target_semaphore(%dma_start3A_613 : memref<!tpu.dma_semaphore, #tpu.memory_space<semaphore_mem>>)
      %mul3A_618 = arith.constant 80 : i32
      %mul3A_619 = arith.muli %min3A_544, %mul3A_618 : i32
      %add3A_620 = arith.addi %add3A_10, %mul3A_619 : i32
      %dma_start3A_621 = arith.constant 1 : i32
      %dma_start3A_622 = arith.constant 1 : i32
      %dma_start3A_623 = arith.constant 0 : i32
      %dma_start3A_624 = tpu.memref_slice %arg7[%dma_start3A_621, %dma_start3A_623] : memref<4x80xi32, #tpu.memory_space<vmem>> -> memref<1x80xi32, #tpu.memory_space<vmem>>
      %dma_start3A_625 = tpu.memref_squeeze %dma_start3A_624 : memref<1x80xi32, #tpu.memory_space<vmem>> -> memref<80xi32, #tpu.memory_space<vmem>>
      %dma_start3A_626 = tpu.memref_slice %arg4[%add3A_620] : memref<640000xi32, #tpu.memory_space<hbm>> -> memref<80xi32, #tpu.memory_space<hbm>>
      %dma_start3A_627 = tpu.memref_slice %arg10[%dma_start3A_622] : memref<4x!tpu.dma_semaphore, #tpu.memory_space<semaphore_mem>> -> memref<1x!tpu.dma_semaphore, #tpu.memory_space<semaphore_mem>>
      %dma_start3A_628 = tpu.memref_squeeze %dma_start3A_627 : memref<1x!tpu.dma_semaphore, #tpu.memory_space<semaphore_mem>> -> memref<!tpu.dma_semaphore, #tpu.memory_space<semaphore_mem>>
      %dma_start3A_629 = arith.constant 0 : i32
      %dma_start3A_630 = tpu.memref_slice %arg7[%dma_start3A_621, %dma_start3A_629] : memref<4x80xi32, #tpu.memory_space<vmem>> -> memref<1x80xi32, #tpu.memory_space<vmem>>
      %dma_start3A_631 = tpu.memref_squeeze %dma_start3A_630 : memref<1x80xi32, #tpu.memory_space<vmem>> -> memref<80xi32, #tpu.memory_space<vmem>>
      %dma_start3A_632 = tpu.memref_slice %arg4[%add3A_620] : memref<640000xi32, #tpu.memory_space<hbm>> -> memref<80xi32, #tpu.memory_space<hbm>>
      tpu.enqueue_dma source(%dma_start3A_632 : memref<80xi32, #tpu.memory_space<hbm>>) target(%dma_start3A_631 : memref<80xi32, #tpu.memory_space<vmem>>) target_semaphore(%dma_start3A_628 : memref<!tpu.dma_semaphore, #tpu.memory_space<semaphore_mem>>)
      %dma_wait3A_633 = arith.constant 1 : i32
      %dma_wait3A_634 = arith.constant 1 : i32
      %dma_wait3A_635 = arith.constant 0 : i32
      %dma_wait3A_636 = tpu.memref_slice %arg6[%dma_wait3A_633, %dma_wait3A_635] : memref<4x80xi32, #tpu.memory_space<vmem>> -> memref<1x80xi32, #tpu.memory_space<vmem>>
      %dma_wait3A_637 = tpu.memref_squeeze %dma_wait3A_636 : memref<1x80xi32, #tpu.memory_space<vmem>> -> memref<80xi32, #tpu.memory_space<vmem>>
      %dma_wait3A_638 = arith.constant 0 : i32
      %dma_wait3A_639 = tpu.memref_slice %arg4[%dma_wait3A_638] : memref<640000xi32, #tpu.memory_space<hbm>> -> memref<80xi32, #tpu.memory_space<hbm>>
      %dma_wait3A_640 = tpu.memref_slice %arg10[%dma_wait3A_634] : memref<4x!tpu.dma_semaphore, #tpu.memory_space<semaphore_mem>> -> memref<1x!tpu.dma_semaphore, #tpu.memory_space<semaphore_mem>>
      %dma_wait3A_641 = tpu.memref_squeeze %dma_wait3A_640 : memref<1x!tpu.dma_semaphore, #tpu.memory_space<semaphore_mem>> -> memref<!tpu.dma_semaphore, #tpu.memory_space<semaphore_mem>>
      %dma_wait3A_642 = arith.constant 0 : i32
      %dma_wait3A_643 = tpu.memref_slice %arg6[%dma_wait3A_633, %dma_wait3A_642] : memref<4x80xi32, #tpu.memory_space<vmem>> -> memref<1x80xi32, #tpu.memory_space<vmem>>
      %dma_wait3A_644 = tpu.memref_squeeze %dma_wait3A_643 : memref<1x80xi32, #tpu.memory_space<vmem>> -> memref<80xi32, #tpu.memory_space<vmem>>
      %dma_wait3A_645 = arith.constant 0 : i32
      %dma_wait3A_646 = tpu.memref_slice %arg4[%dma_wait3A_645] : memref<640000xi32, #tpu.memory_space<hbm>> -> memref<80xi32, #tpu.memory_space<hbm>>
      tpu.wait_dma2 semaphore(%dma_wait3A_641 : memref<!tpu.dma_semaphore, #tpu.memory_space<semaphore_mem>>) src(%dma_wait3A_646 : memref<80xi32, #tpu.memory_space<hbm>>) dst(%dma_wait3A_644 : memref<80xi32, #tpu.memory_space<vmem>>)
      %dma_wait3A_647 = arith.constant 1 : i32
      %dma_wait3A_648 = arith.constant 1 : i32
      %dma_wait3A_649 = arith.constant 0 : i32
      %dma_wait3A_650 = tpu.memref_slice %arg7[%dma_wait3A_647, %dma_wait3A_649] : memref<4x80xi32, #tpu.memory_space<vmem>> -> memref<1x80xi32, #tpu.memory_space<vmem>>
      %dma_wait3A_651 = tpu.memref_squeeze %dma_wait3A_650 : memref<1x80xi32, #tpu.memory_space<vmem>> -> memref<80xi32, #tpu.memory_space<vmem>>
      %dma_wait3A_652 = arith.constant 0 : i32
      %dma_wait3A_653 = tpu.memref_slice %arg4[%dma_wait3A_652] : memref<640000xi32, #tpu.memory_space<hbm>> -> memref<80xi32, #tpu.memory_space<hbm>>
      %dma_wait3A_654 = tpu.memref_slice %arg10[%dma_wait3A_648] : memref<4x!tpu.dma_semaphore, #tpu.memory_space<semaphore_mem>> -> memref<1x!tpu.dma_semaphore, #tpu.memory_space<semaphore_mem>>
      %dma_wait3A_655 = tpu.memref_squeeze %dma_wait3A_654 : memref<1x!tpu.dma_semaphore, #tpu.memory_space<semaphore_mem>> -> memref<!tpu.dma_semaphore, #tpu.memory_space<semaphore_mem>>
      %dma_wait3A_656 = arith.constant 0 : i32
      %dma_wait3A_657 = tpu.memref_slice %arg7[%dma_wait3A_647, %dma_wait3A_656] : memref<4x80xi32, #tpu.memory_space<vmem>> -> memref<1x80xi32, #tpu.memory_space<vmem>>
      %dma_wait3A_658 = tpu.memref_squeeze %dma_wait3A_657 : memref<1x80xi32, #tpu.memory_space<vmem>> -> memref<80xi32, #tpu.memory_space<vmem>>
      %dma_wait3A_659 = arith.constant 0 : i32
      %dma_wait3A_660 = tpu.memref_slice %arg4[%dma_wait3A_659] : memref<640000xi32, #tpu.memory_space<hbm>> -> memref<80xi32, #tpu.memory_space<hbm>>
      tpu.wait_dma2 semaphore(%dma_wait3A_655 : memref<!tpu.dma_semaphore, #tpu.memory_space<semaphore_mem>>) src(%dma_wait3A_660 : memref<80xi32, #tpu.memory_space<hbm>>) dst(%dma_wait3A_658 : memref<80xi32, #tpu.memory_space<vmem>>)
      %dma_start3A_661 = arith.constant 0 : i32
      %dma_start3A_662 = arith.constant 0 : i32
      %dma_start3A_663 = arith.constant 0 : i32
      %dma_start3A_664 = arith.constant 0 : i32
      %dma_start3A_665 = arith.constant 0 : i32
      %dma_start3A_666 = tpu.memref_slice %arg8[%dma_start3A_662, %dma_start3A_664, %dma_start3A_665] : memref<4x80x128xf32, #tpu.memory_space<vmem>> -> memref<1x80x128xf32, #tpu.memory_space<vmem>>
      %dma_start3A_667 = tpu.memref_squeeze %dma_start3A_666 : memref<1x80x128xf32, #tpu.memory_space<vmem>> -> memref<80x128xf32, #tpu.memory_space<vmem>>
      %dma_start3A_668 = arith.constant 0 : i32
      %dma_start3A_669 = tpu.memref_slice %arg6[%dma_start3A_661, %dma_start3A_668] : memref<4x80xi32, #tpu.memory_space<vmem>> -> memref<1x80xi32, #tpu.memory_space<vmem>>
      %dma_start3A_670 = tpu.memref_squeeze %dma_start3A_669 : memref<1x80xi32, #tpu.memory_space<vmem>> -> memref<80xi32, #tpu.memory_space<vmem>>
      %dma_start3A_671 = arith.constant 0 : i32
      %dma_start3A_672 = arith.constant 0 : i32
      %dma_start3A_673 = tpu.memref_slice %arg2[%dma_start3A_671, %dma_start3A_672] : memref<10000x128xf32, #tpu.memory_space<hbm>> -> memref<10000x128xf32, #tpu.memory_space<hbm>>
      %dma_start3A_674 = tpu.memref_slice %arg11[%dma_start3A_663] : memref<4x!tpu.dma_semaphore, #tpu.memory_space<semaphore_mem>> -> memref<1x!tpu.dma_semaphore, #tpu.memory_space<semaphore_mem>>
      %dma_start3A_675 = tpu.memref_squeeze %dma_start3A_674 : memref<1x!tpu.dma_semaphore, #tpu.memory_space<semaphore_mem>> -> memref<!tpu.dma_semaphore, #tpu.memory_space<semaphore_mem>>
      tpu.enqueue_indirect_dma source(%dma_start3A_673 : memref<10000x128xf32, #tpu.memory_space<hbm>>) target(%dma_start3A_667 : memref<80x128xf32, #tpu.memory_space<vmem>>) offsets(%dma_start3A_670 : memref<80xi32, #tpu.memory_space<vmem>>) semaphore(%dma_start3A_675 : memref<!tpu.dma_semaphore, #tpu.memory_space<semaphore_mem>>)
      %dma_start3A_676 = arith.constant 1 : i32
      %dma_start3A_677 = arith.constant 1 : i32
      %dma_start3A_678 = arith.constant 1 : i32
      %dma_start3A_679 = arith.constant 0 : i32
      %dma_start3A_680 = arith.constant 0 : i32
      %dma_start3A_681 = tpu.memref_slice %arg8[%dma_start3A_677, %dma_start3A_679, %dma_start3A_680] : memref<4x80x128xf32, #tpu.memory_space<vmem>> -> memref<1x80x128xf32, #tpu.memory_space<vmem>>
      %dma_start3A_682 = tpu.memref_squeeze %dma_start3A_681 : memref<1x80x128xf32, #tpu.memory_space<vmem>> -> memref<80x128xf32, #tpu.memory_space<vmem>>
      %dma_start3A_683 = arith.constant 0 : i32
      %dma_start3A_684 = tpu.memref_slice %arg6[%dma_start3A_676, %dma_start3A_683] : memref<4x80xi32, #tpu.memory_space<vmem>> -> memref<1x80xi32, #tpu.memory_space<vmem>>
      %dma_start3A_685 = tpu.memref_squeeze %dma_start3A_684 : memref<1x80xi32, #tpu.memory_space<vmem>> -> memref<80xi32, #tpu.memory_space<vmem>>
      %dma_start3A_686 = arith.constant 0 : i32
      %dma_start3A_687 = arith.constant 0 : i32
      %dma_start3A_688 = tpu.memref_slice %arg2[%dma_start3A_686, %dma_start3A_687] : memref<10000x128xf32, #tpu.memory_space<hbm>> -> memref<10000x128xf32, #tpu.memory_space<hbm>>
      %dma_start3A_689 = tpu.memref_slice %arg11[%dma_start3A_678] : memref<4x!tpu.dma_semaphore, #tpu.memory_space<semaphore_mem>> -> memref<1x!tpu.dma_semaphore, #tpu.memory_space<semaphore_mem>>
      %dma_start3A_690 = tpu.memref_squeeze %dma_start3A_689 : memref<1x!tpu.dma_semaphore, #tpu.memory_space<semaphore_mem>> -> memref<!tpu.dma_semaphore, #tpu.memory_space<semaphore_mem>>
      tpu.enqueue_indirect_dma source(%dma_start3A_688 : memref<10000x128xf32, #tpu.memory_space<hbm>>) target(%dma_start3A_682 : memref<80x128xf32, #tpu.memory_space<vmem>>) offsets(%dma_start3A_685 : memref<80xi32, #tpu.memory_space<vmem>>) semaphore(%dma_start3A_690 : memref<!tpu.dma_semaphore, #tpu.memory_space<semaphore_mem>>)
      %dma_wait3A_691 = arith.constant 2 : i32
      %dma_wait3A_692 = arith.constant 2 : i32
      %dma_wait3A_693 = arith.constant 0 : i32
      %dma_wait3A_694 = arith.constant 0 : i32
      %dma_wait3A_695 = tpu.memref_slice %arg8[%dma_wait3A_691, %dma_wait3A_693, %dma_wait3A_694] : memref<4x80x128xf32, #tpu.memory_space<vmem>> -> memref<1x80x128xf32, #tpu.memory_space<vmem>>
      %dma_wait3A_696 = tpu.memref_squeeze %dma_wait3A_695 : memref<1x80x128xf32, #tpu.memory_space<vmem>> -> memref<80x128xf32, #tpu.memory_space<vmem>>
      %dma_wait3A_697 = arith.constant 0 : i32
      %dma_wait3A_698 = arith.constant 0 : i32
      %dma_wait3A_699 = tpu.memref_slice %arg2[%dma_wait3A_697, %dma_wait3A_698] : memref<10000x128xf32, #tpu.memory_space<hbm>> -> memref<80x128xf32, #tpu.memory_space<hbm>>
      %dma_wait3A_700 = tpu.memref_slice %arg11[%dma_wait3A_692] : memref<4x!tpu.dma_semaphore, #tpu.memory_space<semaphore_mem>> -> memref<1x!tpu.dma_semaphore, #tpu.memory_space<semaphore_mem>>
      %dma_wait3A_701 = tpu.memref_squeeze %dma_wait3A_700 : memref<1x!tpu.dma_semaphore, #tpu.memory_space<semaphore_mem>> -> memref<!tpu.dma_semaphore, #tpu.memory_space<semaphore_mem>>
      %dma_wait3A_702 = arith.constant 0 : i32
      %dma_wait3A_703 = arith.constant 0 : i32
      %dma_wait3A_704 = tpu.memref_slice %arg8[%dma_wait3A_691, %dma_wait3A_702, %dma_wait3A_703] : memref<4x80x128xf32, #tpu.memory_space<vmem>> -> memref<1x80x128xf32, #tpu.memory_space<vmem>>
      %dma_wait3A_705 = tpu.memref_squeeze %dma_wait3A_704 : memref<1x80x128xf32, #tpu.memory_space<vmem>> -> memref<80x128xf32, #tpu.memory_space<vmem>>
      %dma_wait3A_706 = arith.constant 0 : i32
      %dma_wait3A_707 = arith.constant 0 : i32
      %dma_wait3A_708 = tpu.memref_slice %arg2[%dma_wait3A_706, %dma_wait3A_707] : memref<10000x128xf32, #tpu.memory_space<hbm>> -> memref<80x128xf32, #tpu.memory_space<hbm>>
      tpu.wait_dma2 semaphore(%dma_wait3A_701 : memref<!tpu.dma_semaphore, #tpu.memory_space<semaphore_mem>>) src(%dma_wait3A_708 : memref<80x128xf32, #tpu.memory_space<hbm>>) dst(%dma_wait3A_705 : memref<80x128xf32, #tpu.memory_space<vmem>>)
      %dma_wait3A_709 = arith.constant 3 : i32
      %dma_wait3A_710 = arith.constant 3 : i32
      %dma_wait3A_711 = arith.constant 0 : i32
      %dma_wait3A_712 = arith.constant 0 : i32
      %dma_wait3A_713 = tpu.memref_slice %arg8[%dma_wait3A_709, %dma_wait3A_711, %dma_wait3A_712] : memref<4x80x128xf32, #tpu.memory_space<vmem>> -> memref<1x80x128xf32, #tpu.memory_space<vmem>>
      %dma_wait3A_714 = tpu.memref_squeeze %dma_wait3A_713 : memref<1x80x128xf32, #tpu.memory_space<vmem>> -> memref<80x128xf32, #tpu.memory_space<vmem>>
      %dma_wait3A_715 = arith.constant 0 : i32
      %dma_wait3A_716 = arith.constant 0 : i32
      %dma_wait3A_717 = tpu.memref_slice %arg2[%dma_wait3A_715, %dma_wait3A_716] : memref<10000x128xf32, #tpu.memory_space<hbm>> -> memref<80x128xf32, #tpu.memory_space<hbm>>
      %dma_wait3A_718 = tpu.memref_slice %arg11[%dma_wait3A_710] : memref<4x!tpu.dma_semaphore, #tpu.memory_space<semaphore_mem>> -> memref<1x!tpu.dma_semaphore, #tpu.memory_space<semaphore_mem>>
      %dma_wait3A_719 = tpu.memref_squeeze %dma_wait3A_718 : memref<1x!tpu.dma_semaphore, #tpu.memory_space<semaphore_mem>> -> memref<!tpu.dma_semaphore, #tpu.memory_space<semaphore_mem>>
      %dma_wait3A_720 = arith.constant 0 : i32
      %dma_wait3A_721 = arith.constant 0 : i32
      %dma_wait3A_722 = tpu.memref_slice %arg8[%dma_wait3A_709, %dma_wait3A_720, %dma_wait3A_721] : memref<4x80x128xf32, #tpu.memory_space<vmem>> -> memref<1x80x128xf32, #tpu.memory_space<vmem>>
      %dma_wait3A_723 = tpu.memref_squeeze %dma_wait3A_722 : memref<1x80x128xf32, #tpu.memory_space<vmem>> -> memref<80x128xf32, #tpu.memory_space<vmem>>
      %dma_wait3A_724 = arith.constant 0 : i32
      %dma_wait3A_725 = arith.constant 0 : i32
      %dma_wait3A_726 = tpu.memref_slice %arg2[%dma_wait3A_724, %dma_wait3A_725] : memref<10000x128xf32, #tpu.memory_space<hbm>> -> memref<80x128xf32, #tpu.memory_space<hbm>>
      tpu.wait_dma2 semaphore(%dma_wait3A_719 : memref<!tpu.dma_semaphore, #tpu.memory_space<semaphore_mem>>) src(%dma_wait3A_726 : memref<80x128xf32, #tpu.memory_space<hbm>>) dst(%dma_wait3A_723 : memref<80x128xf32, #tpu.memory_space<vmem>>)
      %dma_start3A_727 = arith.constant 2 : i32
      %dma_start3A_728 = arith.constant 2 : i32
      %dma_start3A_729 = arith.constant 2 : i32
      %dma_start3A_730 = arith.constant 0 : i32
      %dma_start3A_731 = arith.constant 0 : i32
      %dma_start3A_732 = tpu.memref_slice %arg8[%dma_start3A_727, %dma_start3A_730, %dma_start3A_731] : memref<4x80x128xf32, #tpu.memory_space<vmem>> -> memref<1x80x128xf32, #tpu.memory_space<vmem>>
      %dma_start3A_733 = tpu.memref_squeeze %dma_start3A_732 : memref<1x80x128xf32, #tpu.memory_space<vmem>> -> memref<80x128xf32, #tpu.memory_space<vmem>>
      %dma_start3A_734 = arith.constant 0 : i32
      %dma_start3A_735 = tpu.memref_slice %arg7[%dma_start3A_728, %dma_start3A_734] : memref<4x80xi32, #tpu.memory_space<vmem>> -> memref<1x80xi32, #tpu.memory_space<vmem>>
      %dma_start3A_736 = tpu.memref_squeeze %dma_start3A_735 : memref<1x80xi32, #tpu.memory_space<vmem>> -> memref<80xi32, #tpu.memory_space<vmem>>
      %dma_start3A_737 = arith.constant 0 : i32
      %dma_start3A_738 = arith.constant 0 : i32
      %dma_start3A_739 = tpu.memref_slice %arg9[%dma_start3A_737, %dma_start3A_738] : memref<10000x128xf32, #tpu.memory_space<vmem_shared>> -> memref<10000x128xf32, #tpu.memory_space<vmem_shared>>
      %dma_start3A_740 = tpu.memref_slice %arg12[%dma_start3A_729] : memref<4x!tpu.dma_semaphore, #tpu.memory_space<semaphore_mem>> -> memref<1x!tpu.dma_semaphore, #tpu.memory_space<semaphore_mem>>
      %dma_start3A_741 = tpu.memref_squeeze %dma_start3A_740 : memref<1x!tpu.dma_semaphore, #tpu.memory_space<semaphore_mem>> -> memref<!tpu.dma_semaphore, #tpu.memory_space<semaphore_mem>>
      tpu.enqueue_indirect_dma source(%dma_start3A_733 : memref<80x128xf32, #tpu.memory_space<vmem>>) target(%dma_start3A_739 : memref<10000x128xf32, #tpu.memory_space<vmem_shared>>) offsets(%dma_start3A_736 : memref<80xi32, #tpu.memory_space<vmem>>) semaphore(%dma_start3A_741 : memref<!tpu.dma_semaphore, #tpu.memory_space<semaphore_mem>>) {add = true}
      %dma_start3A_742 = arith.constant 3 : i32
      %dma_start3A_743 = arith.constant 3 : i32
      %dma_start3A_744 = arith.constant 3 : i32
      %dma_start3A_745 = arith.constant 0 : i32
      %dma_start3A_746 = arith.constant 0 : i32
      %dma_start3A_747 = tpu.memref_slice %arg8[%dma_start3A_742, %dma_start3A_745, %dma_start3A_746] : memref<4x80x128xf32, #tpu.memory_space<vmem>> -> memref<1x80x128xf32, #tpu.memory_space<vmem>>
      %dma_start3A_748 = tpu.memref_squeeze %dma_start3A_747 : memref<1x80x128xf32, #tpu.memory_space<vmem>> -> memref<80x128xf32, #tpu.memory_space<vmem>>
      %dma_start3A_749 = arith.constant 0 : i32
      %dma_start3A_750 = tpu.memref_slice %arg7[%dma_start3A_743, %dma_start3A_749] : memref<4x80xi32, #tpu.memory_space<vmem>> -> memref<1x80xi32, #tpu.memory_space<vmem>>
      %dma_start3A_751 = tpu.memref_squeeze %dma_start3A_750 : memref<1x80xi32, #tpu.memory_space<vmem>> -> memref<80xi32, #tpu.memory_space<vmem>>
      %dma_start3A_752 = arith.constant 0 : i32
      %dma_start3A_753 = arith.constant 0 : i32
      %dma_start3A_754 = tpu.memref_slice %arg9[%dma_start3A_752, %dma_start3A_753] : memref<10000x128xf32, #tpu.memory_space<vmem_shared>> -> memref<10000x128xf32, #tpu.memory_space<vmem_shared>>
      %dma_start3A_755 = tpu.memref_slice %arg12[%dma_start3A_744] : memref<4x!tpu.dma_semaphore, #tpu.memory_space<semaphore_mem>> -> memref<1x!tpu.dma_semaphore, #tpu.memory_space<semaphore_mem>>
      %dma_start3A_756 = tpu.memref_squeeze %dma_start3A_755 : memref<1x!tpu.dma_semaphore, #tpu.memory_space<semaphore_mem>> -> memref<!tpu.dma_semaphore, #tpu.memory_space<semaphore_mem>>
      tpu.enqueue_indirect_dma source(%dma_start3A_748 : memref<80x128xf32, #tpu.memory_space<vmem>>) target(%dma_start3A_754 : memref<10000x128xf32, #tpu.memory_space<vmem_shared>>) offsets(%dma_start3A_751 : memref<80xi32, #tpu.memory_space<vmem>>) semaphore(%dma_start3A_756 : memref<!tpu.dma_semaphore, #tpu.memory_space<semaphore_mem>>) {add = true}
    }
    %scan3A_155 = arith.constant 31 : i32
    %dma_wait3A_156 = arith.constant 2 : i32
    %dma_wait3A_157 = arith.constant 2 : i32
    %dma_wait3A_158 = arith.constant 0 : i32
    %dma_wait3A_159 = arith.constant 0 : i32
    %dma_wait3A_160 = tpu.memref_slice %arg8[%dma_wait3A_156, %dma_wait3A_158, %dma_wait3A_159] : memref<4x80x128xf32, #tpu.memory_space<vmem>> -> memref<1x80x128xf32, #tpu.memory_space<vmem>>
    %dma_wait3A_161 = tpu.memref_squeeze %dma_wait3A_160 : memref<1x80x128xf32, #tpu.memory_space<vmem>> -> memref<80x128xf32, #tpu.memory_space<vmem>>
    %dma_wait3A_162 = arith.constant 0 : i32
    %dma_wait3A_163 = arith.constant 0 : i32
    %dma_wait3A_164 = tpu.memref_slice %arg2[%dma_wait3A_162, %dma_wait3A_163] : memref<10000x128xf32, #tpu.memory_space<hbm>> -> memref<80x128xf32, #tpu.memory_space<hbm>>
    %dma_wait3A_165 = tpu.memref_slice %arg12[%dma_wait3A_157] : memref<4x!tpu.dma_semaphore, #tpu.memory_space<semaphore_mem>> -> memref<1x!tpu.dma_semaphore, #tpu.memory_space<semaphore_mem>>
    %dma_wait3A_166 = tpu.memref_squeeze %dma_wait3A_165 : memref<1x!tpu.dma_semaphore, #tpu.memory_space<semaphore_mem>> -> memref<!tpu.dma_semaphore, #tpu.memory_space<semaphore_mem>>
    %dma_wait3A_167 = arith.constant 0 : i32
    %dma_wait3A_168 = arith.constant 0 : i32
    %dma_wait3A_169 = tpu.memref_slice %arg8[%dma_wait3A_156, %dma_wait3A_167, %dma_wait3A_168] : memref<4x80x128xf32, #tpu.memory_space<vmem>> -> memref<1x80x128xf32, #tpu.memory_space<vmem>>
    %dma_wait3A_170 = tpu.memref_squeeze %dma_wait3A_169 : memref<1x80x128xf32, #tpu.memory_space<vmem>> -> memref<80x128xf32, #tpu.memory_space<vmem>>
    %dma_wait3A_171 = arith.constant 0 : i32
    %dma_wait3A_172 = arith.constant 0 : i32
    %dma_wait3A_173 = tpu.memref_slice %arg2[%dma_wait3A_171, %dma_wait3A_172] : memref<10000x128xf32, #tpu.memory_space<hbm>> -> memref<80x128xf32, #tpu.memory_space<hbm>>
    tpu.wait_dma2 semaphore(%dma_wait3A_166 : memref<!tpu.dma_semaphore, #tpu.memory_space<semaphore_mem>>) src(%dma_wait3A_173 : memref<80x128xf32, #tpu.memory_space<hbm>>) dst(%dma_wait3A_170 : memref<80x128xf32, #tpu.memory_space<vmem>>)
    %dma_wait3A_174 = arith.constant 3 : i32
    %dma_wait3A_175 = arith.constant 3 : i32
    %dma_wait3A_176 = arith.constant 0 : i32
    %dma_wait3A_177 = arith.constant 0 : i32
    %dma_wait3A_178 = tpu.memref_slice %arg8[%dma_wait3A_174, %dma_wait3A_176, %dma_wait3A_177] : memref<4x80x128xf32, #tpu.memory_space<vmem>> -> memref<1x80x128xf32, #tpu.memory_space<vmem>>
    %dma_wait3A_179 = tpu.memref_squeeze %dma_wait3A_178 : memref<1x80x128xf32, #tpu.memory_space<vmem>> -> memref<80x128xf32, #tpu.memory_space<vmem>>
    %dma_wait3A_180 = arith.constant 0 : i32
    %dma_wait3A_181 = arith.constant 0 : i32
    %dma_wait3A_182 = tpu.memref_slice %arg2[%dma_wait3A_180, %dma_wait3A_181] : memref<10000x128xf32, #tpu.memory_space<hbm>> -> memref<80x128xf32, #tpu.memory_space<hbm>>
    %dma_wait3A_183 = tpu.memref_slice %arg12[%dma_wait3A_175] : memref<4x!tpu.dma_semaphore, #tpu.memory_space<semaphore_mem>> -> memref<1x!tpu.dma_semaphore, #tpu.memory_space<semaphore_mem>>
    %dma_wait3A_184 = tpu.memref_squeeze %dma_wait3A_183 : memref<1x!tpu.dma_semaphore, #tpu.memory_space<semaphore_mem>> -> memref<!tpu.dma_semaphore, #tpu.memory_space<semaphore_mem>>
    %dma_wait3A_185 = arith.constant 0 : i32
    %dma_wait3A_186 = arith.constant 0 : i32
    %dma_wait3A_187 = tpu.memref_slice %arg8[%dma_wait3A_174, %dma_wait3A_185, %dma_wait3A_186] : memref<4x80x128xf32, #tpu.memory_space<vmem>> -> memref<1x80x128xf32, #tpu.memory_space<vmem>>
    %dma_wait3A_188 = tpu.memref_squeeze %dma_wait3A_187 : memref<1x80x128xf32, #tpu.memory_space<vmem>> -> memref<80x128xf32, #tpu.memory_space<vmem>>
    %dma_wait3A_189 = arith.constant 0 : i32
    %dma_wait3A_190 = arith.constant 0 : i32
    %dma_wait3A_191 = tpu.memref_slice %arg2[%dma_wait3A_189, %dma_wait3A_190] : memref<10000x128xf32, #tpu.memory_space<hbm>> -> memref<80x128xf32, #tpu.memory_space<hbm>>
    tpu.wait_dma2 semaphore(%dma_wait3A_184 : memref<!tpu.dma_semaphore, #tpu.memory_space<semaphore_mem>>) src(%dma_wait3A_191 : memref<80x128xf32, #tpu.memory_space<hbm>>) dst(%dma_wait3A_188 : memref<80x128xf32, #tpu.memory_space<vmem>>)
    %dma_wait3A_192 = arith.constant 0 : i32
    %dma_wait3A_193 = arith.constant 0 : i32
    %dma_wait3A_194 = arith.constant 0 : i32
    %dma_wait3A_195 = arith.constant 0 : i32
    %dma_wait3A_196 = tpu.memref_slice %arg8[%dma_wait3A_192, %dma_wait3A_194, %dma_wait3A_195] : memref<4x80x128xf32, #tpu.memory_space<vmem>> -> memref<1x80x128xf32, #tpu.memory_space<vmem>>
    %dma_wait3A_197 = tpu.memref_squeeze %dma_wait3A_196 : memref<1x80x128xf32, #tpu.memory_space<vmem>> -> memref<80x128xf32, #tpu.memory_space<vmem>>
    %dma_wait3A_198 = arith.constant 0 : i32
    %dma_wait3A_199 = arith.constant 0 : i32
    %dma_wait3A_200 = tpu.memref_slice %arg2[%dma_wait3A_198, %dma_wait3A_199] : memref<10000x128xf32, #tpu.memory_space<hbm>> -> memref<80x128xf32, #tpu.memory_space<hbm>>
    %dma_wait3A_201 = tpu.memref_slice %arg11[%dma_wait3A_193] : memref<4x!tpu.dma_semaphore, #tpu.memory_space<semaphore_mem>> -> memref<1x!tpu.dma_semaphore, #tpu.memory_space<semaphore_mem>>
    %dma_wait3A_202 = tpu.memref_squeeze %dma_wait3A_201 : memref<1x!tpu.dma_semaphore, #tpu.memory_space<semaphore_mem>> -> memref<!tpu.dma_semaphore, #tpu.memory_space<semaphore_mem>>
    %dma_wait3A_203 = arith.constant 0 : i32
    %dma_wait3A_204 = arith.constant 0 : i32
    %dma_wait3A_205 = tpu.memref_slice %arg8[%dma_wait3A_192, %dma_wait3A_203, %dma_wait3A_204] : memref<4x80x128xf32, #tpu.memory_space<vmem>> -> memref<1x80x128xf32, #tpu.memory_space<vmem>>
    %dma_wait3A_206 = tpu.memref_squeeze %dma_wait3A_205 : memref<1x80x128xf32, #tpu.memory_space<vmem>> -> memref<80x128xf32, #tpu.memory_space<vmem>>
    %dma_wait3A_207 = arith.constant 0 : i32
    %dma_wait3A_208 = arith.constant 0 : i32
    %dma_wait3A_209 = tpu.memref_slice %arg2[%dma_wait3A_207, %dma_wait3A_208] : memref<10000x128xf32, #tpu.memory_space<hbm>> -> memref<80x128xf32, #tpu.memory_space<hbm>>
    tpu.wait_dma2 semaphore(%dma_wait3A_202 : memref<!tpu.dma_semaphore, #tpu.memory_space<semaphore_mem>>) src(%dma_wait3A_209 : memref<80x128xf32, #tpu.memory_space<hbm>>) dst(%dma_wait3A_206 : memref<80x128xf32, #tpu.memory_space<vmem>>)
    %dma_wait3A_210 = arith.constant 1 : i32
    %dma_wait3A_211 = arith.constant 1 : i32
    %dma_wait3A_212 = arith.constant 0 : i32
    %dma_wait3A_213 = arith.constant 0 : i32
    %dma_wait3A_214 = tpu.memref_slice %arg8[%dma_wait3A_210, %dma_wait3A_212, %dma_wait3A_213] : memref<4x80x128xf32, #tpu.memory_space<vmem>> -> memref<1x80x128xf32, #tpu.memory_space<vmem>>
    %dma_wait3A_215 = tpu.memref_squeeze %dma_wait3A_214 : memref<1x80x128xf32, #tpu.memory_space<vmem>> -> memref<80x128xf32, #tpu.memory_space<vmem>>
    %dma_wait3A_216 = arith.constant 0 : i32
    %dma_wait3A_217 = arith.constant 0 : i32
    %dma_wait3A_218 = tpu.memref_slice %arg2[%dma_wait3A_216, %dma_wait3A_217] : memref<10000x128xf32, #tpu.memory_space<hbm>> -> memref<80x128xf32, #tpu.memory_space<hbm>>
    %dma_wait3A_219 = tpu.memref_slice %arg11[%dma_wait3A_211] : memref<4x!tpu.dma_semaphore, #tpu.memory_space<semaphore_mem>> -> memref<1x!tpu.dma_semaphore, #tpu.memory_space<semaphore_mem>>
    %dma_wait3A_220 = tpu.memref_squeeze %dma_wait3A_219 : memref<1x!tpu.dma_semaphore, #tpu.memory_space<semaphore_mem>> -> memref<!tpu.dma_semaphore, #tpu.memory_space<semaphore_mem>>
    %dma_wait3A_221 = arith.constant 0 : i32
    %dma_wait3A_222 = arith.constant 0 : i32
    %dma_wait3A_223 = tpu.memref_slice %arg8[%dma_wait3A_210, %dma_wait3A_221, %dma_wait3A_222] : memref<4x80x128xf32, #tpu.memory_space<vmem>> -> memref<1x80x128xf32, #tpu.memory_space<vmem>>
    %dma_wait3A_224 = tpu.memref_squeeze %dma_wait3A_223 : memref<1x80x128xf32, #tpu.memory_space<vmem>> -> memref<80x128xf32, #tpu.memory_space<vmem>>
    %dma_wait3A_225 = arith.constant 0 : i32
    %dma_wait3A_226 = arith.constant 0 : i32
    %dma_wait3A_227 = tpu.memref_slice %arg2[%dma_wait3A_225, %dma_wait3A_226] : memref<10000x128xf32, #tpu.memory_space<hbm>> -> memref<80x128xf32, #tpu.memory_space<hbm>>
    tpu.wait_dma2 semaphore(%dma_wait3A_220 : memref<!tpu.dma_semaphore, #tpu.memory_space<semaphore_mem>>) src(%dma_wait3A_227 : memref<80x128xf32, #tpu.memory_space<hbm>>) dst(%dma_wait3A_224 : memref<80x128xf32, #tpu.memory_space<vmem>>)
    %dma_start3A_228 = arith.constant 0 : i32
    %dma_start3A_229 = arith.constant 0 : i32
    %dma_start3A_230 = arith.constant 0 : i32
    %dma_start3A_231 = arith.constant 0 : i32
    %dma_start3A_232 = arith.constant 0 : i32
    %dma_start3A_233 = tpu.memref_slice %arg8[%dma_start3A_228, %dma_start3A_231, %dma_start3A_232] : memref<4x80x128xf32, #tpu.memory_space<vmem>> -> memref<1x80x128xf32, #tpu.memory_space<vmem>>
    %dma_start3A_234 = tpu.memref_squeeze %dma_start3A_233 : memref<1x80x128xf32, #tpu.memory_space<vmem>> -> memref<80x128xf32, #tpu.memory_space<vmem>>
    %dma_start3A_235 = arith.constant 0 : i32
    %dma_start3A_236 = tpu.memref_slice %arg7[%dma_start3A_229, %dma_start3A_235] : memref<4x80xi32, #tpu.memory_space<vmem>> -> memref<1x80xi32, #tpu.memory_space<vmem>>
    %dma_start3A_237 = tpu.memref_squeeze %dma_start3A_236 : memref<1x80xi32, #tpu.memory_space<vmem>> -> memref<80xi32, #tpu.memory_space<vmem>>
    %dma_start3A_238 = arith.constant 0 : i32
    %dma_start3A_239 = arith.constant 0 : i32
    %dma_start3A_240 = tpu.memref_slice %arg9[%dma_start3A_238, %dma_start3A_239] : memref<10000x128xf32, #tpu.memory_space<vmem_shared>> -> memref<10000x128xf32, #tpu.memory_space<vmem_shared>>
    %dma_start3A_241 = tpu.memref_slice %arg12[%dma_start3A_230] : memref<4x!tpu.dma_semaphore, #tpu.memory_space<semaphore_mem>> -> memref<1x!tpu.dma_semaphore, #tpu.memory_space<semaphore_mem>>
    %dma_start3A_242 = tpu.memref_squeeze %dma_start3A_241 : memref<1x!tpu.dma_semaphore, #tpu.memory_space<semaphore_mem>> -> memref<!tpu.dma_semaphore, #tpu.memory_space<semaphore_mem>>
    tpu.enqueue_indirect_dma source(%dma_start3A_234 : memref<80x128xf32, #tpu.memory_space<vmem>>) target(%dma_start3A_240 : memref<10000x128xf32, #tpu.memory_space<vmem_shared>>) offsets(%dma_start3A_237 : memref<80xi32, #tpu.memory_space<vmem>>) semaphore(%dma_start3A_242 : memref<!tpu.dma_semaphore, #tpu.memory_space<semaphore_mem>>) {add = true}
    %dma_wait3A_243 = arith.constant 0 : i32
    %dma_wait3A_244 = arith.constant 0 : i32
    %dma_wait3A_245 = arith.constant 0 : i32
    %dma_wait3A_246 = arith.constant 0 : i32
    %dma_wait3A_247 = tpu.memref_slice %arg8[%dma_wait3A_243, %dma_wait3A_245, %dma_wait3A_246] : memref<4x80x128xf32, #tpu.memory_space<vmem>> -> memref<1x80x128xf32, #tpu.memory_space<vmem>>
    %dma_wait3A_248 = tpu.memref_squeeze %dma_wait3A_247 : memref<1x80x128xf32, #tpu.memory_space<vmem>> -> memref<80x128xf32, #tpu.memory_space<vmem>>
    %dma_wait3A_249 = arith.constant 0 : i32
    %dma_wait3A_250 = arith.constant 0 : i32
    %dma_wait3A_251 = tpu.memref_slice %arg2[%dma_wait3A_249, %dma_wait3A_250] : memref<10000x128xf32, #tpu.memory_space<hbm>> -> memref<80x128xf32, #tpu.memory_space<hbm>>
    %dma_wait3A_252 = tpu.memref_slice %arg12[%dma_wait3A_244] : memref<4x!tpu.dma_semaphore, #tpu.memory_space<semaphore_mem>> -> memref<1x!tpu.dma_semaphore, #tpu.memory_space<semaphore_mem>>
    %dma_wait3A_253 = tpu.memref_squeeze %dma_wait3A_252 : memref<1x!tpu.dma_semaphore, #tpu.memory_space<semaphore_mem>> -> memref<!tpu.dma_semaphore, #tpu.memory_space<semaphore_mem>>
    %dma_wait3A_254 = arith.constant 0 : i32
    %dma_wait3A_255 = arith.constant 0 : i32
    %dma_wait3A_256 = tpu.memref_slice %arg8[%dma_wait3A_243, %dma_wait3A_254, %dma_wait3A_255] : memref<4x80x128xf32, #tpu.memory_space<vmem>> -> memref<1x80x128xf32, #tpu.memory_space<vmem>>
    %dma_wait3A_257 = tpu.memref_squeeze %dma_wait3A_256 : memref<1x80x128xf32, #tpu.memory_space<vmem>> -> memref<80x128xf32, #tpu.memory_space<vmem>>
    %dma_wait3A_258 = arith.constant 0 : i32
    %dma_wait3A_259 = arith.constant 0 : i32
    %dma_wait3A_260 = tpu.memref_slice %arg2[%dma_wait3A_258, %dma_wait3A_259] : memref<10000x128xf32, #tpu.memory_space<hbm>> -> memref<80x128xf32, #tpu.memory_space<hbm>>
    tpu.wait_dma2 semaphore(%dma_wait3A_253 : memref<!tpu.dma_semaphore, #tpu.memory_space<semaphore_mem>>) src(%dma_wait3A_260 : memref<80x128xf32, #tpu.memory_space<hbm>>) dst(%dma_wait3A_257 : memref<80x128xf32, #tpu.memory_space<vmem>>)
    %barrier3A_261 = arith.constant 0 : index
    tpu.barrier barrier_id(%barrier3A_261)
    "tpu.region"() ({
      %run_scoped3A = tpu.sem_alloc : memref<!tpu.dma_semaphore, #tpu.memory_space<semaphore_mem>>
      %dma_start3A_267 = arith.constant 0 : i32
      %dma_start3A_268 = tpu.memref_slice %arg5[%arg0, %mul3A_0, %dma_start3A_267] : memref<2x10000x128xf32, #tpu.memory_space<hbm>> -> memref<1x624x128xf32, #tpu.memory_space<hbm>>
      %dma_start3A_269 = tpu.memref_squeeze %dma_start3A_268 : memref<1x624x128xf32, #tpu.memory_space<hbm>> -> memref<624x128xf32, #tpu.memory_space<hbm>>
      %dma_start3A_270 = arith.constant 0 : i32
      %dma_start3A_271 = tpu.memref_slice %arg9[%mul3A_0, %dma_start3A_270] : memref<10000x128xf32, #tpu.memory_space<vmem_shared>> -> memref<624x128xf32, #tpu.memory_space<vmem_shared>>
      tpu.enqueue_dma source(%dma_start3A_271 : memref<624x128xf32, #tpu.memory_space<vmem_shared>>) target(%dma_start3A_269 : memref<624x128xf32, #tpu.memory_space<hbm>>) target_semaphore(%run_scoped3A : memref<!tpu.dma_semaphore, #tpu.memory_space<semaphore_mem>>)
      %dma_wait3A_272 = arith.constant 0 : i32
      %dma_wait3A_273 = tpu.memref_slice %arg5[%arg0, %mul3A_0, %dma_wait3A_272] : memref<2x10000x128xf32, #tpu.memory_space<hbm>> -> memref<1x624x128xf32, #tpu.memory_space<hbm>>
      %dma_wait3A_274 = tpu.memref_squeeze %dma_wait3A_273 : memref<1x624x128xf32, #tpu.memory_space<hbm>> -> memref<624x128xf32, #tpu.memory_space<hbm>>
      %dma_wait3A_275 = arith.constant 0 : i32
      %dma_wait3A_276 = tpu.memref_slice %arg9[%mul3A_0, %dma_wait3A_275] : memref<10000x128xf32, #tpu.memory_space<vmem_shared>> -> memref<624x128xf32, #tpu.memory_space<vmem_shared>>
      tpu.wait_dma2 semaphore(%run_scoped3A : memref<!tpu.dma_semaphore, #tpu.memory_space<semaphore_mem>>) src(%dma_wait3A_276 : memref<624x128xf32, #tpu.memory_space<vmem_shared>>) dst(%dma_wait3A_274 : memref<624x128xf32, #tpu.memory_space<hbm>>)
      tpu.yield
    }) : () -> ()
    %eq3A_262 = arith.constant 15 : i32
    %eq3A_263 = arith.cmpi eq, %arg1, %eq3A_262 : i32
    %convert_element_type3A_264 = arith.extui %eq3A_263 : i1 to i32
    %cond3A_265 = arith.constant 0 : i32
    %cond3A_266 = arith.cmpi ne, %convert_element_type3A_264, %cond3A_265 : i32
    scf.if %cond3A_266 {
      "tpu.region"() ({
        %run_scoped3A = tpu.sem_alloc : memref<!tpu.dma_semaphore, #tpu.memory_space<semaphore_mem>>
        %dma_start3A_267 = arith.constant 9984 : i32
        %dma_start3A_268 = arith.constant 0 : i32
        %dma_start3A_269 = tpu.memref_slice %arg5[%arg0, %dma_start3A_267, %dma_start3A_268] : memref<2x10000x128xf32, #tpu.memory_space<hbm>> -> memref<1x16x128xf32, #tpu.memory_space<hbm>>
        %dma_start3A_270 = tpu.memref_squeeze %dma_start3A_269 : memref<1x16x128xf32, #tpu.memory_space<hbm>> -> memref<16x128xf32, #tpu.memory_space<hbm>>
        %dma_start3A_271 = arith.constant 9984 : i32
        %dma_start3A_272 = arith.constant 0 : i32
        %dma_start3A_273 = tpu.memref_slice %arg9[%dma_start3A_271, %dma_start3A_272] : memref<10000x128xf32, #tpu.memory_space<vmem_shared>> -> memref<16x128xf32, #tpu.memory_space<vmem_shared>>
        tpu.enqueue_dma source(%dma_start3A_273 : memref<16x128xf32, #tpu.memory_space<vmem_shared>>) target(%dma_start3A_270 : memref<16x128xf32, #tpu.memory_space<hbm>>) target_semaphore(%run_scoped3A : memref<!tpu.dma_semaphore, #tpu.memory_space<semaphore_mem>>)
        %dma_wait3A_274 = arith.constant 9984 : i32
        %dma_wait3A_275 = arith.constant 0 : i32
        %dma_wait3A_276 = tpu.memref_slice %arg5[%arg0, %dma_wait3A_274, %dma_wait3A_275] : memref<2x10000x128xf32, #tpu.memory_space<hbm>> -> memref<1x16x128xf32, #tpu.memory_space<hbm>>
        %dma_wait3A_277 = tpu.memref_squeeze %dma_wait3A_276 : memref<1x16x128xf32, #tpu.memory_space<hbm>> -> memref<16x128xf32, #tpu.memory_space<hbm>>
        %dma_wait3A_278 = arith.constant 9984 : i32
        %dma_wait3A_279 = arith.constant 0 : i32
        %dma_wait3A_280 = tpu.memref_slice %arg9[%dma_wait3A_278, %dma_wait3A_279] : memref<10000x128xf32, #tpu.memory_space<vmem_shared>> -> memref<16x128xf32, #tpu.memory_space<vmem_shared>>
        tpu.wait_dma2 semaphore(%run_scoped3A : memref<!tpu.dma_semaphore, #tpu.memory_space<semaphore_mem>>) src(%dma_wait3A_280 : memref<16x128xf32, #tpu.memory_space<vmem_shared>>) dst(%dma_wait3A_277 : memref<16x128xf32, #tpu.memory_space<hbm>>)
        tpu.yield
      }) : () -> ()
    } else {
    }
    return
  }
}

#map = affine_map<(d0, d1) -> (0, 0, 0, 0)>
#map1 = affine_map<(d0, d1) -> (0)>
#map2 = affine_map<(d0, d1) -> (0, 0)>
module attributes {stable_mosaic.version = 14 : i64} {
  func.func @_deg_sc(%arg0: i32, %arg1: i32, %arg2: memref<2x32x125x80xi32, #tpu.memory_space<hbm>>, %arg3: memref<10000xf32, #tpu.memory_space<hbm>>, %arg4: memref<2x10000xf32, #tpu.memory_space<hbm>>, %arg5: memref<125x80xi32, #tpu.memory_space<vmem>>, %arg6: memref<80xf32, #tpu.memory_space<vmem>>, %arg7: memref<10000xf32, #tpu.memory_space<vmem_shared>>, %arg8: memref<!tpu.dma_semaphore, #tpu.memory_space<semaphore_mem>>, %arg9: memref<!tpu.dma_semaphore, #tpu.memory_space<semaphore_mem>>) attributes {dimension_semantics = [#tpu.dimension_semantics<core_parallel>, #tpu.dimension_semantics<subcore_parallel>], iteration_bounds = array<i64: 2, 16>, scalar_prefetch = 0 : i64, scratch_operands = 5 : i64, tpu.core_type = #tpu.core_type<sc_vector_subcore>, window_params = [{transform_indices = #map}, {transform_indices = #map1}, {transform_indices = #map2}]} {
    %eq3A = arith.constant 0 : i32
    %eq3A_0 = arith.cmpi eq, %arg1, %eq3A : i32
    %convert_element_type3A = arith.extui %eq3A_0 : i1 to i32
    %cond3A = arith.constant 0 : i32
    %cond3A_1 = arith.cmpi ne, %convert_element_type3A, %cond3A : i32
    scf.if %cond3A_1 {
      "tpu.region"() ({
        %run_scoped3A_15 = tpu.sem_alloc : memref<!tpu.dma_semaphore, #tpu.memory_space<semaphore_mem>>
        tpu.enqueue_dma source(%arg3 : memref<10000xf32, #tpu.memory_space<hbm>>) target(%arg7 : memref<10000xf32, #tpu.memory_space<vmem_shared>>) target_semaphore(%run_scoped3A_15 : memref<!tpu.dma_semaphore, #tpu.memory_space<semaphore_mem>>)
        tpu.wait_dma2 semaphore(%run_scoped3A_15 : memref<!tpu.dma_semaphore, #tpu.memory_space<semaphore_mem>>) src(%arg3 : memref<10000xf32, #tpu.memory_space<hbm>>) dst(%arg7 : memref<10000xf32, #tpu.memory_space<vmem_shared>>)
        tpu.yield
      }) : () -> ()
    } else {
    }
    "tpu.region"() ({
      %run_scoped3A_15 = tpu.sem_alloc : memref<!tpu.dma_semaphore, #tpu.memory_space<semaphore_mem>>
      %dma_start3A = arith.constant 0 : i32
      %dma_start3A_16 = tpu.memref_slice %arg3[%dma_start3A] : memref<10000xf32, #tpu.memory_space<hbm>> -> memref<80xf32, #tpu.memory_space<hbm>>
      %dma_start3A_17 = arith.constant 0 : i32
      %dma_start3A_18 = tpu.memref_slice %arg3[%dma_start3A_17] : memref<10000xf32, #tpu.memory_space<hbm>> -> memref<80xf32, #tpu.memory_space<hbm>>
      tpu.enqueue_dma source(%dma_start3A_18 : memref<80xf32, #tpu.memory_space<hbm>>) target(%arg6 : memref<80xf32, #tpu.memory_space<vmem>>) target_semaphore(%run_scoped3A_15 : memref<!tpu.dma_semaphore, #tpu.memory_space<semaphore_mem>>)
      %dma_wait3A = arith.constant 0 : i32
      %dma_wait3A_19 = tpu.memref_slice %arg3[%dma_wait3A] : memref<10000xf32, #tpu.memory_space<hbm>> -> memref<80xf32, #tpu.memory_space<hbm>>
      %dma_wait3A_20 = arith.constant 0 : i32
      %dma_wait3A_21 = tpu.memref_slice %arg3[%dma_wait3A_20] : memref<10000xf32, #tpu.memory_space<hbm>> -> memref<80xf32, #tpu.memory_space<hbm>>
      tpu.wait_dma2 semaphore(%run_scoped3A_15 : memref<!tpu.dma_semaphore, #tpu.memory_space<semaphore_mem>>) src(%dma_wait3A_21 : memref<80xf32, #tpu.memory_space<hbm>>) dst(%arg6 : memref<80xf32, #tpu.memory_space<vmem>>)
      tpu.yield
    }) : () -> ()
    %mul3A = arith.constant 16 : i32
    %mul3A_2 = arith.muli %arg0, %mul3A : i32
    %add3A = arith.addi %mul3A_2, %arg1 : i32
    %run_scoped3A = arith.constant 1 : i32
    "tpu.region"() ({
      %run_scoped3A_15 = tpu.sem_alloc : memref<!tpu.dma_semaphore, #tpu.memory_space<semaphore_mem>>
      %dma_start3A = arith.constant 0 : i32
      %dma_start3A_16 = arith.constant 0 : i32
      %dma_start3A_17 = tpu.memref_slice %arg2[%run_scoped3A, %add3A, %dma_start3A, %dma_start3A_16] : memref<2x32x125x80xi32, #tpu.memory_space<hbm>> -> memref<1x1x125x80xi32, #tpu.memory_space<hbm>>
      %dma_start3A_18 = tpu.memref_squeeze %dma_start3A_17 : memref<1x1x125x80xi32, #tpu.memory_space<hbm>> -> memref<125x80xi32, #tpu.memory_space<hbm>>
      %dma_start3A_19 = arith.constant 0 : i32
      %dma_start3A_20 = arith.constant 0 : i32
      %dma_start3A_21 = tpu.memref_slice %arg2[%run_scoped3A, %add3A, %dma_start3A_19, %dma_start3A_20] : memref<2x32x125x80xi32, #tpu.memory_space<hbm>> -> memref<1x1x125x80xi32, #tpu.memory_space<hbm>>
      %dma_start3A_22 = tpu.memref_squeeze %dma_start3A_21 : memref<1x1x125x80xi32, #tpu.memory_space<hbm>> -> memref<125x80xi32, #tpu.memory_space<hbm>>
      tpu.enqueue_dma source(%dma_start3A_22 : memref<125x80xi32, #tpu.memory_space<hbm>>) target(%arg5 : memref<125x80xi32, #tpu.memory_space<vmem>>) target_semaphore(%run_scoped3A_15 : memref<!tpu.dma_semaphore, #tpu.memory_space<semaphore_mem>>)
      %dma_wait3A = arith.constant 0 : i32
      %dma_wait3A_23 = arith.constant 0 : i32
      %dma_wait3A_24 = tpu.memref_slice %arg2[%run_scoped3A, %add3A, %dma_wait3A, %dma_wait3A_23] : memref<2x32x125x80xi32, #tpu.memory_space<hbm>> -> memref<1x1x125x80xi32, #tpu.memory_space<hbm>>
      %dma_wait3A_25 = tpu.memref_squeeze %dma_wait3A_24 : memref<1x1x125x80xi32, #tpu.memory_space<hbm>> -> memref<125x80xi32, #tpu.memory_space<hbm>>
      %dma_wait3A_26 = arith.constant 0 : i32
      %dma_wait3A_27 = arith.constant 0 : i32
      %dma_wait3A_28 = tpu.memref_slice %arg2[%run_scoped3A, %add3A, %dma_wait3A_26, %dma_wait3A_27] : memref<2x32x125x80xi32, #tpu.memory_space<hbm>> -> memref<1x1x125x80xi32, #tpu.memory_space<hbm>>
      %dma_wait3A_29 = tpu.memref_squeeze %dma_wait3A_28 : memref<1x1x125x80xi32, #tpu.memory_space<hbm>> -> memref<125x80xi32, #tpu.memory_space<hbm>>
      tpu.wait_dma2 semaphore(%run_scoped3A_15 : memref<!tpu.dma_semaphore, #tpu.memory_space<semaphore_mem>>) src(%dma_wait3A_29 : memref<125x80xi32, #tpu.memory_space<hbm>>) dst(%arg5 : memref<125x80xi32, #tpu.memory_space<vmem>>)
      tpu.yield
    }) : () -> ()
    %barrier3A = arith.constant 0 : index
    tpu.barrier barrier_id(%barrier3A)
    %scan3A = arith.constant 0 : i32
    %scan3A_3 = arith.constant 0 : i32
    %scan3A_4 = arith.constant 62 : i32
    %scan3A_5 = arith.addi %scan3A_3, %scan3A_4 : i32
    %scan3A_6 = arith.constant 1 : i32
    scf.for %scan3A_15 = %scan3A_3 to %scan3A_5 step %scan3A_6  : i32 {
      %mul3A_16 = arith.constant 2 : i32
      %mul3A_17 = arith.muli %scan3A_15, %mul3A_16 : i32
      %add3A_18 = arith.constant 0 : i32
      %add3A_19 = arith.addi %mul3A_17, %add3A_18 : i32
      %dma_start3A = arith.constant 0 : i32
      %dma_start3A_20 = tpu.memref_slice %arg5[%add3A_19, %dma_start3A] : memref<125x80xi32, #tpu.memory_space<vmem>> -> memref<1x80xi32, #tpu.memory_space<vmem>>
      %dma_start3A_21 = tpu.memref_squeeze %dma_start3A_20 : memref<1x80xi32, #tpu.memory_space<vmem>> -> memref<80xi32, #tpu.memory_space<vmem>>
      %dma_start3A_22 = arith.constant 0 : i32
      %dma_start3A_23 = tpu.memref_slice %arg7[%dma_start3A_22] : memref<10000xf32, #tpu.memory_space<vmem_shared>> -> memref<10000xf32, #tpu.memory_space<vmem_shared>>
      tpu.enqueue_indirect_dma source(%arg6 : memref<80xf32, #tpu.memory_space<vmem>>) target(%dma_start3A_23 : memref<10000xf32, #tpu.memory_space<vmem_shared>>) offsets(%dma_start3A_21 : memref<80xi32, #tpu.memory_space<vmem>>) semaphore(%arg8 : memref<!tpu.dma_semaphore, #tpu.memory_space<semaphore_mem>>) {add = true}
      %mul3A_24 = arith.constant 2 : i32
      %mul3A_25 = arith.muli %scan3A_15, %mul3A_24 : i32
      %add3A_26 = arith.constant 1 : i32
      %add3A_27 = arith.addi %mul3A_25, %add3A_26 : i32
      %dma_start3A_28 = arith.constant 0 : i32
      %dma_start3A_29 = tpu.memref_slice %arg5[%add3A_27, %dma_start3A_28] : memref<125x80xi32, #tpu.memory_space<vmem>> -> memref<1x80xi32, #tpu.memory_space<vmem>>
      %dma_start3A_30 = tpu.memref_squeeze %dma_start3A_29 : memref<1x80xi32, #tpu.memory_space<vmem>> -> memref<80xi32, #tpu.memory_space<vmem>>
      %dma_start3A_31 = arith.constant 0 : i32
      %dma_start3A_32 = tpu.memref_slice %arg7[%dma_start3A_31] : memref<10000xf32, #tpu.memory_space<vmem_shared>> -> memref<10000xf32, #tpu.memory_space<vmem_shared>>
      tpu.enqueue_indirect_dma source(%arg6 : memref<80xf32, #tpu.memory_space<vmem>>) target(%dma_start3A_32 : memref<10000xf32, #tpu.memory_space<vmem_shared>>) offsets(%dma_start3A_30 : memref<80xi32, #tpu.memory_space<vmem>>) semaphore(%arg9 : memref<!tpu.dma_semaphore, #tpu.memory_space<semaphore_mem>>) {add = true}
      %dma_wait3A = arith.constant 0 : i32
      %dma_wait3A_33 = tpu.memref_slice %arg5[%add3A_19, %dma_wait3A] : memref<125x80xi32, #tpu.memory_space<vmem>> -> memref<1x80xi32, #tpu.memory_space<vmem>>
      %dma_wait3A_34 = tpu.memref_squeeze %dma_wait3A_33 : memref<1x80xi32, #tpu.memory_space<vmem>> -> memref<80xi32, #tpu.memory_space<vmem>>
      %dma_wait3A_35 = arith.constant 0 : i32
      %dma_wait3A_36 = tpu.memref_slice %arg7[%dma_wait3A_35] : memref<10000xf32, #tpu.memory_space<vmem_shared>> -> memref<10000xf32, #tpu.memory_space<vmem_shared>>
      tpu.wait_indirect_dma semaphore(%arg8 : memref<!tpu.dma_semaphore, #tpu.memory_space<semaphore_mem>>) src(%arg6 : memref<80xf32, #tpu.memory_space<vmem>>) dst(%dma_wait3A_36 : memref<10000xf32, #tpu.memory_space<vmem_shared>>)
      %dma_wait3A_37 = arith.constant 0 : i32
      %dma_wait3A_38 = tpu.memref_slice %arg5[%add3A_27, %dma_wait3A_37] : memref<125x80xi32, #tpu.memory_space<vmem>> -> memref<1x80xi32, #tpu.memory_space<vmem>>
      %dma_wait3A_39 = tpu.memref_squeeze %dma_wait3A_38 : memref<1x80xi32, #tpu.memory_space<vmem>> -> memref<80xi32, #tpu.memory_space<vmem>>
      %dma_wait3A_40 = arith.constant 0 : i32
      %dma_wait3A_41 = tpu.memref_slice %arg7[%dma_wait3A_40] : memref<10000xf32, #tpu.memory_space<vmem_shared>> -> memref<10000xf32, #tpu.memory_space<vmem_shared>>
      tpu.wait_indirect_dma semaphore(%arg9 : memref<!tpu.dma_semaphore, #tpu.memory_space<semaphore_mem>>) src(%arg6 : memref<80xf32, #tpu.memory_space<vmem>>) dst(%dma_wait3A_41 : memref<10000xf32, #tpu.memory_space<vmem_shared>>)
    }
    %scan3A_7 = arith.constant 62 : i32
    %run_scoped3A_8 = arith.constant 124 : i32
    "tpu.region"() ({
      %run_scoped3A_15 = tpu.sem_alloc : memref<!tpu.dma_semaphore, #tpu.memory_space<semaphore_mem>>
      %dma_start3A = arith.constant 0 : i32
      %dma_start3A_16 = tpu.memref_slice %arg5[%run_scoped3A_8, %dma_start3A] : memref<125x80xi32, #tpu.memory_space<vmem>> -> memref<1x80xi32, #tpu.memory_space<vmem>>
      %dma_start3A_17 = tpu.memref_squeeze %dma_start3A_16 : memref<1x80xi32, #tpu.memory_space<vmem>> -> memref<80xi32, #tpu.memory_space<vmem>>
      %dma_start3A_18 = arith.constant 0 : i32
      %dma_start3A_19 = tpu.memref_slice %arg7[%dma_start3A_18] : memref<10000xf32, #tpu.memory_space<vmem_shared>> -> memref<10000xf32, #tpu.memory_space<vmem_shared>>
      tpu.enqueue_indirect_dma source(%arg6 : memref<80xf32, #tpu.memory_space<vmem>>) target(%dma_start3A_19 : memref<10000xf32, #tpu.memory_space<vmem_shared>>) offsets(%dma_start3A_17 : memref<80xi32, #tpu.memory_space<vmem>>) semaphore(%run_scoped3A_15 : memref<!tpu.dma_semaphore, #tpu.memory_space<semaphore_mem>>) {add = true}
      %dma_wait3A = arith.constant 0 : i32
      %dma_wait3A_20 = tpu.memref_slice %arg5[%run_scoped3A_8, %dma_wait3A] : memref<125x80xi32, #tpu.memory_space<vmem>> -> memref<1x80xi32, #tpu.memory_space<vmem>>
      %dma_wait3A_21 = tpu.memref_squeeze %dma_wait3A_20 : memref<1x80xi32, #tpu.memory_space<vmem>> -> memref<80xi32, #tpu.memory_space<vmem>>
      %dma_wait3A_22 = arith.constant 0 : i32
      %dma_wait3A_23 = tpu.memref_slice %arg7[%dma_wait3A_22] : memref<10000xf32, #tpu.memory_space<vmem_shared>> -> memref<10000xf32, #tpu.memory_space<vmem_shared>>
      tpu.wait_indirect_dma semaphore(%run_scoped3A_15 : memref<!tpu.dma_semaphore, #tpu.memory_space<semaphore_mem>>) src(%arg6 : memref<80xf32, #tpu.memory_space<vmem>>) dst(%dma_wait3A_23 : memref<10000xf32, #tpu.memory_space<vmem_shared>>)
      tpu.yield
    }) : () -> ()
    %barrier3A_9 = arith.constant 0 : index
    tpu.barrier barrier_id(%barrier3A_9)
    %eq3A_10 = arith.constant 0 : i32
    %eq3A_11 = arith.cmpi eq, %arg1, %eq3A_10 : i32
    %convert_element_type3A_12 = arith.extui %eq3A_11 : i1 to i32
    %cond3A_13 = arith.constant 0 : i32
    %cond3A_14 = arith.cmpi ne, %convert_element_type3A_12, %cond3A_13 : i32
    scf.if %cond3A_14 {
      "tpu.region"() ({
        %run_scoped3A_15 = tpu.sem_alloc : memref<!tpu.dma_semaphore, #tpu.memory_space<semaphore_mem>>
        %dma_start3A = arith.constant 0 : i32
        %dma_start3A_16 = tpu.memref_slice %arg4[%arg0, %dma_start3A] : memref<2x10000xf32, #tpu.memory_space<hbm>> -> memref<1x10000xf32, #tpu.memory_space<hbm>>
        %dma_start3A_17 = tpu.memref_squeeze %dma_start3A_16 : memref<1x10000xf32, #tpu.memory_space<hbm>> -> memref<10000xf32, #tpu.memory_space<hbm>>
        tpu.enqueue_dma source(%arg7 : memref<10000xf32, #tpu.memory_space<vmem_shared>>) target(%dma_start3A_17 : memref<10000xf32, #tpu.memory_space<hbm>>) target_semaphore(%run_scoped3A_15 : memref<!tpu.dma_semaphore, #tpu.memory_space<semaphore_mem>>)
        %dma_wait3A = arith.constant 0 : i32
        %dma_wait3A_18 = tpu.memref_slice %arg4[%arg0, %dma_wait3A] : memref<2x10000xf32, #tpu.memory_space<hbm>> -> memref<1x10000xf32, #tpu.memory_space<hbm>>
        %dma_wait3A_19 = tpu.memref_squeeze %dma_wait3A_18 : memref<1x10000xf32, #tpu.memory_space<hbm>> -> memref<10000xf32, #tpu.memory_space<hbm>>
        tpu.wait_dma2 semaphore(%run_scoped3A_15 : memref<!tpu.dma_semaphore, #tpu.memory_space<semaphore_mem>>) src(%arg7 : memref<10000xf32, #tpu.memory_space<vmem_shared>>) dst(%dma_wait3A_19 : memref<10000xf32, #tpu.memory_space<hbm>>)
        tpu.yield
      }) : () -> ()
    } else {
    }
    return
  }
}

#map = affine_map<(d0, d1) -> (0, 0)>
#map1 = affine_map<(d0, d1) -> (0, 0, 0, 0)>
#map2 = affine_map<(d0, d1) -> (0)>
#map3 = affine_map<(d0, d1) -> (0, 0, 0)>
module attributes {stable_mosaic.version = 14 : i64} {
  func.func @_edge_sc(%arg0: i32, %arg1: i32, %arg2: memref<10000x128xf32, #tpu.memory_space<hbm>>, %arg3: memref<2x32x125x80xi32, #tpu.memory_space<hbm>>, %arg4: memref<640000xi32, #tpu.memory_space<hbm>>, %arg5: memref<2x10000x128xf32, #tpu.memory_space<hbm>>, %arg6: memref<4x80xi32, #tpu.memory_space<vmem>>, %arg7: memref<4x80xi32, #tpu.memory_space<vmem>>, %arg8: memref<4x80x128xf32, #tpu.memory_space<vmem>>, %arg9: memref<10000x128xf32, #tpu.memory_space<vmem_shared>>, %arg10: memref<4x!tpu.dma_semaphore, #tpu.memory_space<semaphore_mem>>, %arg11: memref<4x!tpu.dma_semaphore, #tpu.memory_space<semaphore_mem>>, %arg12: memref<4x!tpu.dma_semaphore, #tpu.memory_space<semaphore_mem>>) attributes {dimension_semantics = [#tpu.dimension_semantics<core_parallel>, #tpu.dimension_semantics<subcore_parallel>], iteration_bounds = array<i64: 2, 16>, scalar_prefetch = 0 : i64, scratch_operands = 7 : i64, tpu.core_type = #tpu.core_type<sc_vector_subcore>, window_params = [{transform_indices = #map}, {transform_indices = #map1}, {transform_indices = #map2}, {transform_indices = #map3}]} {
    %mul3A = arith.constant 624 : i32
    %mul3A_0 = arith.muli %arg1, %mul3A : i32
    "tpu.region"() ({
      %run_scoped3A = tpu.sem_alloc : memref<!tpu.dma_semaphore, #tpu.memory_space<semaphore_mem>>
      %dma_start3A_267 = arith.constant 0 : i32
      %dma_start3A_268 = tpu.memref_slice %arg9[%mul3A_0, %dma_start3A_267] : memref<10000x128xf32, #tpu.memory_space<vmem_shared>> -> memref<624x128xf32, #tpu.memory_space<vmem_shared>>
      %dma_start3A_269 = arith.constant 0 : i32
      %dma_start3A_270 = tpu.memref_slice %arg2[%mul3A_0, %dma_start3A_269] : memref<10000x128xf32, #tpu.memory_space<hbm>> -> memref<624x128xf32, #tpu.memory_space<hbm>>
      tpu.enqueue_dma source(%dma_start3A_270 : memref<624x128xf32, #tpu.memory_space<hbm>>) target(%dma_start3A_268 : memref<624x128xf32, #tpu.memory_space<vmem_shared>>) target_semaphore(%run_scoped3A : memref<!tpu.dma_semaphore, #tpu.memory_space<semaphore_mem>>)
      %dma_wait3A_271 = arith.constant 0 : i32
      %dma_wait3A_272 = tpu.memref_slice %arg9[%mul3A_0, %dma_wait3A_271] : memref<10000x128xf32, #tpu.memory_space<vmem_shared>> -> memref<624x128xf32, #tpu.memory_space<vmem_shared>>
      %dma_wait3A_273 = arith.constant 0 : i32
      %dma_wait3A_274 = tpu.memref_slice %arg2[%mul3A_0, %dma_wait3A_273] : memref<10000x128xf32, #tpu.memory_space<hbm>> -> memref<624x128xf32, #tpu.memory_space<hbm>>
      tpu.wait_dma2 semaphore(%run_scoped3A : memref<!tpu.dma_semaphore, #tpu.memory_space<semaphore_mem>>) src(%dma_wait3A_274 : memref<624x128xf32, #tpu.memory_space<hbm>>) dst(%dma_wait3A_272 : memref<624x128xf32, #tpu.memory_space<vmem_shared>>)
      tpu.yield
    }) : () -> ()
    %eq3A = arith.constant 15 : i32
    %eq3A_1 = arith.cmpi eq, %arg1, %eq3A : i32
    %convert_element_type3A = arith.extui %eq3A_1 : i1 to i32
    %cond3A = arith.constant 0 : i32
    %cond3A_2 = arith.cmpi ne, %convert_element_type3A, %cond3A : i32
    scf.if %cond3A_2 {
      "tpu.region"() ({
        %run_scoped3A = tpu.sem_alloc : memref<!tpu.dma_semaphore, #tpu.memory_space<semaphore_mem>>
        %dma_start3A_267 = arith.constant 9984 : i32
        %dma_start3A_268 = arith.constant 0 : i32
        %dma_start3A_269 = tpu.memref_slice %arg9[%dma_start3A_267, %dma_start3A_268] : memref<10000x128xf32, #tpu.memory_space<vmem_shared>> -> memref<16x128xf32, #tpu.memory_space<vmem_shared>>
        %dma_start3A_270 = arith.constant 9984 : i32
        %dma_start3A_271 = arith.constant 0 : i32
        %dma_start3A_272 = tpu.memref_slice %arg2[%dma_start3A_270, %dma_start3A_271] : memref<10000x128xf32, #tpu.memory_space<hbm>> -> memref<16x128xf32, #tpu.memory_space<hbm>>
        tpu.enqueue_dma source(%dma_start3A_272 : memref<16x128xf32, #tpu.memory_space<hbm>>) target(%dma_start3A_269 : memref<16x128xf32, #tpu.memory_space<vmem_shared>>) target_semaphore(%run_scoped3A : memref<!tpu.dma_semaphore, #tpu.memory_space<semaphore_mem>>)
        %dma_wait3A_273 = arith.constant 9984 : i32
        %dma_wait3A_274 = arith.constant 0 : i32
        %dma_wait3A_275 = tpu.memref_slice %arg9[%dma_wait3A_273, %dma_wait3A_274] : memref<10000x128xf32, #tpu.memory_space<vmem_shared>> -> memref<16x128xf32, #tpu.memory_space<vmem_shared>>
        %dma_wait3A_276 = arith.constant 9984 : i32
        %dma_wait3A_277 = arith.constant 0 : i32
        %dma_wait3A_278 = tpu.memref_slice %arg2[%dma_wait3A_276, %dma_wait3A_277] : memref<10000x128xf32, #tpu.memory_space<hbm>> -> memref<16x128xf32, #tpu.memory_space<hbm>>
        tpu.wait_dma2 semaphore(%run_scoped3A : memref<!tpu.dma_semaphore, #tpu.memory_space<semaphore_mem>>) src(%dma_wait3A_278 : memref<16x128xf32, #tpu.memory_space<hbm>>) dst(%dma_wait3A_275 : memref<16x128xf32, #tpu.memory_space<vmem_shared>>)
        tpu.yield
      }) : () -> ()
    } else {
    }
    %mul3A_3 = arith.constant 16 : i32
    %mul3A_4 = arith.muli %arg0, %mul3A_3 : i32
    %add3A = arith.addi %mul3A_4, %arg1 : i32
    %mul3A_5 = arith.constant 10000 : i32
    %mul3A_6 = arith.muli %add3A, %mul3A_5 : i32
    %mul3A_7 = arith.constant 10000 : i32
    %mul3A_8 = arith.muli %add3A, %mul3A_7 : i32
    %add3A_9 = arith.constant 320000 : i32
    %add3A_10 = arith.addi %add3A_9, %mul3A_8 : i32
    %barrier3A = arith.constant 0 : index
    tpu.barrier barrier_id(%barrier3A)
    %add3A_11 = arith.constant 0 : i32
    %add3A_12 = arith.addi %mul3A_6, %add3A_11 : i32
    %dma_start3A = arith.constant 0 : i32
    %dma_start3A_13 = arith.constant 0 : i32
    %dma_start3A_14 = arith.constant 0 : i32
    %dma_start3A_15 = tpu.memref_slice %arg6[%dma_start3A, %dma_start3A_14] : memref<4x80xi32, #tpu.memory_space<vmem>> -> memref<1x80xi32, #tpu.memory_space<vmem>>
    %dma_start3A_16 = tpu.memref_squeeze %dma_start3A_15 : memref<1x80xi32, #tpu.memory_space<vmem>> -> memref<80xi32, #tpu.memory_space<vmem>>
    %dma_start3A_17 = tpu.memref_slice %arg4[%add3A_12] : memref<640000xi32, #tpu.memory_space<hbm>> -> memref<80xi32, #tpu.memory_space<hbm>>
    %dma_start3A_18 = tpu.memref_slice %arg10[%dma_start3A_13] : memref<4x!tpu.dma_semaphore, #tpu.memory_space<semaphore_mem>> -> memref<1x!tpu.dma_semaphore, #tpu.memory_space<semaphore_mem>>
    %dma_start3A_19 = tpu.memref_squeeze %dma_start3A_18 : memref<1x!tpu.dma_semaphore, #tpu.memory_space<semaphore_mem>> -> memref<!tpu.dma_semaphore, #tpu.memory_space<semaphore_mem>>
    %dma_start3A_20 = arith.constant 0 : i32
    %dma_start3A_21 = tpu.memref_slice %arg6[%dma_start3A, %dma_start3A_20] : memref<4x80xi32, #tpu.memory_space<vmem>> -> memref<1x80xi32, #tpu.memory_space<vmem>>
    %dma_start3A_22 = tpu.memref_squeeze %dma_start3A_21 : memref<1x80xi32, #tpu.memory_space<vmem>> -> memref<80xi32, #tpu.memory_space<vmem>>
    %dma_start3A_23 = tpu.memref_slice %arg4[%add3A_12] : memref<640000xi32, #tpu.memory_space<hbm>> -> memref<80xi32, #tpu.memory_space<hbm>>
    tpu.enqueue_dma source(%dma_start3A_23 : memref<80xi32, #tpu.memory_space<hbm>>) target(%dma_start3A_22 : memref<80xi32, #tpu.memory_space<vmem>>) target_semaphore(%dma_start3A_19 : memref<!tpu.dma_semaphore, #tpu.memory_space<semaphore_mem>>)
    %add3A_24 = arith.constant 0 : i32
    %add3A_25 = arith.addi %add3A_10, %add3A_24 : i32
    %dma_start3A_26 = arith.constant 0 : i32
    %dma_start3A_27 = arith.constant 0 : i32
    %dma_start3A_28 = arith.constant 0 : i32
    %dma_start3A_29 = tpu.memref_slice %arg7[%dma_start3A_26, %dma_start3A_28] : memref<4x80xi32, #tpu.memory_space<vmem>> -> memref<1x80xi32, #tpu.memory_space<vmem>>
    %dma_start3A_30 = tpu.memref_squeeze %dma_start3A_29 : memref<1x80xi32, #tpu.memory_space<vmem>> -> memref<80xi32, #tpu.memory_space<vmem>>
    %dma_start3A_31 = tpu.memref_slice %arg4[%add3A_25] : memref<640000xi32, #tpu.memory_space<hbm>> -> memref<80xi32, #tpu.memory_space<hbm>>
    %dma_start3A_32 = tpu.memref_slice %arg10[%dma_start3A_27] : memref<4x!tpu.dma_semaphore, #tpu.memory_space<semaphore_mem>> -> memref<1x!tpu.dma_semaphore, #tpu.memory_space<semaphore_mem>>
    %dma_start3A_33 = tpu.memref_squeeze %dma_start3A_32 : memref<1x!tpu.dma_semaphore, #tpu.memory_space<semaphore_mem>> -> memref<!tpu.dma_semaphore, #tpu.memory_space<semaphore_mem>>
    %dma_start3A_34 = arith.constant 0 : i32
    %dma_start3A_35 = tpu.memref_slice %arg7[%dma_start3A_26, %dma_start3A_34] : memref<4x80xi32, #tpu.memory_space<vmem>> -> memref<1x80xi32, #tpu.memory_space<vmem>>
    %dma_start3A_36 = tpu.memref_squeeze %dma_start3A_35 : memref<1x80xi32, #tpu.memory_space<vmem>> -> memref<80xi32, #tpu.memory_space<vmem>>
    %dma_start3A_37 = tpu.memref_slice %arg4[%add3A_25] : memref<640000xi32, #tpu.memory_space<hbm>> -> memref<80xi32, #tpu.memory_space<hbm>>
    tpu.enqueue_dma source(%dma_start3A_37 : memref<80xi32, #tpu.memory_space<hbm>>) target(%dma_start3A_36 : memref<80xi32, #tpu.memory_space<vmem>>) target_semaphore(%dma_start3A_33 : memref<!tpu.dma_semaphore, #tpu.memory_space<semaphore_mem>>)
    %dma_wait3A = arith.constant 0 : i32
    %dma_wait3A_38 = arith.constant 0 : i32
    %dma_wait3A_39 = arith.constant 0 : i32
    %dma_wait3A_40 = tpu.memref_slice %arg6[%dma_wait3A, %dma_wait3A_39] : memref<4x80xi32, #tpu.memory_space<vmem>> -> memref<1x80xi32, #tpu.memory_space<vmem>>
    %dma_wait3A_41 = tpu.memref_squeeze %dma_wait3A_40 : memref<1x80xi32, #tpu.memory_space<vmem>> -> memref<80xi32, #tpu.memory_space<vmem>>
    %dma_wait3A_42 = arith.constant 0 : i32
    %dma_wait3A_43 = tpu.memref_slice %arg4[%dma_wait3A_42] : memref<640000xi32, #tpu.memory_space<hbm>> -> memref<80xi32, #tpu.memory_space<hbm>>
    %dma_wait3A_44 = tpu.memref_slice %arg10[%dma_wait3A_38] : memref<4x!tpu.dma_semaphore, #tpu.memory_space<semaphore_mem>> -> memref<1x!tpu.dma_semaphore, #tpu.memory_space<semaphore_mem>>
    %dma_wait3A_45 = tpu.memref_squeeze %dma_wait3A_44 : memref<1x!tpu.dma_semaphore, #tpu.memory_space<semaphore_mem>> -> memref<!tpu.dma_semaphore, #tpu.memory_space<semaphore_mem>>
    %dma_wait3A_46 = arith.constant 0 : i32
    %dma_wait3A_47 = tpu.memref_slice %arg6[%dma_wait3A, %dma_wait3A_46] : memref<4x80xi32, #tpu.memory_space<vmem>> -> memref<1x80xi32, #tpu.memory_space<vmem>>
    %dma_wait3A_48 = tpu.memref_squeeze %dma_wait3A_47 : memref<1x80xi32, #tpu.memory_space<vmem>> -> memref<80xi32, #tpu.memory_space<vmem>>
    %dma_wait3A_49 = arith.constant 0 : i32
    %dma_wait3A_50 = tpu.memref_slice %arg4[%dma_wait3A_49] : memref<640000xi32, #tpu.memory_space<hbm>> -> memref<80xi32, #tpu.memory_space<hbm>>
    tpu.wait_dma2 semaphore(%dma_wait3A_45 : memref<!tpu.dma_semaphore, #tpu.memory_space<semaphore_mem>>) src(%dma_wait3A_50 : memref<80xi32, #tpu.memory_space<hbm>>) dst(%dma_wait3A_48 : memref<80xi32, #tpu.memory_space<vmem>>)
    %dma_wait3A_51 = arith.constant 0 : i32
    %dma_wait3A_52 = arith.constant 0 : i32
    %dma_wait3A_53 = arith.constant 0 : i32
    %dma_wait3A_54 = tpu.memref_slice %arg7[%dma_wait3A_51, %dma_wait3A_53] : memref<4x80xi32, #tpu.memory_space<vmem>> -> memref<1x80xi32, #tpu.memory_space<vmem>>
    %dma_wait3A_55 = tpu.memref_squeeze %dma_wait3A_54 : memref<1x80xi32, #tpu.memory_space<vmem>> -> memref<80xi32, #tpu.memory_space<vmem>>
    %dma_wait3A_56 = arith.constant 0 : i32
    %dma_wait3A_57 = tpu.memref_slice %arg4[%dma_wait3A_56] : memref<640000xi32, #tpu.memory_space<hbm>> -> memref<80xi32, #tpu.memory_space<hbm>>
    %dma_wait3A_58 = tpu.memref_slice %arg10[%dma_wait3A_52] : memref<4x!tpu.dma_semaphore, #tpu.memory_space<semaphore_mem>> -> memref<1x!tpu.dma_semaphore, #tpu.memory_space<semaphore_mem>>
    %dma_wait3A_59 = tpu.memref_squeeze %dma_wait3A_58 : memref<1x!tpu.dma_semaphore, #tpu.memory_space<semaphore_mem>> -> memref<!tpu.dma_semaphore, #tpu.memory_space<semaphore_mem>>
    %dma_wait3A_60 = arith.constant 0 : i32
    %dma_wait3A_61 = tpu.memref_slice %arg7[%dma_wait3A_51, %dma_wait3A_60] : memref<4x80xi32, #tpu.memory_space<vmem>> -> memref<1x80xi32, #tpu.memory_space<vmem>>
    %dma_wait3A_62 = tpu.memref_squeeze %dma_wait3A_61 : memref<1x80xi32, #tpu.memory_space<vmem>> -> memref<80xi32, #tpu.memory_space<vmem>>
    %dma_wait3A_63 = arith.constant 0 : i32
    %dma_wait3A_64 = tpu.memref_slice %arg4[%dma_wait3A_63] : memref<640000xi32, #tpu.memory_space<hbm>> -> memref<80xi32, #tpu.memory_space<hbm>>
    tpu.wait_dma2 semaphore(%dma_wait3A_59 : memref<!tpu.dma_semaphore, #tpu.memory_space<semaphore_mem>>) src(%dma_wait3A_64 : memref<80xi32, #tpu.memory_space<hbm>>) dst(%dma_wait3A_62 : memref<80xi32, #tpu.memory_space<vmem>>)
    %add3A_65 = arith.constant 80 : i32
    %add3A_66 = arith.addi %mul3A_6, %add3A_65 : i32
    %dma_start3A_67 = arith.constant 1 : i32
    %dma_start3A_68 = arith.constant 1 : i32
    %dma_start3A_69 = arith.constant 0 : i32
    %dma_start3A_70 = tpu.memref_slice %arg6[%dma_start3A_67, %dma_start3A_69] : memref<4x80xi32, #tpu.memory_space<vmem>> -> memref<1x80xi32, #tpu.memory_space<vmem>>
    %dma_start3A_71 = tpu.memref_squeeze %dma_start3A_70 : memref<1x80xi32, #tpu.memory_space<vmem>> -> memref<80xi32, #tpu.memory_space<vmem>>
    %dma_start3A_72 = tpu.memref_slice %arg4[%add3A_66] : memref<640000xi32, #tpu.memory_space<hbm>> -> memref<80xi32, #tpu.memory_space<hbm>>
    %dma_start3A_73 = tpu.memref_slice %arg10[%dma_start3A_68] : memref<4x!tpu.dma_semaphore, #tpu.memory_space<semaphore_mem>> -> memref<1x!tpu.dma_semaphore, #tpu.memory_space<semaphore_mem>>
    %dma_start3A_74 = tpu.memref_squeeze %dma_start3A_73 : memref<1x!tpu.dma_semaphore, #tpu.memory_space<semaphore_mem>> -> memref<!tpu.dma_semaphore, #tpu.memory_space<semaphore_mem>>
    %dma_start3A_75 = arith.constant 0 : i32
    %dma_start3A_76 = tpu.memref_slice %arg6[%dma_start3A_67, %dma_start3A_75] : memref<4x80xi32, #tpu.memory_space<vmem>> -> memref<1x80xi32, #tpu.memory_space<vmem>>
    %dma_start3A_77 = tpu.memref_squeeze %dma_start3A_76 : memref<1x80xi32, #tpu.memory_space<vmem>> -> memref<80xi32, #tpu.memory_space<vmem>>
    %dma_start3A_78 = tpu.memref_slice %arg4[%add3A_66] : memref<640000xi32, #tpu.memory_space<hbm>> -> memref<80xi32, #tpu.memory_space<hbm>>
    tpu.enqueue_dma source(%dma_start3A_78 : memref<80xi32, #tpu.memory_space<hbm>>) target(%dma_start3A_77 : memref<80xi32, #tpu.memory_space<vmem>>) target_semaphore(%dma_start3A_74 : memref<!tpu.dma_semaphore, #tpu.memory_space<semaphore_mem>>)
    %add3A_79 = arith.constant 80 : i32
    %add3A_80 = arith.addi %add3A_10, %add3A_79 : i32
    %dma_start3A_81 = arith.constant 1 : i32
    %dma_start3A_82 = arith.constant 1 : i32
    %dma_start3A_83 = arith.constant 0 : i32
    %dma_start3A_84 = tpu.memref_slice %arg7[%dma_start3A_81, %dma_start3A_83] : memref<4x80xi32, #tpu.memory_space<vmem>> -> memref<1x80xi32, #tpu.memory_space<vmem>>
    %dma_start3A_85 = tpu.memref_squeeze %dma_start3A_84 : memref<1x80xi32, #tpu.memory_space<vmem>> -> memref<80xi32, #tpu.memory_space<vmem>>
    %dma_start3A_86 = tpu.memref_slice %arg4[%add3A_80] : memref<640000xi32, #tpu.memory_space<hbm>> -> memref<80xi32, #tpu.memory_space<hbm>>
    %dma_start3A_87 = tpu.memref_slice %arg10[%dma_start3A_82] : memref<4x!tpu.dma_semaphore, #tpu.memory_space<semaphore_mem>> -> memref<1x!tpu.dma_semaphore, #tpu.memory_space<semaphore_mem>>
    %dma_start3A_88 = tpu.memref_squeeze %dma_start3A_87 : memref<1x!tpu.dma_semaphore, #tpu.memory_space<semaphore_mem>> -> memref<!tpu.dma_semaphore, #tpu.memory_space<semaphore_mem>>
    %dma_start3A_89 = arith.constant 0 : i32
    %dma_start3A_90 = tpu.memref_slice %arg7[%dma_start3A_81, %dma_start3A_89] : memref<4x80xi32, #tpu.memory_space<vmem>> -> memref<1x80xi32, #tpu.memory_space<vmem>>
    %dma_start3A_91 = tpu.memref_squeeze %dma_start3A_90 : memref<1x80xi32, #tpu.memory_space<vmem>> -> memref<80xi32, #tpu.memory_space<vmem>>
    %dma_start3A_92 = tpu.memref_slice %arg4[%add3A_80] : memref<640000xi32, #tpu.memory_space<hbm>> -> memref<80xi32, #tpu.memory_space<hbm>>
    tpu.enqueue_dma source(%dma_start3A_92 : memref<80xi32, #tpu.memory_space<hbm>>) target(%dma_start3A_91 : memref<80xi32, #tpu.memory_space<vmem>>) target_semaphore(%dma_start3A_88 : memref<!tpu.dma_semaphore, #tpu.memory_space<semaphore_mem>>)
    %dma_wait3A_93 = arith.constant 1 : i32
    %dma_wait3A_94 = arith.constant 1 : i32
    %dma_wait3A_95 = arith.constant 0 : i32
    %dma_wait3A_96 = tpu.memref_slice %arg6[%dma_wait3A_93, %dma_wait3A_95] : memref<4x80xi32, #tpu.memory_space<vmem>> -> memref<1x80xi32, #tpu.memory_space<vmem>>
    %dma_wait3A_97 = tpu.memref_squeeze %dma_wait3A_96 : memref<1x80xi32, #tpu.memory_space<vmem>> -> memref<80xi32, #tpu.memory_space<vmem>>
    %dma_wait3A_98 = arith.constant 0 : i32
    %dma_wait3A_99 = tpu.memref_slice %arg4[%dma_wait3A_98] : memref<640000xi32, #tpu.memory_space<hbm>> -> memref<80xi32, #tpu.memory_space<hbm>>
    %dma_wait3A_100 = tpu.memref_slice %arg10[%dma_wait3A_94] : memref<4x!tpu.dma_semaphore, #tpu.memory_space<semaphore_mem>> -> memref<1x!tpu.dma_semaphore, #tpu.memory_space<semaphore_mem>>
    %dma_wait3A_101 = tpu.memref_squeeze %dma_wait3A_100 : memref<1x!tpu.dma_semaphore, #tpu.memory_space<semaphore_mem>> -> memref<!tpu.dma_semaphore, #tpu.memory_space<semaphore_mem>>
    %dma_wait3A_102 = arith.constant 0 : i32
    %dma_wait3A_103 = tpu.memref_slice %arg6[%dma_wait3A_93, %dma_wait3A_102] : memref<4x80xi32, #tpu.memory_space<vmem>> -> memref<1x80xi32, #tpu.memory_space<vmem>>
    %dma_wait3A_104 = tpu.memref_squeeze %dma_wait3A_103 : memref<1x80xi32, #tpu.memory_space<vmem>> -> memref<80xi32, #tpu.memory_space<vmem>>
    %dma_wait3A_105 = arith.constant 0 : i32
    %dma_wait3A_106 = tpu.memref_slice %arg4[%dma_wait3A_105] : memref<640000xi32, #tpu.memory_space<hbm>> -> memref<80xi32, #tpu.memory_space<hbm>>
    tpu.wait_dma2 semaphore(%dma_wait3A_101 : memref<!tpu.dma_semaphore, #tpu.memory_space<semaphore_mem>>) src(%dma_wait3A_106 : memref<80xi32, #tpu.memory_space<hbm>>) dst(%dma_wait3A_104 : memref<80xi32, #tpu.memory_space<vmem>>)
    %dma_wait3A_107 = arith.constant 1 : i32
    %dma_wait3A_108 = arith.constant 1 : i32
    %dma_wait3A_109 = arith.constant 0 : i32
    %dma_wait3A_110 = tpu.memref_slice %arg7[%dma_wait3A_107, %dma_wait3A_109] : memref<4x80xi32, #tpu.memory_space<vmem>> -> memref<1x80xi32, #tpu.memory_space<vmem>>
    %dma_wait3A_111 = tpu.memref_squeeze %dma_wait3A_110 : memref<1x80xi32, #tpu.memory_space<vmem>> -> memref<80xi32, #tpu.memory_space<vmem>>
    %dma_wait3A_112 = arith.constant 0 : i32
    %dma_wait3A_113 = tpu.memref_slice %arg4[%dma_wait3A_112] : memref<640000xi32, #tpu.memory_space<hbm>> -> memref<80xi32, #tpu.memory_space<hbm>>
    %dma_wait3A_114 = tpu.memref_slice %arg10[%dma_wait3A_108] : memref<4x!tpu.dma_semaphore, #tpu.memory_space<semaphore_mem>> -> memref<1x!tpu.dma_semaphore, #tpu.memory_space<semaphore_mem>>
    %dma_wait3A_115 = tpu.memref_squeeze %dma_wait3A_114 : memref<1x!tpu.dma_semaphore, #tpu.memory_space<semaphore_mem>> -> memref<!tpu.dma_semaphore, #tpu.memory_space<semaphore_mem>>
    %dma_wait3A_116 = arith.constant 0 : i32
    %dma_wait3A_117 = tpu.memref_slice %arg7[%dma_wait3A_107, %dma_wait3A_116] : memref<4x80xi32, #tpu.memory_space<vmem>> -> memref<1x80xi32, #tpu.memory_space<vmem>>
    %dma_wait3A_118 = tpu.memref_squeeze %dma_wait3A_117 : memref<1x80xi32, #tpu.memory_space<vmem>> -> memref<80xi32, #tpu.memory_space<vmem>>
    %dma_wait3A_119 = arith.constant 0 : i32
    %dma_wait3A_120 = tpu.memref_slice %arg4[%dma_wait3A_119] : memref<640000xi32, #tpu.memory_space<hbm>> -> memref<80xi32, #tpu.memory_space<hbm>>
    tpu.wait_dma2 semaphore(%dma_wait3A_115 : memref<!tpu.dma_semaphore, #tpu.memory_space<semaphore_mem>>) src(%dma_wait3A_120 : memref<80xi32, #tpu.memory_space<hbm>>) dst(%dma_wait3A_118 : memref<80xi32, #tpu.memory_space<vmem>>)
    %dma_start3A_121 = arith.constant 0 : i32
    %dma_start3A_122 = arith.constant 0 : i32
    %dma_start3A_123 = arith.constant 0 : i32
    %dma_start3A_124 = arith.constant 0 : i32
    %dma_start3A_125 = arith.constant 0 : i32
    %dma_start3A_126 = tpu.memref_slice %arg8[%dma_start3A_122, %dma_start3A_124, %dma_start3A_125] : memref<4x80x128xf32, #tpu.memory_space<vmem>> -> memref<1x80x128xf32, #tpu.memory_space<vmem>>
    %dma_start3A_127 = tpu.memref_squeeze %dma_start3A_126 : memref<1x80x128xf32, #tpu.memory_space<vmem>> -> memref<80x128xf32, #tpu.memory_space<vmem>>
    %dma_start3A_128 = arith.constant 0 : i32
    %dma_start3A_129 = tpu.memref_slice %arg6[%dma_start3A_121, %dma_start3A_128] : memref<4x80xi32, #tpu.memory_space<vmem>> -> memref<1x80xi32, #tpu.memory_space<vmem>>
    %dma_start3A_130 = tpu.memref_squeeze %dma_start3A_129 : memref<1x80xi32, #tpu.memory_space<vmem>> -> memref<80xi32, #tpu.memory_space<vmem>>
    %dma_start3A_131 = arith.constant 0 : i32
    %dma_start3A_132 = arith.constant 0 : i32
    %dma_start3A_133 = tpu.memref_slice %arg2[%dma_start3A_131, %dma_start3A_132] : memref<10000x128xf32, #tpu.memory_space<hbm>> -> memref<10000x128xf32, #tpu.memory_space<hbm>>
    %dma_start3A_134 = tpu.memref_slice %arg11[%dma_start3A_123] : memref<4x!tpu.dma_semaphore, #tpu.memory_space<semaphore_mem>> -> memref<1x!tpu.dma_semaphore, #tpu.memory_space<semaphore_mem>>
    %dma_start3A_135 = tpu.memref_squeeze %dma_start3A_134 : memref<1x!tpu.dma_semaphore, #tpu.memory_space<semaphore_mem>> -> memref<!tpu.dma_semaphore, #tpu.memory_space<semaphore_mem>>
    tpu.enqueue_indirect_dma source(%dma_start3A_133 : memref<10000x128xf32, #tpu.memory_space<hbm>>) target(%dma_start3A_127 : memref<80x128xf32, #tpu.memory_space<vmem>>) offsets(%dma_start3A_130 : memref<80xi32, #tpu.memory_space<vmem>>) semaphore(%dma_start3A_135 : memref<!tpu.dma_semaphore, #tpu.memory_space<semaphore_mem>>)
    %dma_start3A_136 = arith.constant 1 : i32
    %dma_start3A_137 = arith.constant 1 : i32
    %dma_start3A_138 = arith.constant 1 : i32
    %dma_start3A_139 = arith.constant 0 : i32
    %dma_start3A_140 = arith.constant 0 : i32
    %dma_start3A_141 = tpu.memref_slice %arg8[%dma_start3A_137, %dma_start3A_139, %dma_start3A_140] : memref<4x80x128xf32, #tpu.memory_space<vmem>> -> memref<1x80x128xf32, #tpu.memory_space<vmem>>
    %dma_start3A_142 = tpu.memref_squeeze %dma_start3A_141 : memref<1x80x128xf32, #tpu.memory_space<vmem>> -> memref<80x128xf32, #tpu.memory_space<vmem>>
    %dma_start3A_143 = arith.constant 0 : i32
    %dma_start3A_144 = tpu.memref_slice %arg6[%dma_start3A_136, %dma_start3A_143] : memref<4x80xi32, #tpu.memory_space<vmem>> -> memref<1x80xi32, #tpu.memory_space<vmem>>
    %dma_start3A_145 = tpu.memref_squeeze %dma_start3A_144 : memref<1x80xi32, #tpu.memory_space<vmem>> -> memref<80xi32, #tpu.memory_space<vmem>>
    %dma_start3A_146 = arith.constant 0 : i32
    %dma_start3A_147 = arith.constant 0 : i32
    %dma_start3A_148 = tpu.memref_slice %arg2[%dma_start3A_146, %dma_start3A_147] : memref<10000x128xf32, #tpu.memory_space<hbm>> -> memref<10000x128xf32, #tpu.memory_space<hbm>>
    %dma_start3A_149 = tpu.memref_slice %arg11[%dma_start3A_138] : memref<4x!tpu.dma_semaphore, #tpu.memory_space<semaphore_mem>> -> memref<1x!tpu.dma_semaphore, #tpu.memory_space<semaphore_mem>>
    %dma_start3A_150 = tpu.memref_squeeze %dma_start3A_149 : memref<1x!tpu.dma_semaphore, #tpu.memory_space<semaphore_mem>> -> memref<!tpu.dma_semaphore, #tpu.memory_space<semaphore_mem>>
    tpu.enqueue_indirect_dma source(%dma_start3A_148 : memref<10000x128xf32, #tpu.memory_space<hbm>>) target(%dma_start3A_142 : memref<80x128xf32, #tpu.memory_space<vmem>>) offsets(%dma_start3A_145 : memref<80xi32, #tpu.memory_space<vmem>>) semaphore(%dma_start3A_150 : memref<!tpu.dma_semaphore, #tpu.memory_space<semaphore_mem>>)
    %scan3A = arith.constant 0 : i32
    %scan3A_151 = arith.constant 0 : i32
    %scan3A_152 = arith.constant 31 : i32
    %scan3A_153 = arith.addi %scan3A_151, %scan3A_152 : i32
    %scan3A_154 = arith.constant 1 : i32
    scf.for %scan3A_267 = %scan3A_151 to %scan3A_153 step %scan3A_154  : i32 {
      %dma_wait3A_268 = arith.constant 0 : i32
      %dma_wait3A_269 = arith.constant 0 : i32
      %dma_wait3A_270 = arith.constant 0 : i32
      %dma_wait3A_271 = arith.constant 0 : i32
      %dma_wait3A_272 = tpu.memref_slice %arg8[%dma_wait3A_268, %dma_wait3A_270, %dma_wait3A_271] : memref<4x80x128xf32, #tpu.memory_space<vmem>> -> memref<1x80x128xf32, #tpu.memory_space<vmem>>
      %dma_wait3A_273 = tpu.memref_squeeze %dma_wait3A_272 : memref<1x80x128xf32, #tpu.memory_space<vmem>> -> memref<80x128xf32, #tpu.memory_space<vmem>>
      %dma_wait3A_274 = arith.constant 0 : i32
      %dma_wait3A_275 = arith.constant 0 : i32
      %dma_wait3A_276 = tpu.memref_slice %arg2[%dma_wait3A_274, %dma_wait3A_275] : memref<10000x128xf32, #tpu.memory_space<hbm>> -> memref<80x128xf32, #tpu.memory_space<hbm>>
      %dma_wait3A_277 = tpu.memref_slice %arg11[%dma_wait3A_269] : memref<4x!tpu.dma_semaphore, #tpu.memory_space<semaphore_mem>> -> memref<1x!tpu.dma_semaphore, #tpu.memory_space<semaphore_mem>>
      %dma_wait3A_278 = tpu.memref_squeeze %dma_wait3A_277 : memref<1x!tpu.dma_semaphore, #tpu.memory_space<semaphore_mem>> -> memref<!tpu.dma_semaphore, #tpu.memory_space<semaphore_mem>>
      %dma_wait3A_279 = arith.constant 0 : i32
      %dma_wait3A_280 = arith.constant 0 : i32
      %dma_wait3A_281 = tpu.memref_slice %arg8[%dma_wait3A_268, %dma_wait3A_279, %dma_wait3A_280] : memref<4x80x128xf32, #tpu.memory_space<vmem>> -> memref<1x80x128xf32, #tpu.memory_space<vmem>>
      %dma_wait3A_282 = tpu.memref_squeeze %dma_wait3A_281 : memref<1x80x128xf32, #tpu.memory_space<vmem>> -> memref<80x128xf32, #tpu.memory_space<vmem>>
      %dma_wait3A_283 = arith.constant 0 : i32
      %dma_wait3A_284 = arith.constant 0 : i32
      %dma_wait3A_285 = tpu.memref_slice %arg2[%dma_wait3A_283, %dma_wait3A_284] : memref<10000x128xf32, #tpu.memory_space<hbm>> -> memref<80x128xf32, #tpu.memory_space<hbm>>
      tpu.wait_dma2 semaphore(%dma_wait3A_278 : memref<!tpu.dma_semaphore, #tpu.memory_space<semaphore_mem>>) src(%dma_wait3A_285 : memref<80x128xf32, #tpu.memory_space<hbm>>) dst(%dma_wait3A_282 : memref<80x128xf32, #tpu.memory_space<vmem>>)
      %dma_wait3A_286 = arith.constant 1 : i32
      %dma_wait3A_287 = arith.constant 1 : i32
      %dma_wait3A_288 = arith.constant 0 : i32
      %dma_wait3A_289 = arith.constant 0 : i32
      %dma_wait3A_290 = tpu.memref_slice %arg8[%dma_wait3A_286, %dma_wait3A_288, %dma_wait3A_289] : memref<4x80x128xf32, #tpu.memory_space<vmem>> -> memref<1x80x128xf32, #tpu.memory_space<vmem>>
      %dma_wait3A_291 = tpu.memref_squeeze %dma_wait3A_290 : memref<1x80x128xf32, #tpu.memory_space<vmem>> -> memref<80x128xf32, #tpu.memory_space<vmem>>
      %dma_wait3A_292 = arith.constant 0 : i32
      %dma_wait3A_293 = arith.constant 0 : i32
      %dma_wait3A_294 = tpu.memref_slice %arg2[%dma_wait3A_292, %dma_wait3A_293] : memref<10000x128xf32, #tpu.memory_space<hbm>> -> memref<80x128xf32, #tpu.memory_space<hbm>>
      %dma_wait3A_295 = tpu.memref_slice %arg11[%dma_wait3A_287] : memref<4x!tpu.dma_semaphore, #tpu.memory_space<semaphore_mem>> -> memref<1x!tpu.dma_semaphore, #tpu.memory_space<semaphore_mem>>
      %dma_wait3A_296 = tpu.memref_squeeze %dma_wait3A_295 : memref<1x!tpu.dma_semaphore, #tpu.memory_space<semaphore_mem>> -> memref<!tpu.dma_semaphore, #tpu.memory_space<semaphore_mem>>
      %dma_wait3A_297 = arith.constant 0 : i32
      %dma_wait3A_298 = arith.constant 0 : i32
      %dma_wait3A_299 = tpu.memref_slice %arg8[%dma_wait3A_286, %dma_wait3A_297, %dma_wait3A_298] : memref<4x80x128xf32, #tpu.memory_space<vmem>> -> memref<1x80x128xf32, #tpu.memory_space<vmem>>
      %dma_wait3A_300 = tpu.memref_squeeze %dma_wait3A_299 : memref<1x80x128xf32, #tpu.memory_space<vmem>> -> memref<80x128xf32, #tpu.memory_space<vmem>>
      %dma_wait3A_301 = arith.constant 0 : i32
      %dma_wait3A_302 = arith.constant 0 : i32
      %dma_wait3A_303 = tpu.memref_slice %arg2[%dma_wait3A_301, %dma_wait3A_302] : memref<10000x128xf32, #tpu.memory_space<hbm>> -> memref<80x128xf32, #tpu.memory_space<hbm>>
      tpu.wait_dma2 semaphore(%dma_wait3A_296 : memref<!tpu.dma_semaphore, #tpu.memory_space<semaphore_mem>>) src(%dma_wait3A_303 : memref<80x128xf32, #tpu.memory_space<hbm>>) dst(%dma_wait3A_300 : memref<80x128xf32, #tpu.memory_space<vmem>>)
      %dma_start3A_304 = arith.constant 0 : i32
      %dma_start3A_305 = arith.constant 0 : i32
      %dma_start3A_306 = arith.constant 0 : i32
      %dma_start3A_307 = arith.constant 0 : i32
      %dma_start3A_308 = arith.constant 0 : i32
      %dma_start3A_309 = tpu.memref_slice %arg8[%dma_start3A_304, %dma_start3A_307, %dma_start3A_308] : memref<4x80x128xf32, #tpu.memory_space<vmem>> -> memref<1x80x128xf32, #tpu.memory_space<vmem>>
      %dma_start3A_310 = tpu.memref_squeeze %dma_start3A_309 : memref<1x80x128xf32, #tpu.memory_space<vmem>> -> memref<80x128xf32, #tpu.memory_space<vmem>>
      %dma_start3A_311 = arith.constant 0 : i32
      %dma_start3A_312 = tpu.memref_slice %arg7[%dma_start3A_305, %dma_start3A_311] : memref<4x80xi32, #tpu.memory_space<vmem>> -> memref<1x80xi32, #tpu.memory_space<vmem>>
      %dma_start3A_313 = tpu.memref_squeeze %dma_start3A_312 : memref<1x80xi32, #tpu.memory_space<vmem>> -> memref<80xi32, #tpu.memory_space<vmem>>
      %dma_start3A_314 = arith.constant 0 : i32
      %dma_start3A_315 = arith.constant 0 : i32
      %dma_start3A_316 = tpu.memref_slice %arg9[%dma_start3A_314, %dma_start3A_315] : memref<10000x128xf32, #tpu.memory_space<vmem_shared>> -> memref<10000x128xf32, #tpu.memory_space<vmem_shared>>
      %dma_start3A_317 = tpu.memref_slice %arg12[%dma_start3A_306] : memref<4x!tpu.dma_semaphore, #tpu.memory_space<semaphore_mem>> -> memref<1x!tpu.dma_semaphore, #tpu.memory_space<semaphore_mem>>
      %dma_start3A_318 = tpu.memref_squeeze %dma_start3A_317 : memref<1x!tpu.dma_semaphore, #tpu.memory_space<semaphore_mem>> -> memref<!tpu.dma_semaphore, #tpu.memory_space<semaphore_mem>>
      tpu.enqueue_indirect_dma source(%dma_start3A_310 : memref<80x128xf32, #tpu.memory_space<vmem>>) target(%dma_start3A_316 : memref<10000x128xf32, #tpu.memory_space<vmem_shared>>) offsets(%dma_start3A_313 : memref<80xi32, #tpu.memory_space<vmem>>) semaphore(%dma_start3A_318 : memref<!tpu.dma_semaphore, #tpu.memory_space<semaphore_mem>>) {add = true}
      %dma_start3A_319 = arith.constant 1 : i32
      %dma_start3A_320 = arith.constant 1 : i32
      %dma_start3A_321 = arith.constant 1 : i32
      %dma_start3A_322 = arith.constant 0 : i32
      %dma_start3A_323 = arith.constant 0 : i32
      %dma_start3A_324 = tpu.memref_slice %arg8[%dma_start3A_319, %dma_start3A_322, %dma_start3A_323] : memref<4x80x128xf32, #tpu.memory_space<vmem>> -> memref<1x80x128xf32, #tpu.memory_space<vmem>>
      %dma_start3A_325 = tpu.memref_squeeze %dma_start3A_324 : memref<1x80x128xf32, #tpu.memory_space<vmem>> -> memref<80x128xf32, #tpu.memory_space<vmem>>
      %dma_start3A_326 = arith.constant 0 : i32
      %dma_start3A_327 = tpu.memref_slice %arg7[%dma_start3A_320, %dma_start3A_326] : memref<4x80xi32, #tpu.memory_space<vmem>> -> memref<1x80xi32, #tpu.memory_space<vmem>>
      %dma_start3A_328 = tpu.memref_squeeze %dma_start3A_327 : memref<1x80xi32, #tpu.memory_space<vmem>> -> memref<80xi32, #tpu.memory_space<vmem>>
      %dma_start3A_329 = arith.constant 0 : i32
      %dma_start3A_330 = arith.constant 0 : i32
      %dma_start3A_331 = tpu.memref_slice %arg9[%dma_start3A_329, %dma_start3A_330] : memref<10000x128xf32, #tpu.memory_space<vmem_shared>> -> memref<10000x128xf32, #tpu.memory_space<vmem_shared>>
      %dma_start3A_332 = tpu.memref_slice %arg12[%dma_start3A_321] : memref<4x!tpu.dma_semaphore, #tpu.memory_space<semaphore_mem>> -> memref<1x!tpu.dma_semaphore, #tpu.memory_space<semaphore_mem>>
      %dma_start3A_333 = tpu.memref_squeeze %dma_start3A_332 : memref<1x!tpu.dma_semaphore, #tpu.memory_space<semaphore_mem>> -> memref<!tpu.dma_semaphore, #tpu.memory_space<semaphore_mem>>
      tpu.enqueue_indirect_dma source(%dma_start3A_325 : memref<80x128xf32, #tpu.memory_space<vmem>>) target(%dma_start3A_331 : memref<10000x128xf32, #tpu.memory_space<vmem_shared>>) offsets(%dma_start3A_328 : memref<80xi32, #tpu.memory_space<vmem>>) semaphore(%dma_start3A_333 : memref<!tpu.dma_semaphore, #tpu.memory_space<semaphore_mem>>) {add = true}
      %gt3A = arith.constant 0 : i32
      %gt3A_334 = arith.cmpi sgt, %scan3A_267, %gt3A : i32
      %convert_element_type3A_335 = arith.extui %gt3A_334 : i1 to i32
      %cond3A_336 = arith.constant 0 : i32
      %cond3A_337 = arith.cmpi ne, %convert_element_type3A_335, %cond3A_336 : i32
      scf.if %cond3A_337 {
        %dma_wait3A_757 = arith.constant 2 : i32
        %dma_wait3A_758 = arith.constant 2 : i32
        %dma_wait3A_759 = arith.constant 0 : i32
        %dma_wait3A_760 = arith.constant 0 : i32
        %dma_wait3A_761 = tpu.memref_slice %arg8[%dma_wait3A_757, %dma_wait3A_759, %dma_wait3A_760] : memref<4x80x128xf32, #tpu.memory_space<vmem>> -> memref<1x80x128xf32, #tpu.memory_space<vmem>>
        %dma_wait3A_762 = tpu.memref_squeeze %dma_wait3A_761 : memref<1x80x128xf32, #tpu.memory_space<vmem>> -> memref<80x128xf32, #tpu.memory_space<vmem>>
        %dma_wait3A_763 = arith.constant 0 : i32
        %dma_wait3A_764 = arith.constant 0 : i32
        %dma_wait3A_765 = tpu.memref_slice %arg2[%dma_wait3A_763, %dma_wait3A_764] : memref<10000x128xf32, #tpu.memory_space<hbm>> -> memref<80x128xf32, #tpu.memory_space<hbm>>
        %dma_wait3A_766 = tpu.memref_slice %arg12[%dma_wait3A_758] : memref<4x!tpu.dma_semaphore, #tpu.memory_space<semaphore_mem>> -> memref<1x!tpu.dma_semaphore, #tpu.memory_space<semaphore_mem>>
        %dma_wait3A_767 = tpu.memref_squeeze %dma_wait3A_766 : memref<1x!tpu.dma_semaphore, #tpu.memory_space<semaphore_mem>> -> memref<!tpu.dma_semaphore, #tpu.memory_space<semaphore_mem>>
        %dma_wait3A_768 = arith.constant 0 : i32
        %dma_wait3A_769 = arith.constant 0 : i32
        %dma_wait3A_770 = tpu.memref_slice %arg8[%dma_wait3A_757, %dma_wait3A_768, %dma_wait3A_769] : memref<4x80x128xf32, #tpu.memory_space<vmem>> -> memref<1x80x128xf32, #tpu.memory_space<vmem>>
        %dma_wait3A_771 = tpu.memref_squeeze %dma_wait3A_770 : memref<1x80x128xf32, #tpu.memory_space<vmem>> -> memref<80x128xf32, #tpu.memory_space<vmem>>
        %dma_wait3A_772 = arith.constant 0 : i32
        %dma_wait3A_773 = arith.constant 0 : i32
        %dma_wait3A_774 = tpu.memref_slice %arg2[%dma_wait3A_772, %dma_wait3A_773] : memref<10000x128xf32, #tpu.memory_space<hbm>> -> memref<80x128xf32, #tpu.memory_space<hbm>>
        tpu.wait_dma2 semaphore(%dma_wait3A_767 : memref<!tpu.dma_semaphore, #tpu.memory_space<semaphore_mem>>) src(%dma_wait3A_774 : memref<80x128xf32, #tpu.memory_space<hbm>>) dst(%dma_wait3A_771 : memref<80x128xf32, #tpu.memory_space<vmem>>)
        %dma_wait3A_775 = arith.constant 3 : i32
        %dma_wait3A_776 = arith.constant 3 : i32
        %dma_wait3A_777 = arith.constant 0 : i32
        %dma_wait3A_778 = arith.constant 0 : i32
        %dma_wait3A_779 = tpu.memref_slice %arg8[%dma_wait3A_775, %dma_wait3A_777, %dma_wait3A_778] : memref<4x80x128xf32, #tpu.memory_space<vmem>> -> memref<1x80x128xf32, #tpu.memory_space<vmem>>
        %dma_wait3A_780 = tpu.memref_squeeze %dma_wait3A_779 : memref<1x80x128xf32, #tpu.memory_space<vmem>> -> memref<80x128xf32, #tpu.memory_space<vmem>>
        %dma_wait3A_781 = arith.constant 0 : i32
        %dma_wait3A_782 = arith.constant 0 : i32
        %dma_wait3A_783 = tpu.memref_slice %arg2[%dma_wait3A_781, %dma_wait3A_782] : memref<10000x128xf32, #tpu.memory_space<hbm>> -> memref<80x128xf32, #tpu.memory_space<hbm>>
        %dma_wait3A_784 = tpu.memref_slice %arg12[%dma_wait3A_776] : memref<4x!tpu.dma_semaphore, #tpu.memory_space<semaphore_mem>> -> memref<1x!tpu.dma_semaphore, #tpu.memory_space<semaphore_mem>>
        %dma_wait3A_785 = tpu.memref_squeeze %dma_wait3A_784 : memref<1x!tpu.dma_semaphore, #tpu.memory_space<semaphore_mem>> -> memref<!tpu.dma_semaphore, #tpu.memory_space<semaphore_mem>>
        %dma_wait3A_786 = arith.constant 0 : i32
        %dma_wait3A_787 = arith.constant 0 : i32
        %dma_wait3A_788 = tpu.memref_slice %arg8[%dma_wait3A_775, %dma_wait3A_786, %dma_wait3A_787] : memref<4x80x128xf32, #tpu.memory_space<vmem>> -> memref<1x80x128xf32, #tpu.memory_space<vmem>>
        %dma_wait3A_789 = tpu.memref_squeeze %dma_wait3A_788 : memref<1x80x128xf32, #tpu.memory_space<vmem>> -> memref<80x128xf32, #tpu.memory_space<vmem>>
        %dma_wait3A_790 = arith.constant 0 : i32
        %dma_wait3A_791 = arith.constant 0 : i32
        %dma_wait3A_792 = tpu.memref_slice %arg2[%dma_wait3A_790, %dma_wait3A_791] : memref<10000x128xf32, #tpu.memory_space<hbm>> -> memref<80x128xf32, #tpu.memory_space<hbm>>
        tpu.wait_dma2 semaphore(%dma_wait3A_785 : memref<!tpu.dma_semaphore, #tpu.memory_space<semaphore_mem>>) src(%dma_wait3A_792 : memref<80x128xf32, #tpu.memory_space<hbm>>) dst(%dma_wait3A_789 : memref<80x128xf32, #tpu.memory_space<vmem>>)
      } else {
      }
      %mul3A_338 = arith.constant 2 : i32
      %mul3A_339 = arith.muli %mul3A_338, %scan3A_267 : i32
      %add3A_340 = arith.constant 1 : i32
      %add3A_341 = arith.addi %mul3A_339, %add3A_340 : i32
      %mul3A_342 = arith.constant 2 : i32
      %mul3A_343 = arith.muli %mul3A_342, %add3A_341 : i32
      %add3A_344 = arith.constant 0 : i32
      %add3A_345 = arith.addi %mul3A_343, %add3A_344 : i32
      %mul3A_346 = arith.constant 80 : i32
      %mul3A_347 = arith.muli %add3A_345, %mul3A_346 : i32
      %add3A_348 = arith.addi %mul3A_6, %mul3A_347 : i32
      %dma_start3A_349 = arith.constant 2 : i32
      %dma_start3A_350 = arith.constant 2 : i32
      %dma_start3A_351 = arith.constant 0 : i32
      %dma_start3A_352 = tpu.memref_slice %arg6[%dma_start3A_349, %dma_start3A_351] : memref<4x80xi32, #tpu.memory_space<vmem>> -> memref<1x80xi32, #tpu.memory_space<vmem>>
      %dma_start3A_353 = tpu.memref_squeeze %dma_start3A_352 : memref<1x80xi32, #tpu.memory_space<vmem>> -> memref<80xi32, #tpu.memory_space<vmem>>
      %dma_start3A_354 = tpu.memref_slice %arg4[%add3A_348] : memref<640000xi32, #tpu.memory_space<hbm>> -> memref<80xi32, #tpu.memory_space<hbm>>
      %dma_start3A_355 = tpu.memref_slice %arg10[%dma_start3A_350] : memref<4x!tpu.dma_semaphore, #tpu.memory_space<semaphore_mem>> -> memref<1x!tpu.dma_semaphore, #tpu.memory_space<semaphore_mem>>
      %dma_start3A_356 = tpu.memref_squeeze %dma_start3A_355 : memref<1x!tpu.dma_semaphore, #tpu.memory_space<semaphore_mem>> -> memref<!tpu.dma_semaphore, #tpu.memory_space<semaphore_mem>>
      %dma_start3A_357 = arith.constant 0 : i32
      %dma_start3A_358 = tpu.memref_slice %arg6[%dma_start3A_349, %dma_start3A_357] : memref<4x80xi32, #tpu.memory_space<vmem>> -> memref<1x80xi32, #tpu.memory_space<vmem>>
      %dma_start3A_359 = tpu.memref_squeeze %dma_start3A_358 : memref<1x80xi32, #tpu.memory_space<vmem>> -> memref<80xi32, #tpu.memory_space<vmem>>
      %dma_start3A_360 = tpu.memref_slice %arg4[%add3A_348] : memref<640000xi32, #tpu.memory_space<hbm>> -> memref<80xi32, #tpu.memory_space<hbm>>
      tpu.enqueue_dma source(%dma_start3A_360 : memref<80xi32, #tpu.memory_space<hbm>>) target(%dma_start3A_359 : memref<80xi32, #tpu.memory_space<vmem>>) target_semaphore(%dma_start3A_356 : memref<!tpu.dma_semaphore, #tpu.memory_space<semaphore_mem>>)
      %mul3A_361 = arith.constant 80 : i32
      %mul3A_362 = arith.muli %add3A_345, %mul3A_361 : i32
      %add3A_363 = arith.addi %add3A_10, %mul3A_362 : i32
      %dma_start3A_364 = arith.constant 2 : i32
      %dma_start3A_365 = arith.constant 2 : i32
      %dma_start3A_366 = arith.constant 0 : i32
      %dma_start3A_367 = tpu.memref_slice %arg7[%dma_start3A_364, %dma_start3A_366] : memref<4x80xi32, #tpu.memory_space<vmem>> -> memref<1x80xi32, #tpu.memory_space<vmem>>
      %dma_start3A_368 = tpu.memref_squeeze %dma_start3A_367 : memref<1x80xi32, #tpu.memory_space<vmem>> -> memref<80xi32, #tpu.memory_space<vmem>>
      %dma_start3A_369 = tpu.memref_slice %arg4[%add3A_363] : memref<640000xi32, #tpu.memory_space<hbm>> -> memref<80xi32, #tpu.memory_space<hbm>>
      %dma_start3A_370 = tpu.memref_slice %arg10[%dma_start3A_365] : memref<4x!tpu.dma_semaphore, #tpu.memory_space<semaphore_mem>> -> memref<1x!tpu.dma_semaphore, #tpu.memory_space<semaphore_mem>>
      %dma_start3A_371 = tpu.memref_squeeze %dma_start3A_370 : memref<1x!tpu.dma_semaphore, #tpu.memory_space<semaphore_mem>> -> memref<!tpu.dma_semaphore, #tpu.memory_space<semaphore_mem>>
      %dma_start3A_372 = arith.constant 0 : i32
      %dma_start3A_373 = tpu.memref_slice %arg7[%dma_start3A_364, %dma_start3A_372] : memref<4x80xi32, #tpu.memory_space<vmem>> -> memref<1x80xi32, #tpu.memory_space<vmem>>
      %dma_start3A_374 = tpu.memref_squeeze %dma_start3A_373 : memref<1x80xi32, #tpu.memory_space<vmem>> -> memref<80xi32, #tpu.memory_space<vmem>>
      %dma_start3A_375 = tpu.memref_slice %arg4[%add3A_363] : memref<640000xi32, #tpu.memory_space<hbm>> -> memref<80xi32, #tpu.memory_space<hbm>>
      tpu.enqueue_dma source(%dma_start3A_375 : memref<80xi32, #tpu.memory_space<hbm>>) target(%dma_start3A_374 : memref<80xi32, #tpu.memory_space<vmem>>) target_semaphore(%dma_start3A_371 : memref<!tpu.dma_semaphore, #tpu.memory_space<semaphore_mem>>)
      %dma_wait3A_376 = arith.constant 2 : i32
      %dma_wait3A_377 = arith.constant 2 : i32
      %dma_wait3A_378 = arith.constant 0 : i32
      %dma_wait3A_379 = tpu.memref_slice %arg6[%dma_wait3A_376, %dma_wait3A_378] : memref<4x80xi32, #tpu.memory_space<vmem>> -> memref<1x80xi32, #tpu.memory_space<vmem>>
      %dma_wait3A_380 = tpu.memref_squeeze %dma_wait3A_379 : memref<1x80xi32, #tpu.memory_space<vmem>> -> memref<80xi32, #tpu.memory_space<vmem>>
      %dma_wait3A_381 = arith.constant 0 : i32
      %dma_wait3A_382 = tpu.memref_slice %arg4[%dma_wait3A_381] : memref<640000xi32, #tpu.memory_space<hbm>> -> memref<80xi32, #tpu.memory_space<hbm>>
      %dma_wait3A_383 = tpu.memref_slice %arg10[%dma_wait3A_377] : memref<4x!tpu.dma_semaphore, #tpu.memory_space<semaphore_mem>> -> memref<1x!tpu.dma_semaphore, #tpu.memory_space<semaphore_mem>>
      %dma_wait3A_384 = tpu.memref_squeeze %dma_wait3A_383 : memref<1x!tpu.dma_semaphore, #tpu.memory_space<semaphore_mem>> -> memref<!tpu.dma_semaphore, #tpu.memory_space<semaphore_mem>>
      %dma_wait3A_385 = arith.constant 0 : i32
      %dma_wait3A_386 = tpu.memref_slice %arg6[%dma_wait3A_376, %dma_wait3A_385] : memref<4x80xi32, #tpu.memory_space<vmem>> -> memref<1x80xi32, #tpu.memory_space<vmem>>
      %dma_wait3A_387 = tpu.memref_squeeze %dma_wait3A_386 : memref<1x80xi32, #tpu.memory_space<vmem>> -> memref<80xi32, #tpu.memory_space<vmem>>
      %dma_wait3A_388 = arith.constant 0 : i32
      %dma_wait3A_389 = tpu.memref_slice %arg4[%dma_wait3A_388] : memref<640000xi32, #tpu.memory_space<hbm>> -> memref<80xi32, #tpu.memory_space<hbm>>
      tpu.wait_dma2 semaphore(%dma_wait3A_384 : memref<!tpu.dma_semaphore, #tpu.memory_space<semaphore_mem>>) src(%dma_wait3A_389 : memref<80xi32, #tpu.memory_space<hbm>>) dst(%dma_wait3A_387 : memref<80xi32, #tpu.memory_space<vmem>>)
      %dma_wait3A_390 = arith.constant 2 : i32
      %dma_wait3A_391 = arith.constant 2 : i32
      %dma_wait3A_392 = arith.constant 0 : i32
      %dma_wait3A_393 = tpu.memref_slice %arg7[%dma_wait3A_390, %dma_wait3A_392] : memref<4x80xi32, #tpu.memory_space<vmem>> -> memref<1x80xi32, #tpu.memory_space<vmem>>
      %dma_wait3A_394 = tpu.memref_squeeze %dma_wait3A_393 : memref<1x80xi32, #tpu.memory_space<vmem>> -> memref<80xi32, #tpu.memory_space<vmem>>
      %dma_wait3A_395 = arith.constant 0 : i32
      %dma_wait3A_396 = tpu.memref_slice %arg4[%dma_wait3A_395] : memref<640000xi32, #tpu.memory_space<hbm>> -> memref<80xi32, #tpu.memory_space<hbm>>
      %dma_wait3A_397 = tpu.memref_slice %arg10[%dma_wait3A_391] : memref<4x!tpu.dma_semaphore, #tpu.memory_space<semaphore_mem>> -> memref<1x!tpu.dma_semaphore, #tpu.memory_space<semaphore_mem>>
      %dma_wait3A_398 = tpu.memref_squeeze %dma_wait3A_397 : memref<1x!tpu.dma_semaphore, #tpu.memory_space<semaphore_mem>> -> memref<!tpu.dma_semaphore, #tpu.memory_space<semaphore_mem>>
      %dma_wait3A_399 = arith.constant 0 : i32
      %dma_wait3A_400 = tpu.memref_slice %arg7[%dma_wait3A_390, %dma_wait3A_399] : memref<4x80xi32, #tpu.memory_space<vmem>> -> memref<1x80xi32, #tpu.memory_space<vmem>>
      %dma_wait3A_401 = tpu.memref_squeeze %dma_wait3A_400 : memref<1x80xi32, #tpu.memory_space<vmem>> -> memref<80xi32, #tpu.memory_space<vmem>>
      %dma_wait3A_402 = arith.constant 0 : i32
      %dma_wait3A_403 = tpu.memref_slice %arg4[%dma_wait3A_402] : memref<640000xi32, #tpu.memory_space<hbm>> -> memref<80xi32, #tpu.memory_space<hbm>>
      tpu.wait_dma2 semaphore(%dma_wait3A_398 : memref<!tpu.dma_semaphore, #tpu.memory_space<semaphore_mem>>) src(%dma_wait3A_403 : memref<80xi32, #tpu.memory_space<hbm>>) dst(%dma_wait3A_401 : memref<80xi32, #tpu.memory_space<vmem>>)
      %mul3A_404 = arith.constant 2 : i32
      %mul3A_405 = arith.muli %mul3A_404, %add3A_341 : i32
      %add3A_406 = arith.constant 1 : i32
      %add3A_407 = arith.addi %mul3A_405, %add3A_406 : i32
      %mul3A_408 = arith.constant 80 : i32
      %mul3A_409 = arith.muli %add3A_407, %mul3A_408 : i32
      %add3A_410 = arith.addi %mul3A_6, %mul3A_409 : i32
      %dma_start3A_411 = arith.constant 3 : i32
      %dma_start3A_412 = arith.constant 3 : i32
      %dma_start3A_413 = arith.constant 0 : i32
      %dma_start3A_414 = tpu.memref_slice %arg6[%dma_start3A_411, %dma_start3A_413] : memref<4x80xi32, #tpu.memory_space<vmem>> -> memref<1x80xi32, #tpu.memory_space<vmem>>
      %dma_start3A_415 = tpu.memref_squeeze %dma_start3A_414 : memref<1x80xi32, #tpu.memory_space<vmem>> -> memref<80xi32, #tpu.memory_space<vmem>>
      %dma_start3A_416 = tpu.memref_slice %arg4[%add3A_410] : memref<640000xi32, #tpu.memory_space<hbm>> -> memref<80xi32, #tpu.memory_space<hbm>>
      %dma_start3A_417 = tpu.memref_slice %arg10[%dma_start3A_412] : memref<4x!tpu.dma_semaphore, #tpu.memory_space<semaphore_mem>> -> memref<1x!tpu.dma_semaphore, #tpu.memory_space<semaphore_mem>>
      %dma_start3A_418 = tpu.memref_squeeze %dma_start3A_417 : memref<1x!tpu.dma_semaphore, #tpu.memory_space<semaphore_mem>> -> memref<!tpu.dma_semaphore, #tpu.memory_space<semaphore_mem>>
      %dma_start3A_419 = arith.constant 0 : i32
      %dma_start3A_420 = tpu.memref_slice %arg6[%dma_start3A_411, %dma_start3A_419] : memref<4x80xi32, #tpu.memory_space<vmem>> -> memref<1x80xi32, #tpu.memory_space<vmem>>
      %dma_start3A_421 = tpu.memref_squeeze %dma_start3A_420 : memref<1x80xi32, #tpu.memory_space<vmem>> -> memref<80xi32, #tpu.memory_space<vmem>>
      %dma_start3A_422 = tpu.memref_slice %arg4[%add3A_410] : memref<640000xi32, #tpu.memory_space<hbm>> -> memref<80xi32, #tpu.memory_space<hbm>>
      tpu.enqueue_dma source(%dma_start3A_422 : memref<80xi32, #tpu.memory_space<hbm>>) target(%dma_start3A_421 : memref<80xi32, #tpu.memory_space<vmem>>) target_semaphore(%dma_start3A_418 : memref<!tpu.dma_semaphore, #tpu.memory_space<semaphore_mem>>)
      %mul3A_423 = arith.constant 80 : i32
      %mul3A_424 = arith.muli %add3A_407, %mul3A_423 : i32
      %add3A_425 = arith.addi %add3A_10, %mul3A_424 : i32
      %dma_start3A_426 = arith.constant 3 : i32
      %dma_start3A_427 = arith.constant 3 : i32
      %dma_start3A_428 = arith.constant 0 : i32
      %dma_start3A_429 = tpu.memref_slice %arg7[%dma_start3A_426, %dma_start3A_428] : memref<4x80xi32, #tpu.memory_space<vmem>> -> memref<1x80xi32, #tpu.memory_space<vmem>>
      %dma_start3A_430 = tpu.memref_squeeze %dma_start3A_429 : memref<1x80xi32, #tpu.memory_space<vmem>> -> memref<80xi32, #tpu.memory_space<vmem>>
      %dma_start3A_431 = tpu.memref_slice %arg4[%add3A_425] : memref<640000xi32, #tpu.memory_space<hbm>> -> memref<80xi32, #tpu.memory_space<hbm>>
      %dma_start3A_432 = tpu.memref_slice %arg10[%dma_start3A_427] : memref<4x!tpu.dma_semaphore, #tpu.memory_space<semaphore_mem>> -> memref<1x!tpu.dma_semaphore, #tpu.memory_space<semaphore_mem>>
      %dma_start3A_433 = tpu.memref_squeeze %dma_start3A_432 : memref<1x!tpu.dma_semaphore, #tpu.memory_space<semaphore_mem>> -> memref<!tpu.dma_semaphore, #tpu.memory_space<semaphore_mem>>
      %dma_start3A_434 = arith.constant 0 : i32
      %dma_start3A_435 = tpu.memref_slice %arg7[%dma_start3A_426, %dma_start3A_434] : memref<4x80xi32, #tpu.memory_space<vmem>> -> memref<1x80xi32, #tpu.memory_space<vmem>>
      %dma_start3A_436 = tpu.memref_squeeze %dma_start3A_435 : memref<1x80xi32, #tpu.memory_space<vmem>> -> memref<80xi32, #tpu.memory_space<vmem>>
      %dma_start3A_437 = tpu.memref_slice %arg4[%add3A_425] : memref<640000xi32, #tpu.memory_space<hbm>> -> memref<80xi32, #tpu.memory_space<hbm>>
      tpu.enqueue_dma source(%dma_start3A_437 : memref<80xi32, #tpu.memory_space<hbm>>) target(%dma_start3A_436 : memref<80xi32, #tpu.memory_space<vmem>>) target_semaphore(%dma_start3A_433 : memref<!tpu.dma_semaphore, #tpu.memory_space<semaphore_mem>>)
      %dma_wait3A_438 = arith.constant 3 : i32
      %dma_wait3A_439 = arith.constant 3 : i32
      %dma_wait3A_440 = arith.constant 0 : i32
      %dma_wait3A_441 = tpu.memref_slice %arg6[%dma_wait3A_438, %dma_wait3A_440] : memref<4x80xi32, #tpu.memory_space<vmem>> -> memref<1x80xi32, #tpu.memory_space<vmem>>
      %dma_wait3A_442 = tpu.memref_squeeze %dma_wait3A_441 : memref<1x80xi32, #tpu.memory_space<vmem>> -> memref<80xi32, #tpu.memory_space<vmem>>
      %dma_wait3A_443 = arith.constant 0 : i32
      %dma_wait3A_444 = tpu.memref_slice %arg4[%dma_wait3A_443] : memref<640000xi32, #tpu.memory_space<hbm>> -> memref<80xi32, #tpu.memory_space<hbm>>
      %dma_wait3A_445 = tpu.memref_slice %arg10[%dma_wait3A_439] : memref<4x!tpu.dma_semaphore, #tpu.memory_space<semaphore_mem>> -> memref<1x!tpu.dma_semaphore, #tpu.memory_space<semaphore_mem>>
      %dma_wait3A_446 = tpu.memref_squeeze %dma_wait3A_445 : memref<1x!tpu.dma_semaphore, #tpu.memory_space<semaphore_mem>> -> memref<!tpu.dma_semaphore, #tpu.memory_space<semaphore_mem>>
      %dma_wait3A_447 = arith.constant 0 : i32
      %dma_wait3A_448 = tpu.memref_slice %arg6[%dma_wait3A_438, %dma_wait3A_447] : memref<4x80xi32, #tpu.memory_space<vmem>> -> memref<1x80xi32, #tpu.memory_space<vmem>>
      %dma_wait3A_449 = tpu.memref_squeeze %dma_wait3A_448 : memref<1x80xi32, #tpu.memory_space<vmem>> -> memref<80xi32, #tpu.memory_space<vmem>>
      %dma_wait3A_450 = arith.constant 0 : i32
      %dma_wait3A_451 = tpu.memref_slice %arg4[%dma_wait3A_450] : memref<640000xi32, #tpu.memory_space<hbm>> -> memref<80xi32, #tpu.memory_space<hbm>>
      tpu.wait_dma2 semaphore(%dma_wait3A_446 : memref<!tpu.dma_semaphore, #tpu.memory_space<semaphore_mem>>) src(%dma_wait3A_451 : memref<80xi32, #tpu.memory_space<hbm>>) dst(%dma_wait3A_449 : memref<80xi32, #tpu.memory_space<vmem>>)
      %dma_wait3A_452 = arith.constant 3 : i32
      %dma_wait3A_453 = arith.constant 3 : i32
      %dma_wait3A_454 = arith.constant 0 : i32
      %dma_wait3A_455 = tpu.memref_slice %arg7[%dma_wait3A_452, %dma_wait3A_454] : memref<4x80xi32, #tpu.memory_space<vmem>> -> memref<1x80xi32, #tpu.memory_space<vmem>>
      %dma_wait3A_456 = tpu.memref_squeeze %dma_wait3A_455 : memref<1x80xi32, #tpu.memory_space<vmem>> -> memref<80xi32, #tpu.memory_space<vmem>>
      %dma_wait3A_457 = arith.constant 0 : i32
      %dma_wait3A_458 = tpu.memref_slice %arg4[%dma_wait3A_457] : memref<640000xi32, #tpu.memory_space<hbm>> -> memref<80xi32, #tpu.memory_space<hbm>>
      %dma_wait3A_459 = tpu.memref_slice %arg10[%dma_wait3A_453] : memref<4x!tpu.dma_semaphore, #tpu.memory_space<semaphore_mem>> -> memref<1x!tpu.dma_semaphore, #tpu.memory_space<semaphore_mem>>
      %dma_wait3A_460 = tpu.memref_squeeze %dma_wait3A_459 : memref<1x!tpu.dma_semaphore, #tpu.memory_space<semaphore_mem>> -> memref<!tpu.dma_semaphore, #tpu.memory_space<semaphore_mem>>
      %dma_wait3A_461 = arith.constant 0 : i32
      %dma_wait3A_462 = tpu.memref_slice %arg7[%dma_wait3A_452, %dma_wait3A_461] : memref<4x80xi32, #tpu.memory_space<vmem>> -> memref<1x80xi32, #tpu.memory_space<vmem>>
      %dma_wait3A_463 = tpu.memref_squeeze %dma_wait3A_462 : memref<1x80xi32, #tpu.memory_space<vmem>> -> memref<80xi32, #tpu.memory_space<vmem>>
      %dma_wait3A_464 = arith.constant 0 : i32
      %dma_wait3A_465 = tpu.memref_slice %arg4[%dma_wait3A_464] : memref<640000xi32, #tpu.memory_space<hbm>> -> memref<80xi32, #tpu.memory_space<hbm>>
      tpu.wait_dma2 semaphore(%dma_wait3A_460 : memref<!tpu.dma_semaphore, #tpu.memory_space<semaphore_mem>>) src(%dma_wait3A_465 : memref<80xi32, #tpu.memory_space<hbm>>) dst(%dma_wait3A_463 : memref<80xi32, #tpu.memory_space<vmem>>)
      %dma_start3A_466 = arith.constant 2 : i32
      %dma_start3A_467 = arith.constant 2 : i32
      %dma_start3A_468 = arith.constant 2 : i32
      %dma_start3A_469 = arith.constant 0 : i32
      %dma_start3A_470 = arith.constant 0 : i32
      %dma_start3A_471 = tpu.memref_slice %arg8[%dma_start3A_467, %dma_start3A_469, %dma_start3A_470] : memref<4x80x128xf32, #tpu.memory_space<vmem>> -> memref<1x80x128xf32, #tpu.memory_space<vmem>>
      %dma_start3A_472 = tpu.memref_squeeze %dma_start3A_471 : memref<1x80x128xf32, #tpu.memory_space<vmem>> -> memref<80x128xf32, #tpu.memory_space<vmem>>
      %dma_start3A_473 = arith.constant 0 : i32
      %dma_start3A_474 = tpu.memref_slice %arg6[%dma_start3A_466, %dma_start3A_473] : memref<4x80xi32, #tpu.memory_space<vmem>> -> memref<1x80xi32, #tpu.memory_space<vmem>>
      %dma_start3A_475 = tpu.memref_squeeze %dma_start3A_474 : memref<1x80xi32, #tpu.memory_space<vmem>> -> memref<80xi32, #tpu.memory_space<vmem>>
      %dma_start3A_476 = arith.constant 0 : i32
      %dma_start3A_477 = arith.constant 0 : i32
      %dma_start3A_478 = tpu.memref_slice %arg2[%dma_start3A_476, %dma_start3A_477] : memref<10000x128xf32, #tpu.memory_space<hbm>> -> memref<10000x128xf32, #tpu.memory_space<hbm>>
      %dma_start3A_479 = tpu.memref_slice %arg11[%dma_start3A_468] : memref<4x!tpu.dma_semaphore, #tpu.memory_space<semaphore_mem>> -> memref<1x!tpu.dma_semaphore, #tpu.memory_space<semaphore_mem>>
      %dma_start3A_480 = tpu.memref_squeeze %dma_start3A_479 : memref<1x!tpu.dma_semaphore, #tpu.memory_space<semaphore_mem>> -> memref<!tpu.dma_semaphore, #tpu.memory_space<semaphore_mem>>
      tpu.enqueue_indirect_dma source(%dma_start3A_478 : memref<10000x128xf32, #tpu.memory_space<hbm>>) target(%dma_start3A_472 : memref<80x128xf32, #tpu.memory_space<vmem>>) offsets(%dma_start3A_475 : memref<80xi32, #tpu.memory_space<vmem>>) semaphore(%dma_start3A_480 : memref<!tpu.dma_semaphore, #tpu.memory_space<semaphore_mem>>)
      %dma_start3A_481 = arith.constant 3 : i32
      %dma_start3A_482 = arith.constant 3 : i32
      %dma_start3A_483 = arith.constant 3 : i32
      %dma_start3A_484 = arith.constant 0 : i32
      %dma_start3A_485 = arith.constant 0 : i32
      %dma_start3A_486 = tpu.memref_slice %arg8[%dma_start3A_482, %dma_start3A_484, %dma_start3A_485] : memref<4x80x128xf32, #tpu.memory_space<vmem>> -> memref<1x80x128xf32, #tpu.memory_space<vmem>>
      %dma_start3A_487 = tpu.memref_squeeze %dma_start3A_486 : memref<1x80x128xf32, #tpu.memory_space<vmem>> -> memref<80x128xf32, #tpu.memory_space<vmem>>
      %dma_start3A_488 = arith.constant 0 : i32
      %dma_start3A_489 = tpu.memref_slice %arg6[%dma_start3A_481, %dma_start3A_488] : memref<4x80xi32, #tpu.memory_space<vmem>> -> memref<1x80xi32, #tpu.memory_space<vmem>>
      %dma_start3A_490 = tpu.memref_squeeze %dma_start3A_489 : memref<1x80xi32, #tpu.memory_space<vmem>> -> memref<80xi32, #tpu.memory_space<vmem>>
      %dma_start3A_491 = arith.constant 0 : i32
      %dma_start3A_492 = arith.constant 0 : i32
      %dma_start3A_493 = tpu.memref_slice %arg2[%dma_start3A_491, %dma_start3A_492] : memref<10000x128xf32, #tpu.memory_space<hbm>> -> memref<10000x128xf32, #tpu.memory_space<hbm>>
      %dma_start3A_494 = tpu.memref_slice %arg11[%dma_start3A_483] : memref<4x!tpu.dma_semaphore, #tpu.memory_space<semaphore_mem>> -> memref<1x!tpu.dma_semaphore, #tpu.memory_space<semaphore_mem>>
      %dma_start3A_495 = tpu.memref_squeeze %dma_start3A_494 : memref<1x!tpu.dma_semaphore, #tpu.memory_space<semaphore_mem>> -> memref<!tpu.dma_semaphore, #tpu.memory_space<semaphore_mem>>
      tpu.enqueue_indirect_dma source(%dma_start3A_493 : memref<10000x128xf32, #tpu.memory_space<hbm>>) target(%dma_start3A_487 : memref<80x128xf32, #tpu.memory_space<vmem>>) offsets(%dma_start3A_490 : memref<80xi32, #tpu.memory_space<vmem>>) semaphore(%dma_start3A_495 : memref<!tpu.dma_semaphore, #tpu.memory_space<semaphore_mem>>)
      %dma_wait3A_496 = arith.constant 0 : i32
      %dma_wait3A_497 = arith.constant 0 : i32
      %dma_wait3A_498 = arith.constant 0 : i32
      %dma_wait3A_499 = arith.constant 0 : i32
      %dma_wait3A_500 = tpu.memref_slice %arg8[%dma_wait3A_496, %dma_wait3A_498, %dma_wait3A_499] : memref<4x80x128xf32, #tpu.memory_space<vmem>> -> memref<1x80x128xf32, #tpu.memory_space<vmem>>
      %dma_wait3A_501 = tpu.memref_squeeze %dma_wait3A_500 : memref<1x80x128xf32, #tpu.memory_space<vmem>> -> memref<80x128xf32, #tpu.memory_space<vmem>>
      %dma_wait3A_502 = arith.constant 0 : i32
      %dma_wait3A_503 = arith.constant 0 : i32
      %dma_wait3A_504 = tpu.memref_slice %arg2[%dma_wait3A_502, %dma_wait3A_503] : memref<10000x128xf32, #tpu.memory_space<hbm>> -> memref<80x128xf32, #tpu.memory_space<hbm>>
      %dma_wait3A_505 = tpu.memref_slice %arg12[%dma_wait3A_497] : memref<4x!tpu.dma_semaphore, #tpu.memory_space<semaphore_mem>> -> memref<1x!tpu.dma_semaphore, #tpu.memory_space<semaphore_mem>>
      %dma_wait3A_506 = tpu.memref_squeeze %dma_wait3A_505 : memref<1x!tpu.dma_semaphore, #tpu.memory_space<semaphore_mem>> -> memref<!tpu.dma_semaphore, #tpu.memory_space<semaphore_mem>>
      %dma_wait3A_507 = arith.constant 0 : i32
      %dma_wait3A_508 = arith.constant 0 : i32
      %dma_wait3A_509 = tpu.memref_slice %arg8[%dma_wait3A_496, %dma_wait3A_507, %dma_wait3A_508] : memref<4x80x128xf32, #tpu.memory_space<vmem>> -> memref<1x80x128xf32, #tpu.memory_space<vmem>>
      %dma_wait3A_510 = tpu.memref_squeeze %dma_wait3A_509 : memref<1x80x128xf32, #tpu.memory_space<vmem>> -> memref<80x128xf32, #tpu.memory_space<vmem>>
      %dma_wait3A_511 = arith.constant 0 : i32
      %dma_wait3A_512 = arith.constant 0 : i32
      %dma_wait3A_513 = tpu.memref_slice %arg2[%dma_wait3A_511, %dma_wait3A_512] : memref<10000x128xf32, #tpu.memory_space<hbm>> -> memref<80x128xf32, #tpu.memory_space<hbm>>
      tpu.wait_dma2 semaphore(%dma_wait3A_506 : memref<!tpu.dma_semaphore, #tpu.memory_space<semaphore_mem>>) src(%dma_wait3A_513 : memref<80x128xf32, #tpu.memory_space<hbm>>) dst(%dma_wait3A_510 : memref<80x128xf32, #tpu.memory_space<vmem>>)
      %dma_wait3A_514 = arith.constant 1 : i32
      %dma_wait3A_515 = arith.constant 1 : i32
      %dma_wait3A_516 = arith.constant 0 : i32
      %dma_wait3A_517 = arith.constant 0 : i32
      %dma_wait3A_518 = tpu.memref_slice %arg8[%dma_wait3A_514, %dma_wait3A_516, %dma_wait3A_517] : memref<4x80x128xf32, #tpu.memory_space<vmem>> -> memref<1x80x128xf32, #tpu.memory_space<vmem>>
      %dma_wait3A_519 = tpu.memref_squeeze %dma_wait3A_518 : memref<1x80x128xf32, #tpu.memory_space<vmem>> -> memref<80x128xf32, #tpu.memory_space<vmem>>
      %dma_wait3A_520 = arith.constant 0 : i32
      %dma_wait3A_521 = arith.constant 0 : i32
      %dma_wait3A_522 = tpu.memref_slice %arg2[%dma_wait3A_520, %dma_wait3A_521] : memref<10000x128xf32, #tpu.memory_space<hbm>> -> memref<80x128xf32, #tpu.memory_space<hbm>>
      %dma_wait3A_523 = tpu.memref_slice %arg12[%dma_wait3A_515] : memref<4x!tpu.dma_semaphore, #tpu.memory_space<semaphore_mem>> -> memref<1x!tpu.dma_semaphore, #tpu.memory_space<semaphore_mem>>
      %dma_wait3A_524 = tpu.memref_squeeze %dma_wait3A_523 : memref<1x!tpu.dma_semaphore, #tpu.memory_space<semaphore_mem>> -> memref<!tpu.dma_semaphore, #tpu.memory_space<semaphore_mem>>
      %dma_wait3A_525 = arith.constant 0 : i32
      %dma_wait3A_526 = arith.constant 0 : i32
      %dma_wait3A_527 = tpu.memref_slice %arg8[%dma_wait3A_514, %dma_wait3A_525, %dma_wait3A_526] : memref<4x80x128xf32, #tpu.memory_space<vmem>> -> memref<1x80x128xf32, #tpu.memory_space<vmem>>
      %dma_wait3A_528 = tpu.memref_squeeze %dma_wait3A_527 : memref<1x80x128xf32, #tpu.memory_space<vmem>> -> memref<80x128xf32, #tpu.memory_space<vmem>>
      %dma_wait3A_529 = arith.constant 0 : i32
      %dma_wait3A_530 = arith.constant 0 : i32
      %dma_wait3A_531 = tpu.memref_slice %arg2[%dma_wait3A_529, %dma_wait3A_530] : memref<10000x128xf32, #tpu.memory_space<hbm>> -> memref<80x128xf32, #tpu.memory_space<hbm>>
      tpu.wait_dma2 semaphore(%dma_wait3A_524 : memref<!tpu.dma_semaphore, #tpu.memory_space<semaphore_mem>>) src(%dma_wait3A_531 : memref<80x128xf32, #tpu.memory_space<hbm>>) dst(%dma_wait3A_528 : memref<80x128xf32, #tpu.memory_space<vmem>>)
      %mul3A_532 = arith.constant 2 : i32
      %mul3A_533 = arith.muli %mul3A_532, %scan3A_267 : i32
      %add3A_534 = arith.constant 2 : i32
      %add3A_535 = arith.addi %mul3A_533, %add3A_534 : i32
      %mul3A_536 = arith.constant 2 : i32
      %mul3A_537 = arith.muli %mul3A_536, %add3A_535 : i32
      %min3A = arith.constant 124 : i32
      %min3A_538 = arith.minsi %mul3A_537, %min3A : i32
      %mul3A_539 = arith.constant 2 : i32
      %mul3A_540 = arith.muli %mul3A_539, %add3A_535 : i32
      %add3A_541 = arith.constant 1 : i32
      %add3A_542 = arith.addi %mul3A_540, %add3A_541 : i32
      %min3A_543 = arith.constant 124 : i32
      %min3A_544 = arith.minsi %add3A_542, %min3A_543 : i32
      %mul3A_545 = arith.constant 80 : i32
      %mul3A_546 = arith.muli %min3A_538, %mul3A_545 : i32
      %add3A_547 = arith.addi %mul3A_6, %mul3A_546 : i32
      %dma_start3A_548 = arith.constant 0 : i32
      %dma_start3A_549 = arith.constant 0 : i32
      %dma_start3A_550 = arith.constant 0 : i32
      %dma_start3A_551 = tpu.memref_slice %arg6[%dma_start3A_548, %dma_start3A_550] : memref<4x80xi32, #tpu.memory_space<vmem>> -> memref<1x80xi32, #tpu.memory_space<vmem>>
      %dma_start3A_552 = tpu.memref_squeeze %dma_start3A_551 : memref<1x80xi32, #tpu.memory_space<vmem>> -> memref<80xi32, #tpu.memory_space<vmem>>
      %dma_start3A_553 = tpu.memref_slice %arg4[%add3A_547] : memref<640000xi32, #tpu.memory_space<hbm>> -> memref<80xi32, #tpu.memory_space<hbm>>
      %dma_start3A_554 = tpu.memref_slice %arg10[%dma_start3A_549] : memref<4x!tpu.dma_semaphore, #tpu.memory_space<semaphore_mem>> -> memref<1x!tpu.dma_semaphore, #tpu.memory_space<semaphore_mem>>
      %dma_start3A_555 = tpu.memref_squeeze %dma_start3A_554 : memref<1x!tpu.dma_semaphore, #tpu.memory_space<semaphore_mem>> -> memref<!tpu.dma_semaphore, #tpu.memory_space<semaphore_mem>>
      %dma_start3A_556 = arith.constant 0 : i32
      %dma_start3A_557 = tpu.memref_slice %arg6[%dma_start3A_548, %dma_start3A_556] : memref<4x80xi32, #tpu.memory_space<vmem>> -> memref<1x80xi32, #tpu.memory_space<vmem>>
      %dma_start3A_558 = tpu.memref_squeeze %dma_start3A_557 : memref<1x80xi32, #tpu.memory_space<vmem>> -> memref<80xi32, #tpu.memory_space<vmem>>
      %dma_start3A_559 = tpu.memref_slice %arg4[%add3A_547] : memref<640000xi32, #tpu.memory_space<hbm>> -> memref<80xi32, #tpu.memory_space<hbm>>
      tpu.enqueue_dma source(%dma_start3A_559 : memref<80xi32, #tpu.memory_space<hbm>>) target(%dma_start3A_558 : memref<80xi32, #tpu.memory_space<vmem>>) target_semaphore(%dma_start3A_555 : memref<!tpu.dma_semaphore, #tpu.memory_space<semaphore_mem>>)
      %mul3A_560 = arith.constant 80 : i32
      %mul3A_561 = arith.muli %min3A_538, %mul3A_560 : i32
      %add3A_562 = arith.addi %add3A_10, %mul3A_561 : i32
      %dma_start3A_563 = arith.constant 0 : i32
      %dma_start3A_564 = arith.constant 0 : i32
      %dma_start3A_565 = arith.constant 0 : i32
      %dma_start3A_566 = tpu.memref_slice %arg7[%dma_start3A_563, %dma_start3A_565] : memref<4x80xi32, #tpu.memory_space<vmem>> -> memref<1x80xi32, #tpu.memory_space<vmem>>
      %dma_start3A_567 = tpu.memref_squeeze %dma_start3A_566 : memref<1x80xi32, #tpu.memory_space<vmem>> -> memref<80xi32, #tpu.memory_space<vmem>>
      %dma_start3A_568 = tpu.memref_slice %arg4[%add3A_562] : memref<640000xi32, #tpu.memory_space<hbm>> -> memref<80xi32, #tpu.memory_space<hbm>>
      %dma_start3A_569 = tpu.memref_slice %arg10[%dma_start3A_564] : memref<4x!tpu.dma_semaphore, #tpu.memory_space<semaphore_mem>> -> memref<1x!tpu.dma_semaphore, #tpu.memory_space<semaphore_mem>>
      %dma_start3A_570 = tpu.memref_squeeze %dma_start3A_569 : memref<1x!tpu.dma_semaphore, #tpu.memory_space<semaphore_mem>> -> memref<!tpu.dma_semaphore, #tpu.memory_space<semaphore_mem>>
      %dma_start3A_571 = arith.constant 0 : i32
      %dma_start3A_572 = tpu.memref_slice %arg7[%dma_start3A_563, %dma_start3A_571] : memref<4x80xi32, #tpu.memory_space<vmem>> -> memref<1x80xi32, #tpu.memory_space<vmem>>
      %dma_start3A_573 = tpu.memref_squeeze %dma_start3A_572 : memref<1x80xi32, #tpu.memory_space<vmem>> -> memref<80xi32, #tpu.memory_space<vmem>>
      %dma_start3A_574 = tpu.memref_slice %arg4[%add3A_562] : memref<640000xi32, #tpu.memory_space<hbm>> -> memref<80xi32, #tpu.memory_space<hbm>>
      tpu.enqueue_dma source(%dma_start3A_574 : memref<80xi32, #tpu.memory_space<hbm>>) target(%dma_start3A_573 : memref<80xi32, #tpu.memory_space<vmem>>) target_semaphore(%dma_start3A_570 : memref<!tpu.dma_semaphore, #tpu.memory_space<semaphore_mem>>)
      %dma_wait3A_575 = arith.constant 0 : i32
      %dma_wait3A_576 = arith.constant 0 : i32
      %dma_wait3A_577 = arith.constant 0 : i32
      %dma_wait3A_578 = tpu.memref_slice %arg6[%dma_wait3A_575, %dma_wait3A_577] : memref<4x80xi32, #tpu.memory_space<vmem>> -> memref<1x80xi32, #tpu.memory_space<vmem>>
      %dma_wait3A_579 = tpu.memref_squeeze %dma_wait3A_578 : memref<1x80xi32, #tpu.memory_space<vmem>> -> memref<80xi32, #tpu.memory_space<vmem>>
      %dma_wait3A_580 = arith.constant 0 : i32
      %dma_wait3A_581 = tpu.memref_slice %arg4[%dma_wait3A_580] : memref<640000xi32, #tpu.memory_space<hbm>> -> memref<80xi32, #tpu.memory_space<hbm>>
      %dma_wait3A_582 = tpu.memref_slice %arg10[%dma_wait3A_576] : memref<4x!tpu.dma_semaphore, #tpu.memory_space<semaphore_mem>> -> memref<1x!tpu.dma_semaphore, #tpu.memory_space<semaphore_mem>>
      %dma_wait3A_583 = tpu.memref_squeeze %dma_wait3A_582 : memref<1x!tpu.dma_semaphore, #tpu.memory_space<semaphore_mem>> -> memref<!tpu.dma_semaphore, #tpu.memory_space<semaphore_mem>>
      %dma_wait3A_584 = arith.constant 0 : i32
      %dma_wait3A_585 = tpu.memref_slice %arg6[%dma_wait3A_575, %dma_wait3A_584] : memref<4x80xi32, #tpu.memory_space<vmem>> -> memref<1x80xi32, #tpu.memory_space<vmem>>
      %dma_wait3A_586 = tpu.memref_squeeze %dma_wait3A_585 : memref<1x80xi32, #tpu.memory_space<vmem>> -> memref<80xi32, #tpu.memory_space<vmem>>
      %dma_wait3A_587 = arith.constant 0 : i32
      %dma_wait3A_588 = tpu.memref_slice %arg4[%dma_wait3A_587] : memref<640000xi32, #tpu.memory_space<hbm>> -> memref<80xi32, #tpu.memory_space<hbm>>
      tpu.wait_dma2 semaphore(%dma_wait3A_583 : memref<!tpu.dma_semaphore, #tpu.memory_space<semaphore_mem>>) src(%dma_wait3A_588 : memref<80xi32, #tpu.memory_space<hbm>>) dst(%dma_wait3A_586 : memref<80xi32, #tpu.memory_space<vmem>>)
      %dma_wait3A_589 = arith.constant 0 : i32
      %dma_wait3A_590 = arith.constant 0 : i32
      %dma_wait3A_591 = arith.constant 0 : i32
      %dma_wait3A_592 = tpu.memref_slice %arg7[%dma_wait3A_589, %dma_wait3A_591] : memref<4x80xi32, #tpu.memory_space<vmem>> -> memref<1x80xi32, #tpu.memory_space<vmem>>
      %dma_wait3A_593 = tpu.memref_squeeze %dma_wait3A_592 : memref<1x80xi32, #tpu.memory_space<vmem>> -> memref<80xi32, #tpu.memory_space<vmem>>
      %dma_wait3A_594 = arith.constant 0 : i32
      %dma_wait3A_595 = tpu.memref_slice %arg4[%dma_wait3A_594] : memref<640000xi32, #tpu.memory_space<hbm>> -> memref<80xi32, #tpu.memory_space<hbm>>
      %dma_wait3A_596 = tpu.memref_slice %arg10[%dma_wait3A_590] : memref<4x!tpu.dma_semaphore, #tpu.memory_space<semaphore_mem>> -> memref<1x!tpu.dma_semaphore, #tpu.memory_space<semaphore_mem>>
      %dma_wait3A_597 = tpu.memref_squeeze %dma_wait3A_596 : memref<1x!tpu.dma_semaphore, #tpu.memory_space<semaphore_mem>> -> memref<!tpu.dma_semaphore, #tpu.memory_space<semaphore_mem>>
      %dma_wait3A_598 = arith.constant 0 : i32
      %dma_wait3A_599 = tpu.memref_slice %arg7[%dma_wait3A_589, %dma_wait3A_598] : memref<4x80xi32, #tpu.memory_space<vmem>> -> memref<1x80xi32, #tpu.memory_space<vmem>>
      %dma_wait3A_600 = tpu.memref_squeeze %dma_wait3A_599 : memref<1x80xi32, #tpu.memory_space<vmem>> -> memref<80xi32, #tpu.memory_space<vmem>>
      %dma_wait3A_601 = arith.constant 0 : i32
      %dma_wait3A_602 = tpu.memref_slice %arg4[%dma_wait3A_601] : memref<640000xi32, #tpu.memory_space<hbm>> -> memref<80xi32, #tpu.memory_space<hbm>>
      tpu.wait_dma2 semaphore(%dma_wait3A_597 : memref<!tpu.dma_semaphore, #tpu.memory_space<semaphore_mem>>) src(%dma_wait3A_602 : memref<80xi32, #tpu.memory_space<hbm>>) dst(%dma_wait3A_600 : memref<80xi32, #tpu.memory_space<vmem>>)
      %mul3A_603 = arith.constant 80 : i32
      %mul3A_604 = arith.muli %min3A_544, %mul3A_603 : i32
      %add3A_605 = arith.addi %mul3A_6, %mul3A_604 : i32
      %dma_start3A_606 = arith.constant 1 : i32
      %dma_start3A_607 = arith.constant 1 : i32
      %dma_start3A_608 = arith.constant 0 : i32
      %dma_start3A_609 = tpu.memref_slice %arg6[%dma_start3A_606, %dma_start3A_608] : memref<4x80xi32, #tpu.memory_space<vmem>> -> memref<1x80xi32, #tpu.memory_space<vmem>>
      %dma_start3A_610 = tpu.memref_squeeze %dma_start3A_609 : memref<1x80xi32, #tpu.memory_space<vmem>> -> memref<80xi32, #tpu.memory_space<vmem>>
      %dma_start3A_611 = tpu.memref_slice %arg4[%add3A_605] : memref<640000xi32, #tpu.memory_space<hbm>> -> memref<80xi32, #tpu.memory_space<hbm>>
      %dma_start3A_612 = tpu.memref_slice %arg10[%dma_start3A_607] : memref<4x!tpu.dma_semaphore, #tpu.memory_space<semaphore_mem>> -> memref<1x!tpu.dma_semaphore, #tpu.memory_space<semaphore_mem>>
      %dma_start3A_613 = tpu.memref_squeeze %dma_start3A_612 : memref<1x!tpu.dma_semaphore, #tpu.memory_space<semaphore_mem>> -> memref<!tpu.dma_semaphore, #tpu.memory_space<semaphore_mem>>
      %dma_start3A_614 = arith.constant 0 : i32
      %dma_start3A_615 = tpu.memref_slice %arg6[%dma_start3A_606, %dma_start3A_614] : memref<4x80xi32, #tpu.memory_space<vmem>> -> memref<1x80xi32, #tpu.memory_space<vmem>>
      %dma_start3A_616 = tpu.memref_squeeze %dma_start3A_615 : memref<1x80xi32, #tpu.memory_space<vmem>> -> memref<80xi32, #tpu.memory_space<vmem>>
      %dma_start3A_617 = tpu.memref_slice %arg4[%add3A_605] : memref<640000xi32, #tpu.memory_space<hbm>> -> memref<80xi32, #tpu.memory_space<hbm>>
      tpu.enqueue_dma source(%dma_start3A_617 : memref<80xi32, #tpu.memory_space<hbm>>) target(%dma_start3A_616 : memref<80xi32, #tpu.memory_space<vmem>>) target_semaphore(%dma_start3A_613 : memref<!tpu.dma_semaphore, #tpu.memory_space<semaphore_mem>>)
      %mul3A_618 = arith.constant 80 : i32
      %mul3A_619 = arith.muli %min3A_544, %mul3A_618 : i32
      %add3A_620 = arith.addi %add3A_10, %mul3A_619 : i32
      %dma_start3A_621 = arith.constant 1 : i32
      %dma_start3A_622 = arith.constant 1 : i32
      %dma_start3A_623 = arith.constant 0 : i32
      %dma_start3A_624 = tpu.memref_slice %arg7[%dma_start3A_621, %dma_start3A_623] : memref<4x80xi32, #tpu.memory_space<vmem>> -> memref<1x80xi32, #tpu.memory_space<vmem>>
      %dma_start3A_625 = tpu.memref_squeeze %dma_start3A_624 : memref<1x80xi32, #tpu.memory_space<vmem>> -> memref<80xi32, #tpu.memory_space<vmem>>
      %dma_start3A_626 = tpu.memref_slice %arg4[%add3A_620] : memref<640000xi32, #tpu.memory_space<hbm>> -> memref<80xi32, #tpu.memory_space<hbm>>
      %dma_start3A_627 = tpu.memref_slice %arg10[%dma_start3A_622] : memref<4x!tpu.dma_semaphore, #tpu.memory_space<semaphore_mem>> -> memref<1x!tpu.dma_semaphore, #tpu.memory_space<semaphore_mem>>
      %dma_start3A_628 = tpu.memref_squeeze %dma_start3A_627 : memref<1x!tpu.dma_semaphore, #tpu.memory_space<semaphore_mem>> -> memref<!tpu.dma_semaphore, #tpu.memory_space<semaphore_mem>>
      %dma_start3A_629 = arith.constant 0 : i32
      %dma_start3A_630 = tpu.memref_slice %arg7[%dma_start3A_621, %dma_start3A_629] : memref<4x80xi32, #tpu.memory_space<vmem>> -> memref<1x80xi32, #tpu.memory_space<vmem>>
      %dma_start3A_631 = tpu.memref_squeeze %dma_start3A_630 : memref<1x80xi32, #tpu.memory_space<vmem>> -> memref<80xi32, #tpu.memory_space<vmem>>
      %dma_start3A_632 = tpu.memref_slice %arg4[%add3A_620] : memref<640000xi32, #tpu.memory_space<hbm>> -> memref<80xi32, #tpu.memory_space<hbm>>
      tpu.enqueue_dma source(%dma_start3A_632 : memref<80xi32, #tpu.memory_space<hbm>>) target(%dma_start3A_631 : memref<80xi32, #tpu.memory_space<vmem>>) target_semaphore(%dma_start3A_628 : memref<!tpu.dma_semaphore, #tpu.memory_space<semaphore_mem>>)
      %dma_wait3A_633 = arith.constant 1 : i32
      %dma_wait3A_634 = arith.constant 1 : i32
      %dma_wait3A_635 = arith.constant 0 : i32
      %dma_wait3A_636 = tpu.memref_slice %arg6[%dma_wait3A_633, %dma_wait3A_635] : memref<4x80xi32, #tpu.memory_space<vmem>> -> memref<1x80xi32, #tpu.memory_space<vmem>>
      %dma_wait3A_637 = tpu.memref_squeeze %dma_wait3A_636 : memref<1x80xi32, #tpu.memory_space<vmem>> -> memref<80xi32, #tpu.memory_space<vmem>>
      %dma_wait3A_638 = arith.constant 0 : i32
      %dma_wait3A_639 = tpu.memref_slice %arg4[%dma_wait3A_638] : memref<640000xi32, #tpu.memory_space<hbm>> -> memref<80xi32, #tpu.memory_space<hbm>>
      %dma_wait3A_640 = tpu.memref_slice %arg10[%dma_wait3A_634] : memref<4x!tpu.dma_semaphore, #tpu.memory_space<semaphore_mem>> -> memref<1x!tpu.dma_semaphore, #tpu.memory_space<semaphore_mem>>
      %dma_wait3A_641 = tpu.memref_squeeze %dma_wait3A_640 : memref<1x!tpu.dma_semaphore, #tpu.memory_space<semaphore_mem>> -> memref<!tpu.dma_semaphore, #tpu.memory_space<semaphore_mem>>
      %dma_wait3A_642 = arith.constant 0 : i32
      %dma_wait3A_643 = tpu.memref_slice %arg6[%dma_wait3A_633, %dma_wait3A_642] : memref<4x80xi32, #tpu.memory_space<vmem>> -> memref<1x80xi32, #tpu.memory_space<vmem>>
      %dma_wait3A_644 = tpu.memref_squeeze %dma_wait3A_643 : memref<1x80xi32, #tpu.memory_space<vmem>> -> memref<80xi32, #tpu.memory_space<vmem>>
      %dma_wait3A_645 = arith.constant 0 : i32
      %dma_wait3A_646 = tpu.memref_slice %arg4[%dma_wait3A_645] : memref<640000xi32, #tpu.memory_space<hbm>> -> memref<80xi32, #tpu.memory_space<hbm>>
      tpu.wait_dma2 semaphore(%dma_wait3A_641 : memref<!tpu.dma_semaphore, #tpu.memory_space<semaphore_mem>>) src(%dma_wait3A_646 : memref<80xi32, #tpu.memory_space<hbm>>) dst(%dma_wait3A_644 : memref<80xi32, #tpu.memory_space<vmem>>)
      %dma_wait3A_647 = arith.constant 1 : i32
      %dma_wait3A_648 = arith.constant 1 : i32
      %dma_wait3A_649 = arith.constant 0 : i32
      %dma_wait3A_650 = tpu.memref_slice %arg7[%dma_wait3A_647, %dma_wait3A_649] : memref<4x80xi32, #tpu.memory_space<vmem>> -> memref<1x80xi32, #tpu.memory_space<vmem>>
      %dma_wait3A_651 = tpu.memref_squeeze %dma_wait3A_650 : memref<1x80xi32, #tpu.memory_space<vmem>> -> memref<80xi32, #tpu.memory_space<vmem>>
      %dma_wait3A_652 = arith.constant 0 : i32
      %dma_wait3A_653 = tpu.memref_slice %arg4[%dma_wait3A_652] : memref<640000xi32, #tpu.memory_space<hbm>> -> memref<80xi32, #tpu.memory_space<hbm>>
      %dma_wait3A_654 = tpu.memref_slice %arg10[%dma_wait3A_648] : memref<4x!tpu.dma_semaphore, #tpu.memory_space<semaphore_mem>> -> memref<1x!tpu.dma_semaphore, #tpu.memory_space<semaphore_mem>>
      %dma_wait3A_655 = tpu.memref_squeeze %dma_wait3A_654 : memref<1x!tpu.dma_semaphore, #tpu.memory_space<semaphore_mem>> -> memref<!tpu.dma_semaphore, #tpu.memory_space<semaphore_mem>>
      %dma_wait3A_656 = arith.constant 0 : i32
      %dma_wait3A_657 = tpu.memref_slice %arg7[%dma_wait3A_647, %dma_wait3A_656] : memref<4x80xi32, #tpu.memory_space<vmem>> -> memref<1x80xi32, #tpu.memory_space<vmem>>
      %dma_wait3A_658 = tpu.memref_squeeze %dma_wait3A_657 : memref<1x80xi32, #tpu.memory_space<vmem>> -> memref<80xi32, #tpu.memory_space<vmem>>
      %dma_wait3A_659 = arith.constant 0 : i32
      %dma_wait3A_660 = tpu.memref_slice %arg4[%dma_wait3A_659] : memref<640000xi32, #tpu.memory_space<hbm>> -> memref<80xi32, #tpu.memory_space<hbm>>
      tpu.wait_dma2 semaphore(%dma_wait3A_655 : memref<!tpu.dma_semaphore, #tpu.memory_space<semaphore_mem>>) src(%dma_wait3A_660 : memref<80xi32, #tpu.memory_space<hbm>>) dst(%dma_wait3A_658 : memref<80xi32, #tpu.memory_space<vmem>>)
      %dma_start3A_661 = arith.constant 0 : i32
      %dma_start3A_662 = arith.constant 0 : i32
      %dma_start3A_663 = arith.constant 0 : i32
      %dma_start3A_664 = arith.constant 0 : i32
      %dma_start3A_665 = arith.constant 0 : i32
      %dma_start3A_666 = tpu.memref_slice %arg8[%dma_start3A_662, %dma_start3A_664, %dma_start3A_665] : memref<4x80x128xf32, #tpu.memory_space<vmem>> -> memref<1x80x128xf32, #tpu.memory_space<vmem>>
      %dma_start3A_667 = tpu.memref_squeeze %dma_start3A_666 : memref<1x80x128xf32, #tpu.memory_space<vmem>> -> memref<80x128xf32, #tpu.memory_space<vmem>>
      %dma_start3A_668 = arith.constant 0 : i32
      %dma_start3A_669 = tpu.memref_slice %arg6[%dma_start3A_661, %dma_start3A_668] : memref<4x80xi32, #tpu.memory_space<vmem>> -> memref<1x80xi32, #tpu.memory_space<vmem>>
      %dma_start3A_670 = tpu.memref_squeeze %dma_start3A_669 : memref<1x80xi32, #tpu.memory_space<vmem>> -> memref<80xi32, #tpu.memory_space<vmem>>
      %dma_start3A_671 = arith.constant 0 : i32
      %dma_start3A_672 = arith.constant 0 : i32
      %dma_start3A_673 = tpu.memref_slice %arg2[%dma_start3A_671, %dma_start3A_672] : memref<10000x128xf32, #tpu.memory_space<hbm>> -> memref<10000x128xf32, #tpu.memory_space<hbm>>
      %dma_start3A_674 = tpu.memref_slice %arg11[%dma_start3A_663] : memref<4x!tpu.dma_semaphore, #tpu.memory_space<semaphore_mem>> -> memref<1x!tpu.dma_semaphore, #tpu.memory_space<semaphore_mem>>
      %dma_start3A_675 = tpu.memref_squeeze %dma_start3A_674 : memref<1x!tpu.dma_semaphore, #tpu.memory_space<semaphore_mem>> -> memref<!tpu.dma_semaphore, #tpu.memory_space<semaphore_mem>>
      tpu.enqueue_indirect_dma source(%dma_start3A_673 : memref<10000x128xf32, #tpu.memory_space<hbm>>) target(%dma_start3A_667 : memref<80x128xf32, #tpu.memory_space<vmem>>) offsets(%dma_start3A_670 : memref<80xi32, #tpu.memory_space<vmem>>) semaphore(%dma_start3A_675 : memref<!tpu.dma_semaphore, #tpu.memory_space<semaphore_mem>>)
      %dma_start3A_676 = arith.constant 1 : i32
      %dma_start3A_677 = arith.constant 1 : i32
      %dma_start3A_678 = arith.constant 1 : i32
      %dma_start3A_679 = arith.constant 0 : i32
      %dma_start3A_680 = arith.constant 0 : i32
      %dma_start3A_681 = tpu.memref_slice %arg8[%dma_start3A_677, %dma_start3A_679, %dma_start3A_680] : memref<4x80x128xf32, #tpu.memory_space<vmem>> -> memref<1x80x128xf32, #tpu.memory_space<vmem>>
      %dma_start3A_682 = tpu.memref_squeeze %dma_start3A_681 : memref<1x80x128xf32, #tpu.memory_space<vmem>> -> memref<80x128xf32, #tpu.memory_space<vmem>>
      %dma_start3A_683 = arith.constant 0 : i32
      %dma_start3A_684 = tpu.memref_slice %arg6[%dma_start3A_676, %dma_start3A_683] : memref<4x80xi32, #tpu.memory_space<vmem>> -> memref<1x80xi32, #tpu.memory_space<vmem>>
      %dma_start3A_685 = tpu.memref_squeeze %dma_start3A_684 : memref<1x80xi32, #tpu.memory_space<vmem>> -> memref<80xi32, #tpu.memory_space<vmem>>
      %dma_start3A_686 = arith.constant 0 : i32
      %dma_start3A_687 = arith.constant 0 : i32
      %dma_start3A_688 = tpu.memref_slice %arg2[%dma_start3A_686, %dma_start3A_687] : memref<10000x128xf32, #tpu.memory_space<hbm>> -> memref<10000x128xf32, #tpu.memory_space<hbm>>
      %dma_start3A_689 = tpu.memref_slice %arg11[%dma_start3A_678] : memref<4x!tpu.dma_semaphore, #tpu.memory_space<semaphore_mem>> -> memref<1x!tpu.dma_semaphore, #tpu.memory_space<semaphore_mem>>
      %dma_start3A_690 = tpu.memref_squeeze %dma_start3A_689 : memref<1x!tpu.dma_semaphore, #tpu.memory_space<semaphore_mem>> -> memref<!tpu.dma_semaphore, #tpu.memory_space<semaphore_mem>>
      tpu.enqueue_indirect_dma source(%dma_start3A_688 : memref<10000x128xf32, #tpu.memory_space<hbm>>) target(%dma_start3A_682 : memref<80x128xf32, #tpu.memory_space<vmem>>) offsets(%dma_start3A_685 : memref<80xi32, #tpu.memory_space<vmem>>) semaphore(%dma_start3A_690 : memref<!tpu.dma_semaphore, #tpu.memory_space<semaphore_mem>>)
      %dma_wait3A_691 = arith.constant 2 : i32
      %dma_wait3A_692 = arith.constant 2 : i32
      %dma_wait3A_693 = arith.constant 0 : i32
      %dma_wait3A_694 = arith.constant 0 : i32
      %dma_wait3A_695 = tpu.memref_slice %arg8[%dma_wait3A_691, %dma_wait3A_693, %dma_wait3A_694] : memref<4x80x128xf32, #tpu.memory_space<vmem>> -> memref<1x80x128xf32, #tpu.memory_space<vmem>>
      %dma_wait3A_696 = tpu.memref_squeeze %dma_wait3A_695 : memref<1x80x128xf32, #tpu.memory_space<vmem>> -> memref<80x128xf32, #tpu.memory_space<vmem>>
      %dma_wait3A_697 = arith.constant 0 : i32
      %dma_wait3A_698 = arith.constant 0 : i32
      %dma_wait3A_699 = tpu.memref_slice %arg2[%dma_wait3A_697, %dma_wait3A_698] : memref<10000x128xf32, #tpu.memory_space<hbm>> -> memref<80x128xf32, #tpu.memory_space<hbm>>
      %dma_wait3A_700 = tpu.memref_slice %arg11[%dma_wait3A_692] : memref<4x!tpu.dma_semaphore, #tpu.memory_space<semaphore_mem>> -> memref<1x!tpu.dma_semaphore, #tpu.memory_space<semaphore_mem>>
      %dma_wait3A_701 = tpu.memref_squeeze %dma_wait3A_700 : memref<1x!tpu.dma_semaphore, #tpu.memory_space<semaphore_mem>> -> memref<!tpu.dma_semaphore, #tpu.memory_space<semaphore_mem>>
      %dma_wait3A_702 = arith.constant 0 : i32
      %dma_wait3A_703 = arith.constant 0 : i32
      %dma_wait3A_704 = tpu.memref_slice %arg8[%dma_wait3A_691, %dma_wait3A_702, %dma_wait3A_703] : memref<4x80x128xf32, #tpu.memory_space<vmem>> -> memref<1x80x128xf32, #tpu.memory_space<vmem>>
      %dma_wait3A_705 = tpu.memref_squeeze %dma_wait3A_704 : memref<1x80x128xf32, #tpu.memory_space<vmem>> -> memref<80x128xf32, #tpu.memory_space<vmem>>
      %dma_wait3A_706 = arith.constant 0 : i32
      %dma_wait3A_707 = arith.constant 0 : i32
      %dma_wait3A_708 = tpu.memref_slice %arg2[%dma_wait3A_706, %dma_wait3A_707] : memref<10000x128xf32, #tpu.memory_space<hbm>> -> memref<80x128xf32, #tpu.memory_space<hbm>>
      tpu.wait_dma2 semaphore(%dma_wait3A_701 : memref<!tpu.dma_semaphore, #tpu.memory_space<semaphore_mem>>) src(%dma_wait3A_708 : memref<80x128xf32, #tpu.memory_space<hbm>>) dst(%dma_wait3A_705 : memref<80x128xf32, #tpu.memory_space<vmem>>)
      %dma_wait3A_709 = arith.constant 3 : i32
      %dma_wait3A_710 = arith.constant 3 : i32
      %dma_wait3A_711 = arith.constant 0 : i32
      %dma_wait3A_712 = arith.constant 0 : i32
      %dma_wait3A_713 = tpu.memref_slice %arg8[%dma_wait3A_709, %dma_wait3A_711, %dma_wait3A_712] : memref<4x80x128xf32, #tpu.memory_space<vmem>> -> memref<1x80x128xf32, #tpu.memory_space<vmem>>
      %dma_wait3A_714 = tpu.memref_squeeze %dma_wait3A_713 : memref<1x80x128xf32, #tpu.memory_space<vmem>> -> memref<80x128xf32, #tpu.memory_space<vmem>>
      %dma_wait3A_715 = arith.constant 0 : i32
      %dma_wait3A_716 = arith.constant 0 : i32
      %dma_wait3A_717 = tpu.memref_slice %arg2[%dma_wait3A_715, %dma_wait3A_716] : memref<10000x128xf32, #tpu.memory_space<hbm>> -> memref<80x128xf32, #tpu.memory_space<hbm>>
      %dma_wait3A_718 = tpu.memref_slice %arg11[%dma_wait3A_710] : memref<4x!tpu.dma_semaphore, #tpu.memory_space<semaphore_mem>> -> memref<1x!tpu.dma_semaphore, #tpu.memory_space<semaphore_mem>>
      %dma_wait3A_719 = tpu.memref_squeeze %dma_wait3A_718 : memref<1x!tpu.dma_semaphore, #tpu.memory_space<semaphore_mem>> -> memref<!tpu.dma_semaphore, #tpu.memory_space<semaphore_mem>>
      %dma_wait3A_720 = arith.constant 0 : i32
      %dma_wait3A_721 = arith.constant 0 : i32
      %dma_wait3A_722 = tpu.memref_slice %arg8[%dma_wait3A_709, %dma_wait3A_720, %dma_wait3A_721] : memref<4x80x128xf32, #tpu.memory_space<vmem>> -> memref<1x80x128xf32, #tpu.memory_space<vmem>>
      %dma_wait3A_723 = tpu.memref_squeeze %dma_wait3A_722 : memref<1x80x128xf32, #tpu.memory_space<vmem>> -> memref<80x128xf32, #tpu.memory_space<vmem>>
      %dma_wait3A_724 = arith.constant 0 : i32
      %dma_wait3A_725 = arith.constant 0 : i32
      %dma_wait3A_726 = tpu.memref_slice %arg2[%dma_wait3A_724, %dma_wait3A_725] : memref<10000x128xf32, #tpu.memory_space<hbm>> -> memref<80x128xf32, #tpu.memory_space<hbm>>
      tpu.wait_dma2 semaphore(%dma_wait3A_719 : memref<!tpu.dma_semaphore, #tpu.memory_space<semaphore_mem>>) src(%dma_wait3A_726 : memref<80x128xf32, #tpu.memory_space<hbm>>) dst(%dma_wait3A_723 : memref<80x128xf32, #tpu.memory_space<vmem>>)
      %dma_start3A_727 = arith.constant 2 : i32
      %dma_start3A_728 = arith.constant 2 : i32
      %dma_start3A_729 = arith.constant 2 : i32
      %dma_start3A_730 = arith.constant 0 : i32
      %dma_start3A_731 = arith.constant 0 : i32
      %dma_start3A_732 = tpu.memref_slice %arg8[%dma_start3A_727, %dma_start3A_730, %dma_start3A_731] : memref<4x80x128xf32, #tpu.memory_space<vmem>> -> memref<1x80x128xf32, #tpu.memory_space<vmem>>
      %dma_start3A_733 = tpu.memref_squeeze %dma_start3A_732 : memref<1x80x128xf32, #tpu.memory_space<vmem>> -> memref<80x128xf32, #tpu.memory_space<vmem>>
      %dma_start3A_734 = arith.constant 0 : i32
      %dma_start3A_735 = tpu.memref_slice %arg7[%dma_start3A_728, %dma_start3A_734] : memref<4x80xi32, #tpu.memory_space<vmem>> -> memref<1x80xi32, #tpu.memory_space<vmem>>
      %dma_start3A_736 = tpu.memref_squeeze %dma_start3A_735 : memref<1x80xi32, #tpu.memory_space<vmem>> -> memref<80xi32, #tpu.memory_space<vmem>>
      %dma_start3A_737 = arith.constant 0 : i32
      %dma_start3A_738 = arith.constant 0 : i32
      %dma_start3A_739 = tpu.memref_slice %arg9[%dma_start3A_737, %dma_start3A_738] : memref<10000x128xf32, #tpu.memory_space<vmem_shared>> -> memref<10000x128xf32, #tpu.memory_space<vmem_shared>>
      %dma_start3A_740 = tpu.memref_slice %arg12[%dma_start3A_729] : memref<4x!tpu.dma_semaphore, #tpu.memory_space<semaphore_mem>> -> memref<1x!tpu.dma_semaphore, #tpu.memory_space<semaphore_mem>>
      %dma_start3A_741 = tpu.memref_squeeze %dma_start3A_740 : memref<1x!tpu.dma_semaphore, #tpu.memory_space<semaphore_mem>> -> memref<!tpu.dma_semaphore, #tpu.memory_space<semaphore_mem>>
      tpu.enqueue_indirect_dma source(%dma_start3A_733 : memref<80x128xf32, #tpu.memory_space<vmem>>) target(%dma_start3A_739 : memref<10000x128xf32, #tpu.memory_space<vmem_shared>>) offsets(%dma_start3A_736 : memref<80xi32, #tpu.memory_space<vmem>>) semaphore(%dma_start3A_741 : memref<!tpu.dma_semaphore, #tpu.memory_space<semaphore_mem>>) {add = true}
      %dma_start3A_742 = arith.constant 3 : i32
      %dma_start3A_743 = arith.constant 3 : i32
      %dma_start3A_744 = arith.constant 3 : i32
      %dma_start3A_745 = arith.constant 0 : i32
      %dma_start3A_746 = arith.constant 0 : i32
      %dma_start3A_747 = tpu.memref_slice %arg8[%dma_start3A_742, %dma_start3A_745, %dma_start3A_746] : memref<4x80x128xf32, #tpu.memory_space<vmem>> -> memref<1x80x128xf32, #tpu.memory_space<vmem>>
      %dma_start3A_748 = tpu.memref_squeeze %dma_start3A_747 : memref<1x80x128xf32, #tpu.memory_space<vmem>> -> memref<80x128xf32, #tpu.memory_space<vmem>>
      %dma_start3A_749 = arith.constant 0 : i32
      %dma_start3A_750 = tpu.memref_slice %arg7[%dma_start3A_743, %dma_start3A_749] : memref<4x80xi32, #tpu.memory_space<vmem>> -> memref<1x80xi32, #tpu.memory_space<vmem>>
      %dma_start3A_751 = tpu.memref_squeeze %dma_start3A_750 : memref<1x80xi32, #tpu.memory_space<vmem>> -> memref<80xi32, #tpu.memory_space<vmem>>
      %dma_start3A_752 = arith.constant 0 : i32
      %dma_start3A_753 = arith.constant 0 : i32
      %dma_start3A_754 = tpu.memref_slice %arg9[%dma_start3A_752, %dma_start3A_753] : memref<10000x128xf32, #tpu.memory_space<vmem_shared>> -> memref<10000x128xf32, #tpu.memory_space<vmem_shared>>
      %dma_start3A_755 = tpu.memref_slice %arg12[%dma_start3A_744] : memref<4x!tpu.dma_semaphore, #tpu.memory_space<semaphore_mem>> -> memref<1x!tpu.dma_semaphore, #tpu.memory_space<semaphore_mem>>
      %dma_start3A_756 = tpu.memref_squeeze %dma_start3A_755 : memref<1x!tpu.dma_semaphore, #tpu.memory_space<semaphore_mem>> -> memref<!tpu.dma_semaphore, #tpu.memory_space<semaphore_mem>>
      tpu.enqueue_indirect_dma source(%dma_start3A_748 : memref<80x128xf32, #tpu.memory_space<vmem>>) target(%dma_start3A_754 : memref<10000x128xf32, #tpu.memory_space<vmem_shared>>) offsets(%dma_start3A_751 : memref<80xi32, #tpu.memory_space<vmem>>) semaphore(%dma_start3A_756 : memref<!tpu.dma_semaphore, #tpu.memory_space<semaphore_mem>>) {add = true}
    }
    %scan3A_155 = arith.constant 31 : i32
    %dma_wait3A_156 = arith.constant 2 : i32
    %dma_wait3A_157 = arith.constant 2 : i32
    %dma_wait3A_158 = arith.constant 0 : i32
    %dma_wait3A_159 = arith.constant 0 : i32
    %dma_wait3A_160 = tpu.memref_slice %arg8[%dma_wait3A_156, %dma_wait3A_158, %dma_wait3A_159] : memref<4x80x128xf32, #tpu.memory_space<vmem>> -> memref<1x80x128xf32, #tpu.memory_space<vmem>>
    %dma_wait3A_161 = tpu.memref_squeeze %dma_wait3A_160 : memref<1x80x128xf32, #tpu.memory_space<vmem>> -> memref<80x128xf32, #tpu.memory_space<vmem>>
    %dma_wait3A_162 = arith.constant 0 : i32
    %dma_wait3A_163 = arith.constant 0 : i32
    %dma_wait3A_164 = tpu.memref_slice %arg2[%dma_wait3A_162, %dma_wait3A_163] : memref<10000x128xf32, #tpu.memory_space<hbm>> -> memref<80x128xf32, #tpu.memory_space<hbm>>
    %dma_wait3A_165 = tpu.memref_slice %arg12[%dma_wait3A_157] : memref<4x!tpu.dma_semaphore, #tpu.memory_space<semaphore_mem>> -> memref<1x!tpu.dma_semaphore, #tpu.memory_space<semaphore_mem>>
    %dma_wait3A_166 = tpu.memref_squeeze %dma_wait3A_165 : memref<1x!tpu.dma_semaphore, #tpu.memory_space<semaphore_mem>> -> memref<!tpu.dma_semaphore, #tpu.memory_space<semaphore_mem>>
    %dma_wait3A_167 = arith.constant 0 : i32
    %dma_wait3A_168 = arith.constant 0 : i32
    %dma_wait3A_169 = tpu.memref_slice %arg8[%dma_wait3A_156, %dma_wait3A_167, %dma_wait3A_168] : memref<4x80x128xf32, #tpu.memory_space<vmem>> -> memref<1x80x128xf32, #tpu.memory_space<vmem>>
    %dma_wait3A_170 = tpu.memref_squeeze %dma_wait3A_169 : memref<1x80x128xf32, #tpu.memory_space<vmem>> -> memref<80x128xf32, #tpu.memory_space<vmem>>
    %dma_wait3A_171 = arith.constant 0 : i32
    %dma_wait3A_172 = arith.constant 0 : i32
    %dma_wait3A_173 = tpu.memref_slice %arg2[%dma_wait3A_171, %dma_wait3A_172] : memref<10000x128xf32, #tpu.memory_space<hbm>> -> memref<80x128xf32, #tpu.memory_space<hbm>>
    tpu.wait_dma2 semaphore(%dma_wait3A_166 : memref<!tpu.dma_semaphore, #tpu.memory_space<semaphore_mem>>) src(%dma_wait3A_173 : memref<80x128xf32, #tpu.memory_space<hbm>>) dst(%dma_wait3A_170 : memref<80x128xf32, #tpu.memory_space<vmem>>)
    %dma_wait3A_174 = arith.constant 3 : i32
    %dma_wait3A_175 = arith.constant 3 : i32
    %dma_wait3A_176 = arith.constant 0 : i32
    %dma_wait3A_177 = arith.constant 0 : i32
    %dma_wait3A_178 = tpu.memref_slice %arg8[%dma_wait3A_174, %dma_wait3A_176, %dma_wait3A_177] : memref<4x80x128xf32, #tpu.memory_space<vmem>> -> memref<1x80x128xf32, #tpu.memory_space<vmem>>
    %dma_wait3A_179 = tpu.memref_squeeze %dma_wait3A_178 : memref<1x80x128xf32, #tpu.memory_space<vmem>> -> memref<80x128xf32, #tpu.memory_space<vmem>>
    %dma_wait3A_180 = arith.constant 0 : i32
    %dma_wait3A_181 = arith.constant 0 : i32
    %dma_wait3A_182 = tpu.memref_slice %arg2[%dma_wait3A_180, %dma_wait3A_181] : memref<10000x128xf32, #tpu.memory_space<hbm>> -> memref<80x128xf32, #tpu.memory_space<hbm>>
    %dma_wait3A_183 = tpu.memref_slice %arg12[%dma_wait3A_175] : memref<4x!tpu.dma_semaphore, #tpu.memory_space<semaphore_mem>> -> memref<1x!tpu.dma_semaphore, #tpu.memory_space<semaphore_mem>>
    %dma_wait3A_184 = tpu.memref_squeeze %dma_wait3A_183 : memref<1x!tpu.dma_semaphore, #tpu.memory_space<semaphore_mem>> -> memref<!tpu.dma_semaphore, #tpu.memory_space<semaphore_mem>>
    %dma_wait3A_185 = arith.constant 0 : i32
    %dma_wait3A_186 = arith.constant 0 : i32
    %dma_wait3A_187 = tpu.memref_slice %arg8[%dma_wait3A_174, %dma_wait3A_185, %dma_wait3A_186] : memref<4x80x128xf32, #tpu.memory_space<vmem>> -> memref<1x80x128xf32, #tpu.memory_space<vmem>>
    %dma_wait3A_188 = tpu.memref_squeeze %dma_wait3A_187 : memref<1x80x128xf32, #tpu.memory_space<vmem>> -> memref<80x128xf32, #tpu.memory_space<vmem>>
    %dma_wait3A_189 = arith.constant 0 : i32
    %dma_wait3A_190 = arith.constant 0 : i32
    %dma_wait3A_191 = tpu.memref_slice %arg2[%dma_wait3A_189, %dma_wait3A_190] : memref<10000x128xf32, #tpu.memory_space<hbm>> -> memref<80x128xf32, #tpu.memory_space<hbm>>
    tpu.wait_dma2 semaphore(%dma_wait3A_184 : memref<!tpu.dma_semaphore, #tpu.memory_space<semaphore_mem>>) src(%dma_wait3A_191 : memref<80x128xf32, #tpu.memory_space<hbm>>) dst(%dma_wait3A_188 : memref<80x128xf32, #tpu.memory_space<vmem>>)
    %dma_wait3A_192 = arith.constant 0 : i32
    %dma_wait3A_193 = arith.constant 0 : i32
    %dma_wait3A_194 = arith.constant 0 : i32
    %dma_wait3A_195 = arith.constant 0 : i32
    %dma_wait3A_196 = tpu.memref_slice %arg8[%dma_wait3A_192, %dma_wait3A_194, %dma_wait3A_195] : memref<4x80x128xf32, #tpu.memory_space<vmem>> -> memref<1x80x128xf32, #tpu.memory_space<vmem>>
    %dma_wait3A_197 = tpu.memref_squeeze %dma_wait3A_196 : memref<1x80x128xf32, #tpu.memory_space<vmem>> -> memref<80x128xf32, #tpu.memory_space<vmem>>
    %dma_wait3A_198 = arith.constant 0 : i32
    %dma_wait3A_199 = arith.constant 0 : i32
    %dma_wait3A_200 = tpu.memref_slice %arg2[%dma_wait3A_198, %dma_wait3A_199] : memref<10000x128xf32, #tpu.memory_space<hbm>> -> memref<80x128xf32, #tpu.memory_space<hbm>>
    %dma_wait3A_201 = tpu.memref_slice %arg11[%dma_wait3A_193] : memref<4x!tpu.dma_semaphore, #tpu.memory_space<semaphore_mem>> -> memref<1x!tpu.dma_semaphore, #tpu.memory_space<semaphore_mem>>
    %dma_wait3A_202 = tpu.memref_squeeze %dma_wait3A_201 : memref<1x!tpu.dma_semaphore, #tpu.memory_space<semaphore_mem>> -> memref<!tpu.dma_semaphore, #tpu.memory_space<semaphore_mem>>
    %dma_wait3A_203 = arith.constant 0 : i32
    %dma_wait3A_204 = arith.constant 0 : i32
    %dma_wait3A_205 = tpu.memref_slice %arg8[%dma_wait3A_192, %dma_wait3A_203, %dma_wait3A_204] : memref<4x80x128xf32, #tpu.memory_space<vmem>> -> memref<1x80x128xf32, #tpu.memory_space<vmem>>
    %dma_wait3A_206 = tpu.memref_squeeze %dma_wait3A_205 : memref<1x80x128xf32, #tpu.memory_space<vmem>> -> memref<80x128xf32, #tpu.memory_space<vmem>>
    %dma_wait3A_207 = arith.constant 0 : i32
    %dma_wait3A_208 = arith.constant 0 : i32
    %dma_wait3A_209 = tpu.memref_slice %arg2[%dma_wait3A_207, %dma_wait3A_208] : memref<10000x128xf32, #tpu.memory_space<hbm>> -> memref<80x128xf32, #tpu.memory_space<hbm>>
    tpu.wait_dma2 semaphore(%dma_wait3A_202 : memref<!tpu.dma_semaphore, #tpu.memory_space<semaphore_mem>>) src(%dma_wait3A_209 : memref<80x128xf32, #tpu.memory_space<hbm>>) dst(%dma_wait3A_206 : memref<80x128xf32, #tpu.memory_space<vmem>>)
    %dma_wait3A_210 = arith.constant 1 : i32
    %dma_wait3A_211 = arith.constant 1 : i32
    %dma_wait3A_212 = arith.constant 0 : i32
    %dma_wait3A_213 = arith.constant 0 : i32
    %dma_wait3A_214 = tpu.memref_slice %arg8[%dma_wait3A_210, %dma_wait3A_212, %dma_wait3A_213] : memref<4x80x128xf32, #tpu.memory_space<vmem>> -> memref<1x80x128xf32, #tpu.memory_space<vmem>>
    %dma_wait3A_215 = tpu.memref_squeeze %dma_wait3A_214 : memref<1x80x128xf32, #tpu.memory_space<vmem>> -> memref<80x128xf32, #tpu.memory_space<vmem>>
    %dma_wait3A_216 = arith.constant 0 : i32
    %dma_wait3A_217 = arith.constant 0 : i32
    %dma_wait3A_218 = tpu.memref_slice %arg2[%dma_wait3A_216, %dma_wait3A_217] : memref<10000x128xf32, #tpu.memory_space<hbm>> -> memref<80x128xf32, #tpu.memory_space<hbm>>
    %dma_wait3A_219 = tpu.memref_slice %arg11[%dma_wait3A_211] : memref<4x!tpu.dma_semaphore, #tpu.memory_space<semaphore_mem>> -> memref<1x!tpu.dma_semaphore, #tpu.memory_space<semaphore_mem>>
    %dma_wait3A_220 = tpu.memref_squeeze %dma_wait3A_219 : memref<1x!tpu.dma_semaphore, #tpu.memory_space<semaphore_mem>> -> memref<!tpu.dma_semaphore, #tpu.memory_space<semaphore_mem>>
    %dma_wait3A_221 = arith.constant 0 : i32
    %dma_wait3A_222 = arith.constant 0 : i32
    %dma_wait3A_223 = tpu.memref_slice %arg8[%dma_wait3A_210, %dma_wait3A_221, %dma_wait3A_222] : memref<4x80x128xf32, #tpu.memory_space<vmem>> -> memref<1x80x128xf32, #tpu.memory_space<vmem>>
    %dma_wait3A_224 = tpu.memref_squeeze %dma_wait3A_223 : memref<1x80x128xf32, #tpu.memory_space<vmem>> -> memref<80x128xf32, #tpu.memory_space<vmem>>
    %dma_wait3A_225 = arith.constant 0 : i32
    %dma_wait3A_226 = arith.constant 0 : i32
    %dma_wait3A_227 = tpu.memref_slice %arg2[%dma_wait3A_225, %dma_wait3A_226] : memref<10000x128xf32, #tpu.memory_space<hbm>> -> memref<80x128xf32, #tpu.memory_space<hbm>>
    tpu.wait_dma2 semaphore(%dma_wait3A_220 : memref<!tpu.dma_semaphore, #tpu.memory_space<semaphore_mem>>) src(%dma_wait3A_227 : memref<80x128xf32, #tpu.memory_space<hbm>>) dst(%dma_wait3A_224 : memref<80x128xf32, #tpu.memory_space<vmem>>)
    %dma_start3A_228 = arith.constant 0 : i32
    %dma_start3A_229 = arith.constant 0 : i32
    %dma_start3A_230 = arith.constant 0 : i32
    %dma_start3A_231 = arith.constant 0 : i32
    %dma_start3A_232 = arith.constant 0 : i32
    %dma_start3A_233 = tpu.memref_slice %arg8[%dma_start3A_228, %dma_start3A_231, %dma_start3A_232] : memref<4x80x128xf32, #tpu.memory_space<vmem>> -> memref<1x80x128xf32, #tpu.memory_space<vmem>>
    %dma_start3A_234 = tpu.memref_squeeze %dma_start3A_233 : memref<1x80x128xf32, #tpu.memory_space<vmem>> -> memref<80x128xf32, #tpu.memory_space<vmem>>
    %dma_start3A_235 = arith.constant 0 : i32
    %dma_start3A_236 = tpu.memref_slice %arg7[%dma_start3A_229, %dma_start3A_235] : memref<4x80xi32, #tpu.memory_space<vmem>> -> memref<1x80xi32, #tpu.memory_space<vmem>>
    %dma_start3A_237 = tpu.memref_squeeze %dma_start3A_236 : memref<1x80xi32, #tpu.memory_space<vmem>> -> memref<80xi32, #tpu.memory_space<vmem>>
    %dma_start3A_238 = arith.constant 0 : i32
    %dma_start3A_239 = arith.constant 0 : i32
    %dma_start3A_240 = tpu.memref_slice %arg9[%dma_start3A_238, %dma_start3A_239] : memref<10000x128xf32, #tpu.memory_space<vmem_shared>> -> memref<10000x128xf32, #tpu.memory_space<vmem_shared>>
    %dma_start3A_241 = tpu.memref_slice %arg12[%dma_start3A_230] : memref<4x!tpu.dma_semaphore, #tpu.memory_space<semaphore_mem>> -> memref<1x!tpu.dma_semaphore, #tpu.memory_space<semaphore_mem>>
    %dma_start3A_242 = tpu.memref_squeeze %dma_start3A_241 : memref<1x!tpu.dma_semaphore, #tpu.memory_space<semaphore_mem>> -> memref<!tpu.dma_semaphore, #tpu.memory_space<semaphore_mem>>
    tpu.enqueue_indirect_dma source(%dma_start3A_234 : memref<80x128xf32, #tpu.memory_space<vmem>>) target(%dma_start3A_240 : memref<10000x128xf32, #tpu.memory_space<vmem_shared>>) offsets(%dma_start3A_237 : memref<80xi32, #tpu.memory_space<vmem>>) semaphore(%dma_start3A_242 : memref<!tpu.dma_semaphore, #tpu.memory_space<semaphore_mem>>) {add = true}
    %dma_wait3A_243 = arith.constant 0 : i32
    %dma_wait3A_244 = arith.constant 0 : i32
    %dma_wait3A_245 = arith.constant 0 : i32
    %dma_wait3A_246 = arith.constant 0 : i32
    %dma_wait3A_247 = tpu.memref_slice %arg8[%dma_wait3A_243, %dma_wait3A_245, %dma_wait3A_246] : memref<4x80x128xf32, #tpu.memory_space<vmem>> -> memref<1x80x128xf32, #tpu.memory_space<vmem>>
    %dma_wait3A_248 = tpu.memref_squeeze %dma_wait3A_247 : memref<1x80x128xf32, #tpu.memory_space<vmem>> -> memref<80x128xf32, #tpu.memory_space<vmem>>
    %dma_wait3A_249 = arith.constant 0 : i32
    %dma_wait3A_250 = arith.constant 0 : i32
    %dma_wait3A_251 = tpu.memref_slice %arg2[%dma_wait3A_249, %dma_wait3A_250] : memref<10000x128xf32, #tpu.memory_space<hbm>> -> memref<80x128xf32, #tpu.memory_space<hbm>>
    %dma_wait3A_252 = tpu.memref_slice %arg12[%dma_wait3A_244] : memref<4x!tpu.dma_semaphore, #tpu.memory_space<semaphore_mem>> -> memref<1x!tpu.dma_semaphore, #tpu.memory_space<semaphore_mem>>
    %dma_wait3A_253 = tpu.memref_squeeze %dma_wait3A_252 : memref<1x!tpu.dma_semaphore, #tpu.memory_space<semaphore_mem>> -> memref<!tpu.dma_semaphore, #tpu.memory_space<semaphore_mem>>
    %dma_wait3A_254 = arith.constant 0 : i32
    %dma_wait3A_255 = arith.constant 0 : i32
    %dma_wait3A_256 = tpu.memref_slice %arg8[%dma_wait3A_243, %dma_wait3A_254, %dma_wait3A_255] : memref<4x80x128xf32, #tpu.memory_space<vmem>> -> memref<1x80x128xf32, #tpu.memory_space<vmem>>
    %dma_wait3A_257 = tpu.memref_squeeze %dma_wait3A_256 : memref<1x80x128xf32, #tpu.memory_space<vmem>> -> memref<80x128xf32, #tpu.memory_space<vmem>>
    %dma_wait3A_258 = arith.constant 0 : i32
    %dma_wait3A_259 = arith.constant 0 : i32
    %dma_wait3A_260 = tpu.memref_slice %arg2[%dma_wait3A_258, %dma_wait3A_259] : memref<10000x128xf32, #tpu.memory_space<hbm>> -> memref<80x128xf32, #tpu.memory_space<hbm>>
    tpu.wait_dma2 semaphore(%dma_wait3A_253 : memref<!tpu.dma_semaphore, #tpu.memory_space<semaphore_mem>>) src(%dma_wait3A_260 : memref<80x128xf32, #tpu.memory_space<hbm>>) dst(%dma_wait3A_257 : memref<80x128xf32, #tpu.memory_space<vmem>>)
    %barrier3A_261 = arith.constant 0 : index
    tpu.barrier barrier_id(%barrier3A_261)
    "tpu.region"() ({
      %run_scoped3A = tpu.sem_alloc : memref<!tpu.dma_semaphore, #tpu.memory_space<semaphore_mem>>
      %dma_start3A_267 = arith.constant 0 : i32
      %dma_start3A_268 = tpu.memref_slice %arg5[%arg0, %mul3A_0, %dma_start3A_267] : memref<2x10000x128xf32, #tpu.memory_space<hbm>> -> memref<1x624x128xf32, #tpu.memory_space<hbm>>
      %dma_start3A_269 = tpu.memref_squeeze %dma_start3A_268 : memref<1x624x128xf32, #tpu.memory_space<hbm>> -> memref<624x128xf32, #tpu.memory_space<hbm>>
      %dma_start3A_270 = arith.constant 0 : i32
      %dma_start3A_271 = tpu.memref_slice %arg9[%mul3A_0, %dma_start3A_270] : memref<10000x128xf32, #tpu.memory_space<vmem_shared>> -> memref<624x128xf32, #tpu.memory_space<vmem_shared>>
      tpu.enqueue_dma source(%dma_start3A_271 : memref<624x128xf32, #tpu.memory_space<vmem_shared>>) target(%dma_start3A_269 : memref<624x128xf32, #tpu.memory_space<hbm>>) target_semaphore(%run_scoped3A : memref<!tpu.dma_semaphore, #tpu.memory_space<semaphore_mem>>)
      %dma_wait3A_272 = arith.constant 0 : i32
      %dma_wait3A_273 = tpu.memref_slice %arg5[%arg0, %mul3A_0, %dma_wait3A_272] : memref<2x10000x128xf32, #tpu.memory_space<hbm>> -> memref<1x624x128xf32, #tpu.memory_space<hbm>>
      %dma_wait3A_274 = tpu.memref_squeeze %dma_wait3A_273 : memref<1x624x128xf32, #tpu.memory_space<hbm>> -> memref<624x128xf32, #tpu.memory_space<hbm>>
      %dma_wait3A_275 = arith.constant 0 : i32
      %dma_wait3A_276 = tpu.memref_slice %arg9[%mul3A_0, %dma_wait3A_275] : memref<10000x128xf32, #tpu.memory_space<vmem_shared>> -> memref<624x128xf32, #tpu.memory_space<vmem_shared>>
      tpu.wait_dma2 semaphore(%run_scoped3A : memref<!tpu.dma_semaphore, #tpu.memory_space<semaphore_mem>>) src(%dma_wait3A_276 : memref<624x128xf32, #tpu.memory_space<vmem_shared>>) dst(%dma_wait3A_274 : memref<624x128xf32, #tpu.memory_space<hbm>>)
      tpu.yield
    }) : () -> ()
    %eq3A_262 = arith.constant 15 : i32
    %eq3A_263 = arith.cmpi eq, %arg1, %eq3A_262 : i32
    %convert_element_type3A_264 = arith.extui %eq3A_263 : i1 to i32
    %cond3A_265 = arith.constant 0 : i32
    %cond3A_266 = arith.cmpi ne, %convert_element_type3A_264, %cond3A_265 : i32
    scf.if %cond3A_266 {
      "tpu.region"() ({
        %run_scoped3A = tpu.sem_alloc : memref<!tpu.dma_semaphore, #tpu.memory_space<semaphore_mem>>
        %dma_start3A_267 = arith.constant 9984 : i32
        %dma_start3A_268 = arith.constant 0 : i32
        %dma_start3A_269 = tpu.memref_slice %arg5[%arg0, %dma_start3A_267, %dma_start3A_268] : memref<2x10000x128xf32, #tpu.memory_space<hbm>> -> memref<1x16x128xf32, #tpu.memory_space<hbm>>
        %dma_start3A_270 = tpu.memref_squeeze %dma_start3A_269 : memref<1x16x128xf32, #tpu.memory_space<hbm>> -> memref<16x128xf32, #tpu.memory_space<hbm>>
        %dma_start3A_271 = arith.constant 9984 : i32
        %dma_start3A_272 = arith.constant 0 : i32
        %dma_start3A_273 = tpu.memref_slice %arg9[%dma_start3A_271, %dma_start3A_272] : memref<10000x128xf32, #tpu.memory_space<vmem_shared>> -> memref<16x128xf32, #tpu.memory_space<vmem_shared>>
        tpu.enqueue_dma source(%dma_start3A_273 : memref<16x128xf32, #tpu.memory_space<vmem_shared>>) target(%dma_start3A_270 : memref<16x128xf32, #tpu.memory_space<hbm>>) target_semaphore(%run_scoped3A : memref<!tpu.dma_semaphore, #tpu.memory_space<semaphore_mem>>)
        %dma_wait3A_274 = arith.constant 9984 : i32
        %dma_wait3A_275 = arith.constant 0 : i32
        %dma_wait3A_276 = tpu.memref_slice %arg5[%arg0, %dma_wait3A_274, %dma_wait3A_275] : memref<2x10000x128xf32, #tpu.memory_space<hbm>> -> memref<1x16x128xf32, #tpu.memory_space<hbm>>
        %dma_wait3A_277 = tpu.memref_squeeze %dma_wait3A_276 : memref<1x16x128xf32, #tpu.memory_space<hbm>> -> memref<16x128xf32, #tpu.memory_space<hbm>>
        %dma_wait3A_278 = arith.constant 9984 : i32
        %dma_wait3A_279 = arith.constant 0 : i32
        %dma_wait3A_280 = tpu.memref_slice %arg9[%dma_wait3A_278, %dma_wait3A_279] : memref<10000x128xf32, #tpu.memory_space<vmem_shared>> -> memref<16x128xf32, #tpu.memory_space<vmem_shared>>
        tpu.wait_dma2 semaphore(%run_scoped3A : memref<!tpu.dma_semaphore, #tpu.memory_space<semaphore_mem>>) src(%dma_wait3A_280 : memref<16x128xf32, #tpu.memory_space<vmem_shared>>) dst(%dma_wait3A_277 : memref<16x128xf32, #tpu.memory_space<hbm>>)
        tpu.yield
      }) : () -> ()
    } else {
    }
    return
  }
}

module attributes {stable_mosaic.version = 14 : i64} {
  func.func @_tc1_body(%arg0: memref<10000x2xf32, #tpu.memory_space<vmem>>, %arg1: memref<10000x128xf32, #tpu.memory_space<vmem>>, %arg2: memref<128x128xf32, #tpu.memory_space<vmem>>, %arg3: memref<10000x128xf32, #tpu.memory_space<vmem>>) attributes {dimension_semantics = [], scalar_prefetch = 0 : i64, scratch_operands = 0 : i64, tpu.core_type = #tpu.core_type<tc>} {
    %get3A = arith.constant 0 : index
    %get3A_0 = arith.constant 0 : index
    %get3A_1 = vector.load %arg0[%get3A, %get3A_0] : memref<10000x2xf32, #tpu.memory_space<vmem>>, vector<10000x1xf32>
    %get3A_2 = arith.constant 0 : index
    %get3A_3 = arith.constant 1 : index
    %get3A_4 = vector.load %arg0[%get3A_2, %get3A_3] : memref<10000x2xf32, #tpu.memory_space<vmem>>, vector<10000x1xf32>
    %add3A = arith.addf %get3A_1, %get3A_4 : vector<10000x1xf32>
    %sub3A = arith.constant 1.000000e+00 : f32
    %sub3A_5 = vector.broadcast %sub3A : f32 to vector<10000x1xf32>
    %sub3A_6 = arith.subf %add3A, %sub3A_5 : vector<10000x1xf32>
    %rsqrt3A = math.rsqrt %sub3A_6 : vector<10000x1xf32>
    %get3A_7 = arith.constant 0 : index
    %get3A_8 = arith.constant 0 : index
    %get3A_9 = vector.load %arg1[%get3A_7, %get3A_8] : memref<10000x128xf32, #tpu.memory_space<vmem>>, vector<10000x128xf32>
    %get3A_10 = arith.constant 0 : index
    %get3A_11 = arith.constant 0 : index
    %get3A_12 = vector.load %arg2[%get3A_10, %get3A_11] : memref<128x128xf32, #tpu.memory_space<vmem>>, vector<128x128xf32>
    %dot_general3A = arith.constant dense<0.000000e+00> : vector<10000x128xf32>
    %dot_general3A_13 = tpu.matmul %get3A_9, %get3A_12, %dot_general3A {dimension_numbers = #tpu.dot_dimension_numbers<[1], [0], [0], [1], [0, 0, 1, 1], [], []>, transpose_lhs_hint = false} : vector<10000x128xf32>, vector<128x128xf32>, vector<10000x128xf32> -> vector<10000x128xf32>
    %mul3A = vector.broadcast %rsqrt3A : vector<10000x1xf32> to vector<10000x128xf32>
    %mul3A_14 = arith.mulf %dot_general3A_13, %mul3A : vector<10000x128xf32>
    %swap3A = arith.constant 0 : index
    %swap3A_15 = arith.constant 0 : index
    %swap3A_16 = vector.load %arg3[%swap3A, %swap3A_15] : memref<10000x128xf32, #tpu.memory_space<vmem>>, vector<10000x128xf32>
    tpu.vector_store %arg3[%swap3A, %swap3A_15], %mul3A_14 {strides = array<i32>} : memref<10000x128xf32, #tpu.memory_space<vmem>>, vector<10000x128xf32>,
    return
  }
}

module attributes {stable_mosaic.version = 14 : i64} {
  func.func @_tc_comb_body(%arg0: memref<10000x2xf32, #tpu.memory_space<vmem>>, %arg1: memref<2x10000x128xf32, #tpu.memory_space<vmem>>, %arg2: memref<10000x128xf32, #tpu.memory_space<vmem>>, %arg3: memref<1x128xf32, #tpu.memory_space<vmem>>, %arg4: memref<128x128xf32, #tpu.memory_space<vmem>>, %arg5: memref<10000x128xf32, #tpu.memory_space<vmem>>, %arg6: memref<10000x128xf32, #tpu.memory_space<vmem>>) attributes {dimension_semantics = [], scalar_prefetch = 0 : i64, scratch_operands = 0 : i64, tpu.core_type = #tpu.core_type<tc>} {
    %get3A = arith.constant 0 : index
    %get3A_0 = arith.constant 0 : index
    %get3A_1 = vector.load %arg0[%get3A, %get3A_0] : memref<10000x2xf32, #tpu.memory_space<vmem>>, vector<10000x1xf32>
    %get3A_2 = arith.constant 0 : index
    %get3A_3 = arith.constant 1 : index
    %get3A_4 = vector.load %arg0[%get3A_2, %get3A_3] : memref<10000x2xf32, #tpu.memory_space<vmem>>, vector<10000x1xf32>
    %add3A = arith.addf %get3A_1, %get3A_4 : vector<10000x1xf32>
    %sub3A = arith.constant 1.000000e+00 : f32
    %sub3A_5 = vector.broadcast %sub3A : f32 to vector<10000x1xf32>
    %sub3A_6 = arith.subf %add3A, %sub3A_5 : vector<10000x1xf32>
    %rsqrt3A = math.rsqrt %sub3A_6 : vector<10000x1xf32>
    %get3A_7 = arith.constant 0 : index
    %get3A_8 = arith.constant 0 : index
    %get3A_9 = arith.constant 0 : index
    %get3A_10 = vector.load %arg1[%get3A_7, %get3A_8, %get3A_9] : memref<2x10000x128xf32, #tpu.memory_space<vmem>>, vector<1x10000x128xf32>
    %get3A_11 = vector.shape_cast %get3A_10 : vector<1x10000x128xf32> to vector<10000x128xf32>
    %get3A_12 = arith.constant 1 : index
    %get3A_13 = arith.constant 0 : index
    %get3A_14 = arith.constant 0 : index
    %get3A_15 = vector.load %arg1[%get3A_12, %get3A_13, %get3A_14] : memref<2x10000x128xf32, #tpu.memory_space<vmem>>, vector<1x10000x128xf32>
    %get3A_16 = vector.shape_cast %get3A_15 : vector<1x10000x128xf32> to vector<10000x128xf32>
    %add3A_17 = arith.addf %get3A_11, %get3A_16 : vector<10000x128xf32>
    %get3A_18 = arith.constant 0 : index
    %get3A_19 = arith.constant 0 : index
    %get3A_20 = vector.load %arg2[%get3A_18, %get3A_19] : memref<10000x128xf32, #tpu.memory_space<vmem>>, vector<10000x128xf32>
    %sub3A_21 = arith.subf %add3A_17, %get3A_20 : vector<10000x128xf32>
    %mul3A = vector.broadcast %rsqrt3A : vector<10000x1xf32> to vector<10000x128xf32>
    %mul3A_22 = arith.mulf %sub3A_21, %mul3A : vector<10000x128xf32>
    %get3A_23 = arith.constant 0 : index
    %get3A_24 = arith.constant 0 : index
    %get3A_25 = vector.load %arg3[%get3A_23, %get3A_24] : memref<1x128xf32, #tpu.memory_space<vmem>>, vector<1x128xf32>
    %add3A_26 = vector.broadcast %get3A_25 : vector<1x128xf32> to vector<10000x128xf32>
    %add3A_27 = arith.addf %mul3A_22, %add3A_26 : vector<10000x128xf32>
    %max3A = arith.constant 0.000000e+00 : f32
    %max3A_28 = vector.broadcast %max3A : f32 to vector<10000x128xf32>
    %max3A_29 = arith.maximumf %add3A_27, %max3A_28 : vector<10000x128xf32>
    %swap3A = arith.constant 0 : index
    %swap3A_30 = arith.constant 0 : index
    %swap3A_31 = vector.load %arg5[%swap3A, %swap3A_30] : memref<10000x128xf32, #tpu.memory_space<vmem>>, vector<10000x128xf32>
    tpu.vector_store %arg5[%swap3A, %swap3A_30], %max3A_29 {strides = array<i32>} : memref<10000x128xf32, #tpu.memory_space<vmem>>, vector<10000x128xf32>,
    %get3A_32 = arith.constant 0 : index
    %get3A_33 = arith.constant 0 : index
    %get3A_34 = vector.load %arg4[%get3A_32, %get3A_33] : memref<128x128xf32, #tpu.memory_space<vmem>>, vector<128x128xf32>
    %dot_general3A = arith.constant dense<0.000000e+00> : vector<10000x128xf32>
    %dot_general3A_35 = tpu.matmul %max3A_29, %get3A_34, %dot_general3A {dimension_numbers = #tpu.dot_dimension_numbers<[1], [0], [0], [1], [0, 0, 1, 1], [], []>, transpose_lhs_hint = false} : vector<10000x128xf32>, vector<128x128xf32>, vector<10000x128xf32> -> vector<10000x128xf32>
    %mul3A_36 = vector.broadcast %rsqrt3A : vector<10000x1xf32> to vector<10000x128xf32>
    %mul3A_37 = arith.mulf %dot_general3A_35, %mul3A_36 : vector<10000x128xf32>
    %swap3A_38 = arith.constant 0 : index
    %swap3A_39 = arith.constant 0 : index
    %swap3A_40 = vector.load %arg6[%swap3A_38, %swap3A_39] : memref<10000x128xf32, #tpu.memory_space<vmem>>, vector<10000x128xf32>
    tpu.vector_store %arg6[%swap3A_38, %swap3A_39], %mul3A_37 {strides = array<i32>} : memref<10000x128xf32, #tpu.memory_space<vmem>>, vector<10000x128xf32>,
    return
  }
}

module attributes {stable_mosaic.version = 14 : i64} {
  func.func @_tc_comb_body(%arg0: memref<10000x2xf32, #tpu.memory_space<vmem>>, %arg1: memref<2x10000x128xf32, #tpu.memory_space<vmem>>, %arg2: memref<10000x128xf32, #tpu.memory_space<vmem>>, %arg3: memref<1x128xf32, #tpu.memory_space<vmem>>, %arg4: memref<128x128xf32, #tpu.memory_space<vmem>>, %arg5: memref<10000x128xf32, #tpu.memory_space<vmem>>, %arg6: memref<10000x128xf32, #tpu.memory_space<vmem>>) attributes {dimension_semantics = [], scalar_prefetch = 0 : i64, scratch_operands = 0 : i64, tpu.core_type = #tpu.core_type<tc>} {
    %get3A = arith.constant 0 : index
    %get3A_0 = arith.constant 0 : index
    %get3A_1 = vector.load %arg0[%get3A, %get3A_0] : memref<10000x2xf32, #tpu.memory_space<vmem>>, vector<10000x1xf32>
    %get3A_2 = arith.constant 0 : index
    %get3A_3 = arith.constant 1 : index
    %get3A_4 = vector.load %arg0[%get3A_2, %get3A_3] : memref<10000x2xf32, #tpu.memory_space<vmem>>, vector<10000x1xf32>
    %add3A = arith.addf %get3A_1, %get3A_4 : vector<10000x1xf32>
    %sub3A = arith.constant 1.000000e+00 : f32
    %sub3A_5 = vector.broadcast %sub3A : f32 to vector<10000x1xf32>
    %sub3A_6 = arith.subf %add3A, %sub3A_5 : vector<10000x1xf32>
    %rsqrt3A = math.rsqrt %sub3A_6 : vector<10000x1xf32>
    %get3A_7 = arith.constant 0 : index
    %get3A_8 = arith.constant 0 : index
    %get3A_9 = arith.constant 0 : index
    %get3A_10 = vector.load %arg1[%get3A_7, %get3A_8, %get3A_9] : memref<2x10000x128xf32, #tpu.memory_space<vmem>>, vector<1x10000x128xf32>
    %get3A_11 = vector.shape_cast %get3A_10 : vector<1x10000x128xf32> to vector<10000x128xf32>
    %get3A_12 = arith.constant 1 : index
    %get3A_13 = arith.constant 0 : index
    %get3A_14 = arith.constant 0 : index
    %get3A_15 = vector.load %arg1[%get3A_12, %get3A_13, %get3A_14] : memref<2x10000x128xf32, #tpu.memory_space<vmem>>, vector<1x10000x128xf32>
    %get3A_16 = vector.shape_cast %get3A_15 : vector<1x10000x128xf32> to vector<10000x128xf32>
    %add3A_17 = arith.addf %get3A_11, %get3A_16 : vector<10000x128xf32>
    %get3A_18 = arith.constant 0 : index
    %get3A_19 = arith.constant 0 : index
    %get3A_20 = vector.load %arg2[%get3A_18, %get3A_19] : memref<10000x128xf32, #tpu.memory_space<vmem>>, vector<10000x128xf32>
    %sub3A_21 = arith.subf %add3A_17, %get3A_20 : vector<10000x128xf32>
    %mul3A = vector.broadcast %rsqrt3A : vector<10000x1xf32> to vector<10000x128xf32>
    %mul3A_22 = arith.mulf %sub3A_21, %mul3A : vector<10000x128xf32>
    %get3A_23 = arith.constant 0 : index
    %get3A_24 = arith.constant 0 : index
    %get3A_25 = vector.load %arg3[%get3A_23, %get3A_24] : memref<1x128xf32, #tpu.memory_space<vmem>>, vector<1x128xf32>
    %add3A_26 = vector.broadcast %get3A_25 : vector<1x128xf32> to vector<10000x128xf32>
    %add3A_27 = arith.addf %mul3A_22, %add3A_26 : vector<10000x128xf32>
    %max3A = arith.constant 0.000000e+00 : f32
    %max3A_28 = vector.broadcast %max3A : f32 to vector<10000x128xf32>
    %max3A_29 = arith.maximumf %add3A_27, %max3A_28 : vector<10000x128xf32>
    %swap3A = arith.constant 0 : index
    %swap3A_30 = arith.constant 0 : index
    %swap3A_31 = vector.load %arg5[%swap3A, %swap3A_30] : memref<10000x128xf32, #tpu.memory_space<vmem>>, vector<10000x128xf32>
    tpu.vector_store %arg5[%swap3A, %swap3A_30], %max3A_29 {strides = array<i32>} : memref<10000x128xf32, #tpu.memory_space<vmem>>, vector<10000x128xf32>,
    %get3A_32 = arith.constant 0 : index
    %get3A_33 = arith.constant 0 : index
    %get3A_34 = vector.load %arg4[%get3A_32, %get3A_33] : memref<128x128xf32, #tpu.memory_space<vmem>>, vector<128x128xf32>
    %dot_general3A = arith.constant dense<0.000000e+00> : vector<10000x128xf32>
    %dot_general3A_35 = tpu.matmul %max3A_29, %get3A_34, %dot_general3A {dimension_numbers = #tpu.dot_dimension_numbers<[1], [0], [0], [1], [0, 0, 1, 1], [], []>, transpose_lhs_hint = false} : vector<10000x128xf32>, vector<128x128xf32>, vector<10000x128xf32> -> vector<10000x128xf32>
    %mul3A_36 = vector.broadcast %rsqrt3A : vector<10000x1xf32> to vector<10000x128xf32>
    %mul3A_37 = arith.mulf %dot_general3A_35, %mul3A_36 : vector<10000x128xf32>
    %swap3A_38 = arith.constant 0 : index
    %swap3A_39 = arith.constant 0 : index
    %swap3A_40 = vector.load %arg6[%swap3A_38, %swap3A_39] : memref<10000x128xf32, #tpu.memory_space<vmem>>, vector<10000x128xf32>
    tpu.vector_store %arg6[%swap3A_38, %swap3A_39], %mul3A_37 {strides = array<i32>} : memref<10000x128xf32, #tpu.memory_space<vmem>>, vector<10000x128xf32>,
    return
  }
}

module attributes {stable_mosaic.version = 14 : i64} {
  func.func @_tc_fin_body(%arg0: memref<10000x128xf32, #tpu.memory_space<vmem>>, %arg1: memref<128x1xf32, #tpu.memory_space<vmem>>, %arg2: memref<1x1xf32, #tpu.memory_space<vmem>>, %arg3: memref<10000x1xf32, #tpu.memory_space<vmem>>) attributes {dimension_semantics = [], scalar_prefetch = 0 : i64, scratch_operands = 0 : i64, tpu.core_type = #tpu.core_type<tc>} {
    %get3A = arith.constant 0 : index
    %get3A_0 = arith.constant 0 : index
    %get3A_1 = vector.load %arg0[%get3A, %get3A_0] : memref<10000x128xf32, #tpu.memory_space<vmem>>, vector<10000x128xf32>
    %get3A_2 = arith.constant 0 : index
    %get3A_3 = arith.constant 0 : index
    %get3A_4 = vector.load %arg1[%get3A_2, %get3A_3] : memref<128x1xf32, #tpu.memory_space<vmem>>, vector<128x1xf32>
    %dot_general3A = arith.constant dense<0.000000e+00> : vector<10000x1xf32>
    %dot_general3A_5 = tpu.matmul %get3A_1, %get3A_4, %dot_general3A {dimension_numbers = #tpu.dot_dimension_numbers<[1], [0], [0], [1], [0, 0, 1, 1], [], []>, transpose_lhs_hint = false} : vector<10000x128xf32>, vector<128x1xf32>, vector<10000x1xf32> -> vector<10000x1xf32>
    %get3A_6 = arith.constant 0 : index
    %get3A_7 = arith.constant 0 : index
    %get3A_8 = vector.load %arg2[%get3A_6, %get3A_7] : memref<1x1xf32, #tpu.memory_space<vmem>>, vector<1x1xf32>
    %add3A = vector.broadcast %get3A_8 : vector<1x1xf32> to vector<10000x1xf32>
    %add3A_9 = arith.addf %dot_general3A_5, %add3A : vector<10000x1xf32>
    %swap3A = arith.constant 0 : index
    %swap3A_10 = arith.constant 0 : index
    %swap3A_11 = vector.load %arg3[%swap3A, %swap3A_10] : memref<10000x1xf32, #tpu.memory_space<vmem>>, vector<10000x1xf32>
    tpu.vector_store %arg3[%swap3A, %swap3A_10], %add3A_9 {strides = array<i32>} : memref<10000x1xf32, #tpu.memory_space<vmem>>, vector<10000x1xf32>,
    return
  }
}

</mosaic_0001>

<sc_bundles>
// kernel: kernel.12.cloned.1.call-start
scs
__scs_entry_jumppad:
0x0: {  	(pc) =	sbr.rel $0x88, $3  }
0x1: {  	(tag) =	ssettag $0x0;
	lr =	simm.s32 $0x1  }
0x2: {  	[smem:$0x3F99] =	sst lr;
	_ =	strace $0xD0000000  }
0x3: {  	_ = 	snop  }
0x4: {  	_ = 	snop  }
0x5: {  	_ = 	snop  }
0x6: {  	_ = 	snop  }
0x7: {  	_ = 	snop  }
__scs_overlays_trampoline_lowered:
0x8: {  	[smem:$0x3FA8] =	sst s0  }
0x9: {  	[smem:$0x3FA9] =	sst s1  }
0xa: {  	[smem:$0x3FAA] =	sst s2  }
0xb: {  	[smem:$0x3FAB] =	sst s3  }
0xc: {  	[smem:$0x3FAC] =	sst s4  }
0xd: {  	[smem:$0x3FAD] =	sst s5  }
0xe: {  	[smem:$0x3FAE] =	sst s6  }
0xf: {  	[smem:$0x3FAF] =	sst s7  }
0x10: {  	[smem:$0x3FB0] =	sst s8  }
0x11: {  	[smem:$0x3FB1] =	sst s9;
	s0 =	simm.s32 @!p0 $0x0  }
0x12: {  	s1 =	sld [smem:$0x3F97];
	s0 =	simm.s32 @p0 $0x1  }
0x13: {  	[smem:$0x3FB2] =	sst s0;
	s0 =	simm.s32 @!p1 $0x0  }
0x14: {  	s2 =	sld [smem:$0x3F96];
	s0 =	simm.s32 @p1 $0x1  }
0x15: {  	[smem:$0x3FB3] =	sst s0;
	s0 =	simm.s32 @!p2 $0x0  }
0x16: {  	s3 =	sld [smem:$0x3FDB];
	s0 =	simm.s32 @p2 $0x1  }
0x17: {  	s4 =	simm.s32 $0x1BF5;
	[smem:$0x3FB5] =	sst s0  }
0x18: {  	s0 =	sld [smem:$0x3F98];
	_ =	swait.ge [sflag:s4], $0x0  }
0x19: {  	s7 =	sld [smem:$0x3F99]  }
0x1a: {  	s8 =	sadd.s32 $0xFFFFE003, lr  }
0x1b: {  	s9 =	sadd.s32 $0xFFFFFEF7, lr;
	s5 =	simm.s32 $0xFFFFFFFF;
	p2 =	slt.u32 s8, $0xFFFFF086  }
0x1c: {  	p1 =	slt.u32 s9, $0xF7A;
	s5 =	simm.s32 @!p2 $0x0  }
0x1d: {  	s5 =	simm.s32 @p1 $0x1;
	p0 =	seq.s32 s7, s2  }
0x1e: {  	s7 =	smul.u32 @!p0 $0xF7A, s2;
	p2 =	seq.s32 @!p0 s5, $0x0  }
0x1f: {  	s9 =	smul.u32 $0xF7A, s1;
	s8 =	simm.s32 @!p0 $0x1BF5;
	p2 =	por !p2, p0  }
0x20: {  	[sflag:s8] =	ssyncset.s32 @!p0 $0xFFFFF086;
	s6 =	sadd.s32 @!p0 s3, s7;
	s7 =	simm.s32 @!p0 $0x108  }
0x21: {  	s3 =	sadd.s32 s3, s9;
	s6 =	sadd.s32 @!p0 $0x88, s6;
	s7 =	simm.s32 @p2 $0x1082  }
0x22: {  	[simem:s7], [sflag:s8] =	dma.local @!p0 [hbm:s6], $0xF7A  }
0x23: {  	s9 =	sor.u32 $0xD0000000, s2;
	s6 =	simm.s32 $0x108;
	_ =	swait.ge @!p0 [sflag:s8], $0x0  }
0x24: {  	s3 =	sadd.s32 $0x88, s3;
	s6 =	simm.s32 @!p1 $0x1082;
	[sflag:s4] =	ssyncset.s32 $0xFFFFF086  }
0x25: {  	[simem:s6], [sflag:s4] =	dma.local [hbm:s3], $0xF7A  }
0x26: {  	[smem:$0x3F99] =	sst s1;
	(tag) =	ssettag s2;
	_ =	strace s9  }
0x27: {  	s1 =	sld [smem:$0x3FA9]  }
0x28: {  	s2 =	sld [smem:$0x3FAA]  }
0x29: {  	s4 =	sld [smem:$0x3FAC]  }
0x2a: {  	p0 =	seq.s32 s5, $0x0;
	s5 =	sld [smem:$0x3FAD]  }
0x2b: {  	s6 =	sld [smem:$0x3FAE]  }
0x2c: {  	s7 =	sld [smem:$0x3FAF]  }
0x2d: {  	s3 =	simm.s32 $0x108;
	s8 =	sld [smem:$0x3FB0]  }
0x2e: {  	s3 =	simm.s32 @!p0 $0x1082;
	s9 =	sld [smem:$0x3FB1]  }
0x2f: {  	lr =	sadd.s32 s0, s3;
	s0 =	sld [smem:$0x3FA8]  }
0x30: {  	s3 =	sld [smem:$0x3FAB]  }
0x31: {  	[smem:$0x3FB4] =	sst s10  }
0x32: {  	s10 =	sld [smem:$0x3FB2];
	_ =	sdelay $0x3  }
0x33: {  	p0 =	seq.s32 s10, $0x1;
	s10 =	sld [smem:$0x3FB4];
	_ =	sdelay $0x3  }
0x34: {  	[smem:$0x3FB4] =	sst s10  }
0x35: {  	s10 =	sld [smem:$0x3FB3];
	_ =	sdelay $0x3  }
0x36: {  	p1 =	seq.s32 s10, $0x1;
	s10 =	sld [smem:$0x3FB4];
	_ =	sdelay $0x3  }
0x37: {  	[smem:$0x3FB4] =	sst s10  }
0x38: {  	s10 =	sld [smem:$0x3FB5]  }
0x39: {  	_ = 	snop;
	(pc) =	sbr.ind lr, $3  }
0x3a: {  	_ = 	snop  }
0x3b: {  	_ = 	snop  }
0x3c: {  	p2 =	seq.s32 s10, $0x1;
	s10 =	sld [smem:$0x3FB4]  }
0x3d: {  	_ =	shalt  }
0x3e: {  	_ =	shalt  }
0x3f: {  	_ =	shalt  }
0x40: {  	_ =	shalt  }
0x41: {  	_ =	shalt  }
0x42: {  	_ =	shalt  }
0x43: {  	_ =	shalt  }
0x44: {  	_ =	shalt  }
0x45: {  	_ =	shalt  }
0x46: {  	_ =	shalt  }
0x47: {  	_ =	shalt  }
0x48: {  	_ =	shalt  }
0x49: {  	_ =	shalt  }
0x4a: {  	_ =	shalt  }
0x4b: {  	_ =	shalt  }
0x4c: {  	_ =	shalt  }
0x4d: {  	_ =	shalt  }
0x4e: {  	_ =	shalt  }
0x4f: {  	_ =	shalt  }
0x50: {  	_ =	shalt  }
0x51: {  	_ =	shalt  }
0x52: {  	_ =	shalt  }
0x53: {  	_ =	shalt  }
0x54: {  	_ =	shalt  }
0x55: {  	_ =	shalt  }
0x56: {  	_ =	shalt  }
0x57: {  	_ =	shalt  }
0x58: {  	_ =	shalt  }
0x59: {  	_ =	shalt  }
0x5a: {  	_ =	shalt  }
0x5b: {  	_ =	shalt  }
0x5c: {  	_ =	shalt  }
0x5d: {  	_ =	shalt  }
0x5e: {  	_ =	shalt  }
0x5f: {  	_ =	shalt  }
0x60: {  	_ =	shalt  }
0x61: {  	_ =	shalt  }
0x62: {  	_ =	shalt  }
0x63: {  	_ =	shalt  }
0x64: {  	_ =	shalt  }
0x65: {  	_ =	shalt  }
0x66: {  	_ =	shalt  }
0x67: {  	_ =	shalt  }
0x68: {  	_ =	shalt  }
0x69: {  	_ =	shalt  }
0x6a: {  	_ =	shalt  }
0x6b: {  	_ =	shalt  }
0x6c: {  	_ =	shalt  }
0x6d: {  	_ =	shalt  }
0x6e: {  	_ =	shalt  }
0x6f: {  	_ =	shalt  }
0x70: {  	_ =	shalt  }
0x71: {  	_ =	shalt  }
0x72: {  	_ =	shalt  }
0x73: {  	_ =	shalt  }
0x74: {  	_ =	shalt  }
0x75: {  	_ =	shalt  }
0x76: {  	_ =	shalt  }
0x77: {  	_ =	shalt  }
0x78: {  	_ =	shalt  }
0x79: {  	_ =	shalt  }
0x7a: {  	_ =	shalt  }
0x7b: {  	_ =	shalt  }
0x7c: {  	_ =	shalt  }
0x7d: {  	_ =	shalt  }
0x7e: {  	_ =	shalt  }
0x7f: {  	_ =	shalt  }
0x80: {  	_ =	shalt  }
0x81: {  	_ =	shalt  }
0x82: {  	_ =	shalt  }
0x83: {  	_ =	shalt  }
0x84: {  	_ =	shalt  }
0x85: {  	_ =	shalt  }
0x86: {  	_ =	shalt  }
0x87: {  	_ =	shalt  }
.Lfunc_end0:
.L_simem_size_0:
called_computation.1_lowered:
.L_overlay_start_0:
0x88: {  	s2 =	sld [smem:$0x3FD9]  }
0x89: {  	s3 =	sld [smem:$0x3FFE];
	_ =	sdelay $0x1  }
0x8a: {  	s1 =	srdreg.scid  }
0x8b: {  	s0 =	sand.u32 $0x1, s1  }
0x8c: {  	s16 =	sshll.u32 s0, $0xA;
	s2 =	sadd.s32 s3, s2  }
0x8d: {  	s2 =	sadd.s32 s2, s16  }
0x8e: {  	[smem:$0x3FC0] =	sst s2  }
0x8f: {  	_ = 	snop  }
0x90: {  	(tm) =	ssettm $0x1  }
0x91: {  	s17 =	sld [smem:$0x3FFB];
	_ =	sdelay $0x3  }
0x92: {  	_ =	strace s17  }
0x93: {  	s2 =	sld [smem:$0x3FFC];
	_ =	sdelay $0x3  }
0x94: {  	_ =	strace s2  }
0x95: {  	s2 =	sld [smem:$0x3FFD];
	_ =	sdelay $0x3  }
0x96: {  	_ =	strace s2  }
0x97: {  	_ =	strace $0x8FFFFFFF  }
0x98: {  	s18 =	sld [smem:$0x3FDB];
	_ =	sdelay $0x1  }
0x99: {  	s19 =	simm.s32 $_scs_section_size  }
0x9a: {  	s4 =	simm.s32 $_size__tile_overlayer_lowered;
	s5 =	simm.s32 $_tile_overlayer_lowered  }
0x9b: {  	s22 =	simm.s32 $0x1BFF;
	s21 =	sshll.u32 s5, $0x1;
	s2 =	sadd.s32 s19, s18  }
0x9c: {  	s6 =	simm.s32 $0x0;
	s20 =	sshll.u32 s4, $0x1;
	s4 =	sadd.s32 s21, s2  }
0x9d: {  	[timem:s6], [sflag:s22] =	dma.local [hbm:s4], s20  }
0x9e: {  	_ =	swait.ge [sflag:s22], s20  }
0x9f: {  	s3 =	ssub.s32 $0x0, s20;
	[sflag:s22] =	ssyncset.done $0x0  }
0xa0: {  	[sflag:s22] =	ssyncadd.s32 s3;
	_ =	sdelay $0x1  }
0xa1: {  	s23 =	simm.s32 $0x1B8B  }
0xa2: {  	_ =	swait.ge [sflag:s23], $0x1  }
0xa3: {  	[sflag:s23] =	ssyncset.done $0x0  }
0xa4: {  	s25 =	simm.s32 $0x1B8E;
	s24 =	sld [smem:$0x3FFE];
	[sflag:s23] =	ssyncadd.s32 $0xFFFFFFFF  }
0xa5: {  	s26 =	simm.s32 $execute0_lowered;
	[smem:$0x3FD2] =	sst s25  }
0xa6: {  	s4 =	sshll.u32 s26, $0x1;
	_ =	strace $0x80000049;
	[dreg:$0x1] =	wrdreg $0xFFFFFFFF  }
0xa7: {  	s28 =	simm.s32 $_size_execute0_lowered;
	s2 =	sadd.s32 s2, s4;
	[dreg:$0x0] =	wrdreg $0x0  }
0xa8: {  	s4 =	sshll.u32 s28, $0x1;
	[dreg:$0x2] =	wrdreg s2  }
0xa9: {  	[dreg:$0x3] =	wrdreg s4  }
0xaa: {  	[dreg:$0x4] =	wrdreg $0xC0  }
0xab: {  	_ =	task [dreg:s6], $0x5FFFF  }
0xac: {  	[dreg:$0x1] =	wrdreg $0xFFFFFFFF  }
0xad: {  	[dreg:$0x0] =	wrdreg $0x60  }
0xae: {  	[dreg:$0x2] =	wrdreg s24  }
0xaf: {  	[dreg:$0x3] =	wrdreg $0xA4000  }
0xb0: {  	[dreg:$0x4] =	wrdreg $0x9  }
0xb1: {  	_ =	task.clear_ibuf [dreg:s6], $0x5FFFF;
	_ =	strace $0x90000049  }
0xb2: {  	s29 =	simm.s32 $0x9;
	_ =	strace $0x8000004B  }
0xb3: {  	_ =	swait.ge [sflag:s29], $0x1  }
0xb4: {  	[sflag:s29] =	ssyncadd.s32 $0xFFFFFFFF  }
0xb5: {  	_ =	strace $0x9000004B  }
0xb6: {  	_ =	sfence  }
0xb7: {  	s30 =	sld [smem:$0x0];
	_ =	sdelay $0x2  }
0xb8: {  	s31 =	sshll.u32 s1, $0xD;
	s1 =	sshrl.u32 s1, $0x2  }
0xb9: {  	s3 =	sand.u32 $0x4000, s31;
	s1 =	sadd.s32 s1, s30  }
0xba: {  	s0 =	sor.u32 s3, s0;
	s1 =	sshll.u32 s1, $0x11  }
0xbb: {  	s0 =	sor.u32 s1, s0  }
0xbc: {  	s0 =	sadd.s32 $0x8F2B, s0  }
0xbd: {  	[sflag:s0] =	ssyncadd.remote.s32 $0x1  }
0xbe: {  	_ =	sfence.sel $0xFFFF  }
0xbf: {  	[dreg:$0x0] =	wrdreg $0xFFFFFFFF;
	(pc) =	sbr.abs _section_cstart, $3  }
0xc0: {  	[dreg:$0x1] =	wrdreg $0xFFFFFFFF  }
0xc1: {  	_ =	task.clear_ibuf [dreg:s6], $0x2FFFF;
	_ =	strace $0x9FFFFFFF  }
0xc2: {  	(tm) =	ssettm $0x7FFFFFFF  }
0xc3: {  	_ =	shalt  }
tec
execute0_lowered:
.L_overlay_start_1:
0x0: {  	(tag) =	ssettag $0x1  }
0x1: {  	s0 =	rddreg [dreg:$0x0]  }
0x2: {  	s1 =	rddreg [dreg:$0x1];
	s2 =	simm.s32 $0x0;
	s3 =	srdreg.scid  }
0x3: {  	s12 =	stileid.u32;
	s29 =	simm.s32 $0x80;
	s28 =	simm.s32 $0x50  }
0x4: {  	s31 =	simm.s32 $0x380;
	s30 =	simm.s32 $0x200;
	[smem:$0x7FF] =	sst s2  }
0x5: {  	s4 =	sadd.s32 $0x37600, s0;
	s3 =	sand.u32 $0x1, s3;
	s7 =	smul.u32 $0x4E000, s12  }
0x6: {  	s5 =	sadd.s32 $0x23C00, s0;
	s8 =	sadd.s32 $0x5E800, s0;
	s10 =	smul.u32 $0x13800, s12  }
0x7: {  	s16 =	sshll.u32 s12, $0x6;
	s17 =	sadd.s32 $0x138000, s1;
	s0 =	sadd.s32 $0x5E600, s0  }
0x8: {  	s11 =	smul.u32 $0x2710, s12;
	p0 =	sne.s32 s12, $0xF;
	_ =	strace $0x8000004A  }
0x9: {  	s6 =	ssub.s32 $0x2, s3;
	s14 =	sshll.u32 s3, $0x4;
	[dreg:$0xb] =	wrdreg s17  }
0xa: {  	s20 =	sor.u32 $0x1C0D, s16;
	s18 =	smul.u32 $0x138800, s3;
	[dreg:$0xc] =	wrdreg s0  }
0xb: {  	s19 =	smul.u32 $0x27100, s3;
	s9 =	sshrl.u32 s6, $0x1;
	s7 =	sshrl.u32 s7, $0x2  }
0xc: {  	s15 =	sshrl.u32 s10, $0x3;
	[dreg:$0xa] =	wrdreg s20;
	s6 =	ssub.s32 s6, s9  }
0xd: {  	s7 =	sadd.s32 s7, s1;
	s9 =	sor.u32 s12, s14;
	s26 =	sadd.s32 s10, s18  }
0xe: {  	s0 =	sadd.s32 s11, s19;
	s12 =	simm.s32 $0xD;
	[dreg:$0x8] =	wrdreg s7  }
0xf: {  	s7 =	sadd.s32 s4, s15;
	s22 =	smul.u32 $0x2710, s9;
	s3 =	sshrl.u32 s26, $0x3  }
0x10: {  	s14 =	sadd.s32 $0xF0, s0;
	s17 =	sadd.s32 $0x4E2F0, s0;
	s19 =	sadd.s32 $0xA0, s0  }
0x11: {  	s6 =	smax.u32 s6, $0x1;
	[dreg:$0x9] =	wrdreg s7;
	s3 =	sadd.s32 s8, s3  }
0x12: {  	s7 =	sshrl.u32 s18, $0x3;
	s15 =	sshrl.u32 s14, $0x3;
	s18 =	sshrl.u32 s17, $0x3  }
0x13: {  	[dreg:$0x13] =	wrdreg s6;
	s14 =	simm.s32 $0x4;
	s17 =	simm.s32 $0x5400  }
0x14: {  	s6 =	simm.s32 $0x0;
	s24 =	sadd.s32 $0x4E200, s22;
	s21 =	sshrl.u32 s22, $0x3  }
0x15: {  	[dreg:$0x11] =	wrdreg s3;
	s7 =	sadd.s32 s8, s7;
	s16 =	sadd.s32 s15, s5  }
0x16: {  	s8 =	sshrl.u32 s19, $0x3;
	s15 =	simm.s32 $0x300;
	s19 =	simm.s32 $0x8  }
0x17: {  	s23 =	sshrl.u32 s24, $0x3;
	s13 =	sadd.s32 s5, s21;
	[dreg:$0x4] =	wrdreg s16  }
0x18: {  	s21 =	sadd.s32 $0x4E2A0, s0;
	s7 =	sadd.s32 $0x27000, s7;
	[dreg:$0xd] =	wrdreg s13  }
0x19: {  	s16 =	simm.s32 $0x180;
	s25 =	sadd.s32 s5, s23;
	[dreg:$0x12] =	wrdreg s7  }
0x1a: {  	s10 =	sadd.s32 $0xA, s13;
	s11 =	sadd.s32 $0x9C4A, s13;
	[dreg:$0xe] =	wrdreg s25  }
0x1b: {  	s13 =	sadd.s32 $0x4E340, s0;
	s23 =	sadd.s32 s8, s5;
	[dreg:$0xf] =	wrdreg s10  }
0x1c: {  	s0 =	sadd.s32 $0x140, s0;
	s7 =	simm.s32 $0x3;
	[dreg:$0x10] =	wrdreg s11  }
0x1d: {  	s3 =	sshrl.u32 s13, $0x3;
	s25 =	sshrl.u32 s21, $0x3;
	[dreg:$0x6] =	wrdreg s23  }
0x1e: {  	[dreg:$0x14] =	wrdreg s0;
	s23 =	simm.s32 $0x1;
	s10 =	simm.s32 $0x2C00  }
0x1f: {  	s11 =	simm.s32 $0x100;
	s0 =	simm.s32 $0x7C00;
	s3 =	sadd.s32 s3, s5  }
0x20: {  	s13 =	simm.s32 $0xA;
	s26 =	sadd.s32 s25, s5;
	[dreg:$0x3] =	wrdreg s3  }
0x21: {  	s3 =	sadd.s32 s18, s5;
	[dreg:$0x7] =	wrdreg s26;
	s26 =	simm.s32 $0x2  }
0x22: {  	s18 =	simm.s32 $0x7;
	[dreg:$0x5] =	wrdreg s3;
	s3 =	simm.s32 $0x280  }
.LBB2_1:
0x23: {  	[dreg:$0x15] =	wrdreg s6  }
0x24: {  	s8 =	rddreg [dreg:$0x8]  }
0x25: {  	s9 =	rddreg [dreg:$0x9];
	s8 =	sshrl.u32 s8, $0x3  }
0x26: {  	[dreg:$0x16] =	wrdreg s8  }
0x27: {  	[spmem:s8], [sflag:s20] =	dma.local [hbm:s9], $0x2700  }
0x28: {  	_ =	swait.ge [sflag:s12], $0x2700  }
0x29: {  	s8 =	rddreg [dreg:$0xb]  }
0x2a: {  	[sflag:s12] =	ssyncset.done $0x0;
	s6 =	sshrl.u32 @!p0 s8, $0x3;
	s8 =	rddreg [dreg:$0xc]  }
0x2b: {  	[sflag:s12] =	ssyncadd.s32 $0xFFFFD900;
	[dreg:$0x17] =	wrdreg s6  }
0x2c: {  	[spmem:s6], [sflag:s20] =	dma.local @!p0 [hbm:s8], $0x100  }
0x2d: {  	s8 =	simm.s32 @!p0 $0xD  }
0x2e: {  	_ =	swait.ge @!p0 [sflag:s8], $0x100  }
0x2f: {  	[sflag:s8] =	ssyncset.done @!p0 $0x0  }
0x30: {  	[sflag:s8] =	ssyncadd.s32 @!p0 $0xFFFFFF00  }
0x31: {  	[bflag:$0x0] =	sbarrier.arrive $0xFFFF  }
0x32: {  	s20 =	rddreg [dreg:$0xd]  }
0x33: {  	[tilespmem:s2], [sflag:$0x1] =	stream.linear.gather [hbm4b:s20+s2], $0x50, $0x38;
	[tilespmem:$0x1DC80] =	vst v63  }
0x34: {  	s12 =	simm.s32 $0x200;
	s21 =	rddreg [dreg:$0xe]  }
0x35: {  	[tilespmem:s12], [sflag:$0x1] =	stream.linear.gather [hbm4b:s21+s2], $0x50, $0x38;
	[tilespmem:$0x1DC80] =	vst v63  }
0x36: {  	_ =	swait.ge [sflag:s23], $0x50  }
0x37: {  	[sflag:s23] =	ssyncset.done $0x0  }
0x38: {  	[sflag:s23] =	ssyncadd.s32 $0xFFFFFFB0  }
0x39: {  	_ =	swait.ge [sflag:s23], $0x50  }
0x3a: {  	[sflag:s23] =	ssyncset.done $0x0  }
0x3b: {  	s25 =	rddreg [dreg:$0xf];
	[sflag:s23] =	ssyncadd.s32 $0xFFFFFFB0  }
0x3c: {  	[tilespmem:s29], [sflag:$0x2] =	stream.linear.gather [hbm4b:s25+s2], $0x50, $0x38;
	[tilespmem:$0x1DC80] =	vst v63  }
0x3d: {  	s6 =	rddreg [dreg:$0x10]  }
0x3e: {  	[tilespmem:s3], [sflag:$0x2] =	stream.linear.gather [hbm4b:s6+s2], $0x50, $0x38;
	[tilespmem:$0x1DC80] =	vst v63  }
0x3f: {  	_ =	swait.ge [sflag:s26], $0x50  }
0x40: {  	[sflag:s26] =	ssyncset.done $0x0  }
0x41: {  	[sflag:s26] =	ssyncadd.s32 $0xFFFFFFB0  }
0x42: {  	_ =	swait.ge [sflag:s26], $0x50  }
0x43: {  	[sflag:s26] =	ssyncset.done $0x0  }
0x44: {  	s6 =	simm.s32 $0x400;
	[sflag:s26] =	ssyncadd.s32 $0xFFFFFFB0  }
0x45: {  	[tilespmem:s6], [sflag:$0x5] =	stream.indirect.gather [hbm4b:s4+s28], $0x80, s2, s28, $0xb8;
	[tilespmem:$0x1DC80] =	vst v63  }
0x46: {  	s9 =	simm.s32 $0x5  }
0x47: {  	[tilespmem:s10], [sflag:$0x6] =	stream.indirect.gather [hbm4b:s4+s28], $0x80, s29, s28, $0xb8;
	[tilespmem:$0x1DC80] =	vst v63  }
0x48: {  	_ =	swait.ge [sflag:s9], $0x2800  }
0x49: {  	[sflag:s9] =	ssyncset.done $0x0  }
0x4a: {  	s20 =	simm.s32 $0x6;
	[sflag:s9] =	ssyncadd.s32 $0xFFFFD800  }
0x4b: {  	_ =	swait.ge [sflag:s20], $0x2800  }
0x4c: {  	[sflag:s20] =	ssyncset.done $0x0  }
0x4d: {  	p1 =	por $0x1, $0x1;
	[sflag:s20] =	ssyncadd.s32 $0xFFFFD800  }
0x4e: {  	[spmem:s1] =	stream.indirect.scatter.add.f32 [tilespmem:s6], [sflag:$0x9], $0x80, s12, s28, $0xb8;
	[tilespmem:$0x1DC80] =	vst v63  }
0x4f: {  	s8 =	simm.s32 @!p1 $0xB  }
0x50: {  	[spmem:s1] =	stream.indirect.scatter.add.f32 [tilespmem:s10], [sflag:$0xA], $0x80, s3, s28, $0xb8;
	[tilespmem:$0x1DC80] =	vst v63  }
0x51: {  	_ =	swait.ge @!p1 [sflag:s8], $0x2800  }
0x52: {  	[sflag:s8] =	ssyncset.done @!p1 $0x0  }
0x53: {  	s9 =	simm.s32 @!p1 $0xC;
	[sflag:s8] =	ssyncadd.s32 @!p1 $0xFFFFD800  }
0x54: {  	_ =	swait.ge @!p1 [sflag:s9], $0x2800  }
0x55: {  	s21 =	rddreg [dreg:$0x6];
	[sflag:s9] =	ssyncset.done @!p1 $0x0  }
0x56: {  	s25 =	rddreg [dreg:$0x7];
	[sflag:s9] =	ssyncadd.s32 @!p1 $0xFFFFD800;
	s8 =	sadd.s32 $0x0, s21  }
0x57: {  	[tilespmem:s11], [sflag:$0x3] =	stream.linear.gather [hbm4b:s8+s2], $0x50, $0x38;
	[tilespmem:$0x1DC80] =	vst v63  }
0x58: {  	s20 =	sadd.s32 $0x0, s25  }
0x59: {  	[tilespmem:s15], [sflag:$0x3] =	stream.linear.gather [hbm4b:s20+s2], $0x50, $0x38;
	[tilespmem:$0x1DC80] =	vst v63  }
0x5a: {  	_ =	swait.ge [sflag:s7], $0x50  }
0x5b: {  	[sflag:s7] =	ssyncset.done $0x0  }
0x5c: {  	[sflag:s7] =	ssyncadd.s32 $0xFFFFFFB0  }
0x5d: {  	_ =	swait.ge [sflag:s7], $0x50  }
0x5e: {  	s21 =	rddreg [dreg:$0x4];
	[sflag:s7] =	ssyncset.done $0x0  }
0x5f: {  	s25 =	rddreg [dreg:$0x5];
	[sflag:s7] =	ssyncadd.s32 $0xFFFFFFB0;
	s8 =	sadd.s32 $0x0, s21  }
0x60: {  	[tilespmem:s16], [sflag:$0x4] =	stream.linear.gather [hbm4b:s8+s2], $0x50, $0x38;
	[tilespmem:$0x1DC80] =	vst v63  }
0x61: {  	s9 =	sadd.s32 $0x0, s25  }
0x62: {  	[tilespmem:s31], [sflag:$0x4] =	stream.linear.gather [hbm4b:s9+s2], $0x50, $0x38;
	[tilespmem:$0x1DC80] =	vst v63  }
0x63: {  	_ =	swait.ge [sflag:s14], $0x50  }
0x64: {  	[sflag:s14] =	ssyncset.done $0x0  }
0x65: {  	[sflag:s14] =	ssyncadd.s32 $0xFFFFFFB0  }
0x66: {  	_ =	swait.ge [sflag:s14], $0x50  }
0x67: {  	[sflag:s14] =	ssyncset.done $0x0  }
0x68: {  	[sflag:s14] =	ssyncadd.s32 $0xFFFFFFB0  }
0x69: {  	[tilespmem:s17], [sflag:$0x7] =	stream.indirect.gather [hbm4b:s4+s28], $0x80, s11, s28, $0xb8;
	[tilespmem:$0x1DC80] =	vst v63  }
0x6a: {  	s11 =	simm.s32 $0x9  }
0x6b: {  	[tilespmem:s0], [sflag:$0x8] =	stream.indirect.gather [hbm4b:s4+s28], $0x80, s16, s28, $0xb8;
	[tilespmem:$0x1DC80] =	vst v63  }
0x6c: {  	_ =	swait.ge [sflag:s11], $0x2800  }
0x6d: {  	[sflag:s11] =	ssyncset.done $0x0  }
0x6e: {  	[sflag:s11] =	ssyncadd.s32 $0xFFFFD800  }
0x6f: {  	_ =	swait.ge [sflag:s13], $0x2800  }
0x70: {  	s20 =	rddreg [dreg:$0x14]  }
0x71: {  	[sflag:s13] =	ssyncset.done $0x0;
	s16 =	sshrl.u32 s20, $0x3  }
0x72: {  	s21 =	rddreg [dreg:$0x3];
	[sflag:s13] =	ssyncadd.s32 $0xFFFFD800;
	s8 =	sadd.s32 s5, s16  }
0x73: {  	[tilespmem:s2], [sflag:$0x1] =	stream.linear.gather [hbm4b:s8+s2], $0x50, $0x38;
	[tilespmem:$0x1DC80] =	vst v63  }
0x74: {  	s25 =	smin.u32 s2, $0x77;
	s9 =	sadd.s32 $0x0, s21  }
0x75: {  	[tilespmem:s12], [sflag:$0x1] =	stream.linear.gather [hbm4b:s9+s2], $0x50, $0x38;
	[tilespmem:$0x1DC80] =	vst v63  }
0x76: {  	s8 =	smul.u32 $0x50, s25;
	_ =	swait.ge [sflag:s23], $0x50  }
0x77: {  	[sflag:s23] =	ssyncset.done $0x0  }
0x78: {  	s8 =	sadd.s32 $0x190, s8;
	[sflag:s23] =	ssyncadd.s32 $0xFFFFFFB0  }
0x79: {  	s31 =	sadd.s32 s22, s8;
	_ =	swait.ge [sflag:s23], $0x50  }
0x7a: {  	s8 =	sadd.s32 s24, s8;
	s9 =	sshrl.u32 s31, $0x3;
	[sflag:s23] =	ssyncset.done $0x0  }
0x7b: {  	s8 =	sshrl.u32 s8, $0x3;
	s9 =	sadd.s32 s5, s9;
	[sflag:s23] =	ssyncadd.s32 $0xFFFFFFB0  }
0x7c: {  	[tilespmem:s29], [sflag:$0x2] =	stream.linear.gather [hbm4b:s9+s2], $0x50, $0x38;
	[tilespmem:$0x1DC80] =	vst v63  }
0x7d: {  	s8 =	sadd.s32 s5, s8  }
0x7e: {  	[tilespmem:s3], [sflag:$0x2] =	stream.linear.gather [hbm4b:s8+s2], $0x50, $0x38;
	[tilespmem:$0x1DC80] =	vst v63  }
0x7f: {  	_ =	swait.ge [sflag:s26], $0x50  }
0x80: {  	[sflag:s26] =	ssyncset.done $0x0  }
0x81: {  	[sflag:s26] =	ssyncadd.s32 $0xFFFFFFB0  }
0x82: {  	_ =	swait.ge [sflag:s26], $0x50  }
0x83: {  	[sflag:s26] =	ssyncset.done $0x0  }
0x84: {  	[sflag:s26] =	ssyncadd.s32 $0xFFFFFFB0  }
0x85: {  	[tilespmem:s6], [sflag:$0x5] =	stream.indirect.gather [hbm4b:s4+s28], $0x80, s2, s28, $0xb8;
	[tilespmem:$0x1DC80] =	vst v63  }
0x86: {  	_ = 	snop  }
0x87: {  	[tilespmem:s10], [sflag:$0x6] =	stream.indirect.gather [hbm4b:s4+s28], $0x80, s29, s28, $0xb8;
	[tilespmem:$0x1DC80] =	vst v63  }
0x88: {  	_ =	swait.ge [sflag:s18], $0x2800  }
0x89: {  	[sflag:s18] =	ssyncset.done $0x0  }
0x8a: {  	[sflag:s18] =	ssyncadd.s32 $0xFFFFD800  }
0x8b: {  	s11 =	simm.s32 $0x100;
	_ =	swait.ge [sflag:s19], $0x2800  }
0x8c: {  	s21 =	simm.s32 $0x28;
	s16 =	simm.s32 $0x180;
	[sflag:s19] =	ssyncset.done $0x0  }
0x8d: {  	s9 =	simm.s32 $0x0;
	s3 =	simm.s32 $0x280;
	[sflag:s19] =	ssyncadd.s32 $0xFFFFD800  }
0x8e: {  	[spmem:s1] =	stream.indirect.scatter.add.f32 [tilespmem:s17], [sflag:$0xB], $0x80, s15, s28, $0xb8;
	[tilespmem:$0x1DC80] =	vst v63  }
0x8f: {  	s10 =	simm.s32 $0x2C00;
	s15 =	simm.s32 $0x300;
	s17 =	simm.s32 $0x5400  }
.LBB2_2:
0x90: {  	s0 =	simm.s32 $0x380;
	s13 =	simm.s32 $0x7C00;
	s6 =	simm.s32 $0x5  }
0x91: {  	[spmem:s1] =	stream.indirect.scatter.add.f32 [tilespmem:s13], [sflag:$0xC], $0x80, s0, s28, $0xb8;
	[tilespmem:$0x1DC80] =	vst v63  }
0x92: {  	_ =	swait.ge [sflag:s6], $0x2800  }
0x93: {  	[sflag:s6] =	ssyncset.done $0x0  }
0x94: {  	s12 =	simm.s32 $0x6;
	[sflag:s6] =	ssyncadd.s32 $0xFFFFD800  }
0x95: {  	_ =	swait.ge [sflag:s12], $0x2800  }
0x96: {  	s8 =	smov.u32 s21;
	[sflag:s12] =	ssyncset.done $0x0  }
0x97: {  	p2 =	seq.s32 s8, $0x0;
	s6 =	simm.s32 $0x400;
	[sflag:s12] =	ssyncadd.s32 $0xFFFFD800  }
0x98: {  	[spmem:s1] =	stream.indirect.scatter.add.f32 [tilespmem:s6], [sflag:$0x9], $0x80, s30, s28, $0xb8;
	[tilespmem:$0x1DC80] =	vst v63  }
0x99: {  	s12 =	simm.s32 @!p2 $0xB  }
0x9a: {  	[spmem:s1] =	stream.indirect.scatter.add.f32 [tilespmem:s10], [sflag:$0xA], $0x80, s3, s28, $0xb8;
	[tilespmem:$0x1DC80] =	vst v63  }
0x9b: {  	_ =	swait.ge @!p2 [sflag:s12], $0x2800  }
0x9c: {  	[sflag:s12] =	ssyncset.done @!p2 $0x0  }
0x9d: {  	s25 =	smov.u32 s22;
	s22 =	simm.s32 @!p2 $0xC;
	[sflag:s12] =	ssyncadd.s32 @!p2 $0xFFFFD800  }
0x9e: {  	_ =	swait.ge @!p2 [sflag:s22], $0x2800  }
0x9f: {  	s29 =	smov.u32 s24;
	s12 =	rddreg [dreg:$0x6];
	[sflag:s22] =	ssyncset.done @!p2 $0x0  }
0xa0: {  	s24 =	rddreg [dreg:$0x7];
	[sflag:s22] =	ssyncadd.s32 @!p2 $0xFFFFD800;
	s12 =	sadd.s32 s8, s12  }
0xa1: {  	[tilespmem:s11], [sflag:$0x3] =	stream.linear.gather [hbm4b:s12+s2], $0x50, $0x38;
	[tilespmem:$0x1DC80] =	vst v63  }
0xa2: {  	s22 =	sadd.s32 s8, s24  }
0xa3: {  	[tilespmem:s15], [sflag:$0x3] =	stream.linear.gather [hbm4b:s22+s2], $0x50, $0x38;
	[tilespmem:$0x1DC80] =	vst v63  }
0xa4: {  	_ =	swait.ge [sflag:s7], $0x50  }
0xa5: {  	[sflag:s7] =	ssyncset.done $0x0  }
0xa6: {  	[sflag:s7] =	ssyncadd.s32 $0xFFFFFFB0  }
0xa7: {  	_ =	swait.ge [sflag:s7], $0x50  }
0xa8: {  	s12 =	rddreg [dreg:$0x4];
	[sflag:s7] =	ssyncset.done $0x0  }
0xa9: {  	s22 =	rddreg [dreg:$0x5];
	[sflag:s7] =	ssyncadd.s32 $0xFFFFFFB0;
	s12 =	sadd.s32 s8, s12  }
0xaa: {  	[tilespmem:s16], [sflag:$0x4] =	stream.linear.gather [hbm4b:s12+s2], $0x50, $0x38;
	[tilespmem:$0x1DC80] =	vst v63  }
0xab: {  	s22 =	sadd.s32 s8, s22  }
0xac: {  	[tilespmem:s0], [sflag:$0x4] =	stream.linear.gather [hbm4b:s22+s2], $0x50, $0x38;
	[tilespmem:$0x1DC80] =	vst v63  }
0xad: {  	_ =	swait.ge [sflag:s14], $0x50  }
0xae: {  	[sflag:s14] =	ssyncset.done $0x0  }
0xaf: {  	[sflag:s14] =	ssyncadd.s32 $0xFFFFFFB0  }
0xb0: {  	_ =	swait.ge [sflag:s14], $0x50  }
0xb1: {  	[sflag:s14] =	ssyncset.done $0x0  }
0xb2: {  	[sflag:s14] =	ssyncadd.s32 $0xFFFFFFB0  }
0xb3: {  	[tilespmem:s17], [sflag:$0x7] =	stream.indirect.gather [hbm4b:s4+s28], $0x80, s11, s28, $0xb8;
	[tilespmem:$0x1DC80] =	vst v63  }
0xb4: {  	s22 =	simm.s32 $0x9  }
0xb5: {  	[tilespmem:s13], [sflag:$0x8] =	stream.indirect.gather [hbm4b:s4+s28], $0x80, s16, s28, $0xb8;
	[tilespmem:$0x1DC80] =	vst v63  }
0xb6: {  	_ =	swait.ge [sflag:s22], $0x2800  }
0xb7: {  	[sflag:s22] =	ssyncset.done $0x0  }
0xb8: {  	s13 =	simm.s32 $0xA;
	[sflag:s22] =	ssyncadd.s32 $0xFFFFD800  }
0xb9: {  	s20 =	sadd.s32 $0x140, s20;
	_ =	swait.ge [sflag:s13], $0x2800  }
0xba: {  	s9 =	sadd.s32 $0x4, s9;
	s22 =	sshrl.u32 s20, $0x3;
	[sflag:s13] =	ssyncset.done $0x0  }
0xbb: {  	s12 =	sadd.s32 s5, s22;
	s22 =	rddreg [dreg:$0x3];
	[sflag:s13] =	ssyncadd.s32 $0xFFFFD800  }
0xbc: {  	[tilespmem:s2], [sflag:$0x1] =	stream.linear.gather [hbm4b:s12+s2], $0x50, $0x38;
	[tilespmem:$0x1DC80] =	vst v63  }
0xbd: {  	s8 =	sadd.s32 s8, s22;
	s12 =	smin.u32 s9, $0x77  }
0xbe: {  	[tilespmem:s30], [sflag:$0x1] =	stream.linear.gather [hbm4b:s8+s2], $0x50, $0x38;
	[tilespmem:$0x1DC80] =	vst v63  }
0xbf: {  	s12 =	smul.u32 $0x50, s12;
	_ =	swait.ge [sflag:s23], $0x50  }
0xc0: {  	s24 =	smov.u32 s29;
	[sflag:s23] =	ssyncset.done $0x0  }
0xc1: {  	s22 =	smov.u32 s25;
	s8 =	sadd.s32 $0x190, s12;
	[sflag:s23] =	ssyncadd.s32 $0xFFFFFFB0  }
0xc2: {  	s29 =	simm.s32 $0x80;
	s12 =	sadd.s32 s22, s8;
	_ =	swait.ge [sflag:s23], $0x50  }
0xc3: {  	s8 =	sadd.s32 s24, s8;
	s12 =	sshrl.u32 s12, $0x3;
	[sflag:s23] =	ssyncset.done $0x0  }
0xc4: {  	s8 =	sshrl.u32 s8, $0x3;
	s12 =	sadd.s32 s5, s12;
	[sflag:s23] =	ssyncadd.s32 $0xFFFFFFB0  }
0xc5: {  	[tilespmem:s29], [sflag:$0x2] =	stream.linear.gather [hbm4b:s12+s2], $0x50, $0x38;
	[tilespmem:$0x1DC80] =	vst v63  }
0xc6: {  	s8 =	sadd.s32 s5, s8  }
0xc7: {  	[tilespmem:s3], [sflag:$0x2] =	stream.linear.gather [hbm4b:s8+s2], $0x50, $0x38;
	[tilespmem:$0x1DC80] =	vst v63  }
0xc8: {  	_ =	swait.ge [sflag:s26], $0x50  }
0xc9: {  	[sflag:s26] =	ssyncset.done $0x0  }
0xca: {  	[sflag:s26] =	ssyncadd.s32 $0xFFFFFFB0  }
0xcb: {  	_ =	swait.ge [sflag:s26], $0x50  }
0xcc: {  	[sflag:s26] =	ssyncset.done $0x0  }
0xcd: {  	[sflag:s26] =	ssyncadd.s32 $0xFFFFFFB0  }
0xce: {  	[tilespmem:s6], [sflag:$0x5] =	stream.indirect.gather [hbm4b:s4+s28], $0x80, s2, s28, $0xb8;
	[tilespmem:$0x1DC80] =	vst v63  }
0xcf: {  	_ = 	snop  }
0xd0: {  	[tilespmem:s10], [sflag:$0x6] =	stream.indirect.gather [hbm4b:s4+s28], $0x80, s29, s28, $0xb8;
	[tilespmem:$0x1DC80] =	vst v63  }
0xd1: {  	s21 =	sadd.s32 $0x28, s21;
	_ =	swait.ge [sflag:s18], $0x2800  }
0xd2: {  	p1 =	sne.s32 s21, $0x4D8;
	[sflag:s18] =	ssyncset.done $0x0  }
.Ltmp0:
0xd3: {  	[sflag:s18] =	ssyncadd.s32 $0xFFFFD800;
	(pc) =	sbr.rel @p1 .LBB2_2-.Ltmp0, $4  }
0xd4: {  	_ =	swait.ge [sflag:s19], $0x2800  }
0xd5: {  	s31 =	simm.s32 $0x380;
	s0 =	simm.s32 $0x7C00;
	[sflag:s19] =	ssyncset.done $0x0  }
0xd6: {  	s25 =	simm.s32 $0x200;
	s8 =	simm.s32 $0x400;
	[sflag:s19] =	ssyncadd.s32 $0xFFFFD800  }
0xd7: {  	[spmem:s1] =	stream.indirect.scatter.add.f32 [tilespmem:s17], [sflag:$0xB], $0x80, s15, s28, $0xb8;
	[tilespmem:$0x1DC80] =	vst v63  }
0xd8: {  	[spmem:s1] =	stream.indirect.scatter.add.f32 [tilespmem:s0], [sflag:$0xC], $0x80, s31, s28, $0xb8;
	[tilespmem:$0x1DC80] =	vst v63  }
0xd9: {  	s3 =	simm.s32 $0xB  }
0xda: {  	_ =	swait.ge [sflag:s3], $0x2800  }
0xdb: {  	[sflag:s3] =	ssyncset.done $0x0  }
0xdc: {  	s15 =	simm.s32 $0xC;
	[sflag:s3] =	ssyncadd.s32 $0xFFFFD800  }
0xdd: {  	_ =	swait.ge [sflag:s15], $0x2800  }
0xde: {  	[sflag:s15] =	ssyncset.done $0x0  }
0xdf: {  	s16 =	simm.s32 $0x5;
	[sflag:s15] =	ssyncadd.s32 $0xFFFFD800  }
0xe0: {  	_ =	swait.ge [sflag:s16], $0x2800  }
0xe1: {  	[sflag:s16] =	ssyncset.done $0x0  }
0xe2: {  	s17 =	simm.s32 $0x6;
	[sflag:s16] =	ssyncadd.s32 $0xFFFFD800  }
0xe3: {  	_ =	swait.ge [sflag:s17], $0x2800  }
0xe4: {  	[sflag:s17] =	ssyncset.done $0x0  }
0xe5: {  	s20 =	simm.s32 $0x9;
	[sflag:s17] =	ssyncadd.s32 $0xFFFFD800  }
0xe6: {  	[spmem:s1] =	stream.indirect.scatter.add.f32 [tilespmem:s8], [sflag:$0x9], $0x80, s25, s28, $0xb8;
	[tilespmem:$0x1DC80] =	vst v63  }
0xe7: {  	_ =	swait.ge [sflag:s20], $0x2800  }
0xe8: {  	[sflag:s20] =	ssyncset.done $0x0  }
0xe9: {  	[sflag:s20] =	ssyncadd.s32 $0xFFFFD800  }
0xea: {  	[bflag:$0x0] =	sbarrier.arrive $0xFFFF  }
0xeb: {  	s20 =	rddreg [dreg:$0xa]  }
0xec: {  	s21 =	rddreg [dreg:$0x11]  }
0xed: {  	s12 =	simm.s32 $0xD;
	s25 =	rddreg [dreg:$0x16]  }
0xee: {  	[hbm:s21], [sflag:s20] =	dma.local [spmem:s25], $0x2700  }
0xef: {  	_ =	swait.ge [sflag:s12], $0x2700  }
0xf0: {  	[sflag:s12] =	ssyncset.done $0x0;
	s8 =	rddreg [dreg:$0x12]  }
0xf1: {  	s3 =	rddreg [dreg:$0x17];
	[sflag:s12] =	ssyncadd.s32 $0xFFFFD900  }
0xf2: {  	[hbm:s8], [sflag:s20] =	dma.local @!p0 [spmem:s3], $0x100  }
0xf3: {  	s8 =	simm.s32 @!p0 $0xD  }
0xf4: {  	_ =	swait.ge @!p0 [sflag:s8], $0x100  }
0xf5: {  	s6 =	rddreg [dreg:$0x15]  }
0xf6: {  	s9 =	rddreg [dreg:$0x13];
	s6 =	sadd.s32 $0x1, s6  }
0xf7: {  	p1 =	sne.s32 s6, s9  }
.Ltmp1:
0xf8: {  	_ = 	snop;
	(pc) =	sbr.rel @p1 .LBB2_1-.Ltmp1, $4  }
0xf9: {  	_ = 	snop  }
0xfa: {  	s10 =	simm.s32 $0x2C00;
	s11 =	simm.s32 $0x100  }
0xfb: {  	s15 =	simm.s32 $0x300;
	s16 =	simm.s32 $0x180;
	[sflag:s8] =	ssyncset.done @!p0 $0x0  }
0xfc: {  	s17 =	simm.s32 $0x5400;
	s3 =	simm.s32 $0x280;
	[sflag:s8] =	ssyncadd.s32 @!p0 $0xFFFFFF00  }
0xfd: {  	_ =	sfence.sel $0x180000  }
0xfe: {  	[bflag:$0x0] =	sbarrier.arrive $0xFFFF  }
0xff: {  	_ =	strace $0x9000004A  }
0x100: {  	s0 =	stileid.u32;
	[bflag:$0x2] =	sbarrier.arrive $0xFFFF  }
0x101: {  	p0 =	sne.s32 s0, $0x0;
	s0 =	rddreg [dreg:$0x2]  }
0x102: {  	s0 =	sadd.s32 @!p0 $0x100000, s0  }
0x103: {  	[sflag:s0] =	ssyncadd.tile.s32 @!p0 $0x1;
	_ =	shalt  }
.Lfunc_end2:
_tile_overlayer_lowered:
.L_overlay_start_2:
0x104: {  	(tag) =	ssettag $0x2  }
0x105: {  	s0 =	rddreg [dreg:$0x0];
	s2 =	stileid.u32  }
0x106: {  	s1 =	rddreg [dreg:$0x1];
	p0 =	sne.s32 s2, $0x0  }
0x107: {  	s3 =	rddreg [dreg:$0x2];
	[bflag:$0x3] =	sbarrier.arrive $0xFFFF;
	s2 =	simm.s32 @!p0 $0x1C0D  }
0x108: {  	[timem:s3], [sflag:s2] =	dma.local @!p0 [hbm:s0], s1  }
0x109: {  	s0 =	simm.s32 @!p0 $0xD  }
0x10a: {  	_ =	swait.ge @!p0 [sflag:s0], s1  }
0x10b: {  	s1 =	ssub.s32 @!p0 $0x0, s1;
	[sflag:s0] =	ssyncset.done @!p0 $0x0  }
0x10c: {  	[sflag:s0] =	ssyncadd.s32 @!p0 s1  }
0x10d: {  	[bflag:$0x3] =	sbarrier.arrive $0xFFFF  }
0x10e: {  	_ =	shalt  }

// kernel: kernel.15.cloned.1.call-start
scs
__scs_entry_jumppad:
0x0: {  	(pc) =	sbr.rel $0x88, $3  }
0x1: {  	(tag) =	ssettag $0x0;
	lr =	simm.s32 $0x1  }
0x2: {  	[smem:$0x3F99] =	sst lr;
	_ =	strace $0xD0000000  }
0x3: {  	_ = 	snop  }
0x4: {  	_ = 	snop  }
0x5: {  	_ = 	snop  }
0x6: {  	_ = 	snop  }
0x7: {  	_ = 	snop  }
__scs_overlays_trampoline_lowered:
0x8: {  	[smem:$0x3FA8] =	sst s0  }
0x9: {  	[smem:$0x3FA9] =	sst s1  }
0xa: {  	[smem:$0x3FAA] =	sst s2  }
0xb: {  	[smem:$0x3FAB] =	sst s3  }
0xc: {  	[smem:$0x3FAC] =	sst s4  }
0xd: {  	[smem:$0x3FAD] =	sst s5  }
0xe: {  	[smem:$0x3FAE] =	sst s6  }
0xf: {  	[smem:$0x3FAF] =	sst s7  }
0x10: {  	[smem:$0x3FB0] =	sst s8  }
0x11: {  	[smem:$0x3FB1] =	sst s9;
	s0 =	simm.s32 @!p0 $0x0  }
0x12: {  	s1 =	sld [smem:$0x3F97];
	s0 =	simm.s32 @p0 $0x1  }
0x13: {  	[smem:$0x3FB2] =	sst s0;
	s0 =	simm.s32 @!p1 $0x0  }
0x14: {  	s2 =	sld [smem:$0x3F96];
	s0 =	simm.s32 @p1 $0x1  }
0x15: {  	[smem:$0x3FB3] =	sst s0;
	s0 =	simm.s32 @!p2 $0x0  }
0x16: {  	s3 =	sld [smem:$0x3FDB];
	s0 =	simm.s32 @p2 $0x1  }
0x17: {  	s4 =	simm.s32 $0x1BF5;
	[smem:$0x3FB5] =	sst s0  }
0x18: {  	s0 =	sld [smem:$0x3F98];
	_ =	swait.ge [sflag:s4], $0x0  }
0x19: {  	s7 =	sld [smem:$0x3F99]  }
0x1a: {  	s8 =	sadd.s32 $0xFFFFE003, lr  }
0x1b: {  	s9 =	sadd.s32 $0xFFFFFEF7, lr;
	s5 =	simm.s32 $0xFFFFFFFF;
	p2 =	slt.u32 s8, $0xFFFFF086  }
0x1c: {  	p1 =	slt.u32 s9, $0xF7A;
	s5 =	simm.s32 @!p2 $0x0  }
0x1d: {  	s5 =	simm.s32 @p1 $0x1;
	p0 =	seq.s32 s7, s2  }
0x1e: {  	s7 =	smul.u32 @!p0 $0xF7A, s2;
	p2 =	seq.s32 @!p0 s5, $0x0  }
0x1f: {  	s9 =	smul.u32 $0xF7A, s1;
	s8 =	simm.s32 @!p0 $0x1BF5;
	p2 =	por !p2, p0  }
0x20: {  	[sflag:s8] =	ssyncset.s32 @!p0 $0xFFFFF086;
	s6 =	sadd.s32 @!p0 s3, s7;
	s7 =	simm.s32 @!p0 $0x108  }
0x21: {  	s3 =	sadd.s32 s3, s9;
	s6 =	sadd.s32 @!p0 $0x88, s6;
	s7 =	simm.s32 @p2 $0x1082  }
0x22: {  	[simem:s7], [sflag:s8] =	dma.local @!p0 [hbm:s6], $0xF7A  }
0x23: {  	s9 =	sor.u32 $0xD0000000, s2;
	s6 =	simm.s32 $0x108;
	_ =	swait.ge @!p0 [sflag:s8], $0x0  }
0x24: {  	s3 =	sadd.s32 $0x88, s3;
	s6 =	simm.s32 @!p1 $0x1082;
	[sflag:s4] =	ssyncset.s32 $0xFFFFF086  }
0x25: {  	[simem:s6], [sflag:s4] =	dma.local [hbm:s3], $0xF7A  }
0x26: {  	[smem:$0x3F99] =	sst s1;
	(tag) =	ssettag s2;
	_ =	strace s9  }
0x27: {  	s1 =	sld [smem:$0x3FA9]  }
0x28: {  	s2 =	sld [smem:$0x3FAA]  }
0x29: {  	s4 =	sld [smem:$0x3FAC]  }
0x2a: {  	p0 =	seq.s32 s5, $0x0;
	s5 =	sld [smem:$0x3FAD]  }
0x2b: {  	s6 =	sld [smem:$0x3FAE]  }
0x2c: {  	s7 =	sld [smem:$0x3FAF]  }
0x2d: {  	s3 =	simm.s32 $0x108;
	s8 =	sld [smem:$0x3FB0]  }
0x2e: {  	s3 =	simm.s32 @!p0 $0x1082;
	s9 =	sld [smem:$0x3FB1]  }
0x2f: {  	lr =	sadd.s32 s0, s3;
	s0 =	sld [smem:$0x3FA8]  }
0x30: {  	s3 =	sld [smem:$0x3FAB]  }
0x31: {  	[smem:$0x3FB4] =	sst s10  }
0x32: {  	s10 =	sld [smem:$0x3FB2];
	_ =	sdelay $0x3  }
0x33: {  	p0 =	seq.s32 s10, $0x1;
	s10 =	sld [smem:$0x3FB4];
	_ =	sdelay $0x3  }
0x34: {  	[smem:$0x3FB4] =	sst s10  }
0x35: {  	s10 =	sld [smem:$0x3FB3];
	_ =	sdelay $0x3  }
0x36: {  	p1 =	seq.s32 s10, $0x1;
	s10 =	sld [smem:$0x3FB4];
	_ =	sdelay $0x3  }
0x37: {  	[smem:$0x3FB4] =	sst s10  }
0x38: {  	s10 =	sld [smem:$0x3FB5]  }
0x39: {  	_ = 	snop;
	(pc) =	sbr.ind lr, $3  }
0x3a: {  	_ = 	snop  }
0x3b: {  	_ = 	snop  }
0x3c: {  	p2 =	seq.s32 s10, $0x1;
	s10 =	sld [smem:$0x3FB4]  }
0x3d: {  	_ =	shalt  }
0x3e: {  	_ =	shalt  }
0x3f: {  	_ =	shalt  }
0x40: {  	_ =	shalt  }
0x41: {  	_ =	shalt  }
0x42: {  	_ =	shalt  }
0x43: {  	_ =	shalt  }
0x44: {  	_ =	shalt  }
0x45: {  	_ =	shalt  }
0x46: {  	_ =	shalt  }
0x47: {  	_ =	shalt  }
0x48: {  	_ =	shalt  }
0x49: {  	_ =	shalt  }
0x4a: {  	_ =	shalt  }
0x4b: {  	_ =	shalt  }
0x4c: {  	_ =	shalt  }
0x4d: {  	_ =	shalt  }
0x4e: {  	_ =	shalt  }
0x4f: {  	_ =	shalt  }
0x50: {  	_ =	shalt  }
0x51: {  	_ =	shalt  }
0x52: {  	_ =	shalt  }
0x53: {  	_ =	shalt  }
0x54: {  	_ =	shalt  }
0x55: {  	_ =	shalt  }
0x56: {  	_ =	shalt  }
0x57: {  	_ =	shalt  }
0x58: {  	_ =	shalt  }
0x59: {  	_ =	shalt  }
0x5a: {  	_ =	shalt  }
0x5b: {  	_ =	shalt  }
0x5c: {  	_ =	shalt  }
0x5d: {  	_ =	shalt  }
0x5e: {  	_ =	shalt  }
0x5f: {  	_ =	shalt  }
0x60: {  	_ =	shalt  }
0x61: {  	_ =	shalt  }
0x62: {  	_ =	shalt  }
0x63: {  	_ =	shalt  }
0x64: {  	_ =	shalt  }
0x65: {  	_ =	shalt  }
0x66: {  	_ =	shalt  }
0x67: {  	_ =	shalt  }
0x68: {  	_ =	shalt  }
0x69: {  	_ =	shalt  }
0x6a: {  	_ =	shalt  }
0x6b: {  	_ =	shalt  }
0x6c: {  	_ =	shalt  }
0x6d: {  	_ =	shalt  }
0x6e: {  	_ =	shalt  }
0x6f: {  	_ =	shalt  }
0x70: {  	_ =	shalt  }
0x71: {  	_ =	shalt  }
0x72: {  	_ =	shalt  }
0x73: {  	_ =	shalt  }
0x74: {  	_ =	shalt  }
0x75: {  	_ =	shalt  }
0x76: {  	_ =	shalt  }
0x77: {  	_ =	shalt  }
0x78: {  	_ =	shalt  }
0x79: {  	_ =	shalt  }
0x7a: {  	_ =	shalt  }
0x7b: {  	_ =	shalt  }
0x7c: {  	_ =	shalt  }
0x7d: {  	_ =	shalt  }
0x7e: {  	_ =	shalt  }
0x7f: {  	_ =	shalt  }
0x80: {  	_ =	shalt  }
0x81: {  	_ =	shalt  }
0x82: {  	_ =	shalt  }
0x83: {  	_ =	shalt  }
0x84: {  	_ =	shalt  }
0x85: {  	_ =	shalt  }
0x86: {  	_ =	shalt  }
0x87: {  	_ =	shalt  }
.Lfunc_end0:
.L_simem_size_0:
called_computation.2_lowered:
.L_overlay_start_0:
0x88: {  	s2 =	sld [smem:$0x3FD9]  }
0x89: {  	s3 =	sld [smem:$0x3FFE];
	_ =	sdelay $0x1  }
0x8a: {  	s1 =	srdreg.scid  }
0x8b: {  	s0 =	sand.u32 $0x1, s1  }
0x8c: {  	s16 =	sshll.u32 s0, $0xA;
	s2 =	sadd.s32 s3, s2  }
0x8d: {  	s2 =	sadd.s32 s2, s16  }
0x8e: {  	[smem:$0x3FC0] =	sst s2  }
0x8f: {  	_ = 	snop  }
0x90: {  	(tm) =	ssettm $0x1  }
0x91: {  	s17 =	sld [smem:$0x3FFB];
	_ =	sdelay $0x3  }
0x92: {  	_ =	strace s17  }
0x93: {  	s2 =	sld [smem:$0x3FFC];
	_ =	sdelay $0x3  }
0x94: {  	_ =	strace s2  }
0x95: {  	s2 =	sld [smem:$0x3FFD];
	_ =	sdelay $0x3  }
0x96: {  	_ =	strace s2  }
0x97: {  	_ =	strace $0x8FFFFFFF  }
0x98: {  	s18 =	sld [smem:$0x3FDB];
	_ =	sdelay $0x1  }
0x99: {  	s19 =	simm.s32 $_scs_section_size  }
0x9a: {  	s4 =	simm.s32 $_size__tile_overlayer_lowered;
	s5 =	simm.s32 $_tile_overlayer_lowered  }
0x9b: {  	s22 =	simm.s32 $0x1BFF;
	s21 =	sshll.u32 s5, $0x1;
	s2 =	sadd.s32 s19, s18  }
0x9c: {  	s6 =	simm.s32 $0x0;
	s20 =	sshll.u32 s4, $0x1;
	s4 =	sadd.s32 s21, s2  }
0x9d: {  	[timem:s6], [sflag:s22] =	dma.local [hbm:s4], s20  }
0x9e: {  	_ =	swait.ge [sflag:s22], s20  }
0x9f: {  	s3 =	ssub.s32 $0x0, s20;
	[sflag:s22] =	ssyncset.done $0x0  }
0xa0: {  	[sflag:s22] =	ssyncadd.s32 s3;
	_ =	sdelay $0x1  }
0xa1: {  	s23 =	simm.s32 $0x1B8B  }
0xa2: {  	_ =	swait.ge [sflag:s23], $0x1  }
0xa3: {  	[sflag:s23] =	ssyncset.done $0x0  }
0xa4: {  	s25 =	simm.s32 $0x1B8E;
	s24 =	sld [smem:$0x3FFE];
	[sflag:s23] =	ssyncadd.s32 $0xFFFFFFFF  }
0xa5: {  	s26 =	simm.s32 $execute0_lowered;
	[smem:$0x3FD2] =	sst s25  }
0xa6: {  	s4 =	sshll.u32 s26, $0x1;
	_ =	strace $0x8000004C;
	[dreg:$0x1] =	wrdreg $0xFFFFFFFF  }
0xa7: {  	s28 =	simm.s32 $_size_execute0_lowered;
	s2 =	sadd.s32 s2, s4;
	[dreg:$0x0] =	wrdreg $0x0  }
0xa8: {  	s4 =	sshll.u32 s28, $0x1;
	[dreg:$0x2] =	wrdreg s2  }
0xa9: {  	[dreg:$0x3] =	wrdreg s4  }
0xaa: {  	[dreg:$0x4] =	wrdreg $0xC0  }
0xab: {  	_ =	task [dreg:s6], $0x5FFFF  }
0xac: {  	[dreg:$0x1] =	wrdreg $0xFFFFFFFF  }
0xad: {  	[dreg:$0x0] =	wrdreg $0x60  }
0xae: {  	[dreg:$0x2] =	wrdreg s24  }
0xaf: {  	[dreg:$0x3] =	wrdreg $0xA4000  }
0xb0: {  	[dreg:$0x4] =	wrdreg $0x9  }
0xb1: {  	_ =	task.clear_ibuf [dreg:s6], $0x5FFFF;
	_ =	strace $0x9000004C  }
0xb2: {  	s29 =	simm.s32 $0x9;
	_ =	strace $0x8000004E  }
0xb3: {  	_ =	swait.ge [sflag:s29], $0x1  }
0xb4: {  	[sflag:s29] =	ssyncadd.s32 $0xFFFFFFFF  }
0xb5: {  	_ =	strace $0x9000004E  }
0xb6: {  	_ =	sfence  }
0xb7: {  	s30 =	sld [smem:$0x0];
	_ =	sdelay $0x2  }
0xb8: {  	s31 =	sshll.u32 s1, $0xD;
	s1 =	sshrl.u32 s1, $0x2  }
0xb9: {  	s3 =	sand.u32 $0x4000, s31;
	s1 =	sadd.s32 s1, s30  }
0xba: {  	s0 =	sor.u32 s3, s0;
	s1 =	sshll.u32 s1, $0x11  }
0xbb: {  	s0 =	sor.u32 s1, s0  }
0xbc: {  	s0 =	sadd.s32 $0x8F2B, s0  }
0xbd: {  	[sflag:s0] =	ssyncadd.remote.s32 $0x1  }
0xbe: {  	_ =	sfence.sel $0xFFFF  }
0xbf: {  	[dreg:$0x0] =	wrdreg $0xFFFFFFFF;
	(pc) =	sbr.abs _section_cstart, $3  }
0xc0: {  	[dreg:$0x1] =	wrdreg $0xFFFFFFFF  }
0xc1: {  	_ =	task.clear_ibuf [dreg:s6], $0x2FFFF;
	_ =	strace $0x9FFFFFFF  }
0xc2: {  	(tm) =	ssettm $0x7FFFFFFF  }
0xc3: {  	_ =	shalt  }
tec
execute0_lowered:
.L_overlay_start_1:
0x0: {  	(tag) =	ssettag $0x1  }
0x1: {  	s0 =	rddreg [dreg:$0x0]  }
0x2: {  	s1 =	rddreg [dreg:$0x1];
	s2 =	simm.s32 $0x0;
	s3 =	srdreg.scid  }
0x3: {  	s12 =	stileid.u32;
	s29 =	simm.s32 $0x80;
	s28 =	simm.s32 $0x50  }
0x4: {  	s31 =	simm.s32 $0x380;
	s30 =	simm.s32 $0x200;
	[smem:$0x7FF] =	sst s2  }
0x5: {  	s4 =	sadd.s32 $0x37600, s0;
	s3 =	sand.u32 $0x1, s3;
	s7 =	smul.u32 $0x4E000, s12  }
0x6: {  	s5 =	sadd.s32 $0x23C00, s0;
	s8 =	sadd.s32 $0x5E800, s0;
	s10 =	smul.u32 $0x13800, s12  }
0x7: {  	s16 =	sshll.u32 s12, $0x6;
	s17 =	sadd.s32 $0x138000, s1;
	s0 =	sadd.s32 $0x5E600, s0  }
0x8: {  	s11 =	smul.u32 $0x2710, s12;
	p0 =	sne.s32 s12, $0xF;
	_ =	strace $0x8000004D  }
0x9: {  	s6 =	ssub.s32 $0x2, s3;
	s14 =	sshll.u32 s3, $0x4;
	[dreg:$0xb] =	wrdreg s17  }
0xa: {  	s20 =	sor.u32 $0x1C0D, s16;
	s18 =	smul.u32 $0x138800, s3;
	[dreg:$0xc] =	wrdreg s0  }
0xb: {  	s19 =	smul.u32 $0x27100, s3;
	s9 =	sshrl.u32 s6, $0x1;
	s7 =	sshrl.u32 s7, $0x2  }
0xc: {  	s15 =	sshrl.u32 s10, $0x3;
	[dreg:$0xa] =	wrdreg s20;
	s6 =	ssub.s32 s6, s9  }
0xd: {  	s7 =	sadd.s32 s7, s1;
	s9 =	sor.u32 s12, s14;
	s26 =	sadd.s32 s10, s18  }
0xe: {  	s0 =	sadd.s32 s11, s19;
	s12 =	simm.s32 $0xD;
	[dreg:$0x8] =	wrdreg s7  }
0xf: {  	s7 =	sadd.s32 s4, s15;
	s22 =	smul.u32 $0x2710, s9;
	s3 =	sshrl.u32 s26, $0x3  }
0x10: {  	s14 =	sadd.s32 $0xF0, s0;
	s17 =	sadd.s32 $0x4E2F0, s0;
	s19 =	sadd.s32 $0xA0, s0  }
0x11: {  	s6 =	smax.u32 s6, $0x1;
	[dreg:$0x9] =	wrdreg s7;
	s3 =	sadd.s32 s8, s3  }
0x12: {  	s7 =	sshrl.u32 s18, $0x3;
	s15 =	sshrl.u32 s14, $0x3;
	s18 =	sshrl.u32 s17, $0x3  }
0x13: {  	[dreg:$0x13] =	wrdreg s6;
	s14 =	simm.s32 $0x4;
	s17 =	simm.s32 $0x5400  }
0x14: {  	s6 =	simm.s32 $0x0;
	s24 =	sadd.s32 $0x4E200, s22;
	s21 =	sshrl.u32 s22, $0x3  }
0x15: {  	[dreg:$0x11] =	wrdreg s3;
	s7 =	sadd.s32 s8, s7;
	s16 =	sadd.s32 s15, s5  }
0x16: {  	s8 =	sshrl.u32 s19, $0x3;
	s15 =	simm.s32 $0x300;
	s19 =	simm.s32 $0x8  }
0x17: {  	s23 =	sshrl.u32 s24, $0x3;
	s13 =	sadd.s32 s5, s21;
	[dreg:$0x4] =	wrdreg s16  }
0x18: {  	s21 =	sadd.s32 $0x4E2A0, s0;
	s7 =	sadd.s32 $0x27000, s7;
	[dreg:$0xd] =	wrdreg s13  }
0x19: {  	s16 =	simm.s32 $0x180;
	s25 =	sadd.s32 s5, s23;
	[dreg:$0x12] =	wrdreg s7  }
0x1a: {  	s10 =	sadd.s32 $0xA, s13;
	s11 =	sadd.s32 $0x9C4A, s13;
	[dreg:$0xe] =	wrdreg s25  }
0x1b: {  	s13 =	sadd.s32 $0x4E340, s0;
	s23 =	sadd.s32 s8, s5;
	[dreg:$0xf] =	wrdreg s10  }
0x1c: {  	s0 =	sadd.s32 $0x140, s0;
	s7 =	simm.s32 $0x3;
	[dreg:$0x10] =	wrdreg s11  }
0x1d: {  	s3 =	sshrl.u32 s13, $0x3;
	s25 =	sshrl.u32 s21, $0x3;
	[dreg:$0x6] =	wrdreg s23  }
0x1e: {  	[dreg:$0x14] =	wrdreg s0;
	s23 =	simm.s32 $0x1;
	s10 =	simm.s32 $0x2C00  }
0x1f: {  	s11 =	simm.s32 $0x100;
	s0 =	simm.s32 $0x7C00;
	s3 =	sadd.s32 s3, s5  }
0x20: {  	s13 =	simm.s32 $0xA;
	s26 =	sadd.s32 s25, s5;
	[dreg:$0x3] =	wrdreg s3  }
0x21: {  	s3 =	sadd.s32 s18, s5;
	[dreg:$0x7] =	wrdreg s26;
	s26 =	simm.s32 $0x2  }
0x22: {  	s18 =	simm.s32 $0x7;
	[dreg:$0x5] =	wrdreg s3;
	s3 =	simm.s32 $0x280  }
.LBB2_1:
0x23: {  	[dreg:$0x15] =	wrdreg s6  }
0x24: {  	s8 =	rddreg [dreg:$0x8]  }
0x25: {  	s9 =	rddreg [dreg:$0x9];
	s8 =	sshrl.u32 s8, $0x3  }
0x26: {  	[dreg:$0x16] =	wrdreg s8  }
0x27: {  	[spmem:s8], [sflag:s20] =	dma.local [hbm:s9], $0x2700  }
0x28: {  	_ =	swait.ge [sflag:s12], $0x2700  }
0x29: {  	s8 =	rddreg [dreg:$0xb]  }
0x2a: {  	[sflag:s12] =	ssyncset.done $0x0;
	s6 =	sshrl.u32 @!p0 s8, $0x3;
	s8 =	rddreg [dreg:$0xc]  }
0x2b: {  	[sflag:s12] =	ssyncadd.s32 $0xFFFFD900;
	[dreg:$0x17] =	wrdreg s6  }
0x2c: {  	[spmem:s6], [sflag:s20] =	dma.local @!p0 [hbm:s8], $0x100  }
0x2d: {  	s8 =	simm.s32 @!p0 $0xD  }
0x2e: {  	_ =	swait.ge @!p0 [sflag:s8], $0x100  }
0x2f: {  	[sflag:s8] =	ssyncset.done @!p0 $0x0  }
0x30: {  	[sflag:s8] =	ssyncadd.s32 @!p0 $0xFFFFFF00  }
0x31: {  	[bflag:$0x0] =	sbarrier.arrive $0xFFFF  }
0x32: {  	s20 =	rddreg [dreg:$0xd]  }
0x33: {  	[tilespmem:s2], [sflag:$0x1] =	stream.linear.gather [hbm4b:s20+s2], $0x50, $0x38;
	[tilespmem:$0x1DC80] =	vst v63  }
0x34: {  	s12 =	simm.s32 $0x200;
	s21 =	rddreg [dreg:$0xe]  }
0x35: {  	[tilespmem:s12], [sflag:$0x1] =	stream.linear.gather [hbm4b:s21+s2], $0x50, $0x38;
	[tilespmem:$0x1DC80] =	vst v63  }
0x36: {  	_ =	swait.ge [sflag:s23], $0x50  }
0x37: {  	[sflag:s23] =	ssyncset.done $0x0  }
0x38: {  	[sflag:s23] =	ssyncadd.s32 $0xFFFFFFB0  }
0x39: {  	_ =	swait.ge [sflag:s23], $0x50  }
0x3a: {  	[sflag:s23] =	ssyncset.done $0x0  }
0x3b: {  	s25 =	rddreg [dreg:$0xf];
	[sflag:s23] =	ssyncadd.s32 $0xFFFFFFB0  }
0x3c: {  	[tilespmem:s29], [sflag:$0x2] =	stream.linear.gather [hbm4b:s25+s2], $0x50, $0x38;
	[tilespmem:$0x1DC80] =	vst v63  }
0x3d: {  	s6 =	rddreg [dreg:$0x10]  }
0x3e: {  	[tilespmem:s3], [sflag:$0x2] =	stream.linear.gather [hbm4b:s6+s2], $0x50, $0x38;
	[tilespmem:$0x1DC80] =	vst v63  }
0x3f: {  	_ =	swait.ge [sflag:s26], $0x50  }
0x40: {  	[sflag:s26] =	ssyncset.done $0x0  }
0x41: {  	[sflag:s26] =	ssyncadd.s32 $0xFFFFFFB0  }
0x42: {  	_ =	swait.ge [sflag:s26], $0x50  }
0x43: {  	[sflag:s26] =	ssyncset.done $0x0  }
0x44: {  	s6 =	simm.s32 $0x400;
	[sflag:s26] =	ssyncadd.s32 $0xFFFFFFB0  }
0x45: {  	[tilespmem:s6], [sflag:$0x5] =	stream.indirect.gather [hbm4b:s4+s28], $0x80, s2, s28, $0xb8;
	[tilespmem:$0x1DC80] =	vst v63  }
0x46: {  	s9 =	simm.s32 $0x5  }
0x47: {  	[tilespmem:s10], [sflag:$0x6] =	stream.indirect.gather [hbm4b:s4+s28], $0x80, s29, s28, $0xb8;
	[tilespmem:$0x1DC80] =	vst v63  }
0x48: {  	_ =	swait.ge [sflag:s9], $0x2800  }
0x49: {  	[sflag:s9] =	ssyncset.done $0x0  }
0x4a: {  	s20 =	simm.s32 $0x6;
	[sflag:s9] =	ssyncadd.s32 $0xFFFFD800  }
0x4b: {  	_ =	swait.ge [sflag:s20], $0x2800  }
0x4c: {  	[sflag:s20] =	ssyncset.done $0x0  }
0x4d: {  	p1 =	por $0x1, $0x1;
	[sflag:s20] =	ssyncadd.s32 $0xFFFFD800  }
0x4e: {  	[spmem:s1] =	stream.indirect.scatter.add.f32 [tilespmem:s6], [sflag:$0x9], $0x80, s12, s28, $0xb8;
	[tilespmem:$0x1DC80] =	vst v63  }
0x4f: {  	s8 =	simm.s32 @!p1 $0xB  }
0x50: {  	[spmem:s1] =	stream.indirect.scatter.add.f32 [tilespmem:s10], [sflag:$0xA], $0x80, s3, s28, $0xb8;
	[tilespmem:$0x1DC80] =	vst v63  }
0x51: {  	_ =	swait.ge @!p1 [sflag:s8], $0x2800  }
0x52: {  	[sflag:s8] =	ssyncset.done @!p1 $0x0  }
0x53: {  	s9 =	simm.s32 @!p1 $0xC;
	[sflag:s8] =	ssyncadd.s32 @!p1 $0xFFFFD800  }
0x54: {  	_ =	swait.ge @!p1 [sflag:s9], $0x2800  }
0x55: {  	s21 =	rddreg [dreg:$0x6];
	[sflag:s9] =	ssyncset.done @!p1 $0x0  }
0x56: {  	s25 =	rddreg [dreg:$0x7];
	[sflag:s9] =	ssyncadd.s32 @!p1 $0xFFFFD800;
	s8 =	sadd.s32 $0x0, s21  }
0x57: {  	[tilespmem:s11], [sflag:$0x3] =	stream.linear.gather [hbm4b:s8+s2], $0x50, $0x38;
	[tilespmem:$0x1DC80] =	vst v63  }
0x58: {  	s20 =	sadd.s32 $0x0, s25  }
0x59: {  	[tilespmem:s15], [sflag:$0x3] =	stream.linear.gather [hbm4b:s20+s2], $0x50, $0x38;
	[tilespmem:$0x1DC80] =	vst v63  }
0x5a: {  	_ =	swait.ge [sflag:s7], $0x50  }
0x5b: {  	[sflag:s7] =	ssyncset.done $0x0  }
0x5c: {  	[sflag:s7] =	ssyncadd.s32 $0xFFFFFFB0  }
0x5d: {  	_ =	swait.ge [sflag:s7], $0x50  }
0x5e: {  	s21 =	rddreg [dreg:$0x4];
	[sflag:s7] =	ssyncset.done $0x0  }
0x5f: {  	s25 =	rddreg [dreg:$0x5];
	[sflag:s7] =	ssyncadd.s32 $0xFFFFFFB0;
	s8 =	sadd.s32 $0x0, s21  }
0x60: {  	[tilespmem:s16], [sflag:$0x4] =	stream.linear.gather [hbm4b:s8+s2], $0x50, $0x38;
	[tilespmem:$0x1DC80] =	vst v63  }
0x61: {  	s9 =	sadd.s32 $0x0, s25  }
0x62: {  	[tilespmem:s31], [sflag:$0x4] =	stream.linear.gather [hbm4b:s9+s2], $0x50, $0x38;
	[tilespmem:$0x1DC80] =	vst v63  }
0x63: {  	_ =	swait.ge [sflag:s14], $0x50  }
0x64: {  	[sflag:s14] =	ssyncset.done $0x0  }
0x65: {  	[sflag:s14] =	ssyncadd.s32 $0xFFFFFFB0  }
0x66: {  	_ =	swait.ge [sflag:s14], $0x50  }
0x67: {  	[sflag:s14] =	ssyncset.done $0x0  }
0x68: {  	[sflag:s14] =	ssyncadd.s32 $0xFFFFFFB0  }
0x69: {  	[tilespmem:s17], [sflag:$0x7] =	stream.indirect.gather [hbm4b:s4+s28], $0x80, s11, s28, $0xb8;
	[tilespmem:$0x1DC80] =	vst v63  }
0x6a: {  	s11 =	simm.s32 $0x9  }
0x6b: {  	[tilespmem:s0], [sflag:$0x8] =	stream.indirect.gather [hbm4b:s4+s28], $0x80, s16, s28, $0xb8;
	[tilespmem:$0x1DC80] =	vst v63  }
0x6c: {  	_ =	swait.ge [sflag:s11], $0x2800  }
0x6d: {  	[sflag:s11] =	ssyncset.done $0x0  }
0x6e: {  	[sflag:s11] =	ssyncadd.s32 $0xFFFFD800  }
0x6f: {  	_ =	swait.ge [sflag:s13], $0x2800  }
0x70: {  	s20 =	rddreg [dreg:$0x14]  }
0x71: {  	[sflag:s13] =	ssyncset.done $0x0;
	s16 =	sshrl.u32 s20, $0x3  }
0x72: {  	s21 =	rddreg [dreg:$0x3];
	[sflag:s13] =	ssyncadd.s32 $0xFFFFD800;
	s8 =	sadd.s32 s5, s16  }
0x73: {  	[tilespmem:s2], [sflag:$0x1] =	stream.linear.gather [hbm4b:s8+s2], $0x50, $0x38;
	[tilespmem:$0x1DC80] =	vst v63  }
0x74: {  	s25 =	smin.u32 s2, $0x77;
	s9 =	sadd.s32 $0x0, s21  }
0x75: {  	[tilespmem:s12], [sflag:$0x1] =	stream.linear.gather [hbm4b:s9+s2], $0x50, $0x38;
	[tilespmem:$0x1DC80] =	vst v63  }
0x76: {  	s8 =	smul.u32 $0x50, s25;
	_ =	swait.ge [sflag:s23], $0x50  }
0x77: {  	[sflag:s23] =	ssyncset.done $0x0  }
0x78: {  	s8 =	sadd.s32 $0x190, s8;
	[sflag:s23] =	ssyncadd.s32 $0xFFFFFFB0  }
0x79: {  	s31 =	sadd.s32 s22, s8;
	_ =	swait.ge [sflag:s23], $0x50  }
0x7a: {  	s8 =	sadd.s32 s24, s8;
	s9 =	sshrl.u32 s31, $0x3;
	[sflag:s23] =	ssyncset.done $0x0  }
0x7b: {  	s8 =	sshrl.u32 s8, $0x3;
	s9 =	sadd.s32 s5, s9;
	[sflag:s23] =	ssyncadd.s32 $0xFFFFFFB0  }
0x7c: {  	[tilespmem:s29], [sflag:$0x2] =	stream.linear.gather [hbm4b:s9+s2], $0x50, $0x38;
	[tilespmem:$0x1DC80] =	vst v63  }
0x7d: {  	s8 =	sadd.s32 s5, s8  }
0x7e: {  	[tilespmem:s3], [sflag:$0x2] =	stream.linear.gather [hbm4b:s8+s2], $0x50, $0x38;
	[tilespmem:$0x1DC80] =	vst v63  }
0x7f: {  	_ =	swait.ge [sflag:s26], $0x50  }
0x80: {  	[sflag:s26] =	ssyncset.done $0x0  }
0x81: {  	[sflag:s26] =	ssyncadd.s32 $0xFFFFFFB0  }
0x82: {  	_ =	swait.ge [sflag:s26], $0x50  }
0x83: {  	[sflag:s26] =	ssyncset.done $0x0  }
0x84: {  	[sflag:s26] =	ssyncadd.s32 $0xFFFFFFB0  }
0x85: {  	[tilespmem:s6], [sflag:$0x5] =	stream.indirect.gather [hbm4b:s4+s28], $0x80, s2, s28, $0xb8;
	[tilespmem:$0x1DC80] =	vst v63  }
0x86: {  	_ = 	snop  }
0x87: {  	[tilespmem:s10], [sflag:$0x6] =	stream.indirect.gather [hbm4b:s4+s28], $0x80, s29, s28, $0xb8;
	[tilespmem:$0x1DC80] =	vst v63  }
0x88: {  	_ =	swait.ge [sflag:s18], $0x2800  }
0x89: {  	[sflag:s18] =	ssyncset.done $0x0  }
0x8a: {  	[sflag:s18] =	ssyncadd.s32 $0xFFFFD800  }
0x8b: {  	s11 =	simm.s32 $0x100;
	_ =	swait.ge [sflag:s19], $0x2800  }
0x8c: {  	s21 =	simm.s32 $0x28;
	s16 =	simm.s32 $0x180;
	[sflag:s19] =	ssyncset.done $0x0  }
0x8d: {  	s9 =	simm.s32 $0x0;
	s3 =	simm.s32 $0x280;
	[sflag:s19] =	ssyncadd.s32 $0xFFFFD800  }
0x8e: {  	[spmem:s1] =	stream.indirect.scatter.add.f32 [tilespmem:s17], [sflag:$0xB], $0x80, s15, s28, $0xb8;
	[tilespmem:$0x1DC80] =	vst v63  }
0x8f: {  	s10 =	simm.s32 $0x2C00;
	s15 =	simm.s32 $0x300;
	s17 =	simm.s32 $0x5400  }
.LBB2_2:
0x90: {  	s0 =	simm.s32 $0x380;
	s13 =	simm.s32 $0x7C00;
	s6 =	simm.s32 $0x5  }
0x91: {  	[spmem:s1] =	stream.indirect.scatter.add.f32 [tilespmem:s13], [sflag:$0xC], $0x80, s0, s28, $0xb8;
	[tilespmem:$0x1DC80] =	vst v63  }
0x92: {  	_ =	swait.ge [sflag:s6], $0x2800  }
0x93: {  	[sflag:s6] =	ssyncset.done $0x0  }
0x94: {  	s12 =	simm.s32 $0x6;
	[sflag:s6] =	ssyncadd.s32 $0xFFFFD800  }
0x95: {  	_ =	swait.ge [sflag:s12], $0x2800  }
0x96: {  	s8 =	smov.u32 s21;
	[sflag:s12] =	ssyncset.done $0x0  }
0x97: {  	p2 =	seq.s32 s8, $0x0;
	s6 =	simm.s32 $0x400;
	[sflag:s12] =	ssyncadd.s32 $0xFFFFD800  }
0x98: {  	[spmem:s1] =	stream.indirect.scatter.add.f32 [tilespmem:s6], [sflag:$0x9], $0x80, s30, s28, $0xb8;
	[tilespmem:$0x1DC80] =	vst v63  }
0x99: {  	s12 =	simm.s32 @!p2 $0xB  }
0x9a: {  	[spmem:s1] =	stream.indirect.scatter.add.f32 [tilespmem:s10], [sflag:$0xA], $0x80, s3, s28, $0xb8;
	[tilespmem:$0x1DC80] =	vst v63  }
0x9b: {  	_ =	swait.ge @!p2 [sflag:s12], $0x2800  }
0x9c: {  	[sflag:s12] =	ssyncset.done @!p2 $0x0  }
0x9d: {  	s25 =	smov.u32 s22;
	s22 =	simm.s32 @!p2 $0xC;
	[sflag:s12] =	ssyncadd.s32 @!p2 $0xFFFFD800  }
0x9e: {  	_ =	swait.ge @!p2 [sflag:s22], $0x2800  }
0x9f: {  	s29 =	smov.u32 s24;
	s12 =	rddreg [dreg:$0x6];
	[sflag:s22] =	ssyncset.done @!p2 $0x0  }
0xa0: {  	s24 =	rddreg [dreg:$0x7];
	[sflag:s22] =	ssyncadd.s32 @!p2 $0xFFFFD800;
	s12 =	sadd.s32 s8, s12  }
0xa1: {  	[tilespmem:s11], [sflag:$0x3] =	stream.linear.gather [hbm4b:s12+s2], $0x50, $0x38;
	[tilespmem:$0x1DC80] =	vst v63  }
0xa2: {  	s22 =	sadd.s32 s8, s24  }
0xa3: {  	[tilespmem:s15], [sflag:$0x3] =	stream.linear.gather [hbm4b:s22+s2], $0x50, $0x38;
	[tilespmem:$0x1DC80] =	vst v63  }
0xa4: {  	_ =	swait.ge [sflag:s7], $0x50  }
0xa5: {  	[sflag:s7] =	ssyncset.done $0x0  }
0xa6: {  	[sflag:s7] =	ssyncadd.s32 $0xFFFFFFB0  }
0xa7: {  	_ =	swait.ge [sflag:s7], $0x50  }
0xa8: {  	s12 =	rddreg [dreg:$0x4];
	[sflag:s7] =	ssyncset.done $0x0  }
0xa9: {  	s22 =	rddreg [dreg:$0x5];
	[sflag:s7] =	ssyncadd.s32 $0xFFFFFFB0;
	s12 =	sadd.s32 s8, s12  }
0xaa: {  	[tilespmem:s16], [sflag:$0x4] =	stream.linear.gather [hbm4b:s12+s2], $0x50, $0x38;
	[tilespmem:$0x1DC80] =	vst v63  }
0xab: {  	s22 =	sadd.s32 s8, s22  }
0xac: {  	[tilespmem:s0], [sflag:$0x4] =	stream.linear.gather [hbm4b:s22+s2], $0x50, $0x38;
	[tilespmem:$0x1DC80] =	vst v63  }
0xad: {  	_ =	swait.ge [sflag:s14], $0x50  }
0xae: {  	[sflag:s14] =	ssyncset.done $0x0  }
0xaf: {  	[sflag:s14] =	ssyncadd.s32 $0xFFFFFFB0  }
0xb0: {  	_ =	swait.ge [sflag:s14], $0x50  }
0xb1: {  	[sflag:s14] =	ssyncset.done $0x0  }
0xb2: {  	[sflag:s14] =	ssyncadd.s32 $0xFFFFFFB0  }
0xb3: {  	[tilespmem:s17], [sflag:$0x7] =	stream.indirect.gather [hbm4b:s4+s28], $0x80, s11, s28, $0xb8;
	[tilespmem:$0x1DC80] =	vst v63  }
0xb4: {  	s22 =	simm.s32 $0x9  }
0xb5: {  	[tilespmem:s13], [sflag:$0x8] =	stream.indirect.gather [hbm4b:s4+s28], $0x80, s16, s28, $0xb8;
	[tilespmem:$0x1DC80] =	vst v63  }
0xb6: {  	_ =	swait.ge [sflag:s22], $0x2800  }
0xb7: {  	[sflag:s22] =	ssyncset.done $0x0  }
0xb8: {  	s13 =	simm.s32 $0xA;
	[sflag:s22] =	ssyncadd.s32 $0xFFFFD800  }
0xb9: {  	s20 =	sadd.s32 $0x140, s20;
	_ =	swait.ge [sflag:s13], $0x2800  }
0xba: {  	s9 =	sadd.s32 $0x4, s9;
	s22 =	sshrl.u32 s20, $0x3;
	[sflag:s13] =	ssyncset.done $0x0  }
0xbb: {  	s12 =	sadd.s32 s5, s22;
	s22 =	rddreg [dreg:$0x3];
	[sflag:s13] =	ssyncadd.s32 $0xFFFFD800  }
0xbc: {  	[tilespmem:s2], [sflag:$0x1] =	stream.linear.gather [hbm4b:s12+s2], $0x50, $0x38;
	[tilespmem:$0x1DC80] =	vst v63  }
0xbd: {  	s8 =	sadd.s32 s8, s22;
	s12 =	smin.u32 s9, $0x77  }
0xbe: {  	[tilespmem:s30], [sflag:$0x1] =	stream.linear.gather [hbm4b:s8+s2], $0x50, $0x38;
	[tilespmem:$0x1DC80] =	vst v63  }
0xbf: {  	s12 =	smul.u32 $0x50, s12;
	_ =	swait.ge [sflag:s23], $0x50  }
0xc0: {  	s24 =	smov.u32 s29;
	[sflag:s23] =	ssyncset.done $0x0  }
0xc1: {  	s22 =	smov.u32 s25;
	s8 =	sadd.s32 $0x190, s12;
	[sflag:s23] =	ssyncadd.s32 $0xFFFFFFB0  }
0xc2: {  	s29 =	simm.s32 $0x80;
	s12 =	sadd.s32 s22, s8;
	_ =	swait.ge [sflag:s23], $0x50  }
0xc3: {  	s8 =	sadd.s32 s24, s8;
	s12 =	sshrl.u32 s12, $0x3;
	[sflag:s23] =	ssyncset.done $0x0  }
0xc4: {  	s8 =	sshrl.u32 s8, $0x3;
	s12 =	sadd.s32 s5, s12;
	[sflag:s23] =	ssyncadd.s32 $0xFFFFFFB0  }
0xc5: {  	[tilespmem:s29], [sflag:$0x2] =	stream.linear.gather [hbm4b:s12+s2], $0x50, $0x38;
	[tilespmem:$0x1DC80] =	vst v63  }
0xc6: {  	s8 =	sadd.s32 s5, s8  }
0xc7: {  	[tilespmem:s3], [sflag:$0x2] =	stream.linear.gather [hbm4b:s8+s2], $0x50, $0x38;
	[tilespmem:$0x1DC80] =	vst v63  }
0xc8: {  	_ =	swait.ge [sflag:s26], $0x50  }
0xc9: {  	[sflag:s26] =	ssyncset.done $0x0  }
0xca: {  	[sflag:s26] =	ssyncadd.s32 $0xFFFFFFB0  }
0xcb: {  	_ =	swait.ge [sflag:s26], $0x50  }
0xcc: {  	[sflag:s26] =	ssyncset.done $0x0  }
0xcd: {  	[sflag:s26] =	ssyncadd.s32 $0xFFFFFFB0  }
0xce: {  	[tilespmem:s6], [sflag:$0x5] =	stream.indirect.gather [hbm4b:s4+s28], $0x80, s2, s28, $0xb8;
	[tilespmem:$0x1DC80] =	vst v63  }
0xcf: {  	_ = 	snop  }
0xd0: {  	[tilespmem:s10], [sflag:$0x6] =	stream.indirect.gather [hbm4b:s4+s28], $0x80, s29, s28, $0xb8;
	[tilespmem:$0x1DC80] =	vst v63  }
0xd1: {  	s21 =	sadd.s32 $0x28, s21;
	_ =	swait.ge [sflag:s18], $0x2800  }
0xd2: {  	p1 =	sne.s32 s21, $0x4D8;
	[sflag:s18] =	ssyncset.done $0x0  }
.Ltmp0:
0xd3: {  	[sflag:s18] =	ssyncadd.s32 $0xFFFFD800;
	(pc) =	sbr.rel @p1 .LBB2_2-.Ltmp0, $4  }
0xd4: {  	_ =	swait.ge [sflag:s19], $0x2800  }
0xd5: {  	s31 =	simm.s32 $0x380;
	s0 =	simm.s32 $0x7C00;
	[sflag:s19] =	ssyncset.done $0x0  }
0xd6: {  	s25 =	simm.s32 $0x200;
	s8 =	simm.s32 $0x400;
	[sflag:s19] =	ssyncadd.s32 $0xFFFFD800  }
0xd7: {  	[spmem:s1] =	stream.indirect.scatter.add.f32 [tilespmem:s17], [sflag:$0xB], $0x80, s15, s28, $0xb8;
	[tilespmem:$0x1DC80] =	vst v63  }
0xd8: {  	[spmem:s1] =	stream.indirect.scatter.add.f32 [tilespmem:s0], [sflag:$0xC], $0x80, s31, s28, $0xb8;
	[tilespmem:$0x1DC80] =	vst v63  }
0xd9: {  	s3 =	simm.s32 $0xB  }
0xda: {  	_ =	swait.ge [sflag:s3], $0x2800  }
0xdb: {  	[sflag:s3] =	ssyncset.done $0x0  }
0xdc: {  	s15 =	simm.s32 $0xC;
	[sflag:s3] =	ssyncadd.s32 $0xFFFFD800  }
0xdd: {  	_ =	swait.ge [sflag:s15], $0x2800  }
0xde: {  	[sflag:s15] =	ssyncset.done $0x0  }
0xdf: {  	s16 =	simm.s32 $0x5;
	[sflag:s15] =	ssyncadd.s32 $0xFFFFD800  }
0xe0: {  	_ =	swait.ge [sflag:s16], $0x2800  }
0xe1: {  	[sflag:s16] =	ssyncset.done $0x0  }
0xe2: {  	s17 =	simm.s32 $0x6;
	[sflag:s16] =	ssyncadd.s32 $0xFFFFD800  }
0xe3: {  	_ =	swait.ge [sflag:s17], $0x2800  }
0xe4: {  	[sflag:s17] =	ssyncset.done $0x0  }
0xe5: {  	s20 =	simm.s32 $0x9;
	[sflag:s17] =	ssyncadd.s32 $0xFFFFD800  }
0xe6: {  	[spmem:s1] =	stream.indirect.scatter.add.f32 [tilespmem:s8], [sflag:$0x9], $0x80, s25, s28, $0xb8;
	[tilespmem:$0x1DC80] =	vst v63  }
0xe7: {  	_ =	swait.ge [sflag:s20], $0x2800  }
0xe8: {  	[sflag:s20] =	ssyncset.done $0x0  }
0xe9: {  	[sflag:s20] =	ssyncadd.s32 $0xFFFFD800  }
0xea: {  	[bflag:$0x0] =	sbarrier.arrive $0xFFFF  }
0xeb: {  	s20 =	rddreg [dreg:$0xa]  }
0xec: {  	s21 =	rddreg [dreg:$0x11]  }
0xed: {  	s12 =	simm.s32 $0xD;
	s25 =	rddreg [dreg:$0x16]  }
0xee: {  	[hbm:s21], [sflag:s20] =	dma.local [spmem:s25], $0x2700  }
0xef: {  	_ =	swait.ge [sflag:s12], $0x2700  }
0xf0: {  	[sflag:s12] =	ssyncset.done $0x0;
	s8 =	rddreg [dreg:$0x12]  }
0xf1: {  	s3 =	rddreg [dreg:$0x17];
	[sflag:s12] =	ssyncadd.s32 $0xFFFFD900  }
0xf2: {  	[hbm:s8], [sflag:s20] =	dma.local @!p0 [spmem:s3], $0x100  }
0xf3: {  	s8 =	simm.s32 @!p0 $0xD  }
0xf4: {  	_ =	swait.ge @!p0 [sflag:s8], $0x100  }
0xf5: {  	s6 =	rddreg [dreg:$0x15]  }
0xf6: {  	s9 =	rddreg [dreg:$0x13];
	s6 =	sadd.s32 $0x1, s6  }
0xf7: {  	p1 =	sne.s32 s6, s9  }
.Ltmp1:
0xf8: {  	_ = 	snop;
	(pc) =	sbr.rel @p1 .LBB2_1-.Ltmp1, $4  }
0xf9: {  	_ = 	snop  }
0xfa: {  	s10 =	simm.s32 $0x2C00;
	s11 =	simm.s32 $0x100  }
0xfb: {  	s15 =	simm.s32 $0x300;
	s16 =	simm.s32 $0x180;
	[sflag:s8] =	ssyncset.done @!p0 $0x0  }
0xfc: {  	s17 =	simm.s32 $0x5400;
	s3 =	simm.s32 $0x280;
	[sflag:s8] =	ssyncadd.s32 @!p0 $0xFFFFFF00  }
0xfd: {  	_ =	sfence.sel $0x180000  }
0xfe: {  	[bflag:$0x0] =	sbarrier.arrive $0xFFFF  }
0xff: {  	_ =	strace $0x9000004D  }
0x100: {  	s0 =	stileid.u32;
	[bflag:$0x2] =	sbarrier.arrive $0xFFFF  }
0x101: {  	p0 =	sne.s32 s0, $0x0;
	s0 =	rddreg [dreg:$0x2]  }
0x102: {  	s0 =	sadd.s32 @!p0 $0x100000, s0  }
0x103: {  	[sflag:s0] =	ssyncadd.tile.s32 @!p0 $0x1;
	_ =	shalt  }
.Lfunc_end2:
_tile_overlayer_lowered:
.L_overlay_start_2:
0x104: {  	(tag) =	ssettag $0x2  }
0x105: {  	s0 =	rddreg [dreg:$0x0];
	s2 =	stileid.u32  }
0x106: {  	s1 =	rddreg [dreg:$0x1];
	p0 =	sne.s32 s2, $0x0  }
0x107: {  	s3 =	rddreg [dreg:$0x2];
	[bflag:$0x3] =	sbarrier.arrive $0xFFFF;
	s2 =	simm.s32 @!p0 $0x1C0D  }
0x108: {  	[timem:s3], [sflag:s2] =	dma.local @!p0 [hbm:s0], s1  }
0x109: {  	s0 =	simm.s32 @!p0 $0xD  }
0x10a: {  	_ =	swait.ge @!p0 [sflag:s0], s1  }
0x10b: {  	s1 =	ssub.s32 @!p0 $0x0, s1;
	[sflag:s0] =	ssyncset.done @!p0 $0x0  }
0x10c: {  	[sflag:s0] =	ssyncadd.s32 @!p0 s1  }
0x10d: {  	[bflag:$0x3] =	sbarrier.arrive $0xFFFF  }
0x10e: {  	_ =	shalt  }

// kernel: kernel.9.cloned.1.call-start
scs
__scs_entry_jumppad:
0x0: {  	(pc) =	sbr.rel $0x88, $3  }
0x1: {  	(tag) =	ssettag $0x0;
	lr =	simm.s32 $0x1  }
0x2: {  	[smem:$0x3F99] =	sst lr;
	_ =	strace $0xD0000000  }
0x3: {  	_ = 	snop  }
0x4: {  	_ = 	snop  }
0x5: {  	_ = 	snop  }
0x6: {  	_ = 	snop  }
0x7: {  	_ = 	snop  }
__scs_overlays_trampoline_lowered:
0x8: {  	[smem:$0x3FA8] =	sst s0  }
0x9: {  	[smem:$0x3FA9] =	sst s1  }
0xa: {  	[smem:$0x3FAA] =	sst s2  }
0xb: {  	[smem:$0x3FAB] =	sst s3  }
0xc: {  	[smem:$0x3FAC] =	sst s4  }
0xd: {  	[smem:$0x3FAD] =	sst s5  }
0xe: {  	[smem:$0x3FAE] =	sst s6  }
0xf: {  	[smem:$0x3FAF] =	sst s7  }
0x10: {  	[smem:$0x3FB0] =	sst s8  }
0x11: {  	[smem:$0x3FB1] =	sst s9;
	s0 =	simm.s32 @!p0 $0x0  }
0x12: {  	s1 =	sld [smem:$0x3F97];
	s0 =	simm.s32 @p0 $0x1  }
0x13: {  	[smem:$0x3FB2] =	sst s0;
	s0 =	simm.s32 @!p1 $0x0  }
0x14: {  	s2 =	sld [smem:$0x3F96];
	s0 =	simm.s32 @p1 $0x1  }
0x15: {  	[smem:$0x3FB3] =	sst s0;
	s0 =	simm.s32 @!p2 $0x0  }
0x16: {  	s3 =	sld [smem:$0x3FDB];
	s0 =	simm.s32 @p2 $0x1  }
0x17: {  	s4 =	simm.s32 $0x1BF5;
	[smem:$0x3FB5] =	sst s0  }
0x18: {  	s0 =	sld [smem:$0x3F98];
	_ =	swait.ge [sflag:s4], $0x0  }
0x19: {  	s7 =	sld [smem:$0x3F99]  }
0x1a: {  	s8 =	sadd.s32 $0xFFFFE003, lr  }
0x1b: {  	s9 =	sadd.s32 $0xFFFFFEF7, lr;
	s5 =	simm.s32 $0xFFFFFFFF;
	p2 =	slt.u32 s8, $0xFFFFF086  }
0x1c: {  	p1 =	slt.u32 s9, $0xF7A;
	s5 =	simm.s32 @!p2 $0x0  }
0x1d: {  	s5 =	simm.s32 @p1 $0x1;
	p0 =	seq.s32 s7, s2  }
0x1e: {  	s7 =	smul.u32 @!p0 $0xF7A, s2;
	p2 =	seq.s32 @!p0 s5, $0x0  }
0x1f: {  	s9 =	smul.u32 $0xF7A, s1;
	s8 =	simm.s32 @!p0 $0x1BF5;
	p2 =	por !p2, p0  }
0x20: {  	[sflag:s8] =	ssyncset.s32 @!p0 $0xFFFFF086;
	s6 =	sadd.s32 @!p0 s3, s7;
	s7 =	simm.s32 @!p0 $0x108  }
0x21: {  	s3 =	sadd.s32 s3, s9;
	s6 =	sadd.s32 @!p0 $0x88, s6;
	s7 =	simm.s32 @p2 $0x1082  }
0x22: {  	[simem:s7], [sflag:s8] =	dma.local @!p0 [hbm:s6], $0xF7A  }
0x23: {  	s9 =	sor.u32 $0xD0000000, s2;
	s6 =	simm.s32 $0x108;
	_ =	swait.ge @!p0 [sflag:s8], $0x0  }
0x24: {  	s3 =	sadd.s32 $0x88, s3;
	s6 =	simm.s32 @!p1 $0x1082;
	[sflag:s4] =	ssyncset.s32 $0xFFFFF086  }
0x25: {  	[simem:s6], [sflag:s4] =	dma.local [hbm:s3], $0xF7A  }
0x26: {  	[smem:$0x3F99] =	sst s1;
	(tag) =	ssettag s2;
	_ =	strace s9  }
0x27: {  	s1 =	sld [smem:$0x3FA9]  }
0x28: {  	s2 =	sld [smem:$0x3FAA]  }
0x29: {  	s4 =	sld [smem:$0x3FAC]  }
0x2a: {  	p0 =	seq.s32 s5, $0x0;
	s5 =	sld [smem:$0x3FAD]  }
0x2b: {  	s6 =	sld [smem:$0x3FAE]  }
0x2c: {  	s7 =	sld [smem:$0x3FAF]  }
0x2d: {  	s3 =	simm.s32 $0x108;
	s8 =	sld [smem:$0x3FB0]  }
0x2e: {  	s3 =	simm.s32 @!p0 $0x1082;
	s9 =	sld [smem:$0x3FB1]  }
0x2f: {  	lr =	sadd.s32 s0, s3;
	s0 =	sld [smem:$0x3FA8]  }
0x30: {  	s3 =	sld [smem:$0x3FAB]  }
0x31: {  	[smem:$0x3FB4] =	sst s10  }
0x32: {  	s10 =	sld [smem:$0x3FB2];
	_ =	sdelay $0x3  }
0x33: {  	p0 =	seq.s32 s10, $0x1;
	s10 =	sld [smem:$0x3FB4];
	_ =	sdelay $0x3  }
0x34: {  	[smem:$0x3FB4] =	sst s10  }
0x35: {  	s10 =	sld [smem:$0x3FB3];
	_ =	sdelay $0x3  }
0x36: {  	p1 =	seq.s32 s10, $0x1;
	s10 =	sld [smem:$0x3FB4];
	_ =	sdelay $0x3  }
0x37: {  	[smem:$0x3FB4] =	sst s10  }
0x38: {  	s10 =	sld [smem:$0x3FB5]  }
0x39: {  	_ = 	snop;
	(pc) =	sbr.ind lr, $3  }
0x3a: {  	_ = 	snop  }
0x3b: {  	_ = 	snop  }
0x3c: {  	p2 =	seq.s32 s10, $0x1;
	s10 =	sld [smem:$0x3FB4]  }
0x3d: {  	_ =	shalt  }
0x3e: {  	_ =	shalt  }
0x3f: {  	_ =	shalt  }
0x40: {  	_ =	shalt  }
0x41: {  	_ =	shalt  }
0x42: {  	_ =	shalt  }
0x43: {  	_ =	shalt  }
0x44: {  	_ =	shalt  }
0x45: {  	_ =	shalt  }
0x46: {  	_ =	shalt  }
0x47: {  	_ =	shalt  }
0x48: {  	_ =	shalt  }
0x49: {  	_ =	shalt  }
0x4a: {  	_ =	shalt  }
0x4b: {  	_ =	shalt  }
0x4c: {  	_ =	shalt  }
0x4d: {  	_ =	shalt  }
0x4e: {  	_ =	shalt  }
0x4f: {  	_ =	shalt  }
0x50: {  	_ =	shalt  }
0x51: {  	_ =	shalt  }
0x52: {  	_ =	shalt  }
0x53: {  	_ =	shalt  }
0x54: {  	_ =	shalt  }
0x55: {  	_ =	shalt  }
0x56: {  	_ =	shalt  }
0x57: {  	_ =	shalt  }
0x58: {  	_ =	shalt  }
0x59: {  	_ =	shalt  }
0x5a: {  	_ =	shalt  }
0x5b: {  	_ =	shalt  }
0x5c: {  	_ =	shalt  }
0x5d: {  	_ =	shalt  }
0x5e: {  	_ =	shalt  }
0x5f: {  	_ =	shalt  }
0x60: {  	_ =	shalt  }
0x61: {  	_ =	shalt  }
0x62: {  	_ =	shalt  }
0x63: {  	_ =	shalt  }
0x64: {  	_ =	shalt  }
0x65: {  	_ =	shalt  }
0x66: {  	_ =	shalt  }
0x67: {  	_ =	shalt  }
0x68: {  	_ =	shalt  }
0x69: {  	_ =	shalt  }
0x6a: {  	_ =	shalt  }
0x6b: {  	_ =	shalt  }
0x6c: {  	_ =	shalt  }
0x6d: {  	_ =	shalt  }
0x6e: {  	_ =	shalt  }
0x6f: {  	_ =	shalt  }
0x70: {  	_ =	shalt  }
0x71: {  	_ =	shalt  }
0x72: {  	_ =	shalt  }
0x73: {  	_ =	shalt  }
0x74: {  	_ =	shalt  }
0x75: {  	_ =	shalt  }
0x76: {  	_ =	shalt  }
0x77: {  	_ =	shalt  }
0x78: {  	_ =	shalt  }
0x79: {  	_ =	shalt  }
0x7a: {  	_ =	shalt  }
0x7b: {  	_ =	shalt  }
0x7c: {  	_ =	shalt  }
0x7d: {  	_ =	shalt  }
0x7e: {  	_ =	shalt  }
0x7f: {  	_ =	shalt  }
0x80: {  	_ =	shalt  }
0x81: {  	_ =	shalt  }
0x82: {  	_ =	shalt  }
0x83: {  	_ =	shalt  }
0x84: {  	_ =	shalt  }
0x85: {  	_ =	shalt  }
0x86: {  	_ =	shalt  }
0x87: {  	_ =	shalt  }
.Lfunc_end0:
.L_simem_size_0:
called_computation_lowered:
.L_overlay_start_0:
0x88: {  	s2 =	sld [smem:$0x3FD9]  }
0x89: {  	s3 =	sld [smem:$0x3FFE];
	_ =	sdelay $0x1  }
0x8a: {  	s1 =	srdreg.scid  }
0x8b: {  	s0 =	sand.u32 $0x1, s1  }
0x8c: {  	s16 =	sshll.u32 s0, $0xA;
	s2 =	sadd.s32 s3, s2  }
0x8d: {  	s2 =	sadd.s32 s2, s16  }
0x8e: {  	[smem:$0x3FC0] =	sst s2  }
0x8f: {  	_ = 	snop  }
0x90: {  	(tm) =	ssettm $0x1  }
0x91: {  	s17 =	sld [smem:$0x3FFB];
	_ =	sdelay $0x3  }
0x92: {  	_ =	strace s17  }
0x93: {  	s2 =	sld [smem:$0x3FFC];
	_ =	sdelay $0x3  }
0x94: {  	_ =	strace s2  }
0x95: {  	s2 =	sld [smem:$0x3FFD];
	_ =	sdelay $0x3  }
0x96: {  	_ =	strace s2  }
0x97: {  	_ =	strace $0x8FFFFFFF  }
0x98: {  	s18 =	sld [smem:$0x3FDB];
	_ =	sdelay $0x1  }
0x99: {  	s19 =	simm.s32 $_scs_section_size  }
0x9a: {  	s4 =	simm.s32 $_size__tile_overlayer_lowered;
	s5 =	simm.s32 $_tile_overlayer_lowered  }
0x9b: {  	s22 =	simm.s32 $0x1BFF;
	s21 =	sshll.u32 s5, $0x1;
	s2 =	sadd.s32 s19, s18  }
0x9c: {  	s6 =	simm.s32 $0x0;
	s20 =	sshll.u32 s4, $0x1;
	s4 =	sadd.s32 s21, s2  }
0x9d: {  	[timem:s6], [sflag:s22] =	dma.local [hbm:s4], s20  }
0x9e: {  	_ =	swait.ge [sflag:s22], s20  }
0x9f: {  	s3 =	ssub.s32 $0x0, s20;
	[sflag:s22] =	ssyncset.done $0x0  }
0xa0: {  	[sflag:s22] =	ssyncadd.s32 s3;
	_ =	sdelay $0x1  }
0xa1: {  	s23 =	simm.s32 $0x1B8B  }
0xa2: {  	_ =	swait.ge [sflag:s23], $0x1  }
0xa3: {  	[sflag:s23] =	ssyncset.done $0x0  }
0xa4: {  	s25 =	simm.s32 $0x1B8E;
	s24 =	sld [smem:$0x3FFE];
	[sflag:s23] =	ssyncadd.s32 $0xFFFFFFFF  }
0xa5: {  	s26 =	simm.s32 $execute0_lowered;
	[smem:$0x3FD2] =	sst s25  }
0xa6: {  	s4 =	sshll.u32 s26, $0x1;
	_ =	strace $0x80000046;
	[dreg:$0x1] =	wrdreg $0xFFFFFFFF  }
0xa7: {  	s28 =	simm.s32 $_size_execute0_lowered;
	s2 =	sadd.s32 s2, s4;
	[dreg:$0x0] =	wrdreg $0x0  }
0xa8: {  	s4 =	sshll.u32 s28, $0x1;
	[dreg:$0x2] =	wrdreg s2  }
0xa9: {  	[dreg:$0x3] =	wrdreg s4  }
0xaa: {  	[dreg:$0x4] =	wrdreg $0xC0  }
0xab: {  	_ =	task [dreg:s6], $0x5FFFF  }
0xac: {  	[dreg:$0x1] =	wrdreg $0xFFFFFFFF  }
0xad: {  	[dreg:$0x0] =	wrdreg $0x60  }
0xae: {  	[dreg:$0x2] =	wrdreg s24  }
0xaf: {  	[dreg:$0x3] =	wrdreg $0x40800  }
0xb0: {  	[dreg:$0x4] =	wrdreg $0x9  }
0xb1: {  	_ =	task.clear_ibuf [dreg:s6], $0x5FFFF;
	_ =	strace $0x90000046  }
0xb2: {  	s29 =	simm.s32 $0x9;
	_ =	strace $0x80000048  }
0xb3: {  	_ =	swait.ge [sflag:s29], $0x1  }
0xb4: {  	[sflag:s29] =	ssyncadd.s32 $0xFFFFFFFF  }
0xb5: {  	_ =	strace $0x90000048  }
0xb6: {  	_ =	sfence  }
0xb7: {  	s30 =	sld [smem:$0x0];
	_ =	sdelay $0x2  }
0xb8: {  	s31 =	sshll.u32 s1, $0xD;
	s1 =	sshrl.u32 s1, $0x2  }
0xb9: {  	s3 =	sand.u32 $0x4000, s31;
	s1 =	sadd.s32 s1, s30  }
0xba: {  	s0 =	sor.u32 s3, s0;
	s1 =	sshll.u32 s1, $0x11  }
0xbb: {  	s0 =	sor.u32 s1, s0  }
0xbc: {  	s0 =	sadd.s32 $0x8F2B, s0  }
0xbd: {  	[sflag:s0] =	ssyncadd.remote.s32 $0x1  }
0xbe: {  	_ =	sfence.sel $0xFFFF  }
0xbf: {  	[dreg:$0x0] =	wrdreg $0xFFFFFFFF;
	(pc) =	sbr.abs _section_cstart, $3  }
0xc0: {  	[dreg:$0x1] =	wrdreg $0xFFFFFFFF  }
0xc1: {  	_ =	task.clear_ibuf [dreg:s6], $0x2FFFF;
	_ =	strace $0x9FFFFFFF  }
0xc2: {  	(tm) =	ssettm $0x7FFFFFFF  }
0xc3: {  	_ =	shalt  }
tec
execute0_lowered:
.L_overlay_start_1:
0x0: {  	(tag) =	ssettag $0x1  }
0x1: {  	s4 =	rddreg [dreg:$0x0]  }
0x2: {  	s1 =	rddreg [dreg:$0x1]  }
0x3: {  	s0 =	rddreg [dreg:$0x2];
	s2 =	simm.s32 $0x0  }
0x4: {  	s6 =	stileid.u32;
	s3 =	srdreg.scid;
	s11 =	simm.s32 $0x1  }
0x5: {  	s12 =	simm.s32 $0x2;
	s13 =	simm.s32 $0x3E00;
	s14 =	simm.s32 $0x0  }
0x6: {  	[smem:$0x7FF] =	sst s2;
	s5 =	sshll.u32 s6, $0xB;
	s7 =	sand.u32 $0x1, s3  }
0x7: {  	s3 =	sadd.s32 $0x22C00, s4;
	p0 =	sne.s32 s6, $0x0;
	_ =	strace $0x80000047  }
0x8: {  	s5 =	sadd.s32 s5, s4;
	s8 =	ssub.s32 $0x2, s7;
	s9 =	sshll.u32 s7, $0x4  }
0x9: {  	s7 =	sshll.u32 s7, $0xF;
	s10 =	sshrl.u32 s8, $0x1;
	s9 =	sadd.s32 s9, s4  }
0xa: {  	s31 =	sadd.s32 s7, s5;
	s7 =	sshrl.u32 @!p0 s1, $0x3;
	s8 =	ssub.s32 s8, s10  }
0xb: {  	s4 =	sadd.s32 $0x12C00, s31;
	s5 =	sadd.s32 $0x23200, s9;
	s9 =	simm.s32 $0x3  }
0xc: {  	s10 =	simm.s32 $0x50;
	s6 =	smax.u32 s8, $0x1;
	s8 =	simm.s32 $0x4000  }
.LBB2_1:
0xd: {  	s15 =	simm.s32 @!p0 $0x1C03  }
0xe: {  	[spmem:s7], [sflag:s15] =	dma.local @!p0 [hbm:s3], $0x4F0  }
0xf: {  	s15 =	simm.s32 @!p0 $0x3  }
0x10: {  	_ =	swait.ge @!p0 [sflag:s15], $0x4F0  }
0x11: {  	[sflag:s15] =	ssyncset.done @!p0 $0x0  }
0x12: {  	[sflag:s15] =	ssyncadd.s32 @!p0 $0xFFFFFB10  }
0x13: {  	[tilespmem:s8], [sflag:$0x3] =	stream.linear.gather [hbm4b:s3+s2], $0x50, $0x38;
	[tilespmem:$0x42F8] =	vst v63  }
0x14: {  	_ =	swait.ge [sflag:s9], $0x50  }
0x15: {  	[sflag:s9] =	ssyncset.done $0x0  }
0x16: {  	[sflag:s9] =	ssyncadd.s32 $0xFFFFFFB0  }
0x17: {  	[tilespmem:s2], [sflag:$0x3] =	stream.linear.gather [hbm4b:s4+s2], $0x3E80, $0x38;
	[tilespmem:$0x42F8] =	vst v63  }
0x18: {  	_ =	swait.ge [sflag:s9], $0x3E80  }
0x19: {  	[sflag:s9] =	ssyncset.done $0x0  }
0x1a: {  	[sflag:s9] =	ssyncadd.s32 $0xFFFFC180  }
0x1b: {  	s30 =	simm.s32 $0x0;
	[bflag:$0x0] =	sbarrier.arrive $0xFFFF  }
0x1c: {  	[spmem:s1] =	stream.indirect.scatter.add.f32 [tilespmem:s8], [sflag:$0x1], $0x1, s30, s10, $0xb8;
	[tilespmem:$0x42F8] =	vst v63  }
0x1d: {  	s31 =	simm.s32 $0x80  }
0x1e: {  	[spmem:s1] =	stream.indirect.scatter.add.f32 [tilespmem:s8], [sflag:$0x2], $0x1, s31, s10, $0xb8;
	[tilespmem:$0x42F8] =	vst v63  }
0x1f: {  	_ =	swait.ge [sflag:s11], $0x50  }
0x20: {  	[sflag:s11] =	ssyncset.done $0x0  }
0x21: {  	[sflag:s11] =	ssyncadd.s32 $0xFFFFFFB0  }
0x22: {  	_ =	swait.ge [sflag:s12], $0x50  }
0x23: {  	s16 =	simm.s32 $0x800;
	s15 =	simm.s32 $0x400;
	[sflag:s12] =	ssyncset.done $0x0  }
.LBB2_2:
0x24: {  	s17 =	sshra.s32 s15, $0x2  }
0x25: {  	[sflag:s12] =	ssyncadd.s32 $0xFFFFFFB0;
	s15 =	smov.u32 s16;
	s18 =	sadd.s32 $0x400, s16  }
0x26: {  	[spmem:s1] =	stream.indirect.scatter.add.f32 [tilespmem:s8], [sflag:$0x1], $0x1, s17, s10, $0xb8;
	[tilespmem:$0x42F8] =	vst v63  }
0x27: {  	p1 =	sne.s32 s16, $0xF400;
	s16 =	sadd.s32 $0x80, s17  }
0x28: {  	[spmem:s1] =	stream.indirect.scatter.add.f32 [tilespmem:s8], [sflag:$0x2], $0x1, s16, s10, $0xb8;
	[tilespmem:$0x42F8] =	vst v63  }
.Ltmp0:
0x29: {  	_ =	swait.ge [sflag:s11], $0x50;
	(pc) =	sbr.rel @p1 .LBB2_2-.Ltmp0, $4  }
0x2a: {  	[sflag:s11] =	ssyncset.done $0x0  }
0x2b: {  	[sflag:s11] =	ssyncadd.s32 $0xFFFFFFB0  }
0x2c: {  	_ =	swait.ge [sflag:s12], $0x50  }
0x2d: {  	s16 =	smov.u32 s18;
	[sflag:s12] =	ssyncset.done $0x0  }
0x2e: {  	s15 =	sshra.s32 s15, $0x2;
	[sflag:s12] =	ssyncadd.s32 $0xFFFFFFB0  }
0x2f: {  	[spmem:s1] =	stream.indirect.scatter.add.f32 [tilespmem:s8], [sflag:$0x1], $0x1, s15, s10, $0xb8;
	[tilespmem:$0x42F8] =	vst v63  }
0x30: {  	s15 =	sadd.s32 $0x80, s15  }
0x31: {  	[spmem:s1] =	stream.indirect.scatter.add.f32 [tilespmem:s8], [sflag:$0x2], $0x1, s15, s10, $0xb8;
	[tilespmem:$0x42F8] =	vst v63  }
0x32: {  	_ =	swait.ge [sflag:s11], $0x50  }
0x33: {  	[sflag:s11] =	ssyncset.done $0x0  }
0x34: {  	[sflag:s11] =	ssyncadd.s32 $0xFFFFFFB0  }
0x35: {  	_ =	swait.ge [sflag:s12], $0x50  }
0x36: {  	[sflag:s12] =	ssyncset.done $0x0  }
0x37: {  	[sflag:s12] =	ssyncadd.s32 $0xFFFFFFB0  }
0x38: {  	[spmem:s1] =	stream.indirect.scatter.add.f32 [tilespmem:s8], [sflag:$0x3], $0x1, s13, s10, $0xb8;
	[tilespmem:$0x42F8] =	vst v63  }
0x39: {  	_ =	swait.ge [sflag:s9], $0x50  }
0x3a: {  	s16 =	simm.s32 @!p0 $0x20;
	s17 =	simm.s32 @!p0 $0x10;
	[sflag:s9] =	ssyncset.done $0x0  }
0x3b: {  	s18 =	simm.s32 @!p0 $0x1C03;
	s14 =	sadd.s32 $0x1, s14;
	[sflag:s9] =	ssyncadd.s32 $0xFFFFFFB0  }
0x3c: {  	p1 =	sne.s32 s14, s6;
	s15 =	simm.s32 @!p0 $0x1;
	[bflag:$0x0] =	sbarrier.arrive $0xFFFF  }
0x3d: {  	[hbm:s5@s16], [sflag:s18] =	dma.strided @!p0 [spmem:s7@s17], $0x4F0, s15, $0x10   }
.Ltmp1:
0x3e: {  	_ = 	snop;
	(pc) =	sbr.rel @p1 .LBB2_1-.Ltmp1, $4  }
0x3f: {  	s15 =	simm.s32 @!p0 $0x3  }
0x40: {  	_ =	swait.ge @!p0 [sflag:s15], $0x4F0  }
0x41: {  	[sflag:s15] =	ssyncset.done @!p0 $0x0  }
0x42: {  	[sflag:s15] =	ssyncadd.s32 @!p0 $0xFFFFFB10  }
0x43: {  	_ =	sfence.sel $0x180000  }
0x44: {  	[bflag:$0x0] =	sbarrier.arrive $0xFFFF  }
0x45: {  	_ =	strace $0x90000047  }
0x46: {  	s0 =	sadd.s32 @!p0 $0x100000, s0;
	[bflag:$0x2] =	sbarrier.arrive $0xFFFF  }
0x47: {  	[sflag:s0] =	ssyncadd.tile.s32 @!p0 $0x1;
	_ =	shalt  }
.Lfunc_end2:
_tile_overlayer_lowered:
.L_overlay_start_2:
0x48: {  	(tag) =	ssettag $0x2  }
0x49: {  	s0 =	rddreg [dreg:$0x0];
	s2 =	stileid.u32  }
0x4a: {  	s1 =	rddreg [dreg:$0x1];
	p0 =	sne.s32 s2, $0x0  }
0x4b: {  	s3 =	rddreg [dreg:$0x2];
	[bflag:$0x3] =	sbarrier.arrive $0xFFFF;
	s2 =	simm.s32 @!p0 $0x1C03  }
0x4c: {  	[timem:s3], [sflag:s2] =	dma.local @!p0 [hbm:s0], s1  }
0x4d: {  	s0 =	simm.s32 @!p0 $0x3  }
0x4e: {  	_ =	swait.ge @!p0 [sflag:s0], s1  }
0x4f: {  	s1 =	ssub.s32 @!p0 $0x0, s1;
	[sflag:s0] =	ssyncset.done @!p0 $0x0  }
0x50: {  	[sflag:s0] =	ssyncadd.s32 @!p0 s1  }
0x51: {  	[bflag:$0x3] =	sbarrier.arrive $0xFFFF  }
0x52: {  	_ =	shalt  }

</sc_bundles>
